<compile_context>
chip_gen: v7x
topology: tpu7x:2x2x1
jax: 0.10.2.dev20260603
libtpu: 0.0.44.dev20260713+nightly
codegen_flags: <defaults>
</compile_context>

<pallas_src>
import functools

import jax
import jax.numpy as jnp
from jax import lax
from jax.experimental import pallas as pl
from jax.experimental.pallas import tpu as pltpu
from jax.experimental.pallas import tpu_sc as plsc

N = 10000
NE = 128
HID = 8
NHEADS = 8
Q = 7
ALPHA = 0.2

NPAD = 10240
NW = 32
NNZ = 100000
NNZ_CH = 25
NNZ_PAD = NW * NNZ_CH * 128
E = N * 16 + N
E_CH = 42
E_PAD = NW * E_CH * 128
XWORDS = NPAD * NE

_mesh = plsc.VectorSubcoreMesh(core_axis_name="c", subcore_axis_name="s")



def _densify_body(rows_hbm, cols_hbm, vals_hbm, out_hbm,
                  rbuf, cbuf, vbuf, idxbuf, zbuf, xsp):
    c = lax.axis_index("c")
    s = lax.axis_index("s")
    w = c * 16 + s
    pltpu.sync_copy(rows_hbm.at[w], rbuf)
    pltpu.sync_copy(cols_hbm.at[w], cbuf)
    pltpu.sync_copy(vals_hbm.at[w], vbuf)

    zero16 = jnp.zeros((16,), jnp.float32)

    def zb(i, _):
        zbuf[pl.ds(i * 16, 16)] = zero16
        return 0
    lax.fori_loop(0, 64, zb, 0)

    def zx(i, _):
        pltpu.sync_copy(zbuf, xsp.at[pl.ds(s * 81920 + i * 1024, 1024)])
        return 0
    lax.fori_loop(0, 80, zx, 0)

    def ci(i, _):
        j = i >> 3
        k = i & 7
        r = rbuf[j, pl.ds(k * 16, 16)]
        cc = cbuf[j, pl.ds(k * 16, 16)]
        idxbuf[j, pl.ds(k * 16, 16)] = r * NE + cc
        return 0
    lax.fori_loop(0, NNZ_CH * 8, ci, 0)

    plsc.subcore_barrier()

    def sc(j, _):
        pltpu.sync_copy(vbuf.at[j], xsp.at[idxbuf.at[j]], add=True)
        return 0
    lax.fori_loop(0, NNZ_CH, sc, 0)

    plsc.subcore_barrier()

    def wo(i, _):
        off = s * 81920 + i * 8192
        pltpu.sync_copy(xsp.at[pl.ds(off, 8192)], out_hbm.at[c, pl.ds(off, 8192)])
        return 0
    lax.fori_loop(0, 10, wo, 0)


_densify = functools.partial(
    pl.kernel,
    _densify_body,
    out_type=jax.ShapeDtypeStruct((2, XWORDS), jnp.float32),
    mesh=_mesh,
    compiler_params=pltpu.CompilerParams(use_tc_tiling_on_sc=False),
    scratch_types=[
        pltpu.VMEM((NNZ_CH, 128), jnp.int32),
        pltpu.VMEM((NNZ_CH, 128), jnp.int32),
        pltpu.VMEM((NNZ_CH, 128), jnp.float32),
        pltpu.VMEM((NNZ_CH, 128), jnp.int32),
        pltpu.VMEM((1024,), jnp.float32),
        pltpu.VMEM_SHARED((XWORDS,), jnp.float32),
    ],
)()



def _mm_body(x_ref, m1_ref, m2_ref, t1_ref, f_ref):
    xb = x_ref[0].reshape(2048, NE) + x_ref[1].reshape(2048, NE)
    t1_ref[...] = jnp.dot(xb, m1_ref[...], preferred_element_type=jnp.float32)
    f_ref[...] = jnp.dot(xb, m2_ref[...], preferred_element_type=jnp.float32)


def _mm(xflat, m1, m2):
    return pl.pallas_call(
        _mm_body,
        grid=(NPAD // 2048,),
        in_specs=[
            pl.BlockSpec((2, 2048 * NE), lambda i: (0, i)),
            pl.BlockSpec((NE, 80), lambda i: (0, 0)),
            pl.BlockSpec((NE, 16), lambda i: (0, 0)),
        ],
        out_specs=[
            pl.BlockSpec((2048, 80), lambda i: (i, 0)),
            pl.BlockSpec((2048, 16), lambda i: (i, 0)),
        ],
        out_shape=[
            jax.ShapeDtypeStruct((NPAD, 80), jnp.float32),
            jax.ShapeDtypeStruct((NPAD, 16), jnp.float32),
        ],
    )(xflat, m1, m2)



def _edges1_body(er_hbm, ec_hbm, f_hbm, h_hbm, acc_out,
                 erb, ecb, fb0, fb1, hb0, hb1, pay0, pay1, zb, wbuf, acc, fsp,
                 smf0, smf1, smh0, smh1, ss0, ss1):
    c = lax.axis_index("c")
    s = lax.axis_index("s")
    w = c * 16 + s
    pltpu.sync_copy(er_hbm.at[w], erb)
    pltpu.sync_copy(ec_hbm.at[w], ecb)

    zero16 = jnp.zeros((16,), jnp.float32)

    def zbody(i, _):
        r = i // 5
        k = i % 5
        zb[r, pl.ds(k * 16, 16)] = zero16
        return 0
    lax.fori_loop(0, 64 * 5, zbody, 0)

    def zacc(i, _):
        pltpu.sync_copy(zb, acc.at[pl.ds(s * 640 + i * 64, 64)])
        return 0
    lax.fori_loop(0, 10, zacc, 0)

    pltpu.sync_copy(f_hbm.at[pl.ds(s * 640, 640)], fsp.at[pl.ds(s * 640, 640)])

    plsc.subcore_barrier()

    ii = lax.iota(jnp.int32, 16)
    c0 = ii >> 3
    c1 = c0 + 2
    c2 = c0 + 4
    c3 = c0 + 6

    lo = ii < 8
    c8 = (ii + 8) & 15

    def compute(fb, hb, pay):
        def wpass(i, _):
            for u in range(2):
                p = i * 2 + u
                e = p * 2
                va = fb[e, :]
                vb = fb[e + 1, :]
                vbs = jnp.take_along_axis(vb, c8, axis=0, mode="promise_in_bounds")
                flp = jnp.where(lo, va, vbs)
                fa = hb[e, pl.ds(64, 16)]
                fc = hb[e + 1, pl.ds(56, 16)]
                frp = jnp.where(lo, fa, fc)
                t = flp + frp
                lr = jnp.where(t >= 0, t, ALPHA * t)
                wbuf[pl.ds(16 * p, 16)] = jnp.exp(-lr)
            return 0
        lax.fori_loop(0, 32, wpass, 0)

        def edge4(i, _):
            for u in range(4):
                e = i * 4 + u
                wv = wbuf[pl.ds(8 * e, 16)]
                w0 = jnp.take_along_axis(wv, c0, axis=0, mode="promise_in_bounds")
                w1 = jnp.take_along_axis(wv, c1, axis=0, mode="promise_in_bounds")
                w2 = jnp.take_along_axis(wv, c2, axis=0, mode="promise_in_bounds")
                w3 = jnp.take_along_axis(wv, c3, axis=0, mode="promise_in_bounds")
                pay[e, pl.ds(0, 16)] = hb[e, pl.ds(0, 16)] * w0
                pay[e, pl.ds(16, 16)] = hb[e, pl.ds(16, 16)] * w1
                pay[e, pl.ds(32, 16)] = hb[e, pl.ds(32, 16)] * w2
                pay[e, pl.ds(48, 16)] = hb[e, pl.ds(48, 16)] * w3
                pay[e, pl.ds(64, 16)] = wv
            return 0
        lax.fori_loop(0, 32, edge4, 0)

    def gather_issue(j, fb, hb, smf, smh):
        pltpu.async_copy(fsp.at[erb.at[j]], fb, smf)
        pltpu.async_copy(h_hbm.at[ecb.at[j]], hb, smh)

    def gather_wait(j, fb, hb, smf, smh):
        pltpu.make_async_copy(fsp.at[erb.at[j]], fb, smf).wait()
        pltpu.make_async_copy(h_hbm.at[ecb.at[j]], hb, smh).wait()

    gather_issue(0, fb0, hb0, smf0, smh0)

    def pair(jj, _):
        j0 = 2 * jj
        j1 = j0 + 1
        jn = jnp.minimum(j0 + 2, E_CH - 1)
        gather_wait(j0, fb0, hb0, smf0, smh0)
        gather_issue(j1, fb1, hb1, smf1, smh1)

        @pl.when(jj > 0)
        def _():
            pltpu.make_async_copy(pay0, acc.at[erb.at[j0]], ss0).wait()
        compute(fb0, hb0, pay0)
        pltpu.async_copy(pay0, acc.at[erb.at[j0]], ss0, add=True)

        gather_wait(j1, fb1, hb1, smf1, smh1)
        gather_issue(jn, fb0, hb0, smf0, smh0)

        @pl.when(jj > 0)
        def _():
            pltpu.make_async_copy(pay1, acc.at[erb.at[j1]], ss1).wait()
        compute(fb1, hb1, pay1)
        pltpu.async_copy(pay1, acc.at[erb.at[j1]], ss1, add=True)
        return 0
    lax.fori_loop(0, E_CH // 2, pair, 0)

    gather_wait(E_CH - 1, fb0, hb0, smf0, smh0)
    pltpu.make_async_copy(pay0, acc.at[erb.at[0]], ss0).wait()
    pltpu.make_async_copy(pay1, acc.at[erb.at[0]], ss1).wait()

    plsc.subcore_barrier()

    def wo(i, _):
        r0 = s * 640 + i * 64
        pltpu.sync_copy(acc.at[pl.ds(r0, 64)], acc_out.at[c, pl.ds(r0, 64)])
        return 0
    lax.fori_loop(0, 10, wo, 0)


_edges1 = functools.partial(
    pl.kernel,
    _edges1_body,
    out_type=jax.ShapeDtypeStruct((2, NPAD, 80), jnp.float32),
    mesh=_mesh,
    compiler_params=pltpu.CompilerParams(use_tc_tiling_on_sc=False),
    scratch_types=[
        pltpu.VMEM((E_CH, 128), jnp.int32),
        pltpu.VMEM((E_CH, 128), jnp.int32),
        pltpu.VMEM((128, 16), jnp.float32),
        pltpu.VMEM((128, 16), jnp.float32),
        pltpu.VMEM((128, 80), jnp.float32),
        pltpu.VMEM((128, 80), jnp.float32),
        pltpu.VMEM((128, 80), jnp.float32),
        pltpu.VMEM((128, 80), jnp.float32),
        pltpu.VMEM((64, 80), jnp.float32),
        pltpu.VMEM((1040,), jnp.float32),
        pltpu.VMEM_SHARED((NPAD, 80), jnp.float32),
        pltpu.VMEM_SHARED((NPAD, 16), jnp.float32),
        pltpu.SemaphoreType.DMA,
        pltpu.SemaphoreType.DMA,
        pltpu.SemaphoreType.DMA,
        pltpu.SemaphoreType.DMA,
        pltpu.SemaphoreType.DMA,
        pltpu.SemaphoreType.DMA,
    ],
)()



def _mid_body(a0_ref, a1_ref, k8_ref, w2_ref, t2_ref):
    acc = a0_ref[0] + a1_ref[0]
    h = acc[:, 0:64]
    rs = acc[:, 64:72]
    rse = jnp.dot(rs, k8_ref[...], preferred_element_type=jnp.float32)
    hp = h / rse
    x2 = jnp.where(hp >= 0, hp, jnp.exp(hp) - 1.0)
    t2_ref[...] = jnp.dot(x2, w2_ref[...], preferred_element_type=jnp.float32)


def _mid(acc1, k8, w2big):
    return pl.pallas_call(
        _mid_body,
        grid=(NPAD // 2048,),
        in_specs=[
            pl.BlockSpec((1, 2048, 80), lambda i: (0, i, 0)),
            pl.BlockSpec((1, 2048, 80), lambda i: (1, i, 0)),
            pl.BlockSpec((8, 64), lambda i: (0, 0)),
            pl.BlockSpec((64, 16), lambda i: (0, 0)),
        ],
        out_specs=pl.BlockSpec((2048, 16), lambda i: (i, 0)),
        out_shape=jax.ShapeDtypeStruct((NPAD, 16), jnp.float32),
    )(acc1, acc1, k8, w2big)



def _edges2_body(er_hbm, ec_hbm, t2_hbm, acc_out,
                 erb, ecb, ba0, ba1, bb0, bb1, pay0, pay1, zb, acc, tsp,
                 smf0, smf1, smh0, smh1, ss0, ss1):
    c = lax.axis_index("c")
    s = lax.axis_index("s")
    w = c * 16 + s
    pltpu.sync_copy(er_hbm.at[w], erb)
    pltpu.sync_copy(ec_hbm.at[w], ecb)

    zero16 = jnp.zeros((16,), jnp.float32)

    def zbody(i, _):
        zb[i, pl.ds(0, 16)] = zero16
        return 0
    lax.fori_loop(0, 64, zbody, 0)

    def zacc(i, _):
        pltpu.sync_copy(zb, acc.at[pl.ds(s * 640 + i * 64, 64)])
        return 0
    lax.fori_loop(0, 10, zacc, 0)

    pltpu.sync_copy(t2_hbm.at[pl.ds(s * 640, 640)], tsp.at[pl.ds(s * 640, 640)])

    plsc.subcore_barrier()

    ii = lax.iota(jnp.int32, 16)
    i8 = jnp.full((16,), 8, jnp.int32)
    i9 = jnp.full((16,), 9, jnp.int32)
    m8 = jnp.where(ii < 8, 1.0, 0.0)
    oh8 = jnp.where(ii == 8, 1.0, 0.0)

    def compute(ba, bb, pay):
        def edge4(i, _):
            for u in range(4):
                e = i * 4 + u
                a = ba[e, :]
                b = bb[e, :]
                t = (jnp.take_along_axis(a, i8, axis=0, mode="promise_in_bounds")
                     + jnp.take_along_axis(b, i9, axis=0, mode="promise_in_bounds"))
                lr = jnp.where(t >= 0, t, ALPHA * t)
                wv = jnp.exp(-lr)
                pay[e, :] = wv * (b * m8 + oh8)
            return 0
        lax.fori_loop(0, 32, edge4, 0)

    def gather_issue(j, ba, bb, smf, smh):
        pltpu.async_copy(tsp.at[erb.at[j]], ba, smf)
        pltpu.async_copy(tsp.at[ecb.at[j]], bb, smh)

    def gather_wait(j, ba, bb, smf, smh):
        pltpu.make_async_copy(tsp.at[erb.at[j]], ba, smf).wait()
        pltpu.make_async_copy(tsp.at[ecb.at[j]], bb, smh).wait()

    gather_issue(0, ba0, bb0, smf0, smh0)

    def pair(jj, _):
        j0 = 2 * jj
        j1 = j0 + 1
        jn = jnp.minimum(j0 + 2, E_CH - 1)
        gather_wait(j0, ba0, bb0, smf0, smh0)
        gather_issue(j1, ba1, bb1, smf1, smh1)

        @pl.when(jj > 0)
        def _():
            pltpu.make_async_copy(pay0, acc.at[erb.at[j0]], ss0).wait()
        compute(ba0, bb0, pay0)
        pltpu.async_copy(pay0, acc.at[erb.at[j0]], ss0, add=True)

        gather_wait(j1, ba1, bb1, smf1, smh1)
        gather_issue(jn, ba0, bb0, smf0, smh0)

        @pl.when(jj > 0)
        def _():
            pltpu.make_async_copy(pay1, acc.at[erb.at[j1]], ss1).wait()
        compute(ba1, bb1, pay1)
        pltpu.async_copy(pay1, acc.at[erb.at[j1]], ss1, add=True)
        return 0
    lax.fori_loop(0, E_CH // 2, pair, 0)

    gather_wait(E_CH - 1, ba0, bb0, smf0, smh0)
    pltpu.make_async_copy(pay0, acc.at[erb.at[0]], ss0).wait()
    pltpu.make_async_copy(pay1, acc.at[erb.at[0]], ss1).wait()

    plsc.subcore_barrier()

    def wo(i, _):
        r0 = s * 640 + i * 64
        pltpu.sync_copy(acc.at[pl.ds(r0, 64)], acc_out.at[c, pl.ds(r0, 64)])
        return 0
    lax.fori_loop(0, 10, wo, 0)


_edges2 = functools.partial(
    pl.kernel,
    _edges2_body,
    out_type=jax.ShapeDtypeStruct((2, NPAD, 16), jnp.float32),
    mesh=_mesh,
    compiler_params=pltpu.CompilerParams(use_tc_tiling_on_sc=False),
    scratch_types=[
        pltpu.VMEM((E_CH, 128), jnp.int32),
        pltpu.VMEM((E_CH, 128), jnp.int32),
        pltpu.VMEM((128, 16), jnp.float32),
        pltpu.VMEM((128, 16), jnp.float32),
        pltpu.VMEM((128, 16), jnp.float32),
        pltpu.VMEM((128, 16), jnp.float32),
        pltpu.VMEM((128, 16), jnp.float32),
        pltpu.VMEM((128, 16), jnp.float32),
        pltpu.VMEM((64, 16), jnp.float32),
        pltpu.VMEM_SHARED((NPAD, 16), jnp.float32),
        pltpu.VMEM_SHARED((NPAD, 16), jnp.float32),
        pltpu.SemaphoreType.DMA,
        pltpu.SemaphoreType.DMA,
        pltpu.SemaphoreType.DMA,
        pltpu.SemaphoreType.DMA,
        pltpu.SemaphoreType.DMA,
        pltpu.SemaphoreType.DMA,
    ],
)()



def _fin_body(a0_ref, a1_ref, mrs_ref, o_ref):
    acc = a0_ref[0] + a1_ref[0]
    nrow = acc.shape[0]
    g = acc[:, 0:8]
    rs8 = jnp.dot(acc, mrs_ref[...], preferred_element_type=jnp.float32)
    x3 = g / rs8
    x3 = jnp.where(x3 >= 0, x3, jnp.exp(x3) - 1.0)
    li = lax.broadcasted_iota(jnp.int32, (nrow, 8), 1)
    l = jnp.where(li < Q, x3, -1e30)
    m = jnp.max(l, axis=1, keepdims=True)
    se = jnp.sum(jnp.exp(l - m), axis=1, keepdims=True)
    o_ref[...] = (l - (jnp.log(se) + m))[:, :Q]


def _fin(acc2, mrs):
    return pl.pallas_call(
        _fin_body,
        grid=(NPAD // 2048,),
        in_specs=[
            pl.BlockSpec((1, 2048, 16), lambda i: (0, i, 0)),
            pl.BlockSpec((1, 2048, 16), lambda i: (1, i, 0)),
            pl.BlockSpec((16, 8), lambda i: (0, 0)),
        ],
        out_specs=pl.BlockSpec((2048, Q), lambda i: (i, 0)),
        out_shape=jax.ShapeDtypeStruct((N, Q), jnp.float32),
    )(acc2, acc2, mrs)



def kernel(feature_indices, feature_values, edge_rows, edge_cols, W_heads, a_heads, W_out, a_out):
    npadz = NNZ_PAD - NNZ
    pr = (jnp.arange(npadz, dtype=jnp.int32) % N)
    pc = (jnp.arange(npadz, dtype=jnp.int32) % NE)
    rows_p = jnp.concatenate([feature_indices[0].astype(jnp.int32), pr]).reshape(NW, NNZ_CH, 128)
    cols_p = jnp.concatenate([feature_indices[1].astype(jnp.int32), pc]).reshape(NW, NNZ_CH, 128)
    vals_p = jnp.concatenate([feature_values, jnp.zeros((npadz,), jnp.float32)]).reshape(NW, NNZ_CH, 128)

    epadz = E_PAD - E
    pe = (jnp.arange(epadz, dtype=jnp.int32) % 32) + N
    er_p = jnp.concatenate([edge_rows.astype(jnp.int32), pe]).reshape(NW, E_CH, 128)
    ec_p = jnp.concatenate([edge_cols.astype(jnp.int32), pe]).reshape(NW, E_CH, 128)

    W_cat = jnp.transpose(W_heads, (1, 0, 2)).reshape(NE, NHEADS * HID)
    al = a_heads[:, 0, :HID]
    ar = a_heads[:, 0, HID:]
    eye8 = jnp.eye(NHEADS, dtype=jnp.float32)
    A_l = (al[:, :, None] * eye8[:, None, :]).reshape(NHEADS * HID, NHEADS)
    A_r = (ar[:, :, None] * eye8[:, None, :]).reshape(NHEADS * HID, NHEADS)
    M1 = jnp.concatenate([W_cat, W_cat @ A_r, jnp.zeros((NE, 8), jnp.float32)], axis=1)
    M2 = jnp.concatenate([W_cat @ A_l, W_cat @ A_r], axis=1)
    K8 = jnp.repeat(eye8, HID, axis=1)
    W_out8 = jnp.pad(W_out, ((0, 0), (0, 1)))
    a2l8 = jnp.pad(a_out[0, :Q], (0, 1))
    a2r8 = jnp.pad(a_out[0, Q:2 * Q], (0, 1))
    W2big = jnp.concatenate(
        [W_out8, (W_out8 @ a2l8)[:, None], (W_out8 @ a2r8)[:, None],
         jnp.zeros((NHEADS * HID, 6), jnp.float32)], axis=1)
    mrs = jnp.zeros((16, 8), jnp.float32).at[8, :].set(1.0)

    xflat = _densify(rows_p, cols_p, vals_p)
    t1h, ftbl = _mm(xflat, M1, M2)
    acc1 = _edges1(er_p, ec_p, ftbl, t1h)
    t2 = _mid(acc1, K8, W2big)
    acc2 = _edges2(er_p, ec_p, t2)
    return _fin(acc2, mrs)

# --- scband reference (transcript-rebuilt; emitter-appended) ---
"""Pipeline reference for scband-sp-gat-81449759801468 (READ-ONLY COPY).

The authoritative reference and input builder live on the scoring server;
editing this copy changes nothing except your own understanding.
"""

import jax, jax.numpy as jnp
import numpy as np

N = 10000        # args.nu (number of nodes)
NE = 128         # args.ne (number of features)
HIDDEN = 8       # args.hidden
NHEADS = 8       # args.nheads
Q = 7            # args.Q (number of labels)
ALPHA = 0.2      # args.alpha
AVG_DEG = 16
NNZ_FEAT = 100000


def setup_inputs(seed: int = 0) -> dict:
    key = jax.random.key(seed)
    ks = jax.random.split(key, 6)
    # sparse node features: COO indices + values (torch.sparse.FloatTensor sums duplicates)
    frows = jax.random.randint(ks[0], (NNZ_FEAT,), 0, N)
    fcols = jax.random.randint(ks[1], (NNZ_FEAT,), 0, NE)
    feature_indices = jnp.stack([frows, fcols])
    feature_values = jax.random.uniform(ks[2], (NNZ_FEAT,), dtype=jnp.float32)
    # adjacency: module stores a dense adj and each layer calls adj.nonzero();
    # we materialize the equivalent COO edge list directly (random edges + self loops
    # so every row-sum is nonzero, matching typical GAT adj with self loops)
    E = N * AVG_DEG
    src = jax.random.randint(ks[3], (E,), 0, N)
    dst = jax.random.randint(ks[4], (E,), 0, N)
    loop = jnp.arange(N, dtype=src.dtype)
    edge_rows = jnp.concatenate([src, loop])
    edge_cols = jnp.concatenate([dst, loop])
    # learned parameters: per-head W [NE, HIDDEN] and a [1, 2*HIDDEN]; out layer
    Ws, As = [], []
    for i in range(NHEADS):
        Ws.append(jax.random.normal(jax.random.fold_in(key, 100 + i), (NE, HIDDEN), dtype=jnp.float32) * (1.0 / np.sqrt(NE)))
        As.append(jax.random.normal(jax.random.fold_in(key, 200 + i), (1, 2 * HIDDEN), dtype=jnp.float32) * 0.1)
    W_heads = jnp.stack(Ws)   # [NHEADS, NE, HIDDEN]
    a_heads = jnp.stack(As)   # [NHEADS, 1, 2*HIDDEN]
    W_out = jax.random.normal(jax.random.fold_in(key, 300), (HIDDEN * NHEADS, Q), dtype=jnp.float32) * (1.0 / np.sqrt(HIDDEN * NHEADS))
    a_out = jax.random.normal(jax.random.fold_in(key, 301), (1, 2 * Q), dtype=jnp.float32) * 0.1
    return {"feature_indices": feature_indices, "feature_values": feature_values,
            "edge_rows": edge_rows, "edge_cols": edge_cols,
            "W_heads": W_heads, "a_heads": a_heads, "W_out": W_out, "a_out": a_out}


def _leaky_relu(x, alpha):
    return jnp.where(x >= 0, x, alpha * x)


def _sp_gat_layer(x, er, ec, W, a, concat):
    # SpGraphAttentionLayer: h = x @ W; per-edge attention via exp(-leakyrelu(a @ [h_r; h_c]));
    # special_spmm == scatter-add (segment_sum) over destination rows
    n = x.shape[0]
    h = x @ W                                             # [N, out]
    edge_h = jnp.concatenate([h[er], h[ec]], axis=1)      # gather: [E, 2*out]
    logits = (edge_h @ a.T)[:, 0]                         # [E]
    edge_e = jnp.exp(-_leaky_relu(logits, ALPHA))         # [E]
    e_rowsum = jax.ops.segment_sum(edge_e, er, num_segments=n)                 # [N]
    h_prime = jax.ops.segment_sum(edge_e[:, None] * h[ec], er, num_segments=n)  # scatter-add [N, out]
    h_prime = h_prime / e_rowsum[:, None]
    if concat:
        return jax.nn.elu(h_prime)
    return h_prime


def reference(feature_indices, feature_values, edge_rows, edge_cols, W_heads, a_heads, W_out, a_out):
    # densify sparse features (duplicates sum, like torch.sparse -> to_dense)
    x = jnp.zeros((N, NE), jnp.float32).at[feature_indices[0], feature_indices[1]].add(feature_values)
    # dropout is identity in eval mode
    heads = [_sp_gat_layer(x, edge_rows, edge_cols, W_heads[i], a_heads[i], True) for i in range(NHEADS)]
    x = jnp.concatenate(heads, axis=1)                    # [N, HIDDEN*NHEADS]
    x = jax.nn.elu(_sp_gat_layer(x, edge_rows, edge_cols, W_out, a_out, False))
    return jax.nn.log_softmax(x, axis=1)                  # [N, Q]

if __name__ == "__main__":
    import jax
    _d = setup_inputs()
    print(jax.jit(kernel)(*tuple(_d.values())))

</pallas_src>

<mosaic_0001>
#map = affine_map<(d0, d1) -> (0, 0, 0)>
#map1 = affine_map<(d0, d1) -> (0, 0)>
module attributes {stable_mosaic.version = 14 : i64} {
  func.func @_edges2_body(%arg0: i32, %arg1: i32, %arg2: memref<32x42x128xi32, #tpu.memory_space<hbm>>, %arg3: memref<32x42x128xi32, #tpu.memory_space<hbm>>, %arg4: memref<10240x16xf32, #tpu.memory_space<hbm>>, %arg5: memref<2x10240x16xf32, #tpu.memory_space<hbm>>, %arg6: memref<42x128xi32, #tpu.memory_space<vmem>>, %arg7: memref<42x128xi32, #tpu.memory_space<vmem>>, %arg8: memref<128x16xf32, #tpu.memory_space<vmem>>, %arg9: memref<128x16xf32, #tpu.memory_space<vmem>>, %arg10: memref<128x16xf32, #tpu.memory_space<vmem>>, %arg11: memref<128x16xf32, #tpu.memory_space<vmem>>, %arg12: memref<128x16xf32, #tpu.memory_space<vmem>>, %arg13: memref<128x16xf32, #tpu.memory_space<vmem>>, %arg14: memref<64x16xf32, #tpu.memory_space<vmem>>, %arg15: memref<10240x16xf32, #tpu.memory_space<vmem_shared>>, %arg16: memref<10240x16xf32, #tpu.memory_space<vmem_shared>>, %arg17: memref<!tpu.dma_semaphore, #tpu.memory_space<semaphore_mem>>, %arg18: memref<!tpu.dma_semaphore, #tpu.memory_space<semaphore_mem>>, %arg19: memref<!tpu.dma_semaphore, #tpu.memory_space<semaphore_mem>>, %arg20: memref<!tpu.dma_semaphore, #tpu.memory_space<semaphore_mem>>, %arg21: memref<!tpu.dma_semaphore, #tpu.memory_space<semaphore_mem>>, %arg22: memref<!tpu.dma_semaphore, #tpu.memory_space<semaphore_mem>>) attributes {dimension_semantics = [#tpu.dimension_semantics<core_parallel>, #tpu.dimension_semantics<subcore_parallel>], iteration_bounds = array<i64: 2, 16>, scalar_prefetch = 0 : i64, scratch_operands = 17 : i64, tpu.core_type = #tpu.core_type<sc_vector_subcore>, window_params = [{transform_indices = #map}, {transform_indices = #map}, {transform_indices = #map1}, {transform_indices = #map}]} {
    %mul3A = arith.constant 16 : i32
    %mul3A_0 = arith.muli %arg0, %mul3A : i32
    %add3A = arith.addi %mul3A_0, %arg1 : i32
    "tpu.region"() ({
      %run_scoped3A = tpu.sem_alloc : memref<!tpu.dma_semaphore, #tpu.memory_space<semaphore_mem>>
      %dma_start3A_90 = arith.constant 0 : i32
      %dma_start3A_91 = arith.constant 0 : i32
      %dma_start3A_92 = tpu.memref_slice %arg2[%add3A, %dma_start3A_90, %dma_start3A_91] : memref<32x42x128xi32, #tpu.memory_space<hbm>> -> memref<1x42x128xi32, #tpu.memory_space<hbm>>
      %dma_start3A_93 = tpu.memref_squeeze %dma_start3A_92 : memref<1x42x128xi32, #tpu.memory_space<hbm>> -> memref<42x128xi32, #tpu.memory_space<hbm>>
      %dma_start3A_94 = arith.constant 0 : i32
      %dma_start3A_95 = arith.constant 0 : i32
      %dma_start3A_96 = tpu.memref_slice %arg2[%add3A, %dma_start3A_94, %dma_start3A_95] : memref<32x42x128xi32, #tpu.memory_space<hbm>> -> memref<1x42x128xi32, #tpu.memory_space<hbm>>
      %dma_start3A_97 = tpu.memref_squeeze %dma_start3A_96 : memref<1x42x128xi32, #tpu.memory_space<hbm>> -> memref<42x128xi32, #tpu.memory_space<hbm>>
      tpu.enqueue_dma source(%dma_start3A_97 : memref<42x128xi32, #tpu.memory_space<hbm>>) target(%arg6 : memref<42x128xi32, #tpu.memory_space<vmem>>) target_semaphore(%run_scoped3A : memref<!tpu.dma_semaphore, #tpu.memory_space<semaphore_mem>>)
      %dma_wait3A_98 = arith.constant 0 : i32
      %dma_wait3A_99 = arith.constant 0 : i32
      %dma_wait3A_100 = tpu.memref_slice %arg2[%add3A, %dma_wait3A_98, %dma_wait3A_99] : memref<32x42x128xi32, #tpu.memory_space<hbm>> -> memref<1x42x128xi32, #tpu.memory_space<hbm>>
      %dma_wait3A_101 = tpu.memref_squeeze %dma_wait3A_100 : memref<1x42x128xi32, #tpu.memory_space<hbm>> -> memref<42x128xi32, #tpu.memory_space<hbm>>
      %dma_wait3A_102 = arith.constant 0 : i32
      %dma_wait3A_103 = arith.constant 0 : i32
      %dma_wait3A_104 = tpu.memref_slice %arg2[%add3A, %dma_wait3A_102, %dma_wait3A_103] : memref<32x42x128xi32, #tpu.memory_space<hbm>> -> memref<1x42x128xi32, #tpu.memory_space<hbm>>
      %dma_wait3A_105 = tpu.memref_squeeze %dma_wait3A_104 : memref<1x42x128xi32, #tpu.memory_space<hbm>> -> memref<42x128xi32, #tpu.memory_space<hbm>>
      tpu.wait_dma2 semaphore(%run_scoped3A : memref<!tpu.dma_semaphore, #tpu.memory_space<semaphore_mem>>) src(%dma_wait3A_105 : memref<42x128xi32, #tpu.memory_space<hbm>>) dst(%arg6 : memref<42x128xi32, #tpu.memory_space<vmem>>)
      tpu.yield
    }) : () -> ()
    "tpu.region"() ({
      %run_scoped3A = tpu.sem_alloc : memref<!tpu.dma_semaphore, #tpu.memory_space<semaphore_mem>>
      %dma_start3A_90 = arith.constant 0 : i32
      %dma_start3A_91 = arith.constant 0 : i32
      %dma_start3A_92 = tpu.memref_slice %arg3[%add3A, %dma_start3A_90, %dma_start3A_91] : memref<32x42x128xi32, #tpu.memory_space<hbm>> -> memref<1x42x128xi32, #tpu.memory_space<hbm>>
      %dma_start3A_93 = tpu.memref_squeeze %dma_start3A_92 : memref<1x42x128xi32, #tpu.memory_space<hbm>> -> memref<42x128xi32, #tpu.memory_space<hbm>>
      %dma_start3A_94 = arith.constant 0 : i32
      %dma_start3A_95 = arith.constant 0 : i32
      %dma_start3A_96 = tpu.memref_slice %arg3[%add3A, %dma_start3A_94, %dma_start3A_95] : memref<32x42x128xi32, #tpu.memory_space<hbm>> -> memref<1x42x128xi32, #tpu.memory_space<hbm>>
      %dma_start3A_97 = tpu.memref_squeeze %dma_start3A_96 : memref<1x42x128xi32, #tpu.memory_space<hbm>> -> memref<42x128xi32, #tpu.memory_space<hbm>>
      tpu.enqueue_dma source(%dma_start3A_97 : memref<42x128xi32, #tpu.memory_space<hbm>>) target(%arg7 : memref<42x128xi32, #tpu.memory_space<vmem>>) target_semaphore(%run_scoped3A : memref<!tpu.dma_semaphore, #tpu.memory_space<semaphore_mem>>)
      %dma_wait3A_98 = arith.constant 0 : i32
      %dma_wait3A_99 = arith.constant 0 : i32
      %dma_wait3A_100 = tpu.memref_slice %arg3[%add3A, %dma_wait3A_98, %dma_wait3A_99] : memref<32x42x128xi32, #tpu.memory_space<hbm>> -> memref<1x42x128xi32, #tpu.memory_space<hbm>>
      %dma_wait3A_101 = tpu.memref_squeeze %dma_wait3A_100 : memref<1x42x128xi32, #tpu.memory_space<hbm>> -> memref<42x128xi32, #tpu.memory_space<hbm>>
      %dma_wait3A_102 = arith.constant 0 : i32
      %dma_wait3A_103 = arith.constant 0 : i32
      %dma_wait3A_104 = tpu.memref_slice %arg3[%add3A, %dma_wait3A_102, %dma_wait3A_103] : memref<32x42x128xi32, #tpu.memory_space<hbm>> -> memref<1x42x128xi32, #tpu.memory_space<hbm>>
      %dma_wait3A_105 = tpu.memref_squeeze %dma_wait3A_104 : memref<1x42x128xi32, #tpu.memory_space<hbm>> -> memref<42x128xi32, #tpu.memory_space<hbm>>
      tpu.wait_dma2 semaphore(%run_scoped3A : memref<!tpu.dma_semaphore, #tpu.memory_space<semaphore_mem>>) src(%dma_wait3A_105 : memref<42x128xi32, #tpu.memory_space<hbm>>) dst(%arg7 : memref<42x128xi32, #tpu.memory_space<vmem>>)
      tpu.yield
    }) : () -> ()
    %broadcast_in_dim3A = arith.constant 0.000000e+00 : f32
    %broadcast_in_dim3A_1 = vector.broadcast %broadcast_in_dim3A : f32 to vector<16xf32>
    %scan3A = arith.constant 0 : i32
    %scan3A_2 = arith.constant 0 : i32
    %scan3A_3 = arith.constant 64 : i32
    %scan3A_4 = arith.addi %scan3A_2, %scan3A_3 : i32
    %scan3A_5 = arith.constant 1 : i32
    %scan3A_6 = scf.for %scan3A_90 = %scan3A_2 to %scan3A_4 step %scan3A_5 iter_args(%scan3A_91 = %scan3A) -> (i32)  : i32 {
      %swap3A = arith.index_cast %scan3A_90 : i32 to index
      %swap3A_92 = arith.constant 0 : index
      %swap3A_93 = tpu.vector_load %arg14[%swap3A, %swap3A_92] {strides = array<i32>} : memref<64x16xf32, #tpu.memory_space<vmem>>, vector<1x16xf32>,
      %swap3A_94 = vector.shape_cast %swap3A_93 : vector<1x16xf32> to vector<16xf32>
      %swap3A_95 = vector.shape_cast %broadcast_in_dim3A_1 : vector<16xf32> to vector<1x16xf32>
      tpu.vector_store %arg14[%swap3A, %swap3A_92], %swap3A_95 {strides = array<i32>} : memref<64x16xf32, #tpu.memory_space<vmem>>, vector<1x16xf32>,
      %scan3A_96 = arith.constant 0 : i32
      scf.yield %scan3A_96 : i32
    }
    %scan3A_7 = arith.constant 64 : i32
    %scan3A_8 = arith.constant 0 : i32
    %scan3A_9 = arith.constant 0 : i32
    %scan3A_10 = arith.constant 10 : i32
    %scan3A_11 = arith.addi %scan3A_9, %scan3A_10 : i32
    %scan3A_12 = arith.constant 1 : i32
    %scan3A_13 = scf.for %scan3A_90 = %scan3A_9 to %scan3A_11 step %scan3A_12 iter_args(%scan3A_91 = %scan3A_8) -> (i32)  : i32 {
      %mul3A_92 = arith.constant 640 : i32
      %mul3A_93 = arith.muli %arg1, %mul3A_92 : i32
      %mul3A_94 = arith.constant 64 : i32
      %mul3A_95 = arith.muli %scan3A_90, %mul3A_94 : i32
      %add3A_96 = arith.addi %mul3A_93, %mul3A_95 : i32
      "tpu.region"() ({
        %run_scoped3A = tpu.sem_alloc : memref<!tpu.dma_semaphore, #tpu.memory_space<semaphore_mem>>
        %dma_start3A_98 = arith.constant 0 : i32
        %dma_start3A_99 = tpu.memref_slice %arg15[%add3A_96, %dma_start3A_98] : memref<10240x16xf32, #tpu.memory_space<vmem_shared>> -> memref<64x16xf32, #tpu.memory_space<vmem_shared>>
        %dma_start3A_100 = arith.constant 0 : i32
        %dma_start3A_101 = tpu.memref_slice %arg15[%add3A_96, %dma_start3A_100] : memref<10240x16xf32, #tpu.memory_space<vmem_shared>> -> memref<64x16xf32, #tpu.memory_space<vmem_shared>>
        tpu.enqueue_dma source(%arg14 : memref<64x16xf32, #tpu.memory_space<vmem>>) target(%dma_start3A_101 : memref<64x16xf32, #tpu.memory_space<vmem_shared>>) target_semaphore(%run_scoped3A : memref<!tpu.dma_semaphore, #tpu.memory_space<semaphore_mem>>)
        %dma_wait3A_102 = arith.constant 0 : i32
        %dma_wait3A_103 = tpu.memref_slice %arg15[%add3A_96, %dma_wait3A_102] : memref<10240x16xf32, #tpu.memory_space<vmem_shared>> -> memref<64x16xf32, #tpu.memory_space<vmem_shared>>
        %dma_wait3A_104 = arith.constant 0 : i32
        %dma_wait3A_105 = tpu.memref_slice %arg15[%add3A_96, %dma_wait3A_104] : memref<10240x16xf32, #tpu.memory_space<vmem_shared>> -> memref<64x16xf32, #tpu.memory_space<vmem_shared>>
        tpu.wait_dma2 semaphore(%run_scoped3A : memref<!tpu.dma_semaphore, #tpu.memory_space<semaphore_mem>>) src(%arg14 : memref<64x16xf32, #tpu.memory_space<vmem>>) dst(%dma_wait3A_105 : memref<64x16xf32, #tpu.memory_space<vmem_shared>>)
        tpu.yield
      }) : () -> ()
      %scan3A_97 = arith.constant 0 : i32
      scf.yield %scan3A_97 : i32
    }
    %scan3A_14 = arith.constant 10 : i32
    %mul3A_15 = arith.constant 640 : i32
    %mul3A_16 = arith.muli %arg1, %mul3A_15 : i32
    %mul3A_17 = arith.constant 640 : i32
    %mul3A_18 = arith.muli %arg1, %mul3A_17 : i32
    "tpu.region"() ({
      %run_scoped3A = tpu.sem_alloc : memref<!tpu.dma_semaphore, #tpu.memory_space<semaphore_mem>>
      %dma_start3A_90 = arith.constant 0 : i32
      %dma_start3A_91 = tpu.memref_slice %arg16[%mul3A_18, %dma_start3A_90] : memref<10240x16xf32, #tpu.memory_space<vmem_shared>> -> memref<640x16xf32, #tpu.memory_space<vmem_shared>>
      %dma_start3A_92 = arith.constant 0 : i32
      %dma_start3A_93 = tpu.memref_slice %arg4[%mul3A_16, %dma_start3A_92] : memref<10240x16xf32, #tpu.memory_space<hbm>> -> memref<640x16xf32, #tpu.memory_space<hbm>>
      tpu.enqueue_dma source(%dma_start3A_93 : memref<640x16xf32, #tpu.memory_space<hbm>>) target(%dma_start3A_91 : memref<640x16xf32, #tpu.memory_space<vmem_shared>>) target_semaphore(%run_scoped3A : memref<!tpu.dma_semaphore, #tpu.memory_space<semaphore_mem>>)
      %dma_wait3A_94 = arith.constant 0 : i32
      %dma_wait3A_95 = tpu.memref_slice %arg16[%mul3A_18, %dma_wait3A_94] : memref<10240x16xf32, #tpu.memory_space<vmem_shared>> -> memref<640x16xf32, #tpu.memory_space<vmem_shared>>
      %dma_wait3A_96 = arith.constant 0 : i32
      %dma_wait3A_97 = tpu.memref_slice %arg4[%mul3A_16, %dma_wait3A_96] : memref<10240x16xf32, #tpu.memory_space<hbm>> -> memref<640x16xf32, #tpu.memory_space<hbm>>
      tpu.wait_dma2 semaphore(%run_scoped3A : memref<!tpu.dma_semaphore, #tpu.memory_space<semaphore_mem>>) src(%dma_wait3A_97 : memref<640x16xf32, #tpu.memory_space<hbm>>) dst(%dma_wait3A_95 : memref<640x16xf32, #tpu.memory_space<vmem_shared>>)
      tpu.yield
    }) : () -> ()
    %barrier3A = arith.constant 0 : index
    tpu.barrier barrier_id(%barrier3A)
    %iota3A = tpu.iota {dimensions = array<i32: 0>} : vector<16xi32>
    %broadcast_in_dim3A_19 = arith.constant 8 : i32
    %broadcast_in_dim3A_20 = vector.broadcast %broadcast_in_dim3A_19 : i32 to vector<16xi32>
    %broadcast_in_dim3A_21 = arith.constant 9 : i32
    %broadcast_in_dim3A_22 = vector.broadcast %broadcast_in_dim3A_21 : i32 to vector<16xi32>
    %lt3A = arith.constant 8 : i32
    %lt3A_23 = vector.broadcast %lt3A : i32 to vector<16xi32>
    %lt3A_24 = arith.cmpi slt, %iota3A, %lt3A_23 : vector<16xi32>
    %jit3A = arith.constant 1.000000e+00 : f32
    %jit3A_25 = arith.constant 0.000000e+00 : f32
    %broadcast_in_dim3A_26 = vector.broadcast %jit3A : f32 to vector<16xf32>
    %broadcast_in_dim3A_27 = vector.broadcast %jit3A_25 : f32 to vector<16xf32>
    %select_n3A = arith.select %lt3A_24, %broadcast_in_dim3A_26, %broadcast_in_dim3A_27 : vector<16xi1>, vector<16xf32>
    %eq3A = arith.constant 8 : i32
    %eq3A_28 = vector.broadcast %eq3A : i32 to vector<16xi32>
    %eq3A_29 = arith.cmpi eq, %iota3A, %eq3A_28 : vector<16xi32>
    %jit3A_30 = arith.constant 1.000000e+00 : f32
    %jit3A_31 = arith.constant 0.000000e+00 : f32
    %broadcast_in_dim3A_32 = vector.broadcast %jit3A_30 : f32 to vector<16xf32>
    %broadcast_in_dim3A_33 = vector.broadcast %jit3A_31 : f32 to vector<16xf32>
    %select_n3A_34 = arith.select %eq3A_29, %broadcast_in_dim3A_32, %broadcast_in_dim3A_33 : vector<16xi1>, vector<16xf32>
    %dma_start3A = arith.constant 0 : i32
    %dma_start3A_35 = arith.constant 0 : i32
    %dma_start3A_36 = tpu.memref_slice %arg6[%dma_start3A, %dma_start3A_35] : memref<42x128xi32, #tpu.memory_space<vmem>> -> memref<1x128xi32, #tpu.memory_space<vmem>>
    %dma_start3A_37 = tpu.memref_squeeze %dma_start3A_36 : memref<1x128xi32, #tpu.memory_space<vmem>> -> memref<128xi32, #tpu.memory_space<vmem>>
    %dma_start3A_38 = arith.constant 0 : i32
    %dma_start3A_39 = arith.constant 0 : i32
    %dma_start3A_40 = tpu.memref_slice %arg16[%dma_start3A_38, %dma_start3A_39] : memref<10240x16xf32, #tpu.memory_space<vmem_shared>> -> memref<10240x16xf32, #tpu.memory_space<vmem_shared>>
    tpu.enqueue_indirect_dma source(%dma_start3A_40 : memref<10240x16xf32, #tpu.memory_space<vmem_shared>>) target(%arg8 : memref<128x16xf32, #tpu.memory_space<vmem>>) offsets(%dma_start3A_37 : memref<128xi32, #tpu.memory_space<vmem>>) semaphore(%arg17 : memref<!tpu.dma_semaphore, #tpu.memory_space<semaphore_mem>>)
    %dma_start3A_41 = arith.constant 0 : i32
    %dma_start3A_42 = arith.constant 0 : i32
    %dma_start3A_43 = tpu.memref_slice %arg7[%dma_start3A_41, %dma_start3A_42] : memref<42x128xi32, #tpu.memory_space<vmem>> -> memref<1x128xi32, #tpu.memory_space<vmem>>
    %dma_start3A_44 = tpu.memref_squeeze %dma_start3A_43 : memref<1x128xi32, #tpu.memory_space<vmem>> -> memref<128xi32, #tpu.memory_space<vmem>>
    %dma_start3A_45 = arith.constant 0 : i32
    %dma_start3A_46 = arith.constant 0 : i32
    %dma_start3A_47 = tpu.memref_slice %arg16[%dma_start3A_45, %dma_start3A_46] : memref<10240x16xf32, #tpu.memory_space<vmem_shared>> -> memref<10240x16xf32, #tpu.memory_space<vmem_shared>>
    tpu.enqueue_indirect_dma source(%dma_start3A_47 : memref<10240x16xf32, #tpu.memory_space<vmem_shared>>) target(%arg10 : memref<128x16xf32, #tpu.memory_space<vmem>>) offsets(%dma_start3A_44 : memref<128xi32, #tpu.memory_space<vmem>>) semaphore(%arg19 : memref<!tpu.dma_semaphore, #tpu.memory_space<semaphore_mem>>)
    %scan3A_48 = arith.constant 0 : i32
    %scan3A_49 = arith.constant 0 : i32
    %scan3A_50 = arith.constant 21 : i32
    %scan3A_51 = arith.addi %scan3A_49, %scan3A_50 : i32
    %scan3A_52 = arith.constant 1 : i32
    %scan3A_53 = scf.for %scan3A_90 = %scan3A_49 to %scan3A_51 step %scan3A_52 iter_args(%scan3A_91 = %scan3A_48) -> (i32)  : i32 {
      %mul3A_92 = arith.constant 2 : i32
      %mul3A_93 = arith.muli %mul3A_92, %scan3A_90 : i32
      %add3A_94 = arith.constant 1 : i32
      %add3A_95 = arith.addi %mul3A_93, %add3A_94 : i32
      %add3A_96 = arith.constant 2 : i32
      %add3A_97 = arith.addi %mul3A_93, %add3A_96 : i32
      %min3A = arith.constant 41 : i32
      %min3A_98 = arith.minsi %add3A_97, %min3A : i32
      %dma_wait3A_99 = arith.constant 0 : i32
      %dma_wait3A_100 = tpu.memref_slice %arg6[%mul3A_93, %dma_wait3A_99] : memref<42x128xi32, #tpu.memory_space<vmem>> -> memref<1x128xi32, #tpu.memory_space<vmem>>
      %dma_wait3A_101 = tpu.memref_squeeze %dma_wait3A_100 : memref<1x128xi32, #tpu.memory_space<vmem>> -> memref<128xi32, #tpu.memory_space<vmem>>
      %dma_wait3A_102 = arith.constant 0 : i32
      %dma_wait3A_103 = arith.constant 0 : i32
      %dma_wait3A_104 = tpu.memref_slice %arg16[%dma_wait3A_102, %dma_wait3A_103] : memref<10240x16xf32, #tpu.memory_space<vmem_shared>> -> memref<10240x16xf32, #tpu.memory_space<vmem_shared>>
      tpu.wait_indirect_dma semaphore(%arg17 : memref<!tpu.dma_semaphore, #tpu.memory_space<semaphore_mem>>) src(%dma_wait3A_104 : memref<10240x16xf32, #tpu.memory_space<vmem_shared>>) dst(%arg8 : memref<128x16xf32, #tpu.memory_space<vmem>>)
      %dma_wait3A_105 = arith.constant 0 : i32
      %dma_wait3A_106 = tpu.memref_slice %arg7[%mul3A_93, %dma_wait3A_105] : memref<42x128xi32, #tpu.memory_space<vmem>> -> memref<1x128xi32, #tpu.memory_space<vmem>>
      %dma_wait3A_107 = tpu.memref_squeeze %dma_wait3A_106 : memref<1x128xi32, #tpu.memory_space<vmem>> -> memref<128xi32, #tpu.memory_space<vmem>>
      %dma_wait3A_108 = arith.constant 0 : i32
      %dma_wait3A_109 = arith.constant 0 : i32
      %dma_wait3A_110 = tpu.memref_slice %arg16[%dma_wait3A_108, %dma_wait3A_109] : memref<10240x16xf32, #tpu.memory_space<vmem_shared>> -> memref<10240x16xf32, #tpu.memory_space<vmem_shared>>
      tpu.wait_indirect_dma semaphore(%arg19 : memref<!tpu.dma_semaphore, #tpu.memory_space<semaphore_mem>>) src(%dma_wait3A_110 : memref<10240x16xf32, #tpu.memory_space<vmem_shared>>) dst(%arg10 : memref<128x16xf32, #tpu.memory_space<vmem>>)
      %dma_start3A_111 = arith.constant 0 : i32
      %dma_start3A_112 = tpu.memref_slice %arg6[%add3A_95, %dma_start3A_111] : memref<42x128xi32, #tpu.memory_space<vmem>> -> memref<1x128xi32, #tpu.memory_space<vmem>>
      %dma_start3A_113 = tpu.memref_squeeze %dma_start3A_112 : memref<1x128xi32, #tpu.memory_space<vmem>> -> memref<128xi32, #tpu.memory_space<vmem>>
      %dma_start3A_114 = arith.constant 0 : i32
      %dma_start3A_115 = arith.constant 0 : i32
      %dma_start3A_116 = tpu.memref_slice %arg16[%dma_start3A_114, %dma_start3A_115] : memref<10240x16xf32, #tpu.memory_space<vmem_shared>> -> memref<10240x16xf32, #tpu.memory_space<vmem_shared>>
      tpu.enqueue_indirect_dma source(%dma_start3A_116 : memref<10240x16xf32, #tpu.memory_space<vmem_shared>>) target(%arg9 : memref<128x16xf32, #tpu.memory_space<vmem>>) offsets(%dma_start3A_113 : memref<128xi32, #tpu.memory_space<vmem>>) semaphore(%arg18 : memref<!tpu.dma_semaphore, #tpu.memory_space<semaphore_mem>>)
      %dma_start3A_117 = arith.constant 0 : i32
      %dma_start3A_118 = tpu.memref_slice %arg7[%add3A_95, %dma_start3A_117] : memref<42x128xi32, #tpu.memory_space<vmem>> -> memref<1x128xi32, #tpu.memory_space<vmem>>
      %dma_start3A_119 = tpu.memref_squeeze %dma_start3A_118 : memref<1x128xi32, #tpu.memory_space<vmem>> -> memref<128xi32, #tpu.memory_space<vmem>>
      %dma_start3A_120 = arith.constant 0 : i32
      %dma_start3A_121 = arith.constant 0 : i32
      %dma_start3A_122 = tpu.memref_slice %arg16[%dma_start3A_120, %dma_start3A_121] : memref<10240x16xf32, #tpu.memory_space<vmem_shared>> -> memref<10240x16xf32, #tpu.memory_space<vmem_shared>>
      tpu.enqueue_indirect_dma source(%dma_start3A_122 : memref<10240x16xf32, #tpu.memory_space<vmem_shared>>) target(%arg11 : memref<128x16xf32, #tpu.memory_space<vmem>>) offsets(%dma_start3A_119 : memref<128xi32, #tpu.memory_space<vmem>>) semaphore(%arg20 : memref<!tpu.dma_semaphore, #tpu.memory_space<semaphore_mem>>)
      %gt3A = arith.constant 0 : i32
      %gt3A_123 = arith.cmpi sgt, %scan3A_90, %gt3A : i32
      %convert_element_type3A = arith.extui %gt3A_123 : i1 to i32
      %cond3A = arith.constant 0 : i32
      %cond3A_124 = arith.cmpi ne, %convert_element_type3A, %cond3A : i32
      scf.if %cond3A_124 {
        %dma_wait3A_181 = arith.constant 0 : i32
        %dma_wait3A_182 = tpu.memref_slice %arg6[%mul3A_93, %dma_wait3A_181] : memref<42x128xi32, #tpu.memory_space<vmem>> -> memref<1x128xi32, #tpu.memory_space<vmem>>
        %dma_wait3A_183 = tpu.memref_squeeze %dma_wait3A_182 : memref<1x128xi32, #tpu.memory_space<vmem>> -> memref<128xi32, #tpu.memory_space<vmem>>
        %dma_wait3A_184 = arith.constant 0 : i32
        %dma_wait3A_185 = arith.constant 0 : i32
        %dma_wait3A_186 = tpu.memref_slice %arg15[%dma_wait3A_184, %dma_wait3A_185] : memref<10240x16xf32, #tpu.memory_space<vmem_shared>> -> memref<10240x16xf32, #tpu.memory_space<vmem_shared>>
        tpu.wait_indirect_dma semaphore(%arg21 : memref<!tpu.dma_semaphore, #tpu.memory_space<semaphore_mem>>) src(%arg12 : memref<128x16xf32, #tpu.memory_space<vmem>>) dst(%dma_wait3A_186 : memref<10240x16xf32, #tpu.memory_space<vmem_shared>>)
      } else {
      }
      %scan3A_125 = arith.constant 0 : i32
      %scan3A_126 = arith.constant 0 : i32
      %scan3A_127 = arith.constant 32 : i32
      %scan3A_128 = arith.addi %scan3A_126, %scan3A_127 : i32
      %scan3A_129 = arith.constant 1 : i32
      %scan3A_130 = scf.for %scan3A_181 = %scan3A_126 to %scan3A_128 step %scan3A_129 iter_args(%scan3A_182 = %scan3A_125) -> (i32)  : i32 {
        %mul3A_183 = arith.constant 4 : i32
        %mul3A_184 = arith.muli %scan3A_181, %mul3A_183 : i32
        %add3A_185 = arith.constant 0 : i32
        %add3A_186 = arith.addi %mul3A_184, %add3A_185 : i32
        %get3A = arith.index_cast %add3A_186 : i32 to index
        %get3A_187 = arith.constant 0 : index
        %get3A_188 = tpu.vector_load %arg8[%get3A, %get3A_187] {strides = array<i32>} : memref<128x16xf32, #tpu.memory_space<vmem>>, vector<1x16xf32>,
        %get3A_189 = vector.shape_cast %get3A_188 : vector<1x16xf32> to vector<16xf32>
        %get3A_190 = arith.index_cast %add3A_186 : i32 to index
        %get3A_191 = arith.constant 0 : index
        %get3A_192 = tpu.vector_load %arg10[%get3A_190, %get3A_191] {strides = array<i32>} : memref<128x16xf32, #tpu.memory_space<vmem>>, vector<1x16xf32>,
        %get3A_193 = vector.shape_cast %get3A_192 : vector<1x16xf32> to vector<16xf32>
        %reshape3A = vector.shape_cast %broadcast_in_dim3A_20 : vector<16xi32> to vector<16x1xi32>
        %gather3A = vector.shape_cast %reshape3A : vector<16x1xi32> to vector<16xi32>
        %gather3A_194 = tpu.dynamic_gather %get3A_189[%gather3A] in [0] : vector<16xf32>, vector<16xi32> -> vector<16xf32>
        %reshape3A_195 = vector.shape_cast %broadcast_in_dim3A_22 : vector<16xi32> to vector<16x1xi32>
        %gather3A_196 = vector.shape_cast %reshape3A_195 : vector<16x1xi32> to vector<16xi32>
        %gather3A_197 = tpu.dynamic_gather %get3A_193[%gather3A_196] in [0] : vector<16xf32>, vector<16xi32> -> vector<16xf32>
        %add3A_198 = arith.addf %gather3A_194, %gather3A_197 : vector<16xf32>
        %ge3A = arith.constant 0.000000e+00 : f32
        %ge3A_199 = vector.broadcast %ge3A : f32 to vector<16xf32>
        %ge3A_200 = arith.cmpf oge, %add3A_198, %ge3A_199 : vector<16xf32>
        %mul3A_201 = arith.constant 2.000000e-01 : f32
        %mul3A_202 = vector.broadcast %mul3A_201 : f32 to vector<16xf32>
        %mul3A_203 = arith.mulf %mul3A_202, %add3A_198 : vector<16xf32>
        %select_n3A_204 = arith.select %ge3A_200, %add3A_198, %mul3A_203 : vector<16xi1>, vector<16xf32>
        %neg3A = arith.constant 0.000000e+00 : f32
        %neg3A_205 = vector.broadcast %neg3A : f32 to vector<16xf32>
        %neg3A_206 = arith.subf %neg3A_205, %select_n3A_204 : vector<16xf32>
        %exp3A = math.exp %neg3A_206 : vector<16xf32>
        %mul3A_207 = arith.mulf %get3A_193, %select_n3A : vector<16xf32>
        %add3A_208 = arith.addf %mul3A_207, %select_n3A_34 : vector<16xf32>
        %mul3A_209 = arith.mulf %exp3A, %add3A_208 : vector<16xf32>
        %swap3A = arith.index_cast %add3A_186 : i32 to index
        %swap3A_210 = arith.constant 0 : index
        %swap3A_211 = tpu.vector_load %arg12[%swap3A, %swap3A_210] {strides = array<i32>} : memref<128x16xf32, #tpu.memory_space<vmem>>, vector<1x16xf32>,
        %swap3A_212 = vector.shape_cast %swap3A_211 : vector<1x16xf32> to vector<16xf32>
        %swap3A_213 = vector.shape_cast %mul3A_209 : vector<16xf32> to vector<1x16xf32>
        tpu.vector_store %arg12[%swap3A, %swap3A_210], %swap3A_213 {strides = array<i32>} : memref<128x16xf32, #tpu.memory_space<vmem>>, vector<1x16xf32>,
        %mul3A_214 = arith.constant 4 : i32
        %mul3A_215 = arith.muli %scan3A_181, %mul3A_214 : i32
        %add3A_216 = arith.constant 1 : i32
        %add3A_217 = arith.addi %mul3A_215, %add3A_216 : i32
        %get3A_218 = arith.index_cast %add3A_217 : i32 to index
        %get3A_219 = arith.constant 0 : index
        %get3A_220 = tpu.vector_load %arg8[%get3A_218, %get3A_219] {strides = array<i32>} : memref<128x16xf32, #tpu.memory_space<vmem>>, vector<1x16xf32>,
        %get3A_221 = vector.shape_cast %get3A_220 : vector<1x16xf32> to vector<16xf32>
        %get3A_222 = arith.index_cast %add3A_217 : i32 to index
        %get3A_223 = arith.constant 0 : index
        %get3A_224 = tpu.vector_load %arg10[%get3A_222, %get3A_223] {strides = array<i32>} : memref<128x16xf32, #tpu.memory_space<vmem>>, vector<1x16xf32>,
        %get3A_225 = vector.shape_cast %get3A_224 : vector<1x16xf32> to vector<16xf32>
        %reshape3A_226 = vector.shape_cast %broadcast_in_dim3A_20 : vector<16xi32> to vector<16x1xi32>
        %gather3A_227 = vector.shape_cast %reshape3A_226 : vector<16x1xi32> to vector<16xi32>
        %gather3A_228 = tpu.dynamic_gather %get3A_221[%gather3A_227] in [0] : vector<16xf32>, vector<16xi32> -> vector<16xf32>
        %reshape3A_229 = vector.shape_cast %broadcast_in_dim3A_22 : vector<16xi32> to vector<16x1xi32>
        %gather3A_230 = vector.shape_cast %reshape3A_229 : vector<16x1xi32> to vector<16xi32>
        %gather3A_231 = tpu.dynamic_gather %get3A_225[%gather3A_230] in [0] : vector<16xf32>, vector<16xi32> -> vector<16xf32>
        %add3A_232 = arith.addf %gather3A_228, %gather3A_231 : vector<16xf32>
        %ge3A_233 = arith.constant 0.000000e+00 : f32
        %ge3A_234 = vector.broadcast %ge3A_233 : f32 to vector<16xf32>
        %ge3A_235 = arith.cmpf oge, %add3A_232, %ge3A_234 : vector<16xf32>
        %mul3A_236 = arith.constant 2.000000e-01 : f32
        %mul3A_237 = vector.broadcast %mul3A_236 : f32 to vector<16xf32>
        %mul3A_238 = arith.mulf %mul3A_237, %add3A_232 : vector<16xf32>
        %select_n3A_239 = arith.select %ge3A_235, %add3A_232, %mul3A_238 : vector<16xi1>, vector<16xf32>
        %neg3A_240 = arith.constant 0.000000e+00 : f32
        %neg3A_241 = vector.broadcast %neg3A_240 : f32 to vector<16xf32>
        %neg3A_242 = arith.subf %neg3A_241, %select_n3A_239 : vector<16xf32>
        %exp3A_243 = math.exp %neg3A_242 : vector<16xf32>
        %mul3A_244 = arith.mulf %get3A_225, %select_n3A : vector<16xf32>
        %add3A_245 = arith.addf %mul3A_244, %select_n3A_34 : vector<16xf32>
        %mul3A_246 = arith.mulf %exp3A_243, %add3A_245 : vector<16xf32>
        %swap3A_247 = arith.index_cast %add3A_217 : i32 to index
        %swap3A_248 = arith.constant 0 : index
        %swap3A_249 = tpu.vector_load %arg12[%swap3A_247, %swap3A_248] {strides = array<i32>} : memref<128x16xf32, #tpu.memory_space<vmem>>, vector<1x16xf32>,
        %swap3A_250 = vector.shape_cast %swap3A_249 : vector<1x16xf32> to vector<16xf32>
        %swap3A_251 = vector.shape_cast %mul3A_246 : vector<16xf32> to vector<1x16xf32>
        tpu.vector_store %arg12[%swap3A_247, %swap3A_248], %swap3A_251 {strides = array<i32>} : memref<128x16xf32, #tpu.memory_space<vmem>>, vector<1x16xf32>,
        %mul3A_252 = arith.constant 4 : i32
        %mul3A_253 = arith.muli %scan3A_181, %mul3A_252 : i32
        %add3A_254 = arith.constant 2 : i32
        %add3A_255 = arith.addi %mul3A_253, %add3A_254 : i32
        %get3A_256 = arith.index_cast %add3A_255 : i32 to index
        %get3A_257 = arith.constant 0 : index
        %get3A_258 = tpu.vector_load %arg8[%get3A_256, %get3A_257] {strides = array<i32>} : memref<128x16xf32, #tpu.memory_space<vmem>>, vector<1x16xf32>,
        %get3A_259 = vector.shape_cast %get3A_258 : vector<1x16xf32> to vector<16xf32>
        %get3A_260 = arith.index_cast %add3A_255 : i32 to index
        %get3A_261 = arith.constant 0 : index
        %get3A_262 = tpu.vector_load %arg10[%get3A_260, %get3A_261] {strides = array<i32>} : memref<128x16xf32, #tpu.memory_space<vmem>>, vector<1x16xf32>,
        %get3A_263 = vector.shape_cast %get3A_262 : vector<1x16xf32> to vector<16xf32>
        %reshape3A_264 = vector.shape_cast %broadcast_in_dim3A_20 : vector<16xi32> to vector<16x1xi32>
        %gather3A_265 = vector.shape_cast %reshape3A_264 : vector<16x1xi32> to vector<16xi32>
        %gather3A_266 = tpu.dynamic_gather %get3A_259[%gather3A_265] in [0] : vector<16xf32>, vector<16xi32> -> vector<16xf32>
        %reshape3A_267 = vector.shape_cast %broadcast_in_dim3A_22 : vector<16xi32> to vector<16x1xi32>
        %gather3A_268 = vector.shape_cast %reshape3A_267 : vector<16x1xi32> to vector<16xi32>
        %gather3A_269 = tpu.dynamic_gather %get3A_263[%gather3A_268] in [0] : vector<16xf32>, vector<16xi32> -> vector<16xf32>
        %add3A_270 = arith.addf %gather3A_266, %gather3A_269 : vector<16xf32>
        %ge3A_271 = arith.constant 0.000000e+00 : f32
        %ge3A_272 = vector.broadcast %ge3A_271 : f32 to vector<16xf32>
        %ge3A_273 = arith.cmpf oge, %add3A_270, %ge3A_272 : vector<16xf32>
        %mul3A_274 = arith.constant 2.000000e-01 : f32
        %mul3A_275 = vector.broadcast %mul3A_274 : f32 to vector<16xf32>
        %mul3A_276 = arith.mulf %mul3A_275, %add3A_270 : vector<16xf32>
        %select_n3A_277 = arith.select %ge3A_273, %add3A_270, %mul3A_276 : vector<16xi1>, vector<16xf32>
        %neg3A_278 = arith.constant 0.000000e+00 : f32
        %neg3A_279 = vector.broadcast %neg3A_278 : f32 to vector<16xf32>
        %neg3A_280 = arith.subf %neg3A_279, %select_n3A_277 : vector<16xf32>
        %exp3A_281 = math.exp %neg3A_280 : vector<16xf32>
        %mul3A_282 = arith.mulf %get3A_263, %select_n3A : vector<16xf32>
        %add3A_283 = arith.addf %mul3A_282, %select_n3A_34 : vector<16xf32>
        %mul3A_284 = arith.mulf %exp3A_281, %add3A_283 : vector<16xf32>
        %swap3A_285 = arith.index_cast %add3A_255 : i32 to index
        %swap3A_286 = arith.constant 0 : index
        %swap3A_287 = tpu.vector_load %arg12[%swap3A_285, %swap3A_286] {strides = array<i32>} : memref<128x16xf32, #tpu.memory_space<vmem>>, vector<1x16xf32>,
        %swap3A_288 = vector.shape_cast %swap3A_287 : vector<1x16xf32> to vector<16xf32>
        %swap3A_289 = vector.shape_cast %mul3A_284 : vector<16xf32> to vector<1x16xf32>
        tpu.vector_store %arg12[%swap3A_285, %swap3A_286], %swap3A_289 {strides = array<i32>} : memref<128x16xf32, #tpu.memory_space<vmem>>, vector<1x16xf32>,
        %mul3A_290 = arith.constant 4 : i32
        %mul3A_291 = arith.muli %scan3A_181, %mul3A_290 : i32
        %add3A_292 = arith.constant 3 : i32
        %add3A_293 = arith.addi %mul3A_291, %add3A_292 : i32
        %get3A_294 = arith.index_cast %add3A_293 : i32 to index
        %get3A_295 = arith.constant 0 : index
        %get3A_296 = tpu.vector_load %arg8[%get3A_294, %get3A_295] {strides = array<i32>} : memref<128x16xf32, #tpu.memory_space<vmem>>, vector<1x16xf32>,
        %get3A_297 = vector.shape_cast %get3A_296 : vector<1x16xf32> to vector<16xf32>
        %get3A_298 = arith.index_cast %add3A_293 : i32 to index
        %get3A_299 = arith.constant 0 : index
        %get3A_300 = tpu.vector_load %arg10[%get3A_298, %get3A_299] {strides = array<i32>} : memref<128x16xf32, #tpu.memory_space<vmem>>, vector<1x16xf32>,
        %get3A_301 = vector.shape_cast %get3A_300 : vector<1x16xf32> to vector<16xf32>
        %reshape3A_302 = vector.shape_cast %broadcast_in_dim3A_20 : vector<16xi32> to vector<16x1xi32>
        %gather3A_303 = vector.shape_cast %reshape3A_302 : vector<16x1xi32> to vector<16xi32>
        %gather3A_304 = tpu.dynamic_gather %get3A_297[%gather3A_303] in [0] : vector<16xf32>, vector<16xi32> -> vector<16xf32>
        %reshape3A_305 = vector.shape_cast %broadcast_in_dim3A_22 : vector<16xi32> to vector<16x1xi32>
        %gather3A_306 = vector.shape_cast %reshape3A_305 : vector<16x1xi32> to vector<16xi32>
        %gather3A_307 = tpu.dynamic_gather %get3A_301[%gather3A_306] in [0] : vector<16xf32>, vector<16xi32> -> vector<16xf32>
        %add3A_308 = arith.addf %gather3A_304, %gather3A_307 : vector<16xf32>
        %ge3A_309 = arith.constant 0.000000e+00 : f32
        %ge3A_310 = vector.broadcast %ge3A_309 : f32 to vector<16xf32>
        %ge3A_311 = arith.cmpf oge, %add3A_308, %ge3A_310 : vector<16xf32>
        %mul3A_312 = arith.constant 2.000000e-01 : f32
        %mul3A_313 = vector.broadcast %mul3A_312 : f32 to vector<16xf32>
        %mul3A_314 = arith.mulf %mul3A_313, %add3A_308 : vector<16xf32>
        %select_n3A_315 = arith.select %ge3A_311, %add3A_308, %mul3A_314 : vector<16xi1>, vector<16xf32>
        %neg3A_316 = arith.constant 0.000000e+00 : f32
        %neg3A_317 = vector.broadcast %neg3A_316 : f32 to vector<16xf32>
        %neg3A_318 = arith.subf %neg3A_317, %select_n3A_315 : vector<16xf32>
        %exp3A_319 = math.exp %neg3A_318 : vector<16xf32>
        %mul3A_320 = arith.mulf %get3A_301, %select_n3A : vector<16xf32>
        %add3A_321 = arith.addf %mul3A_320, %select_n3A_34 : vector<16xf32>
        %mul3A_322 = arith.mulf %exp3A_319, %add3A_321 : vector<16xf32>
        %swap3A_323 = arith.index_cast %add3A_293 : i32 to index
        %swap3A_324 = arith.constant 0 : index
        %swap3A_325 = tpu.vector_load %arg12[%swap3A_323, %swap3A_324] {strides = array<i32>} : memref<128x16xf32, #tpu.memory_space<vmem>>, vector<1x16xf32>,
        %swap3A_326 = vector.shape_cast %swap3A_325 : vector<1x16xf32> to vector<16xf32>
        %swap3A_327 = vector.shape_cast %mul3A_322 : vector<16xf32> to vector<1x16xf32>
        tpu.vector_store %arg12[%swap3A_323, %swap3A_324], %swap3A_327 {strides = array<i32>} : memref<128x16xf32, #tpu.memory_space<vmem>>, vector<1x16xf32>,
        %scan3A_328 = arith.constant 0 : i32
        scf.yield %scan3A_328 : i32
      }
      %scan3A_131 = arith.constant 32 : i32
      %dma_start3A_132 = arith.constant 0 : i32
      %dma_start3A_133 = tpu.memref_slice %arg6[%mul3A_93, %dma_start3A_132] : memref<42x128xi32, #tpu.memory_space<vmem>> -> memref<1x128xi32, #tpu.memory_space<vmem>>
      %dma_start3A_134 = tpu.memref_squeeze %dma_start3A_133 : memref<1x128xi32, #tpu.memory_space<vmem>> -> memref<128xi32, #tpu.memory_space<vmem>>
      %dma_start3A_135 = arith.constant 0 : i32
      %dma_start3A_136 = arith.constant 0 : i32
      %dma_start3A_137 = tpu.memref_slice %arg15[%dma_start3A_135, %dma_start3A_136] : memref<10240x16xf32, #tpu.memory_space<vmem_shared>> -> memref<10240x16xf32, #tpu.memory_space<vmem_shared>>
      tpu.enqueue_indirect_dma source(%arg12 : memref<128x16xf32, #tpu.memory_space<vmem>>) target(%dma_start3A_137 : memref<10240x16xf32, #tpu.memory_space<vmem_shared>>) offsets(%dma_start3A_134 : memref<128xi32, #tpu.memory_space<vmem>>) semaphore(%arg21 : memref<!tpu.dma_semaphore, #tpu.memory_space<semaphore_mem>>) {add = true}
      %dma_wait3A_138 = arith.constant 0 : i32
      %dma_wait3A_139 = tpu.memref_slice %arg6[%add3A_95, %dma_wait3A_138] : memref<42x128xi32, #tpu.memory_space<vmem>> -> memref<1x128xi32, #tpu.memory_space<vmem>>
      %dma_wait3A_140 = tpu.memref_squeeze %dma_wait3A_139 : memref<1x128xi32, #tpu.memory_space<vmem>> -> memref<128xi32, #tpu.memory_space<vmem>>
      %dma_wait3A_141 = arith.constant 0 : i32
      %dma_wait3A_142 = arith.constant 0 : i32
      %dma_wait3A_143 = tpu.memref_slice %arg16[%dma_wait3A_141, %dma_wait3A_142] : memref<10240x16xf32, #tpu.memory_space<vmem_shared>> -> memref<10240x16xf32, #tpu.memory_space<vmem_shared>>
      tpu.wait_indirect_dma semaphore(%arg18 : memref<!tpu.dma_semaphore, #tpu.memory_space<semaphore_mem>>) src(%dma_wait3A_143 : memref<10240x16xf32, #tpu.memory_space<vmem_shared>>) dst(%arg9 : memref<128x16xf32, #tpu.memory_space<vmem>>)
      %dma_wait3A_144 = arith.constant 0 : i32
      %dma_wait3A_145 = tpu.memref_slice %arg7[%add3A_95, %dma_wait3A_144] : memref<42x128xi32, #tpu.memory_space<vmem>> -> memref<1x128xi32, #tpu.memory_space<vmem>>
      %dma_wait3A_146 = tpu.memref_squeeze %dma_wait3A_145 : memref<1x128xi32, #tpu.memory_space<vmem>> -> memref<128xi32, #tpu.memory_space<vmem>>
      %dma_wait3A_147 = arith.constant 0 : i32
      %dma_wait3A_148 = arith.constant 0 : i32
      %dma_wait3A_149 = tpu.memref_slice %arg16[%dma_wait3A_147, %dma_wait3A_148] : memref<10240x16xf32, #tpu.memory_space<vmem_shared>> -> memref<10240x16xf32, #tpu.memory_space<vmem_shared>>
      tpu.wait_indirect_dma semaphore(%arg20 : memref<!tpu.dma_semaphore, #tpu.memory_space<semaphore_mem>>) src(%dma_wait3A_149 : memref<10240x16xf32, #tpu.memory_space<vmem_shared>>) dst(%arg11 : memref<128x16xf32, #tpu.memory_space<vmem>>)
      %dma_start3A_150 = arith.constant 0 : i32
      %dma_start3A_151 = tpu.memref_slice %arg6[%min3A_98, %dma_start3A_150] : memref<42x128xi32, #tpu.memory_space<vmem>> -> memref<1x128xi32, #tpu.memory_space<vmem>>
      %dma_start3A_152 = tpu.memref_squeeze %dma_start3A_151 : memref<1x128xi32, #tpu.memory_space<vmem>> -> memref<128xi32, #tpu.memory_space<vmem>>
      %dma_start3A_153 = arith.constant 0 : i32
      %dma_start3A_154 = arith.constant 0 : i32
      %dma_start3A_155 = tpu.memref_slice %arg16[%dma_start3A_153, %dma_start3A_154] : memref<10240x16xf32, #tpu.memory_space<vmem_shared>> -> memref<10240x16xf32, #tpu.memory_space<vmem_shared>>
      tpu.enqueue_indirect_dma source(%dma_start3A_155 : memref<10240x16xf32, #tpu.memory_space<vmem_shared>>) target(%arg8 : memref<128x16xf32, #tpu.memory_space<vmem>>) offsets(%dma_start3A_152 : memref<128xi32, #tpu.memory_space<vmem>>) semaphore(%arg17 : memref<!tpu.dma_semaphore, #tpu.memory_space<semaphore_mem>>)
      %dma_start3A_156 = arith.constant 0 : i32
      %dma_start3A_157 = tpu.memref_slice %arg7[%min3A_98, %dma_start3A_156] : memref<42x128xi32, #tpu.memory_space<vmem>> -> memref<1x128xi32, #tpu.memory_space<vmem>>
      %dma_start3A_158 = tpu.memref_squeeze %dma_start3A_157 : memref<1x128xi32, #tpu.memory_space<vmem>> -> memref<128xi32, #tpu.memory_space<vmem>>
      %dma_start3A_159 = arith.constant 0 : i32
      %dma_start3A_160 = arith.constant 0 : i32
      %dma_start3A_161 = tpu.memref_slice %arg16[%dma_start3A_159, %dma_start3A_160] : memref<10240x16xf32, #tpu.memory_space<vmem_shared>> -> memref<10240x16xf32, #tpu.memory_space<vmem_shared>>
      tpu.enqueue_indirect_dma source(%dma_start3A_161 : memref<10240x16xf32, #tpu.memory_space<vmem_shared>>) target(%arg10 : memref<128x16xf32, #tpu.memory_space<vmem>>) offsets(%dma_start3A_158 : memref<128xi32, #tpu.memory_space<vmem>>) semaphore(%arg19 : memref<!tpu.dma_semaphore, #tpu.memory_space<semaphore_mem>>)
      %gt3A_162 = arith.constant 0 : i32
      %gt3A_163 = arith.cmpi sgt, %scan3A_90, %gt3A_162 : i32
      %convert_element_type3A_164 = arith.extui %gt3A_163 : i1 to i32
      %cond3A_165 = arith.constant 0 : i32
      %cond3A_166 = arith.cmpi ne, %convert_element_type3A_164, %cond3A_165 : i32
      scf.if %cond3A_166 {
        %dma_wait3A_181 = arith.constant 0 : i32
        %dma_wait3A_182 = tpu.memref_slice %arg6[%add3A_95, %dma_wait3A_181] : memref<42x128xi32, #tpu.memory_space<vmem>> -> memref<1x128xi32, #tpu.memory_space<vmem>>
        %dma_wait3A_183 = tpu.memref_squeeze %dma_wait3A_182 : memref<1x128xi32, #tpu.memory_space<vmem>> -> memref<128xi32, #tpu.memory_space<vmem>>
        %dma_wait3A_184 = arith.constant 0 : i32
        %dma_wait3A_185 = arith.constant 0 : i32
        %dma_wait3A_186 = tpu.memref_slice %arg15[%dma_wait3A_184, %dma_wait3A_185] : memref<10240x16xf32, #tpu.memory_space<vmem_shared>> -> memref<10240x16xf32, #tpu.memory_space<vmem_shared>>
        tpu.wait_indirect_dma semaphore(%arg22 : memref<!tpu.dma_semaphore, #tpu.memory_space<semaphore_mem>>) src(%arg13 : memref<128x16xf32, #tpu.memory_space<vmem>>) dst(%dma_wait3A_186 : memref<10240x16xf32, #tpu.memory_space<vmem_shared>>)
      } else {
      }
      %scan3A_167 = arith.constant 0 : i32
      %scan3A_168 = arith.constant 0 : i32
      %scan3A_169 = arith.constant 32 : i32
      %scan3A_170 = arith.addi %scan3A_168, %scan3A_169 : i32
      %scan3A_171 = arith.constant 1 : i32
      %scan3A_172 = scf.for %scan3A_181 = %scan3A_168 to %scan3A_170 step %scan3A_171 iter_args(%scan3A_182 = %scan3A_167) -> (i32)  : i32 {
        %mul3A_183 = arith.constant 4 : i32
        %mul3A_184 = arith.muli %scan3A_181, %mul3A_183 : i32
        %add3A_185 = arith.constant 0 : i32
        %add3A_186 = arith.addi %mul3A_184, %add3A_185 : i32
        %get3A = arith.index_cast %add3A_186 : i32 to index
        %get3A_187 = arith.constant 0 : index
        %get3A_188 = tpu.vector_load %arg9[%get3A, %get3A_187] {strides = array<i32>} : memref<128x16xf32, #tpu.memory_space<vmem>>, vector<1x16xf32>,
        %get3A_189 = vector.shape_cast %get3A_188 : vector<1x16xf32> to vector<16xf32>
        %get3A_190 = arith.index_cast %add3A_186 : i32 to index
        %get3A_191 = arith.constant 0 : index
        %get3A_192 = tpu.vector_load %arg11[%get3A_190, %get3A_191] {strides = array<i32>} : memref<128x16xf32, #tpu.memory_space<vmem>>, vector<1x16xf32>,
        %get3A_193 = vector.shape_cast %get3A_192 : vector<1x16xf32> to vector<16xf32>
        %reshape3A = vector.shape_cast %broadcast_in_dim3A_20 : vector<16xi32> to vector<16x1xi32>
        %gather3A = vector.shape_cast %reshape3A : vector<16x1xi32> to vector<16xi32>
        %gather3A_194 = tpu.dynamic_gather %get3A_189[%gather3A] in [0] : vector<16xf32>, vector<16xi32> -> vector<16xf32>
        %reshape3A_195 = vector.shape_cast %broadcast_in_dim3A_22 : vector<16xi32> to vector<16x1xi32>
        %gather3A_196 = vector.shape_cast %reshape3A_195 : vector<16x1xi32> to vector<16xi32>
        %gather3A_197 = tpu.dynamic_gather %get3A_193[%gather3A_196] in [0] : vector<16xf32>, vector<16xi32> -> vector<16xf32>
        %add3A_198 = arith.addf %gather3A_194, %gather3A_197 : vector<16xf32>
        %ge3A = arith.constant 0.000000e+00 : f32
        %ge3A_199 = vector.broadcast %ge3A : f32 to vector<16xf32>
        %ge3A_200 = arith.cmpf oge, %add3A_198, %ge3A_199 : vector<16xf32>
        %mul3A_201 = arith.constant 2.000000e-01 : f32
        %mul3A_202 = vector.broadcast %mul3A_201 : f32 to vector<16xf32>
        %mul3A_203 = arith.mulf %mul3A_202, %add3A_198 : vector<16xf32>
        %select_n3A_204 = arith.select %ge3A_200, %add3A_198, %mul3A_203 : vector<16xi1>, vector<16xf32>
        %neg3A = arith.constant 0.000000e+00 : f32
        %neg3A_205 = vector.broadcast %neg3A : f32 to vector<16xf32>
        %neg3A_206 = arith.subf %neg3A_205, %select_n3A_204 : vector<16xf32>
        %exp3A = math.exp %neg3A_206 : vector<16xf32>
        %mul3A_207 = arith.mulf %get3A_193, %select_n3A : vector<16xf32>
        %add3A_208 = arith.addf %mul3A_207, %select_n3A_34 : vector<16xf32>
        %mul3A_209 = arith.mulf %exp3A, %add3A_208 : vector<16xf32>
        %swap3A = arith.index_cast %add3A_186 : i32 to index
        %swap3A_210 = arith.constant 0 : index
        %swap3A_211 = tpu.vector_load %arg13[%swap3A, %swap3A_210] {strides = array<i32>} : memref<128x16xf32, #tpu.memory_space<vmem>>, vector<1x16xf32>,
        %swap3A_212 = vector.shape_cast %swap3A_211 : vector<1x16xf32> to vector<16xf32>
        %swap3A_213 = vector.shape_cast %mul3A_209 : vector<16xf32> to vector<1x16xf32>
        tpu.vector_store %arg13[%swap3A, %swap3A_210], %swap3A_213 {strides = array<i32>} : memref<128x16xf32, #tpu.memory_space<vmem>>, vector<1x16xf32>,
        %mul3A_214 = arith.constant 4 : i32
        %mul3A_215 = arith.muli %scan3A_181, %mul3A_214 : i32
        %add3A_216 = arith.constant 1 : i32
        %add3A_217 = arith.addi %mul3A_215, %add3A_216 : i32
        %get3A_218 = arith.index_cast %add3A_217 : i32 to index
        %get3A_219 = arith.constant 0 : index
        %get3A_220 = tpu.vector_load %arg9[%get3A_218, %get3A_219] {strides = array<i32>} : memref<128x16xf32, #tpu.memory_space<vmem>>, vector<1x16xf32>,
        %get3A_221 = vector.shape_cast %get3A_220 : vector<1x16xf32> to vector<16xf32>
        %get3A_222 = arith.index_cast %add3A_217 : i32 to index
        %get3A_223 = arith.constant 0 : index
        %get3A_224 = tpu.vector_load %arg11[%get3A_222, %get3A_223] {strides = array<i32>} : memref<128x16xf32, #tpu.memory_space<vmem>>, vector<1x16xf32>,
        %get3A_225 = vector.shape_cast %get3A_224 : vector<1x16xf32> to vector<16xf32>
        %reshape3A_226 = vector.shape_cast %broadcast_in_dim3A_20 : vector<16xi32> to vector<16x1xi32>
        %gather3A_227 = vector.shape_cast %reshape3A_226 : vector<16x1xi32> to vector<16xi32>
        %gather3A_228 = tpu.dynamic_gather %get3A_221[%gather3A_227] in [0] : vector<16xf32>, vector<16xi32> -> vector<16xf32>
        %reshape3A_229 = vector.shape_cast %broadcast_in_dim3A_22 : vector<16xi32> to vector<16x1xi32>
        %gather3A_230 = vector.shape_cast %reshape3A_229 : vector<16x1xi32> to vector<16xi32>
        %gather3A_231 = tpu.dynamic_gather %get3A_225[%gather3A_230] in [0] : vector<16xf32>, vector<16xi32> -> vector<16xf32>
        %add3A_232 = arith.addf %gather3A_228, %gather3A_231 : vector<16xf32>
        %ge3A_233 = arith.constant 0.000000e+00 : f32
        %ge3A_234 = vector.broadcast %ge3A_233 : f32 to vector<16xf32>
        %ge3A_235 = arith.cmpf oge, %add3A_232, %ge3A_234 : vector<16xf32>
        %mul3A_236 = arith.constant 2.000000e-01 : f32
        %mul3A_237 = vector.broadcast %mul3A_236 : f32 to vector<16xf32>
        %mul3A_238 = arith.mulf %mul3A_237, %add3A_232 : vector<16xf32>
        %select_n3A_239 = arith.select %ge3A_235, %add3A_232, %mul3A_238 : vector<16xi1>, vector<16xf32>
        %neg3A_240 = arith.constant 0.000000e+00 : f32
        %neg3A_241 = vector.broadcast %neg3A_240 : f32 to vector<16xf32>
        %neg3A_242 = arith.subf %neg3A_241, %select_n3A_239 : vector<16xf32>
        %exp3A_243 = math.exp %neg3A_242 : vector<16xf32>
        %mul3A_244 = arith.mulf %get3A_225, %select_n3A : vector<16xf32>
        %add3A_245 = arith.addf %mul3A_244, %select_n3A_34 : vector<16xf32>
        %mul3A_246 = arith.mulf %exp3A_243, %add3A_245 : vector<16xf32>
        %swap3A_247 = arith.index_cast %add3A_217 : i32 to index
        %swap3A_248 = arith.constant 0 : index
        %swap3A_249 = tpu.vector_load %arg13[%swap3A_247, %swap3A_248] {strides = array<i32>} : memref<128x16xf32, #tpu.memory_space<vmem>>, vector<1x16xf32>,
        %swap3A_250 = vector.shape_cast %swap3A_249 : vector<1x16xf32> to vector<16xf32>
        %swap3A_251 = vector.shape_cast %mul3A_246 : vector<16xf32> to vector<1x16xf32>
        tpu.vector_store %arg13[%swap3A_247, %swap3A_248], %swap3A_251 {strides = array<i32>} : memref<128x16xf32, #tpu.memory_space<vmem>>, vector<1x16xf32>,
        %mul3A_252 = arith.constant 4 : i32
        %mul3A_253 = arith.muli %scan3A_181, %mul3A_252 : i32
        %add3A_254 = arith.constant 2 : i32
        %add3A_255 = arith.addi %mul3A_253, %add3A_254 : i32
        %get3A_256 = arith.index_cast %add3A_255 : i32 to index
        %get3A_257 = arith.constant 0 : index
        %get3A_258 = tpu.vector_load %arg9[%get3A_256, %get3A_257] {strides = array<i32>} : memref<128x16xf32, #tpu.memory_space<vmem>>, vector<1x16xf32>,
        %get3A_259 = vector.shape_cast %get3A_258 : vector<1x16xf32> to vector<16xf32>
        %get3A_260 = arith.index_cast %add3A_255 : i32 to index
        %get3A_261 = arith.constant 0 : index
        %get3A_262 = tpu.vector_load %arg11[%get3A_260, %get3A_261] {strides = array<i32>} : memref<128x16xf32, #tpu.memory_space<vmem>>, vector<1x16xf32>,
        %get3A_263 = vector.shape_cast %get3A_262 : vector<1x16xf32> to vector<16xf32>
        %reshape3A_264 = vector.shape_cast %broadcast_in_dim3A_20 : vector<16xi32> to vector<16x1xi32>
        %gather3A_265 = vector.shape_cast %reshape3A_264 : vector<16x1xi32> to vector<16xi32>
        %gather3A_266 = tpu.dynamic_gather %get3A_259[%gather3A_265] in [0] : vector<16xf32>, vector<16xi32> -> vector<16xf32>
        %reshape3A_267 = vector.shape_cast %broadcast_in_dim3A_22 : vector<16xi32> to vector<16x1xi32>
        %gather3A_268 = vector.shape_cast %reshape3A_267 : vector<16x1xi32> to vector<16xi32>
        %gather3A_269 = tpu.dynamic_gather %get3A_263[%gather3A_268] in [0] : vector<16xf32>, vector<16xi32> -> vector<16xf32>
        %add3A_270 = arith.addf %gather3A_266, %gather3A_269 : vector<16xf32>
        %ge3A_271 = arith.constant 0.000000e+00 : f32
        %ge3A_272 = vector.broadcast %ge3A_271 : f32 to vector<16xf32>
        %ge3A_273 = arith.cmpf oge, %add3A_270, %ge3A_272 : vector<16xf32>
        %mul3A_274 = arith.constant 2.000000e-01 : f32
        %mul3A_275 = vector.broadcast %mul3A_274 : f32 to vector<16xf32>
        %mul3A_276 = arith.mulf %mul3A_275, %add3A_270 : vector<16xf32>
        %select_n3A_277 = arith.select %ge3A_273, %add3A_270, %mul3A_276 : vector<16xi1>, vector<16xf32>
        %neg3A_278 = arith.constant 0.000000e+00 : f32
        %neg3A_279 = vector.broadcast %neg3A_278 : f32 to vector<16xf32>
        %neg3A_280 = arith.subf %neg3A_279, %select_n3A_277 : vector<16xf32>
        %exp3A_281 = math.exp %neg3A_280 : vector<16xf32>
        %mul3A_282 = arith.mulf %get3A_263, %select_n3A : vector<16xf32>
        %add3A_283 = arith.addf %mul3A_282, %select_n3A_34 : vector<16xf32>
        %mul3A_284 = arith.mulf %exp3A_281, %add3A_283 : vector<16xf32>
        %swap3A_285 = arith.index_cast %add3A_255 : i32 to index
        %swap3A_286 = arith.constant 0 : index
        %swap3A_287 = tpu.vector_load %arg13[%swap3A_285, %swap3A_286] {strides = array<i32>} : memref<128x16xf32, #tpu.memory_space<vmem>>, vector<1x16xf32>,
        %swap3A_288 = vector.shape_cast %swap3A_287 : vector<1x16xf32> to vector<16xf32>
        %swap3A_289 = vector.shape_cast %mul3A_284 : vector<16xf32> to vector<1x16xf32>
        tpu.vector_store %arg13[%swap3A_285, %swap3A_286], %swap3A_289 {strides = array<i32>} : memref<128x16xf32, #tpu.memory_space<vmem>>, vector<1x16xf32>,
        %mul3A_290 = arith.constant 4 : i32
        %mul3A_291 = arith.muli %scan3A_181, %mul3A_290 : i32
        %add3A_292 = arith.constant 3 : i32
        %add3A_293 = arith.addi %mul3A_291, %add3A_292 : i32
        %get3A_294 = arith.index_cast %add3A_293 : i32 to index
        %get3A_295 = arith.constant 0 : index
        %get3A_296 = tpu.vector_load %arg9[%get3A_294, %get3A_295] {strides = array<i32>} : memref<128x16xf32, #tpu.memory_space<vmem>>, vector<1x16xf32>,
        %get3A_297 = vector.shape_cast %get3A_296 : vector<1x16xf32> to vector<16xf32>
        %get3A_298 = arith.index_cast %add3A_293 : i32 to index
        %get3A_299 = arith.constant 0 : index
        %get3A_300 = tpu.vector_load %arg11[%get3A_298, %get3A_299] {strides = array<i32>} : memref<128x16xf32, #tpu.memory_space<vmem>>, vector<1x16xf32>,
        %get3A_301 = vector.shape_cast %get3A_300 : vector<1x16xf32> to vector<16xf32>
        %reshape3A_302 = vector.shape_cast %broadcast_in_dim3A_20 : vector<16xi32> to vector<16x1xi32>
        %gather3A_303 = vector.shape_cast %reshape3A_302 : vector<16x1xi32> to vector<16xi32>
        %gather3A_304 = tpu.dynamic_gather %get3A_297[%gather3A_303] in [0] : vector<16xf32>, vector<16xi32> -> vector<16xf32>
        %reshape3A_305 = vector.shape_cast %broadcast_in_dim3A_22 : vector<16xi32> to vector<16x1xi32>
        %gather3A_306 = vector.shape_cast %reshape3A_305 : vector<16x1xi32> to vector<16xi32>
        %gather3A_307 = tpu.dynamic_gather %get3A_301[%gather3A_306] in [0] : vector<16xf32>, vector<16xi32> -> vector<16xf32>
        %add3A_308 = arith.addf %gather3A_304, %gather3A_307 : vector<16xf32>
        %ge3A_309 = arith.constant 0.000000e+00 : f32
        %ge3A_310 = vector.broadcast %ge3A_309 : f32 to vector<16xf32>
        %ge3A_311 = arith.cmpf oge, %add3A_308, %ge3A_310 : vector<16xf32>
        %mul3A_312 = arith.constant 2.000000e-01 : f32
        %mul3A_313 = vector.broadcast %mul3A_312 : f32 to vector<16xf32>
        %mul3A_314 = arith.mulf %mul3A_313, %add3A_308 : vector<16xf32>
        %select_n3A_315 = arith.select %ge3A_311, %add3A_308, %mul3A_314 : vector<16xi1>, vector<16xf32>
        %neg3A_316 = arith.constant 0.000000e+00 : f32
        %neg3A_317 = vector.broadcast %neg3A_316 : f32 to vector<16xf32>
        %neg3A_318 = arith.subf %neg3A_317, %select_n3A_315 : vector<16xf32>
        %exp3A_319 = math.exp %neg3A_318 : vector<16xf32>
        %mul3A_320 = arith.mulf %get3A_301, %select_n3A : vector<16xf32>
        %add3A_321 = arith.addf %mul3A_320, %select_n3A_34 : vector<16xf32>
        %mul3A_322 = arith.mulf %exp3A_319, %add3A_321 : vector<16xf32>
        %swap3A_323 = arith.index_cast %add3A_293 : i32 to index
        %swap3A_324 = arith.constant 0 : index
        %swap3A_325 = tpu.vector_load %arg13[%swap3A_323, %swap3A_324] {strides = array<i32>} : memref<128x16xf32, #tpu.memory_space<vmem>>, vector<1x16xf32>,
        %swap3A_326 = vector.shape_cast %swap3A_325 : vector<1x16xf32> to vector<16xf32>
        %swap3A_327 = vector.shape_cast %mul3A_322 : vector<16xf32> to vector<1x16xf32>
        tpu.vector_store %arg13[%swap3A_323, %swap3A_324], %swap3A_327 {strides = array<i32>} : memref<128x16xf32, #tpu.memory_space<vmem>>, vector<1x16xf32>,
        %scan3A_328 = arith.constant 0 : i32
        scf.yield %scan3A_328 : i32
      }
      %scan3A_173 = arith.constant 32 : i32
      %dma_start3A_174 = arith.constant 0 : i32
      %dma_start3A_175 = tpu.memref_slice %arg6[%add3A_95, %dma_start3A_174] : memref<42x128xi32, #tpu.memory_space<vmem>> -> memref<1x128xi32, #tpu.memory_space<vmem>>
      %dma_start3A_176 = tpu.memref_squeeze %dma_start3A_175 : memref<1x128xi32, #tpu.memory_space<vmem>> -> memref<128xi32, #tpu.memory_space<vmem>>
      %dma_start3A_177 = arith.constant 0 : i32
      %dma_start3A_178 = arith.constant 0 : i32
      %dma_start3A_179 = tpu.memref_slice %arg15[%dma_start3A_177, %dma_start3A_178] : memref<10240x16xf32, #tpu.memory_space<vmem_shared>> -> memref<10240x16xf32, #tpu.memory_space<vmem_shared>>
      tpu.enqueue_indirect_dma source(%arg13 : memref<128x16xf32, #tpu.memory_space<vmem>>) target(%dma_start3A_179 : memref<10240x16xf32, #tpu.memory_space<vmem_shared>>) offsets(%dma_start3A_176 : memref<128xi32, #tpu.memory_space<vmem>>) semaphore(%arg22 : memref<!tpu.dma_semaphore, #tpu.memory_space<semaphore_mem>>) {add = true}
      %scan3A_180 = arith.constant 0 : i32
      scf.yield %scan3A_180 : i32
    }
    %scan3A_54 = arith.constant 21 : i32
    %dma_wait3A = arith.constant 41 : i32
    %dma_wait3A_55 = arith.constant 0 : i32
    %dma_wait3A_56 = tpu.memref_slice %arg6[%dma_wait3A, %dma_wait3A_55] : memref<42x128xi32, #tpu.memory_space<vmem>> -> memref<1x128xi32, #tpu.memory_space<vmem>>
    %dma_wait3A_57 = tpu.memref_squeeze %dma_wait3A_56 : memref<1x128xi32, #tpu.memory_space<vmem>> -> memref<128xi32, #tpu.memory_space<vmem>>
    %dma_wait3A_58 = arith.constant 0 : i32
    %dma_wait3A_59 = arith.constant 0 : i32
    %dma_wait3A_60 = tpu.memref_slice %arg16[%dma_wait3A_58, %dma_wait3A_59] : memref<10240x16xf32, #tpu.memory_space<vmem_shared>> -> memref<10240x16xf32, #tpu.memory_space<vmem_shared>>
    tpu.wait_indirect_dma semaphore(%arg17 : memref<!tpu.dma_semaphore, #tpu.memory_space<semaphore_mem>>) src(%dma_wait3A_60 : memref<10240x16xf32, #tpu.memory_space<vmem_shared>>) dst(%arg8 : memref<128x16xf32, #tpu.memory_space<vmem>>)
    %dma_wait3A_61 = arith.constant 41 : i32
    %dma_wait3A_62 = arith.constant 0 : i32
    %dma_wait3A_63 = tpu.memref_slice %arg7[%dma_wait3A_61, %dma_wait3A_62] : memref<42x128xi32, #tpu.memory_space<vmem>> -> memref<1x128xi32, #tpu.memory_space<vmem>>
    %dma_wait3A_64 = tpu.memref_squeeze %dma_wait3A_63 : memref<1x128xi32, #tpu.memory_space<vmem>> -> memref<128xi32, #tpu.memory_space<vmem>>
    %dma_wait3A_65 = arith.constant 0 : i32
    %dma_wait3A_66 = arith.constant 0 : i32
    %dma_wait3A_67 = tpu.memref_slice %arg16[%dma_wait3A_65, %dma_wait3A_66] : memref<10240x16xf32, #tpu.memory_space<vmem_shared>> -> memref<10240x16xf32, #tpu.memory_space<vmem_shared>>
    tpu.wait_indirect_dma semaphore(%arg19 : memref<!tpu.dma_semaphore, #tpu.memory_space<semaphore_mem>>) src(%dma_wait3A_67 : memref<10240x16xf32, #tpu.memory_space<vmem_shared>>) dst(%arg10 : memref<128x16xf32, #tpu.memory_space<vmem>>)
    %dma_wait3A_68 = arith.constant 0 : i32
    %dma_wait3A_69 = arith.constant 0 : i32
    %dma_wait3A_70 = tpu.memref_slice %arg6[%dma_wait3A_68, %dma_wait3A_69] : memref<42x128xi32, #tpu.memory_space<vmem>> -> memref<1x128xi32, #tpu.memory_space<vmem>>
    %dma_wait3A_71 = tpu.memref_squeeze %dma_wait3A_70 : memref<1x128xi32, #tpu.memory_space<vmem>> -> memref<128xi32, #tpu.memory_space<vmem>>
    %dma_wait3A_72 = arith.constant 0 : i32
    %dma_wait3A_73 = arith.constant 0 : i32
    %dma_wait3A_74 = tpu.memref_slice %arg15[%dma_wait3A_72, %dma_wait3A_73] : memref<10240x16xf32, #tpu.memory_space<vmem_shared>> -> memref<10240x16xf32, #tpu.memory_space<vmem_shared>>
    tpu.wait_indirect_dma semaphore(%arg21 : memref<!tpu.dma_semaphore, #tpu.memory_space<semaphore_mem>>) src(%arg12 : memref<128x16xf32, #tpu.memory_space<vmem>>) dst(%dma_wait3A_74 : memref<10240x16xf32, #tpu.memory_space<vmem_shared>>)
    %dma_wait3A_75 = arith.constant 0 : i32
    %dma_wait3A_76 = arith.constant 0 : i32
    %dma_wait3A_77 = tpu.memref_slice %arg6[%dma_wait3A_75, %dma_wait3A_76] : memref<42x128xi32, #tpu.memory_space<vmem>> -> memref<1x128xi32, #tpu.memory_space<vmem>>
    %dma_wait3A_78 = tpu.memref_squeeze %dma_wait3A_77 : memref<1x128xi32, #tpu.memory_space<vmem>> -> memref<128xi32, #tpu.memory_space<vmem>>
    %dma_wait3A_79 = arith.constant 0 : i32
    %dma_wait3A_80 = arith.constant 0 : i32
    %dma_wait3A_81 = tpu.memref_slice %arg15[%dma_wait3A_79, %dma_wait3A_80] : memref<10240x16xf32, #tpu.memory_space<vmem_shared>> -> memref<10240x16xf32, #tpu.memory_space<vmem_shared>>
    tpu.wait_indirect_dma semaphore(%arg22 : memref<!tpu.dma_semaphore, #tpu.memory_space<semaphore_mem>>) src(%arg13 : memref<128x16xf32, #tpu.memory_space<vmem>>) dst(%dma_wait3A_81 : memref<10240x16xf32, #tpu.memory_space<vmem_shared>>)
    %barrier3A_82 = arith.constant 0 : index
    tpu.barrier barrier_id(%barrier3A_82)
    %scan3A_83 = arith.constant 0 : i32
    %scan3A_84 = arith.constant 0 : i32
    %scan3A_85 = arith.constant 10 : i32
    %scan3A_86 = arith.addi %scan3A_84, %scan3A_85 : i32
    %scan3A_87 = arith.constant 1 : i32
    %scan3A_88 = scf.for %scan3A_90 = %scan3A_84 to %scan3A_86 step %scan3A_87 iter_args(%scan3A_91 = %scan3A_83) -> (i32)  : i32 {
      %mul3A_92 = arith.constant 640 : i32
      %mul3A_93 = arith.muli %arg1, %mul3A_92 : i32
      %mul3A_94 = arith.constant 64 : i32
      %mul3A_95 = arith.muli %scan3A_90, %mul3A_94 : i32
      %add3A_96 = arith.addi %mul3A_93, %mul3A_95 : i32
      "tpu.region"() ({
        %run_scoped3A = tpu.sem_alloc : memref<!tpu.dma_semaphore, #tpu.memory_space<semaphore_mem>>
        %dma_start3A_98 = arith.constant 0 : i32
        %dma_start3A_99 = tpu.memref_slice %arg5[%arg0, %add3A_96, %dma_start3A_98] : memref<2x10240x16xf32, #tpu.memory_space<hbm>> -> memref<1x64x16xf32, #tpu.memory_space<hbm>>
        %dma_start3A_100 = tpu.memref_squeeze %dma_start3A_99 : memref<1x64x16xf32, #tpu.memory_space<hbm>> -> memref<64x16xf32, #tpu.memory_space<hbm>>
        %dma_start3A_101 = arith.constant 0 : i32
        %dma_start3A_102 = tpu.memref_slice %arg15[%add3A_96, %dma_start3A_101] : memref<10240x16xf32, #tpu.memory_space<vmem_shared>> -> memref<64x16xf32, #tpu.memory_space<vmem_shared>>
        tpu.enqueue_dma source(%dma_start3A_102 : memref<64x16xf32, #tpu.memory_space<vmem_shared>>) target(%dma_start3A_100 : memref<64x16xf32, #tpu.memory_space<hbm>>) target_semaphore(%run_scoped3A : memref<!tpu.dma_semaphore, #tpu.memory_space<semaphore_mem>>)
        %dma_wait3A_103 = arith.constant 0 : i32
        %dma_wait3A_104 = tpu.memref_slice %arg5[%arg0, %add3A_96, %dma_wait3A_103] : memref<2x10240x16xf32, #tpu.memory_space<hbm>> -> memref<1x64x16xf32, #tpu.memory_space<hbm>>
        %dma_wait3A_105 = tpu.memref_squeeze %dma_wait3A_104 : memref<1x64x16xf32, #tpu.memory_space<hbm>> -> memref<64x16xf32, #tpu.memory_space<hbm>>
        %dma_wait3A_106 = arith.constant 0 : i32
        %dma_wait3A_107 = tpu.memref_slice %arg15[%add3A_96, %dma_wait3A_106] : memref<10240x16xf32, #tpu.memory_space<vmem_shared>> -> memref<64x16xf32, #tpu.memory_space<vmem_shared>>
        tpu.wait_dma2 semaphore(%run_scoped3A : memref<!tpu.dma_semaphore, #tpu.memory_space<semaphore_mem>>) src(%dma_wait3A_107 : memref<64x16xf32, #tpu.memory_space<vmem_shared>>) dst(%dma_wait3A_105 : memref<64x16xf32, #tpu.memory_space<hbm>>)
        tpu.yield
      }) : () -> ()
      %scan3A_97 = arith.constant 0 : i32
      scf.yield %scan3A_97 : i32
    }
    %scan3A_89 = arith.constant 10 : i32
    return
  }
}

#map = affine_map<(d0, d1) -> (0, 0, 0)>
#map1 = affine_map<(d0, d1) -> (0, 0)>
module attributes {stable_mosaic.version = 14 : i64} {
  func.func @_edges1_body(%arg0: i32, %arg1: i32, %arg2: memref<32x42x128xi32, #tpu.memory_space<hbm>>, %arg3: memref<32x42x128xi32, #tpu.memory_space<hbm>>, %arg4: memref<10240x16xf32, #tpu.memory_space<hbm>>, %arg5: memref<10240x80xf32, #tpu.memory_space<hbm>>, %arg6: memref<2x10240x80xf32, #tpu.memory_space<hbm>>, %arg7: memref<42x128xi32, #tpu.memory_space<vmem>>, %arg8: memref<42x128xi32, #tpu.memory_space<vmem>>, %arg9: memref<128x16xf32, #tpu.memory_space<vmem>>, %arg10: memref<128x16xf32, #tpu.memory_space<vmem>>, %arg11: memref<128x80xf32, #tpu.memory_space<vmem>>, %arg12: memref<128x80xf32, #tpu.memory_space<vmem>>, %arg13: memref<128x80xf32, #tpu.memory_space<vmem>>, %arg14: memref<128x80xf32, #tpu.memory_space<vmem>>, %arg15: memref<64x80xf32, #tpu.memory_space<vmem>>, %arg16: memref<1040xf32, #tpu.memory_space<vmem>>, %arg17: memref<10240x80xf32, #tpu.memory_space<vmem_shared>>, %arg18: memref<10240x16xf32, #tpu.memory_space<vmem_shared>>, %arg19: memref<!tpu.dma_semaphore, #tpu.memory_space<semaphore_mem>>, %arg20: memref<!tpu.dma_semaphore, #tpu.memory_space<semaphore_mem>>, %arg21: memref<!tpu.dma_semaphore, #tpu.memory_space<semaphore_mem>>, %arg22: memref<!tpu.dma_semaphore, #tpu.memory_space<semaphore_mem>>, %arg23: memref<!tpu.dma_semaphore, #tpu.memory_space<semaphore_mem>>, %arg24: memref<!tpu.dma_semaphore, #tpu.memory_space<semaphore_mem>>) attributes {dimension_semantics = [#tpu.dimension_semantics<core_parallel>, #tpu.dimension_semantics<subcore_parallel>], iteration_bounds = array<i64: 2, 16>, scalar_prefetch = 0 : i64, scratch_operands = 18 : i64, tpu.core_type = #tpu.core_type<sc_vector_subcore>, window_params = [{transform_indices = #map}, {transform_indices = #map}, {transform_indices = #map1}, {transform_indices = #map1}, {transform_indices = #map}]} {
    %mul3A = arith.constant 16 : i32
    %mul3A_0 = arith.muli %arg0, %mul3A : i32
    %add3A = arith.addi %mul3A_0, %arg1 : i32
    "tpu.region"() ({
      %run_scoped3A = tpu.sem_alloc : memref<!tpu.dma_semaphore, #tpu.memory_space<semaphore_mem>>
      %dma_start3A_92 = arith.constant 0 : i32
      %dma_start3A_93 = arith.constant 0 : i32
      %dma_start3A_94 = tpu.memref_slice %arg2[%add3A, %dma_start3A_92, %dma_start3A_93] : memref<32x42x128xi32, #tpu.memory_space<hbm>> -> memref<1x42x128xi32, #tpu.memory_space<hbm>>
      %dma_start3A_95 = tpu.memref_squeeze %dma_start3A_94 : memref<1x42x128xi32, #tpu.memory_space<hbm>> -> memref<42x128xi32, #tpu.memory_space<hbm>>
      %dma_start3A_96 = arith.constant 0 : i32
      %dma_start3A_97 = arith.constant 0 : i32
      %dma_start3A_98 = tpu.memref_slice %arg2[%add3A, %dma_start3A_96, %dma_start3A_97] : memref<32x42x128xi32, #tpu.memory_space<hbm>> -> memref<1x42x128xi32, #tpu.memory_space<hbm>>
      %dma_start3A_99 = tpu.memref_squeeze %dma_start3A_98 : memref<1x42x128xi32, #tpu.memory_space<hbm>> -> memref<42x128xi32, #tpu.memory_space<hbm>>
      tpu.enqueue_dma source(%dma_start3A_99 : memref<42x128xi32, #tpu.memory_space<hbm>>) target(%arg7 : memref<42x128xi32, #tpu.memory_space<vmem>>) target_semaphore(%run_scoped3A : memref<!tpu.dma_semaphore, #tpu.memory_space<semaphore_mem>>)
      %dma_wait3A_100 = arith.constant 0 : i32
      %dma_wait3A_101 = arith.constant 0 : i32
      %dma_wait3A_102 = tpu.memref_slice %arg2[%add3A, %dma_wait3A_100, %dma_wait3A_101] : memref<32x42x128xi32, #tpu.memory_space<hbm>> -> memref<1x42x128xi32, #tpu.memory_space<hbm>>
      %dma_wait3A_103 = tpu.memref_squeeze %dma_wait3A_102 : memref<1x42x128xi32, #tpu.memory_space<hbm>> -> memref<42x128xi32, #tpu.memory_space<hbm>>
      %dma_wait3A_104 = arith.constant 0 : i32
      %dma_wait3A_105 = arith.constant 0 : i32
      %dma_wait3A_106 = tpu.memref_slice %arg2[%add3A, %dma_wait3A_104, %dma_wait3A_105] : memref<32x42x128xi32, #tpu.memory_space<hbm>> -> memref<1x42x128xi32, #tpu.memory_space<hbm>>
      %dma_wait3A_107 = tpu.memref_squeeze %dma_wait3A_106 : memref<1x42x128xi32, #tpu.memory_space<hbm>> -> memref<42x128xi32, #tpu.memory_space<hbm>>
      tpu.wait_dma2 semaphore(%run_scoped3A : memref<!tpu.dma_semaphore, #tpu.memory_space<semaphore_mem>>) src(%dma_wait3A_107 : memref<42x128xi32, #tpu.memory_space<hbm>>) dst(%arg7 : memref<42x128xi32, #tpu.memory_space<vmem>>)
      tpu.yield
    }) : () -> ()
    "tpu.region"() ({
      %run_scoped3A = tpu.sem_alloc : memref<!tpu.dma_semaphore, #tpu.memory_space<semaphore_mem>>
      %dma_start3A_92 = arith.constant 0 : i32
      %dma_start3A_93 = arith.constant 0 : i32
      %dma_start3A_94 = tpu.memref_slice %arg3[%add3A, %dma_start3A_92, %dma_start3A_93] : memref<32x42x128xi32, #tpu.memory_space<hbm>> -> memref<1x42x128xi32, #tpu.memory_space<hbm>>
      %dma_start3A_95 = tpu.memref_squeeze %dma_start3A_94 : memref<1x42x128xi32, #tpu.memory_space<hbm>> -> memref<42x128xi32, #tpu.memory_space<hbm>>
      %dma_start3A_96 = arith.constant 0 : i32
      %dma_start3A_97 = arith.constant 0 : i32
      %dma_start3A_98 = tpu.memref_slice %arg3[%add3A, %dma_start3A_96, %dma_start3A_97] : memref<32x42x128xi32, #tpu.memory_space<hbm>> -> memref<1x42x128xi32, #tpu.memory_space<hbm>>
      %dma_start3A_99 = tpu.memref_squeeze %dma_start3A_98 : memref<1x42x128xi32, #tpu.memory_space<hbm>> -> memref<42x128xi32, #tpu.memory_space<hbm>>
      tpu.enqueue_dma source(%dma_start3A_99 : memref<42x128xi32, #tpu.memory_space<hbm>>) target(%arg8 : memref<42x128xi32, #tpu.memory_space<vmem>>) target_semaphore(%run_scoped3A : memref<!tpu.dma_semaphore, #tpu.memory_space<semaphore_mem>>)
      %dma_wait3A_100 = arith.constant 0 : i32
      %dma_wait3A_101 = arith.constant 0 : i32
      %dma_wait3A_102 = tpu.memref_slice %arg3[%add3A, %dma_wait3A_100, %dma_wait3A_101] : memref<32x42x128xi32, #tpu.memory_space<hbm>> -> memref<1x42x128xi32, #tpu.memory_space<hbm>>
      %dma_wait3A_103 = tpu.memref_squeeze %dma_wait3A_102 : memref<1x42x128xi32, #tpu.memory_space<hbm>> -> memref<42x128xi32, #tpu.memory_space<hbm>>
      %dma_wait3A_104 = arith.constant 0 : i32
      %dma_wait3A_105 = arith.constant 0 : i32
      %dma_wait3A_106 = tpu.memref_slice %arg3[%add3A, %dma_wait3A_104, %dma_wait3A_105] : memref<32x42x128xi32, #tpu.memory_space<hbm>> -> memref<1x42x128xi32, #tpu.memory_space<hbm>>
      %dma_wait3A_107 = tpu.memref_squeeze %dma_wait3A_106 : memref<1x42x128xi32, #tpu.memory_space<hbm>> -> memref<42x128xi32, #tpu.memory_space<hbm>>
      tpu.wait_dma2 semaphore(%run_scoped3A : memref<!tpu.dma_semaphore, #tpu.memory_space<semaphore_mem>>) src(%dma_wait3A_107 : memref<42x128xi32, #tpu.memory_space<hbm>>) dst(%arg8 : memref<42x128xi32, #tpu.memory_space<vmem>>)
      tpu.yield
    }) : () -> ()
    %broadcast_in_dim3A = arith.constant 0.000000e+00 : f32
    %broadcast_in_dim3A_1 = vector.broadcast %broadcast_in_dim3A : f32 to vector<16xf32>
    %scan3A = arith.constant 0 : i32
    %scan3A_2 = arith.constant 0 : i32
    %scan3A_3 = arith.constant 320 : i32
    %scan3A_4 = arith.addi %scan3A_2, %scan3A_3 : i32
    %scan3A_5 = arith.constant 1 : i32
    %scan3A_6 = scf.for %scan3A_92 = %scan3A_2 to %scan3A_4 step %scan3A_5 iter_args(%scan3A_93 = %scan3A) -> (i32)  : i32 {
      %jit3A = arith.constant 5 : i32
      %div3A = arith.divsi %scan3A_92, %jit3A : i32
      %sign3A = arith.constant 0 : i32
      %sign3A_94 = arith.cmpi sgt, %scan3A_92, %sign3A : i32
      %sign3A_95 = arith.extui %sign3A_94 : i1 to i32
      %sign3A_96 = arith.constant 0 : i32
      %sign3A_97 = arith.cmpi slt, %scan3A_92, %sign3A_96 : i32
      %sign3A_98 = arith.extui %sign3A_97 : i1 to i32
      %sign3A_99 = arith.subi %sign3A_95, %sign3A_98 : i32
      %sign3A_100 = arith.constant 0 : i32
      %sign3A_101 = arith.cmpi sgt, %jit3A, %sign3A_100 : i32
      %sign3A_102 = arith.extui %sign3A_101 : i1 to i32
      %sign3A_103 = arith.constant 0 : i32
      %sign3A_104 = arith.cmpi slt, %jit3A, %sign3A_103 : i32
      %sign3A_105 = arith.extui %sign3A_104 : i1 to i32
      %sign3A_106 = arith.subi %sign3A_102, %sign3A_105 : i32
      %ne3A = arith.cmpi ne, %sign3A_99, %sign3A_106 : i32
      %rem3A = arith.remsi %scan3A_92, %jit3A : i32
      %ne3A_107 = arith.constant 0 : i32
      %ne3A_108 = arith.cmpi ne, %rem3A, %ne3A_107 : i32
      %and3A_109 = arith.andi %ne3A, %ne3A_108 : i1
      %sub3A = arith.constant 1 : i32
      %sub3A_110 = arith.subi %div3A, %sub3A : i32
      %select_n3A = arith.select %and3A_109, %sub3A_110, %div3A : i32
      %jit3A_111 = arith.constant 5 : i32
      %eq3A = arith.constant 0 : i32
      %eq3A_112 = arith.cmpi eq, %jit3A_111, %eq3A : i32
      %jit3A_113 = arith.constant 1 : i32
      %select_n3A_114 = arith.select %eq3A_112, %jit3A_113, %jit3A_111 : i32
      %rem3A_115 = arith.remsi %scan3A_92, %select_n3A_114 : i32
      %ne3A_116 = arith.constant 0 : i32
      %ne3A_117 = arith.cmpi ne, %rem3A_115, %ne3A_116 : i32
      %lt3A_118 = arith.constant 0 : i32
      %lt3A_119 = arith.cmpi slt, %rem3A_115, %lt3A_118 : i32
      %lt3A_120 = arith.constant 0 : i32
      %lt3A_121 = arith.cmpi slt, %select_n3A_114, %lt3A_120 : i32
      %ne3A_122 = arith.xori %lt3A_119, %lt3A_121 : i1
      %and3A_123 = arith.andi %ne3A_122, %ne3A_117 : i1
      %add3A_124 = arith.addi %rem3A_115, %select_n3A_114 : i32
      %select_n3A_125 = arith.select %and3A_123, %add3A_124, %rem3A_115 : i32
      %mul3A_126 = arith.constant 16 : i32
      %mul3A_127 = arith.muli %select_n3A_125, %mul3A_126 : i32
      %swap3A = arith.index_cast %select_n3A : i32 to index
      %swap3A_128 = arith.index_cast %mul3A_127 : i32 to index
      %swap3A_129 = tpu.vector_load %arg15[%swap3A, %swap3A_128] {strides = array<i32>} : memref<64x80xf32, #tpu.memory_space<vmem>>, vector<1x16xf32>,
      %swap3A_130 = vector.shape_cast %swap3A_129 : vector<1x16xf32> to vector<16xf32>
      %swap3A_131 = vector.shape_cast %broadcast_in_dim3A_1 : vector<16xf32> to vector<1x16xf32>
      tpu.vector_store %arg15[%swap3A, %swap3A_128], %swap3A_131 {strides = array<i32>} : memref<64x80xf32, #tpu.memory_space<vmem>>, vector<1x16xf32>,
      %scan3A_132 = arith.constant 0 : i32
      scf.yield %scan3A_132 : i32
    }
    %scan3A_7 = arith.constant 320 : i32
    %scan3A_8 = arith.constant 0 : i32
    %scan3A_9 = arith.constant 0 : i32
    %scan3A_10 = arith.constant 10 : i32
    %scan3A_11 = arith.addi %scan3A_9, %scan3A_10 : i32
    %scan3A_12 = arith.constant 1 : i32
    %scan3A_13 = scf.for %scan3A_92 = %scan3A_9 to %scan3A_11 step %scan3A_12 iter_args(%scan3A_93 = %scan3A_8) -> (i32)  : i32 {
      %mul3A_94 = arith.constant 640 : i32
      %mul3A_95 = arith.muli %arg1, %mul3A_94 : i32
      %mul3A_96 = arith.constant 64 : i32
      %mul3A_97 = arith.muli %scan3A_92, %mul3A_96 : i32
      %add3A_98 = arith.addi %mul3A_95, %mul3A_97 : i32
      "tpu.region"() ({
        %run_scoped3A = tpu.sem_alloc : memref<!tpu.dma_semaphore, #tpu.memory_space<semaphore_mem>>
        %dma_start3A_100 = arith.constant 0 : i32
        %dma_start3A_101 = tpu.memref_slice %arg17[%add3A_98, %dma_start3A_100] : memref<10240x80xf32, #tpu.memory_space<vmem_shared>> -> memref<64x80xf32, #tpu.memory_space<vmem_shared>>
        %dma_start3A_102 = arith.constant 0 : i32
        %dma_start3A_103 = tpu.memref_slice %arg17[%add3A_98, %dma_start3A_102] : memref<10240x80xf32, #tpu.memory_space<vmem_shared>> -> memref<64x80xf32, #tpu.memory_space<vmem_shared>>
        tpu.enqueue_dma source(%arg15 : memref<64x80xf32, #tpu.memory_space<vmem>>) target(%dma_start3A_103 : memref<64x80xf32, #tpu.memory_space<vmem_shared>>) target_semaphore(%run_scoped3A : memref<!tpu.dma_semaphore, #tpu.memory_space<semaphore_mem>>)
        %dma_wait3A_104 = arith.constant 0 : i32
        %dma_wait3A_105 = tpu.memref_slice %arg17[%add3A_98, %dma_wait3A_104] : memref<10240x80xf32, #tpu.memory_space<vmem_shared>> -> memref<64x80xf32, #tpu.memory_space<vmem_shared>>
        %dma_wait3A_106 = arith.constant 0 : i32
        %dma_wait3A_107 = tpu.memref_slice %arg17[%add3A_98, %dma_wait3A_106] : memref<10240x80xf32, #tpu.memory_space<vmem_shared>> -> memref<64x80xf32, #tpu.memory_space<vmem_shared>>
        tpu.wait_dma2 semaphore(%run_scoped3A : memref<!tpu.dma_semaphore, #tpu.memory_space<semaphore_mem>>) src(%arg15 : memref<64x80xf32, #tpu.memory_space<vmem>>) dst(%dma_wait3A_107 : memref<64x80xf32, #tpu.memory_space<vmem_shared>>)
        tpu.yield
      }) : () -> ()
      %scan3A_99 = arith.constant 0 : i32
      scf.yield %scan3A_99 : i32
    }
    %scan3A_14 = arith.constant 10 : i32
    %mul3A_15 = arith.constant 640 : i32
    %mul3A_16 = arith.muli %arg1, %mul3A_15 : i32
    %mul3A_17 = arith.constant 640 : i32
    %mul3A_18 = arith.muli %arg1, %mul3A_17 : i32
    "tpu.region"() ({
      %run_scoped3A = tpu.sem_alloc : memref<!tpu.dma_semaphore, #tpu.memory_space<semaphore_mem>>
      %dma_start3A_92 = arith.constant 0 : i32
      %dma_start3A_93 = tpu.memref_slice %arg18[%mul3A_18, %dma_start3A_92] : memref<10240x16xf32, #tpu.memory_space<vmem_shared>> -> memref<640x16xf32, #tpu.memory_space<vmem_shared>>
      %dma_start3A_94 = arith.constant 0 : i32
      %dma_start3A_95 = tpu.memref_slice %arg4[%mul3A_16, %dma_start3A_94] : memref<10240x16xf32, #tpu.memory_space<hbm>> -> memref<640x16xf32, #tpu.memory_space<hbm>>
      tpu.enqueue_dma source(%dma_start3A_95 : memref<640x16xf32, #tpu.memory_space<hbm>>) target(%dma_start3A_93 : memref<640x16xf32, #tpu.memory_space<vmem_shared>>) target_semaphore(%run_scoped3A : memref<!tpu.dma_semaphore, #tpu.memory_space<semaphore_mem>>)
      %dma_wait3A_96 = arith.constant 0 : i32
      %dma_wait3A_97 = tpu.memref_slice %arg18[%mul3A_18, %dma_wait3A_96] : memref<10240x16xf32, #tpu.memory_space<vmem_shared>> -> memref<640x16xf32, #tpu.memory_space<vmem_shared>>
      %dma_wait3A_98 = arith.constant 0 : i32
      %dma_wait3A_99 = tpu.memref_slice %arg4[%mul3A_16, %dma_wait3A_98] : memref<10240x16xf32, #tpu.memory_space<hbm>> -> memref<640x16xf32, #tpu.memory_space<hbm>>
      tpu.wait_dma2 semaphore(%run_scoped3A : memref<!tpu.dma_semaphore, #tpu.memory_space<semaphore_mem>>) src(%dma_wait3A_99 : memref<640x16xf32, #tpu.memory_space<hbm>>) dst(%dma_wait3A_97 : memref<640x16xf32, #tpu.memory_space<vmem_shared>>)
      tpu.yield
    }) : () -> ()
    %barrier3A = arith.constant 0 : index
    tpu.barrier barrier_id(%barrier3A)
    %iota3A = tpu.iota {dimensions = array<i32: 0>} : vector<16xi32>
    %shift_right_arithmetic3A = arith.constant 3 : i32
    %shift_right_arithmetic3A_19 = vector.broadcast %shift_right_arithmetic3A : i32 to vector<16xi32>
    %shift_right_arithmetic3A_20 = arith.shrsi %iota3A, %shift_right_arithmetic3A_19 : vector<16xi32>
    %add3A_21 = arith.constant 2 : i32
    %add3A_22 = vector.broadcast %add3A_21 : i32 to vector<16xi32>
    %add3A_23 = arith.addi %shift_right_arithmetic3A_20, %add3A_22 : vector<16xi32>
    %add3A_24 = arith.constant 4 : i32
    %add3A_25 = vector.broadcast %add3A_24 : i32 to vector<16xi32>
    %add3A_26 = arith.addi %shift_right_arithmetic3A_20, %add3A_25 : vector<16xi32>
    %add3A_27 = arith.constant 6 : i32
    %add3A_28 = vector.broadcast %add3A_27 : i32 to vector<16xi32>
    %add3A_29 = arith.addi %shift_right_arithmetic3A_20, %add3A_28 : vector<16xi32>
    %lt3A = arith.constant 8 : i32
    %lt3A_30 = vector.broadcast %lt3A : i32 to vector<16xi32>
    %lt3A_31 = arith.cmpi slt, %iota3A, %lt3A_30 : vector<16xi32>
    %add3A_32 = arith.constant 8 : i32
    %add3A_33 = vector.broadcast %add3A_32 : i32 to vector<16xi32>
    %add3A_34 = arith.addi %iota3A, %add3A_33 : vector<16xi32>
    %and3A = arith.constant 15 : i32
    %and3A_35 = vector.broadcast %and3A : i32 to vector<16xi32>
    %and3A_36 = arith.andi %add3A_34, %and3A_35 : vector<16xi32>
    %dma_start3A = arith.constant 0 : i32
    %dma_start3A_37 = arith.constant 0 : i32
    %dma_start3A_38 = tpu.memref_slice %arg7[%dma_start3A, %dma_start3A_37] : memref<42x128xi32, #tpu.memory_space<vmem>> -> memref<1x128xi32, #tpu.memory_space<vmem>>
    %dma_start3A_39 = tpu.memref_squeeze %dma_start3A_38 : memref<1x128xi32, #tpu.memory_space<vmem>> -> memref<128xi32, #tpu.memory_space<vmem>>
    %dma_start3A_40 = arith.constant 0 : i32
    %dma_start3A_41 = arith.constant 0 : i32
    %dma_start3A_42 = tpu.memref_slice %arg18[%dma_start3A_40, %dma_start3A_41] : memref<10240x16xf32, #tpu.memory_space<vmem_shared>> -> memref<10240x16xf32, #tpu.memory_space<vmem_shared>>
    tpu.enqueue_indirect_dma source(%dma_start3A_42 : memref<10240x16xf32, #tpu.memory_space<vmem_shared>>) target(%arg9 : memref<128x16xf32, #tpu.memory_space<vmem>>) offsets(%dma_start3A_39 : memref<128xi32, #tpu.memory_space<vmem>>) semaphore(%arg19 : memref<!tpu.dma_semaphore, #tpu.memory_space<semaphore_mem>>)
    %dma_start3A_43 = arith.constant 0 : i32
    %dma_start3A_44 = arith.constant 0 : i32
    %dma_start3A_45 = tpu.memref_slice %arg8[%dma_start3A_43, %dma_start3A_44] : memref<42x128xi32, #tpu.memory_space<vmem>> -> memref<1x128xi32, #tpu.memory_space<vmem>>
    %dma_start3A_46 = tpu.memref_squeeze %dma_start3A_45 : memref<1x128xi32, #tpu.memory_space<vmem>> -> memref<128xi32, #tpu.memory_space<vmem>>
    %dma_start3A_47 = arith.constant 0 : i32
    %dma_start3A_48 = arith.constant 0 : i32
    %dma_start3A_49 = tpu.memref_slice %arg5[%dma_start3A_47, %dma_start3A_48] : memref<10240x80xf32, #tpu.memory_space<hbm>> -> memref<10240x80xf32, #tpu.memory_space<hbm>>
    tpu.enqueue_indirect_dma source(%dma_start3A_49 : memref<10240x80xf32, #tpu.memory_space<hbm>>) target(%arg11 : memref<128x80xf32, #tpu.memory_space<vmem>>) offsets(%dma_start3A_46 : memref<128xi32, #tpu.memory_space<vmem>>) semaphore(%arg21 : memref<!tpu.dma_semaphore, #tpu.memory_space<semaphore_mem>>)
    %scan3A_50 = arith.constant 0 : i32
    %scan3A_51 = arith.constant 0 : i32
    %scan3A_52 = arith.constant 21 : i32
    %scan3A_53 = arith.addi %scan3A_51, %scan3A_52 : i32
    %scan3A_54 = arith.constant 1 : i32
    %scan3A_55 = scf.for %scan3A_92 = %scan3A_51 to %scan3A_53 step %scan3A_54 iter_args(%scan3A_93 = %scan3A_50) -> (i32)  : i32 {
      %mul3A_94 = arith.constant 2 : i32
      %mul3A_95 = arith.muli %mul3A_94, %scan3A_92 : i32
      %add3A_96 = arith.constant 1 : i32
      %add3A_97 = arith.addi %mul3A_95, %add3A_96 : i32
      %add3A_98 = arith.constant 2 : i32
      %add3A_99 = arith.addi %mul3A_95, %add3A_98 : i32
      %min3A = arith.constant 41 : i32
      %min3A_100 = arith.minsi %add3A_99, %min3A : i32
      %dma_wait3A_101 = arith.constant 0 : i32
      %dma_wait3A_102 = tpu.memref_slice %arg7[%mul3A_95, %dma_wait3A_101] : memref<42x128xi32, #tpu.memory_space<vmem>> -> memref<1x128xi32, #tpu.memory_space<vmem>>
      %dma_wait3A_103 = tpu.memref_squeeze %dma_wait3A_102 : memref<1x128xi32, #tpu.memory_space<vmem>> -> memref<128xi32, #tpu.memory_space<vmem>>
      %dma_wait3A_104 = arith.constant 0 : i32
      %dma_wait3A_105 = arith.constant 0 : i32
      %dma_wait3A_106 = tpu.memref_slice %arg18[%dma_wait3A_104, %dma_wait3A_105] : memref<10240x16xf32, #tpu.memory_space<vmem_shared>> -> memref<10240x16xf32, #tpu.memory_space<vmem_shared>>
      tpu.wait_indirect_dma semaphore(%arg19 : memref<!tpu.dma_semaphore, #tpu.memory_space<semaphore_mem>>) src(%dma_wait3A_106 : memref<10240x16xf32, #tpu.memory_space<vmem_shared>>) dst(%arg9 : memref<128x16xf32, #tpu.memory_space<vmem>>)
      %dma_wait3A_107 = arith.constant 0 : i32
      %dma_wait3A_108 = tpu.memref_slice %arg8[%mul3A_95, %dma_wait3A_107] : memref<42x128xi32, #tpu.memory_space<vmem>> -> memref<1x128xi32, #tpu.memory_space<vmem>>
      %dma_wait3A_109 = tpu.memref_squeeze %dma_wait3A_108 : memref<1x128xi32, #tpu.memory_space<vmem>> -> memref<128xi32, #tpu.memory_space<vmem>>
      %dma_wait3A_110 = arith.constant 0 : i32
      %dma_wait3A_111 = arith.constant 0 : i32
      %dma_wait3A_112 = tpu.memref_slice %arg5[%dma_wait3A_110, %dma_wait3A_111] : memref<10240x80xf32, #tpu.memory_space<hbm>> -> memref<10240x80xf32, #tpu.memory_space<hbm>>
      tpu.wait_indirect_dma semaphore(%arg21 : memref<!tpu.dma_semaphore, #tpu.memory_space<semaphore_mem>>) src(%dma_wait3A_112 : memref<10240x80xf32, #tpu.memory_space<hbm>>) dst(%arg11 : memref<128x80xf32, #tpu.memory_space<vmem>>)
      %dma_start3A_113 = arith.constant 0 : i32
      %dma_start3A_114 = tpu.memref_slice %arg7[%add3A_97, %dma_start3A_113] : memref<42x128xi32, #tpu.memory_space<vmem>> -> memref<1x128xi32, #tpu.memory_space<vmem>>
      %dma_start3A_115 = tpu.memref_squeeze %dma_start3A_114 : memref<1x128xi32, #tpu.memory_space<vmem>> -> memref<128xi32, #tpu.memory_space<vmem>>
      %dma_start3A_116 = arith.constant 0 : i32
      %dma_start3A_117 = arith.constant 0 : i32
      %dma_start3A_118 = tpu.memref_slice %arg18[%dma_start3A_116, %dma_start3A_117] : memref<10240x16xf32, #tpu.memory_space<vmem_shared>> -> memref<10240x16xf32, #tpu.memory_space<vmem_shared>>
      tpu.enqueue_indirect_dma source(%dma_start3A_118 : memref<10240x16xf32, #tpu.memory_space<vmem_shared>>) target(%arg10 : memref<128x16xf32, #tpu.memory_space<vmem>>) offsets(%dma_start3A_115 : memref<128xi32, #tpu.memory_space<vmem>>) semaphore(%arg20 : memref<!tpu.dma_semaphore, #tpu.memory_space<semaphore_mem>>)
      %dma_start3A_119 = arith.constant 0 : i32
      %dma_start3A_120 = tpu.memref_slice %arg8[%add3A_97, %dma_start3A_119] : memref<42x128xi32, #tpu.memory_space<vmem>> -> memref<1x128xi32, #tpu.memory_space<vmem>>
      %dma_start3A_121 = tpu.memref_squeeze %dma_start3A_120 : memref<1x128xi32, #tpu.memory_space<vmem>> -> memref<128xi32, #tpu.memory_space<vmem>>
      %dma_start3A_122 = arith.constant 0 : i32
      %dma_start3A_123 = arith.constant 0 : i32
      %dma_start3A_124 = tpu.memref_slice %arg5[%dma_start3A_122, %dma_start3A_123] : memref<10240x80xf32, #tpu.memory_space<hbm>> -> memref<10240x80xf32, #tpu.memory_space<hbm>>
      tpu.enqueue_indirect_dma source(%dma_start3A_124 : memref<10240x80xf32, #tpu.memory_space<hbm>>) target(%arg12 : memref<128x80xf32, #tpu.memory_space<vmem>>) offsets(%dma_start3A_121 : memref<128xi32, #tpu.memory_space<vmem>>) semaphore(%arg22 : memref<!tpu.dma_semaphore, #tpu.memory_space<semaphore_mem>>)
      %gt3A = arith.constant 0 : i32
      %gt3A_125 = arith.cmpi sgt, %scan3A_92, %gt3A : i32
      %convert_element_type3A = arith.extui %gt3A_125 : i1 to i32
      %cond3A = arith.constant 0 : i32
      %cond3A_126 = arith.cmpi ne, %convert_element_type3A, %cond3A : i32
      scf.if %cond3A_126 {
        %dma_wait3A_197 = arith.constant 0 : i32
        %dma_wait3A_198 = tpu.memref_slice %arg7[%mul3A_95, %dma_wait3A_197] : memref<42x128xi32, #tpu.memory_space<vmem>> -> memref<1x128xi32, #tpu.memory_space<vmem>>
        %dma_wait3A_199 = tpu.memref_squeeze %dma_wait3A_198 : memref<1x128xi32, #tpu.memory_space<vmem>> -> memref<128xi32, #tpu.memory_space<vmem>>
        %dma_wait3A_200 = arith.constant 0 : i32
        %dma_wait3A_201 = arith.constant 0 : i32
        %dma_wait3A_202 = tpu.memref_slice %arg17[%dma_wait3A_200, %dma_wait3A_201] : memref<10240x80xf32, #tpu.memory_space<vmem_shared>> -> memref<10240x80xf32, #tpu.memory_space<vmem_shared>>
        tpu.wait_indirect_dma semaphore(%arg23 : memref<!tpu.dma_semaphore, #tpu.memory_space<semaphore_mem>>) src(%arg13 : memref<128x80xf32, #tpu.memory_space<vmem>>) dst(%dma_wait3A_202 : memref<10240x80xf32, #tpu.memory_space<vmem_shared>>)
      } else {
      }
      %scan3A_127 = arith.constant 0 : i32
      %scan3A_128 = arith.constant 0 : i32
      %scan3A_129 = arith.constant 32 : i32
      %scan3A_130 = arith.addi %scan3A_128, %scan3A_129 : i32
      %scan3A_131 = arith.constant 1 : i32
      %scan3A_132 = scf.for %scan3A_197 = %scan3A_128 to %scan3A_130 step %scan3A_131 iter_args(%scan3A_198 = %scan3A_127) -> (i32)  : i32 {
        %mul3A_199 = arith.constant 2 : i32
        %mul3A_200 = arith.muli %scan3A_197, %mul3A_199 : i32
        %add3A_201 = arith.constant 0 : i32
        %add3A_202 = arith.addi %mul3A_200, %add3A_201 : i32
        %mul3A_203 = arith.constant 2 : i32
        %mul3A_204 = arith.muli %add3A_202, %mul3A_203 : i32
        %get3A = arith.index_cast %mul3A_204 : i32 to index
        %get3A_205 = arith.constant 0 : index
        %get3A_206 = tpu.vector_load %arg9[%get3A, %get3A_205] {strides = array<i32>} : memref<128x16xf32, #tpu.memory_space<vmem>>, vector<1x16xf32>,
        %get3A_207 = vector.shape_cast %get3A_206 : vector<1x16xf32> to vector<16xf32>
        %add3A_208 = arith.constant 1 : i32
        %add3A_209 = arith.addi %mul3A_204, %add3A_208 : i32
        %get3A_210 = arith.index_cast %add3A_209 : i32 to index
        %get3A_211 = arith.constant 0 : index
        %get3A_212 = tpu.vector_load %arg9[%get3A_210, %get3A_211] {strides = array<i32>} : memref<128x16xf32, #tpu.memory_space<vmem>>, vector<1x16xf32>,
        %get3A_213 = vector.shape_cast %get3A_212 : vector<1x16xf32> to vector<16xf32>
        %reshape3A = vector.shape_cast %and3A_36 : vector<16xi32> to vector<16x1xi32>
        %gather3A = vector.shape_cast %reshape3A : vector<16x1xi32> to vector<16xi32>
        %gather3A_214 = tpu.dynamic_gather %get3A_213[%gather3A] in [0] : vector<16xf32>, vector<16xi32> -> vector<16xf32>
        %select_n3A = arith.select %lt3A_31, %get3A_207, %gather3A_214 : vector<16xi1>, vector<16xf32>
        %get3A_215 = arith.index_cast %mul3A_204 : i32 to index
        %get3A_216 = arith.constant 64 : index
        %get3A_217 = tpu.vector_load %arg11[%get3A_215, %get3A_216] {strides = array<i32>} : memref<128x80xf32, #tpu.memory_space<vmem>>, vector<1x16xf32>,
        %get3A_218 = vector.shape_cast %get3A_217 : vector<1x16xf32> to vector<16xf32>
        %add3A_219 = arith.constant 1 : i32
        %add3A_220 = arith.addi %mul3A_204, %add3A_219 : i32
        %get3A_221 = arith.index_cast %add3A_220 : i32 to index
        %get3A_222 = arith.constant 56 : index
        %get3A_223 = tpu.vector_load %arg11[%get3A_221, %get3A_222] {strides = array<i32>} : memref<128x80xf32, #tpu.memory_space<vmem>>, vector<1x16xf32>,
        %get3A_224 = vector.shape_cast %get3A_223 : vector<1x16xf32> to vector<16xf32>
        %select_n3A_225 = arith.select %lt3A_31, %get3A_218, %get3A_224 : vector<16xi1>, vector<16xf32>
        %add3A_226 = arith.addf %select_n3A, %select_n3A_225 : vector<16xf32>
        %ge3A = arith.constant 0.000000e+00 : f32
        %ge3A_227 = vector.broadcast %ge3A : f32 to vector<16xf32>
        %ge3A_228 = arith.cmpf oge, %add3A_226, %ge3A_227 : vector<16xf32>
        %mul3A_229 = arith.constant 2.000000e-01 : f32
        %mul3A_230 = vector.broadcast %mul3A_229 : f32 to vector<16xf32>
        %mul3A_231 = arith.mulf %mul3A_230, %add3A_226 : vector<16xf32>
        %select_n3A_232 = arith.select %ge3A_228, %add3A_226, %mul3A_231 : vector<16xi1>, vector<16xf32>
        %neg3A = arith.constant 0.000000e+00 : f32
        %neg3A_233 = vector.broadcast %neg3A : f32 to vector<16xf32>
        %neg3A_234 = arith.subf %neg3A_233, %select_n3A_232 : vector<16xf32>
        %exp3A = math.exp %neg3A_234 : vector<16xf32>
        %mul3A_235 = arith.constant 16 : i32
        %mul3A_236 = arith.muli %mul3A_235, %add3A_202 : i32
        %swap3A = arith.index_cast %mul3A_236 : i32 to index
        %swap3A_237 = tpu.vector_load %arg16[%swap3A] {strides = array<i32>} : memref<1040xf32, #tpu.memory_space<vmem>>, vector<16xf32>,
        %swap3A_238 = vector.shape_cast %swap3A_237 : vector<16xf32> to vector<16xf32>
        %swap3A_239 = vector.shape_cast %exp3A : vector<16xf32> to vector<16xf32>
        tpu.vector_store %arg16[%swap3A], %swap3A_239 {strides = array<i32>} : memref<1040xf32, #tpu.memory_space<vmem>>, vector<16xf32>,
        %mul3A_240 = arith.constant 2 : i32
        %mul3A_241 = arith.muli %scan3A_197, %mul3A_240 : i32
        %add3A_242 = arith.constant 1 : i32
        %add3A_243 = arith.addi %mul3A_241, %add3A_242 : i32
        %mul3A_244 = arith.constant 2 : i32
        %mul3A_245 = arith.muli %add3A_243, %mul3A_244 : i32
        %get3A_246 = arith.index_cast %mul3A_245 : i32 to index
        %get3A_247 = arith.constant 0 : index
        %get3A_248 = tpu.vector_load %arg9[%get3A_246, %get3A_247] {strides = array<i32>} : memref<128x16xf32, #tpu.memory_space<vmem>>, vector<1x16xf32>,
        %get3A_249 = vector.shape_cast %get3A_248 : vector<1x16xf32> to vector<16xf32>
        %add3A_250 = arith.constant 1 : i32
        %add3A_251 = arith.addi %mul3A_245, %add3A_250 : i32
        %get3A_252 = arith.index_cast %add3A_251 : i32 to index
        %get3A_253 = arith.constant 0 : index
        %get3A_254 = tpu.vector_load %arg9[%get3A_252, %get3A_253] {strides = array<i32>} : memref<128x16xf32, #tpu.memory_space<vmem>>, vector<1x16xf32>,
        %get3A_255 = vector.shape_cast %get3A_254 : vector<1x16xf32> to vector<16xf32>
        %reshape3A_256 = vector.shape_cast %and3A_36 : vector<16xi32> to vector<16x1xi32>
        %gather3A_257 = vector.shape_cast %reshape3A_256 : vector<16x1xi32> to vector<16xi32>
        %gather3A_258 = tpu.dynamic_gather %get3A_255[%gather3A_257] in [0] : vector<16xf32>, vector<16xi32> -> vector<16xf32>
        %select_n3A_259 = arith.select %lt3A_31, %get3A_249, %gather3A_258 : vector<16xi1>, vector<16xf32>
        %get3A_260 = arith.index_cast %mul3A_245 : i32 to index
        %get3A_261 = arith.constant 64 : index
        %get3A_262 = tpu.vector_load %arg11[%get3A_260, %get3A_261] {strides = array<i32>} : memref<128x80xf32, #tpu.memory_space<vmem>>, vector<1x16xf32>,
        %get3A_263 = vector.shape_cast %get3A_262 : vector<1x16xf32> to vector<16xf32>
        %add3A_264 = arith.constant 1 : i32
        %add3A_265 = arith.addi %mul3A_245, %add3A_264 : i32
        %get3A_266 = arith.index_cast %add3A_265 : i32 to index
        %get3A_267 = arith.constant 56 : index
        %get3A_268 = tpu.vector_load %arg11[%get3A_266, %get3A_267] {strides = array<i32>} : memref<128x80xf32, #tpu.memory_space<vmem>>, vector<1x16xf32>,
        %get3A_269 = vector.shape_cast %get3A_268 : vector<1x16xf32> to vector<16xf32>
        %select_n3A_270 = arith.select %lt3A_31, %get3A_263, %get3A_269 : vector<16xi1>, vector<16xf32>
        %add3A_271 = arith.addf %select_n3A_259, %select_n3A_270 : vector<16xf32>
        %ge3A_272 = arith.constant 0.000000e+00 : f32
        %ge3A_273 = vector.broadcast %ge3A_272 : f32 to vector<16xf32>
        %ge3A_274 = arith.cmpf oge, %add3A_271, %ge3A_273 : vector<16xf32>
        %mul3A_275 = arith.constant 2.000000e-01 : f32
        %mul3A_276 = vector.broadcast %mul3A_275 : f32 to vector<16xf32>
        %mul3A_277 = arith.mulf %mul3A_276, %add3A_271 : vector<16xf32>
        %select_n3A_278 = arith.select %ge3A_274, %add3A_271, %mul3A_277 : vector<16xi1>, vector<16xf32>
        %neg3A_279 = arith.constant 0.000000e+00 : f32
        %neg3A_280 = vector.broadcast %neg3A_279 : f32 to vector<16xf32>
        %neg3A_281 = arith.subf %neg3A_280, %select_n3A_278 : vector<16xf32>
        %exp3A_282 = math.exp %neg3A_281 : vector<16xf32>
        %mul3A_283 = arith.constant 16 : i32
        %mul3A_284 = arith.muli %mul3A_283, %add3A_243 : i32
        %swap3A_285 = arith.index_cast %mul3A_284 : i32 to index
        %swap3A_286 = tpu.vector_load %arg16[%swap3A_285] {strides = array<i32>} : memref<1040xf32, #tpu.memory_space<vmem>>, vector<16xf32>,
        %swap3A_287 = vector.shape_cast %swap3A_286 : vector<16xf32> to vector<16xf32>
        %swap3A_288 = vector.shape_cast %exp3A_282 : vector<16xf32> to vector<16xf32>
        tpu.vector_store %arg16[%swap3A_285], %swap3A_288 {strides = array<i32>} : memref<1040xf32, #tpu.memory_space<vmem>>, vector<16xf32>,
        %scan3A_289 = arith.constant 0 : i32
        scf.yield %scan3A_289 : i32
      }
      %scan3A_133 = arith.constant 32 : i32
      %scan3A_134 = arith.constant 0 : i32
      %scan3A_135 = arith.constant 0 : i32
      %scan3A_136 = arith.constant 32 : i32
      %scan3A_137 = arith.addi %scan3A_135, %scan3A_136 : i32
      %scan3A_138 = arith.constant 1 : i32
      %scan3A_139 = scf.for %scan3A_197 = %scan3A_135 to %scan3A_137 step %scan3A_138 iter_args(%scan3A_198 = %scan3A_134) -> (i32)  : i32 {
        %mul3A_199 = arith.constant 4 : i32
        %mul3A_200 = arith.muli %scan3A_197, %mul3A_199 : i32
        %add3A_201 = arith.constant 0 : i32
        %add3A_202 = arith.addi %mul3A_200, %add3A_201 : i32
        %mul3A_203 = arith.constant 8 : i32
        %mul3A_204 = arith.muli %mul3A_203, %add3A_202 : i32
        %get3A = arith.index_cast %mul3A_204 : i32 to index
        %get3A_205 = tpu.vector_load %arg16[%get3A] {strides = array<i32>} : memref<1040xf32, #tpu.memory_space<vmem>>, vector<16xf32>,
        %get3A_206 = vector.shape_cast %get3A_205 : vector<16xf32> to vector<16xf32>
        %reshape3A = vector.shape_cast %shift_right_arithmetic3A_20 : vector<16xi32> to vector<16x1xi32>
        %gather3A = vector.shape_cast %reshape3A : vector<16x1xi32> to vector<16xi32>
        %gather3A_207 = tpu.dynamic_gather %get3A_206[%gather3A] in [0] : vector<16xf32>, vector<16xi32> -> vector<16xf32>
        %reshape3A_208 = vector.shape_cast %add3A_23 : vector<16xi32> to vector<16x1xi32>
        %gather3A_209 = vector.shape_cast %reshape3A_208 : vector<16x1xi32> to vector<16xi32>
        %gather3A_210 = tpu.dynamic_gather %get3A_206[%gather3A_209] in [0] : vector<16xf32>, vector<16xi32> -> vector<16xf32>
        %reshape3A_211 = vector.shape_cast %add3A_26 : vector<16xi32> to vector<16x1xi32>
        %gather3A_212 = vector.shape_cast %reshape3A_211 : vector<16x1xi32> to vector<16xi32>
        %gather3A_213 = tpu.dynamic_gather %get3A_206[%gather3A_212] in [0] : vector<16xf32>, vector<16xi32> -> vector<16xf32>
        %reshape3A_214 = vector.shape_cast %add3A_29 : vector<16xi32> to vector<16x1xi32>
        %gather3A_215 = vector.shape_cast %reshape3A_214 : vector<16x1xi32> to vector<16xi32>
        %gather3A_216 = tpu.dynamic_gather %get3A_206[%gather3A_215] in [0] : vector<16xf32>, vector<16xi32> -> vector<16xf32>
        %get3A_217 = arith.index_cast %add3A_202 : i32 to index
        %get3A_218 = arith.constant 0 : index
        %get3A_219 = tpu.vector_load %arg11[%get3A_217, %get3A_218] {strides = array<i32>} : memref<128x80xf32, #tpu.memory_space<vmem>>, vector<1x16xf32>,
        %get3A_220 = vector.shape_cast %get3A_219 : vector<1x16xf32> to vector<16xf32>
        %mul3A_221 = arith.mulf %get3A_220, %gather3A_207 : vector<16xf32>
        %swap3A = arith.index_cast %add3A_202 : i32 to index
        %swap3A_222 = arith.constant 0 : index
        %swap3A_223 = tpu.vector_load %arg13[%swap3A, %swap3A_222] {strides = array<i32>} : memref<128x80xf32, #tpu.memory_space<vmem>>, vector<1x16xf32>,
        %swap3A_224 = vector.shape_cast %swap3A_223 : vector<1x16xf32> to vector<16xf32>
        %swap3A_225 = vector.shape_cast %mul3A_221 : vector<16xf32> to vector<1x16xf32>
        tpu.vector_store %arg13[%swap3A, %swap3A_222], %swap3A_225 {strides = array<i32>} : memref<128x80xf32, #tpu.memory_space<vmem>>, vector<1x16xf32>,
        %get3A_226 = arith.index_cast %add3A_202 : i32 to index
        %get3A_227 = arith.constant 16 : index
        %get3A_228 = tpu.vector_load %arg11[%get3A_226, %get3A_227] {strides = array<i32>} : memref<128x80xf32, #tpu.memory_space<vmem>>, vector<1x16xf32>,
        %get3A_229 = vector.shape_cast %get3A_228 : vector<1x16xf32> to vector<16xf32>
        %mul3A_230 = arith.mulf %get3A_229, %gather3A_210 : vector<16xf32>
        %swap3A_231 = arith.index_cast %add3A_202 : i32 to index
        %swap3A_232 = arith.constant 16 : index
        %swap3A_233 = tpu.vector_load %arg13[%swap3A_231, %swap3A_232] {strides = array<i32>} : memref<128x80xf32, #tpu.memory_space<vmem>>, vector<1x16xf32>,
        %swap3A_234 = vector.shape_cast %swap3A_233 : vector<1x16xf32> to vector<16xf32>
        %swap3A_235 = vector.shape_cast %mul3A_230 : vector<16xf32> to vector<1x16xf32>
        tpu.vector_store %arg13[%swap3A_231, %swap3A_232], %swap3A_235 {strides = array<i32>} : memref<128x80xf32, #tpu.memory_space<vmem>>, vector<1x16xf32>,
        %get3A_236 = arith.index_cast %add3A_202 : i32 to index
        %get3A_237 = arith.constant 32 : index
        %get3A_238 = tpu.vector_load %arg11[%get3A_236, %get3A_237] {strides = array<i32>} : memref<128x80xf32, #tpu.memory_space<vmem>>, vector<1x16xf32>,
        %get3A_239 = vector.shape_cast %get3A_238 : vector<1x16xf32> to vector<16xf32>
        %mul3A_240 = arith.mulf %get3A_239, %gather3A_213 : vector<16xf32>
        %swap3A_241 = arith.index_cast %add3A_202 : i32 to index
        %swap3A_242 = arith.constant 32 : index
        %swap3A_243 = tpu.vector_load %arg13[%swap3A_241, %swap3A_242] {strides = array<i32>} : memref<128x80xf32, #tpu.memory_space<vmem>>, vector<1x16xf32>,
        %swap3A_244 = vector.shape_cast %swap3A_243 : vector<1x16xf32> to vector<16xf32>
        %swap3A_245 = vector.shape_cast %mul3A_240 : vector<16xf32> to vector<1x16xf32>
        tpu.vector_store %arg13[%swap3A_241, %swap3A_242], %swap3A_245 {strides = array<i32>} : memref<128x80xf32, #tpu.memory_space<vmem>>, vector<1x16xf32>,
        %get3A_246 = arith.index_cast %add3A_202 : i32 to index
        %get3A_247 = arith.constant 48 : index
        %get3A_248 = tpu.vector_load %arg11[%get3A_246, %get3A_247] {strides = array<i32>} : memref<128x80xf32, #tpu.memory_space<vmem>>, vector<1x16xf32>,
        %get3A_249 = vector.shape_cast %get3A_248 : vector<1x16xf32> to vector<16xf32>
        %mul3A_250 = arith.mulf %get3A_249, %gather3A_216 : vector<16xf32>
        %swap3A_251 = arith.index_cast %add3A_202 : i32 to index
        %swap3A_252 = arith.constant 48 : index
        %swap3A_253 = tpu.vector_load %arg13[%swap3A_251, %swap3A_252] {strides = array<i32>} : memref<128x80xf32, #tpu.memory_space<vmem>>, vector<1x16xf32>,
        %swap3A_254 = vector.shape_cast %swap3A_253 : vector<1x16xf32> to vector<16xf32>
        %swap3A_255 = vector.shape_cast %mul3A_250 : vector<16xf32> to vector<1x16xf32>
        tpu.vector_store %arg13[%swap3A_251, %swap3A_252], %swap3A_255 {strides = array<i32>} : memref<128x80xf32, #tpu.memory_space<vmem>>, vector<1x16xf32>,
        %swap3A_256 = arith.index_cast %add3A_202 : i32 to index
        %swap3A_257 = arith.constant 64 : index
        %swap3A_258 = tpu.vector_load %arg13[%swap3A_256, %swap3A_257] {strides = array<i32>} : memref<128x80xf32, #tpu.memory_space<vmem>>, vector<1x16xf32>,
        %swap3A_259 = vector.shape_cast %swap3A_258 : vector<1x16xf32> to vector<16xf32>
        %swap3A_260 = vector.shape_cast %get3A_206 : vector<16xf32> to vector<1x16xf32>
        tpu.vector_store %arg13[%swap3A_256, %swap3A_257], %swap3A_260 {strides = array<i32>} : memref<128x80xf32, #tpu.memory_space<vmem>>, vector<1x16xf32>,
        %mul3A_261 = arith.constant 4 : i32
        %mul3A_262 = arith.muli %scan3A_197, %mul3A_261 : i32
        %add3A_263 = arith.constant 1 : i32
        %add3A_264 = arith.addi %mul3A_262, %add3A_263 : i32
        %mul3A_265 = arith.constant 8 : i32
        %mul3A_266 = arith.muli %mul3A_265, %add3A_264 : i32
        %get3A_267 = arith.index_cast %mul3A_266 : i32 to index
        %get3A_268 = tpu.vector_load %arg16[%get3A_267] {strides = array<i32>} : memref<1040xf32, #tpu.memory_space<vmem>>, vector<16xf32>,
        %get3A_269 = vector.shape_cast %get3A_268 : vector<16xf32> to vector<16xf32>
        %reshape3A_270 = vector.shape_cast %shift_right_arithmetic3A_20 : vector<16xi32> to vector<16x1xi32>
        %gather3A_271 = vector.shape_cast %reshape3A_270 : vector<16x1xi32> to vector<16xi32>
        %gather3A_272 = tpu.dynamic_gather %get3A_269[%gather3A_271] in [0] : vector<16xf32>, vector<16xi32> -> vector<16xf32>
        %reshape3A_273 = vector.shape_cast %add3A_23 : vector<16xi32> to vector<16x1xi32>
        %gather3A_274 = vector.shape_cast %reshape3A_273 : vector<16x1xi32> to vector<16xi32>
        %gather3A_275 = tpu.dynamic_gather %get3A_269[%gather3A_274] in [0] : vector<16xf32>, vector<16xi32> -> vector<16xf32>
        %reshape3A_276 = vector.shape_cast %add3A_26 : vector<16xi32> to vector<16x1xi32>
        %gather3A_277 = vector.shape_cast %reshape3A_276 : vector<16x1xi32> to vector<16xi32>
        %gather3A_278 = tpu.dynamic_gather %get3A_269[%gather3A_277] in [0] : vector<16xf32>, vector<16xi32> -> vector<16xf32>
        %reshape3A_279 = vector.shape_cast %add3A_29 : vector<16xi32> to vector<16x1xi32>
        %gather3A_280 = vector.shape_cast %reshape3A_279 : vector<16x1xi32> to vector<16xi32>
        %gather3A_281 = tpu.dynamic_gather %get3A_269[%gather3A_280] in [0] : vector<16xf32>, vector<16xi32> -> vector<16xf32>
        %get3A_282 = arith.index_cast %add3A_264 : i32 to index
        %get3A_283 = arith.constant 0 : index
        %get3A_284 = tpu.vector_load %arg11[%get3A_282, %get3A_283] {strides = array<i32>} : memref<128x80xf32, #tpu.memory_space<vmem>>, vector<1x16xf32>,
        %get3A_285 = vector.shape_cast %get3A_284 : vector<1x16xf32> to vector<16xf32>
        %mul3A_286 = arith.mulf %get3A_285, %gather3A_272 : vector<16xf32>
        %swap3A_287 = arith.index_cast %add3A_264 : i32 to index
        %swap3A_288 = arith.constant 0 : index
        %swap3A_289 = tpu.vector_load %arg13[%swap3A_287, %swap3A_288] {strides = array<i32>} : memref<128x80xf32, #tpu.memory_space<vmem>>, vector<1x16xf32>,
        %swap3A_290 = vector.shape_cast %swap3A_289 : vector<1x16xf32> to vector<16xf32>
        %swap3A_291 = vector.shape_cast %mul3A_286 : vector<16xf32> to vector<1x16xf32>
        tpu.vector_store %arg13[%swap3A_287, %swap3A_288], %swap3A_291 {strides = array<i32>} : memref<128x80xf32, #tpu.memory_space<vmem>>, vector<1x16xf32>,
        %get3A_292 = arith.index_cast %add3A_264 : i32 to index
        %get3A_293 = arith.constant 16 : index
        %get3A_294 = tpu.vector_load %arg11[%get3A_292, %get3A_293] {strides = array<i32>} : memref<128x80xf32, #tpu.memory_space<vmem>>, vector<1x16xf32>,
        %get3A_295 = vector.shape_cast %get3A_294 : vector<1x16xf32> to vector<16xf32>
        %mul3A_296 = arith.mulf %get3A_295, %gather3A_275 : vector<16xf32>
        %swap3A_297 = arith.index_cast %add3A_264 : i32 to index
        %swap3A_298 = arith.constant 16 : index
        %swap3A_299 = tpu.vector_load %arg13[%swap3A_297, %swap3A_298] {strides = array<i32>} : memref<128x80xf32, #tpu.memory_space<vmem>>, vector<1x16xf32>,
        %swap3A_300 = vector.shape_cast %swap3A_299 : vector<1x16xf32> to vector<16xf32>
        %swap3A_301 = vector.shape_cast %mul3A_296 : vector<16xf32> to vector<1x16xf32>
        tpu.vector_store %arg13[%swap3A_297, %swap3A_298], %swap3A_301 {strides = array<i32>} : memref<128x80xf32, #tpu.memory_space<vmem>>, vector<1x16xf32>,
        %get3A_302 = arith.index_cast %add3A_264 : i32 to index
        %get3A_303 = arith.constant 32 : index
        %get3A_304 = tpu.vector_load %arg11[%get3A_302, %get3A_303] {strides = array<i32>} : memref<128x80xf32, #tpu.memory_space<vmem>>, vector<1x16xf32>,
        %get3A_305 = vector.shape_cast %get3A_304 : vector<1x16xf32> to vector<16xf32>
        %mul3A_306 = arith.mulf %get3A_305, %gather3A_278 : vector<16xf32>
        %swap3A_307 = arith.index_cast %add3A_264 : i32 to index
        %swap3A_308 = arith.constant 32 : index
        %swap3A_309 = tpu.vector_load %arg13[%swap3A_307, %swap3A_308] {strides = array<i32>} : memref<128x80xf32, #tpu.memory_space<vmem>>, vector<1x16xf32>,
        %swap3A_310 = vector.shape_cast %swap3A_309 : vector<1x16xf32> to vector<16xf32>
        %swap3A_311 = vector.shape_cast %mul3A_306 : vector<16xf32> to vector<1x16xf32>
        tpu.vector_store %arg13[%swap3A_307, %swap3A_308], %swap3A_311 {strides = array<i32>} : memref<128x80xf32, #tpu.memory_space<vmem>>, vector<1x16xf32>,
        %get3A_312 = arith.index_cast %add3A_264 : i32 to index
        %get3A_313 = arith.constant 48 : index
        %get3A_314 = tpu.vector_load %arg11[%get3A_312, %get3A_313] {strides = array<i32>} : memref<128x80xf32, #tpu.memory_space<vmem>>, vector<1x16xf32>,
        %get3A_315 = vector.shape_cast %get3A_314 : vector<1x16xf32> to vector<16xf32>
        %mul3A_316 = arith.mulf %get3A_315, %gather3A_281 : vector<16xf32>
        %swap3A_317 = arith.index_cast %add3A_264 : i32 to index
        %swap3A_318 = arith.constant 48 : index
        %swap3A_319 = tpu.vector_load %arg13[%swap3A_317, %swap3A_318] {strides = array<i32>} : memref<128x80xf32, #tpu.memory_space<vmem>>, vector<1x16xf32>,
        %swap3A_320 = vector.shape_cast %swap3A_319 : vector<1x16xf32> to vector<16xf32>
        %swap3A_321 = vector.shape_cast %mul3A_316 : vector<16xf32> to vector<1x16xf32>
        tpu.vector_store %arg13[%swap3A_317, %swap3A_318], %swap3A_321 {strides = array<i32>} : memref<128x80xf32, #tpu.memory_space<vmem>>, vector<1x16xf32>,
        %swap3A_322 = arith.index_cast %add3A_264 : i32 to index
        %swap3A_323 = arith.constant 64 : index
        %swap3A_324 = tpu.vector_load %arg13[%swap3A_322, %swap3A_323] {strides = array<i32>} : memref<128x80xf32, #tpu.memory_space<vmem>>, vector<1x16xf32>,
        %swap3A_325 = vector.shape_cast %swap3A_324 : vector<1x16xf32> to vector<16xf32>
        %swap3A_326 = vector.shape_cast %get3A_269 : vector<16xf32> to vector<1x16xf32>
        tpu.vector_store %arg13[%swap3A_322, %swap3A_323], %swap3A_326 {strides = array<i32>} : memref<128x80xf32, #tpu.memory_space<vmem>>, vector<1x16xf32>,
        %mul3A_327 = arith.constant 4 : i32
        %mul3A_328 = arith.muli %scan3A_197, %mul3A_327 : i32
        %add3A_329 = arith.constant 2 : i32
        %add3A_330 = arith.addi %mul3A_328, %add3A_329 : i32
        %mul3A_331 = arith.constant 8 : i32
        %mul3A_332 = arith.muli %mul3A_331, %add3A_330 : i32
        %get3A_333 = arith.index_cast %mul3A_332 : i32 to index
        %get3A_334 = tpu.vector_load %arg16[%get3A_333] {strides = array<i32>} : memref<1040xf32, #tpu.memory_space<vmem>>, vector<16xf32>,
        %get3A_335 = vector.shape_cast %get3A_334 : vector<16xf32> to vector<16xf32>
        %reshape3A_336 = vector.shape_cast %shift_right_arithmetic3A_20 : vector<16xi32> to vector<16x1xi32>
        %gather3A_337 = vector.shape_cast %reshape3A_336 : vector<16x1xi32> to vector<16xi32>
        %gather3A_338 = tpu.dynamic_gather %get3A_335[%gather3A_337] in [0] : vector<16xf32>, vector<16xi32> -> vector<16xf32>
        %reshape3A_339 = vector.shape_cast %add3A_23 : vector<16xi32> to vector<16x1xi32>
        %gather3A_340 = vector.shape_cast %reshape3A_339 : vector<16x1xi32> to vector<16xi32>
        %gather3A_341 = tpu.dynamic_gather %get3A_335[%gather3A_340] in [0] : vector<16xf32>, vector<16xi32> -> vector<16xf32>
        %reshape3A_342 = vector.shape_cast %add3A_26 : vector<16xi32> to vector<16x1xi32>
        %gather3A_343 = vector.shape_cast %reshape3A_342 : vector<16x1xi32> to vector<16xi32>
        %gather3A_344 = tpu.dynamic_gather %get3A_335[%gather3A_343] in [0] : vector<16xf32>, vector<16xi32> -> vector<16xf32>
        %reshape3A_345 = vector.shape_cast %add3A_29 : vector<16xi32> to vector<16x1xi32>
        %gather3A_346 = vector.shape_cast %reshape3A_345 : vector<16x1xi32> to vector<16xi32>
        %gather3A_347 = tpu.dynamic_gather %get3A_335[%gather3A_346] in [0] : vector<16xf32>, vector<16xi32> -> vector<16xf32>
        %get3A_348 = arith.index_cast %add3A_330 : i32 to index
        %get3A_349 = arith.constant 0 : index
        %get3A_350 = tpu.vector_load %arg11[%get3A_348, %get3A_349] {strides = array<i32>} : memref<128x80xf32, #tpu.memory_space<vmem>>, vector<1x16xf32>,
        %get3A_351 = vector.shape_cast %get3A_350 : vector<1x16xf32> to vector<16xf32>
        %mul3A_352 = arith.mulf %get3A_351, %gather3A_338 : vector<16xf32>
        %swap3A_353 = arith.index_cast %add3A_330 : i32 to index
        %swap3A_354 = arith.constant 0 : index
        %swap3A_355 = tpu.vector_load %arg13[%swap3A_353, %swap3A_354] {strides = array<i32>} : memref<128x80xf32, #tpu.memory_space<vmem>>, vector<1x16xf32>,
        %swap3A_356 = vector.shape_cast %swap3A_355 : vector<1x16xf32> to vector<16xf32>
        %swap3A_357 = vector.shape_cast %mul3A_352 : vector<16xf32> to vector<1x16xf32>
        tpu.vector_store %arg13[%swap3A_353, %swap3A_354], %swap3A_357 {strides = array<i32>} : memref<128x80xf32, #tpu.memory_space<vmem>>, vector<1x16xf32>,
        %get3A_358 = arith.index_cast %add3A_330 : i32 to index
        %get3A_359 = arith.constant 16 : index
        %get3A_360 = tpu.vector_load %arg11[%get3A_358, %get3A_359] {strides = array<i32>} : memref<128x80xf32, #tpu.memory_space<vmem>>, vector<1x16xf32>,
        %get3A_361 = vector.shape_cast %get3A_360 : vector<1x16xf32> to vector<16xf32>
        %mul3A_362 = arith.mulf %get3A_361, %gather3A_341 : vector<16xf32>
        %swap3A_363 = arith.index_cast %add3A_330 : i32 to index
        %swap3A_364 = arith.constant 16 : index
        %swap3A_365 = tpu.vector_load %arg13[%swap3A_363, %swap3A_364] {strides = array<i32>} : memref<128x80xf32, #tpu.memory_space<vmem>>, vector<1x16xf32>,
        %swap3A_366 = vector.shape_cast %swap3A_365 : vector<1x16xf32> to vector<16xf32>
        %swap3A_367 = vector.shape_cast %mul3A_362 : vector<16xf32> to vector<1x16xf32>
        tpu.vector_store %arg13[%swap3A_363, %swap3A_364], %swap3A_367 {strides = array<i32>} : memref<128x80xf32, #tpu.memory_space<vmem>>, vector<1x16xf32>,
        %get3A_368 = arith.index_cast %add3A_330 : i32 to index
        %get3A_369 = arith.constant 32 : index
        %get3A_370 = tpu.vector_load %arg11[%get3A_368, %get3A_369] {strides = array<i32>} : memref<128x80xf32, #tpu.memory_space<vmem>>, vector<1x16xf32>,
        %get3A_371 = vector.shape_cast %get3A_370 : vector<1x16xf32> to vector<16xf32>
        %mul3A_372 = arith.mulf %get3A_371, %gather3A_344 : vector<16xf32>
        %swap3A_373 = arith.index_cast %add3A_330 : i32 to index
        %swap3A_374 = arith.constant 32 : index
        %swap3A_375 = tpu.vector_load %arg13[%swap3A_373, %swap3A_374] {strides = array<i32>} : memref<128x80xf32, #tpu.memory_space<vmem>>, vector<1x16xf32>,
        %swap3A_376 = vector.shape_cast %swap3A_375 : vector<1x16xf32> to vector<16xf32>
        %swap3A_377 = vector.shape_cast %mul3A_372 : vector<16xf32> to vector<1x16xf32>
        tpu.vector_store %arg13[%swap3A_373, %swap3A_374], %swap3A_377 {strides = array<i32>} : memref<128x80xf32, #tpu.memory_space<vmem>>, vector<1x16xf32>,
        %get3A_378 = arith.index_cast %add3A_330 : i32 to index
        %get3A_379 = arith.constant 48 : index
        %get3A_380 = tpu.vector_load %arg11[%get3A_378, %get3A_379] {strides = array<i32>} : memref<128x80xf32, #tpu.memory_space<vmem>>, vector<1x16xf32>,
        %get3A_381 = vector.shape_cast %get3A_380 : vector<1x16xf32> to vector<16xf32>
        %mul3A_382 = arith.mulf %get3A_381, %gather3A_347 : vector<16xf32>
        %swap3A_383 = arith.index_cast %add3A_330 : i32 to index
        %swap3A_384 = arith.constant 48 : index
        %swap3A_385 = tpu.vector_load %arg13[%swap3A_383, %swap3A_384] {strides = array<i32>} : memref<128x80xf32, #tpu.memory_space<vmem>>, vector<1x16xf32>,
        %swap3A_386 = vector.shape_cast %swap3A_385 : vector<1x16xf32> to vector<16xf32>
        %swap3A_387 = vector.shape_cast %mul3A_382 : vector<16xf32> to vector<1x16xf32>
        tpu.vector_store %arg13[%swap3A_383, %swap3A_384], %swap3A_387 {strides = array<i32>} : memref<128x80xf32, #tpu.memory_space<vmem>>, vector<1x16xf32>,
        %swap3A_388 = arith.index_cast %add3A_330 : i32 to index
        %swap3A_389 = arith.constant 64 : index
        %swap3A_390 = tpu.vector_load %arg13[%swap3A_388, %swap3A_389] {strides = array<i32>} : memref<128x80xf32, #tpu.memory_space<vmem>>, vector<1x16xf32>,
        %swap3A_391 = vector.shape_cast %swap3A_390 : vector<1x16xf32> to vector<16xf32>
        %swap3A_392 = vector.shape_cast %get3A_335 : vector<16xf32> to vector<1x16xf32>
        tpu.vector_store %arg13[%swap3A_388, %swap3A_389], %swap3A_392 {strides = array<i32>} : memref<128x80xf32, #tpu.memory_space<vmem>>, vector<1x16xf32>,
        %mul3A_393 = arith.constant 4 : i32
        %mul3A_394 = arith.muli %scan3A_197, %mul3A_393 : i32
        %add3A_395 = arith.constant 3 : i32
        %add3A_396 = arith.addi %mul3A_394, %add3A_395 : i32
        %mul3A_397 = arith.constant 8 : i32
        %mul3A_398 = arith.muli %mul3A_397, %add3A_396 : i32
        %get3A_399 = arith.index_cast %mul3A_398 : i32 to index
        %get3A_400 = tpu.vector_load %arg16[%get3A_399] {strides = array<i32>} : memref<1040xf32, #tpu.memory_space<vmem>>, vector<16xf32>,
        %get3A_401 = vector.shape_cast %get3A_400 : vector<16xf32> to vector<16xf32>
        %reshape3A_402 = vector.shape_cast %shift_right_arithmetic3A_20 : vector<16xi32> to vector<16x1xi32>
        %gather3A_403 = vector.shape_cast %reshape3A_402 : vector<16x1xi32> to vector<16xi32>
        %gather3A_404 = tpu.dynamic_gather %get3A_401[%gather3A_403] in [0] : vector<16xf32>, vector<16xi32> -> vector<16xf32>
        %reshape3A_405 = vector.shape_cast %add3A_23 : vector<16xi32> to vector<16x1xi32>
        %gather3A_406 = vector.shape_cast %reshape3A_405 : vector<16x1xi32> to vector<16xi32>
        %gather3A_407 = tpu.dynamic_gather %get3A_401[%gather3A_406] in [0] : vector<16xf32>, vector<16xi32> -> vector<16xf32>
        %reshape3A_408 = vector.shape_cast %add3A_26 : vector<16xi32> to vector<16x1xi32>
        %gather3A_409 = vector.shape_cast %reshape3A_408 : vector<16x1xi32> to vector<16xi32>
        %gather3A_410 = tpu.dynamic_gather %get3A_401[%gather3A_409] in [0] : vector<16xf32>, vector<16xi32> -> vector<16xf32>
        %reshape3A_411 = vector.shape_cast %add3A_29 : vector<16xi32> to vector<16x1xi32>
        %gather3A_412 = vector.shape_cast %reshape3A_411 : vector<16x1xi32> to vector<16xi32>
        %gather3A_413 = tpu.dynamic_gather %get3A_401[%gather3A_412] in [0] : vector<16xf32>, vector<16xi32> -> vector<16xf32>
        %get3A_414 = arith.index_cast %add3A_396 : i32 to index
        %get3A_415 = arith.constant 0 : index
        %get3A_416 = tpu.vector_load %arg11[%get3A_414, %get3A_415] {strides = array<i32>} : memref<128x80xf32, #tpu.memory_space<vmem>>, vector<1x16xf32>,
        %get3A_417 = vector.shape_cast %get3A_416 : vector<1x16xf32> to vector<16xf32>
        %mul3A_418 = arith.mulf %get3A_417, %gather3A_404 : vector<16xf32>
        %swap3A_419 = arith.index_cast %add3A_396 : i32 to index
        %swap3A_420 = arith.constant 0 : index
        %swap3A_421 = tpu.vector_load %arg13[%swap3A_419, %swap3A_420] {strides = array<i32>} : memref<128x80xf32, #tpu.memory_space<vmem>>, vector<1x16xf32>,
        %swap3A_422 = vector.shape_cast %swap3A_421 : vector<1x16xf32> to vector<16xf32>
        %swap3A_423 = vector.shape_cast %mul3A_418 : vector<16xf32> to vector<1x16xf32>
        tpu.vector_store %arg13[%swap3A_419, %swap3A_420], %swap3A_423 {strides = array<i32>} : memref<128x80xf32, #tpu.memory_space<vmem>>, vector<1x16xf32>,
        %get3A_424 = arith.index_cast %add3A_396 : i32 to index
        %get3A_425 = arith.constant 16 : index
        %get3A_426 = tpu.vector_load %arg11[%get3A_424, %get3A_425] {strides = array<i32>} : memref<128x80xf32, #tpu.memory_space<vmem>>, vector<1x16xf32>,
        %get3A_427 = vector.shape_cast %get3A_426 : vector<1x16xf32> to vector<16xf32>
        %mul3A_428 = arith.mulf %get3A_427, %gather3A_407 : vector<16xf32>
        %swap3A_429 = arith.index_cast %add3A_396 : i32 to index
        %swap3A_430 = arith.constant 16 : index
        %swap3A_431 = tpu.vector_load %arg13[%swap3A_429, %swap3A_430] {strides = array<i32>} : memref<128x80xf32, #tpu.memory_space<vmem>>, vector<1x16xf32>,
        %swap3A_432 = vector.shape_cast %swap3A_431 : vector<1x16xf32> to vector<16xf32>
        %swap3A_433 = vector.shape_cast %mul3A_428 : vector<16xf32> to vector<1x16xf32>
        tpu.vector_store %arg13[%swap3A_429, %swap3A_430], %swap3A_433 {strides = array<i32>} : memref<128x80xf32, #tpu.memory_space<vmem>>, vector<1x16xf32>,
        %get3A_434 = arith.index_cast %add3A_396 : i32 to index
        %get3A_435 = arith.constant 32 : index
        %get3A_436 = tpu.vector_load %arg11[%get3A_434, %get3A_435] {strides = array<i32>} : memref<128x80xf32, #tpu.memory_space<vmem>>, vector<1x16xf32>,
        %get3A_437 = vector.shape_cast %get3A_436 : vector<1x16xf32> to vector<16xf32>
        %mul3A_438 = arith.mulf %get3A_437, %gather3A_410 : vector<16xf32>
        %swap3A_439 = arith.index_cast %add3A_396 : i32 to index
        %swap3A_440 = arith.constant 32 : index
        %swap3A_441 = tpu.vector_load %arg13[%swap3A_439, %swap3A_440] {strides = array<i32>} : memref<128x80xf32, #tpu.memory_space<vmem>>, vector<1x16xf32>,
        %swap3A_442 = vector.shape_cast %swap3A_441 : vector<1x16xf32> to vector<16xf32>
        %swap3A_443 = vector.shape_cast %mul3A_438 : vector<16xf32> to vector<1x16xf32>
        tpu.vector_store %arg13[%swap3A_439, %swap3A_440], %swap3A_443 {strides = array<i32>} : memref<128x80xf32, #tpu.memory_space<vmem>>, vector<1x16xf32>,
        %get3A_444 = arith.index_cast %add3A_396 : i32 to index
        %get3A_445 = arith.constant 48 : index
        %get3A_446 = tpu.vector_load %arg11[%get3A_444, %get3A_445] {strides = array<i32>} : memref<128x80xf32, #tpu.memory_space<vmem>>, vector<1x16xf32>,
        %get3A_447 = vector.shape_cast %get3A_446 : vector<1x16xf32> to vector<16xf32>
        %mul3A_448 = arith.mulf %get3A_447, %gather3A_413 : vector<16xf32>
        %swap3A_449 = arith.index_cast %add3A_396 : i32 to index
        %swap3A_450 = arith.constant 48 : index
        %swap3A_451 = tpu.vector_load %arg13[%swap3A_449, %swap3A_450] {strides = array<i32>} : memref<128x80xf32, #tpu.memory_space<vmem>>, vector<1x16xf32>,
        %swap3A_452 = vector.shape_cast %swap3A_451 : vector<1x16xf32> to vector<16xf32>
        %swap3A_453 = vector.shape_cast %mul3A_448 : vector<16xf32> to vector<1x16xf32>
        tpu.vector_store %arg13[%swap3A_449, %swap3A_450], %swap3A_453 {strides = array<i32>} : memref<128x80xf32, #tpu.memory_space<vmem>>, vector<1x16xf32>,
        %swap3A_454 = arith.index_cast %add3A_396 : i32 to index
        %swap3A_455 = arith.constant 64 : index
        %swap3A_456 = tpu.vector_load %arg13[%swap3A_454, %swap3A_455] {strides = array<i32>} : memref<128x80xf32, #tpu.memory_space<vmem>>, vector<1x16xf32>,
        %swap3A_457 = vector.shape_cast %swap3A_456 : vector<1x16xf32> to vector<16xf32>
        %swap3A_458 = vector.shape_cast %get3A_401 : vector<16xf32> to vector<1x16xf32>
        tpu.vector_store %arg13[%swap3A_454, %swap3A_455], %swap3A_458 {strides = array<i32>} : memref<128x80xf32, #tpu.memory_space<vmem>>, vector<1x16xf32>,
        %scan3A_459 = arith.constant 0 : i32
        scf.yield %scan3A_459 : i32
      }
      %scan3A_140 = arith.constant 32 : i32
      %dma_start3A_141 = arith.constant 0 : i32
      %dma_start3A_142 = tpu.memref_slice %arg7[%mul3A_95, %dma_start3A_141] : memref<42x128xi32, #tpu.memory_space<vmem>> -> memref<1x128xi32, #tpu.memory_space<vmem>>
      %dma_start3A_143 = tpu.memref_squeeze %dma_start3A_142 : memref<1x128xi32, #tpu.memory_space<vmem>> -> memref<128xi32, #tpu.memory_space<vmem>>
      %dma_start3A_144 = arith.constant 0 : i32
      %dma_start3A_145 = arith.constant 0 : i32
      %dma_start3A_146 = tpu.memref_slice %arg17[%dma_start3A_144, %dma_start3A_145] : memref<10240x80xf32, #tpu.memory_space<vmem_shared>> -> memref<10240x80xf32, #tpu.memory_space<vmem_shared>>
      tpu.enqueue_indirect_dma source(%arg13 : memref<128x80xf32, #tpu.memory_space<vmem>>) target(%dma_start3A_146 : memref<10240x80xf32, #tpu.memory_space<vmem_shared>>) offsets(%dma_start3A_143 : memref<128xi32, #tpu.memory_space<vmem>>) semaphore(%arg23 : memref<!tpu.dma_semaphore, #tpu.memory_space<semaphore_mem>>) {add = true}
      %dma_wait3A_147 = arith.constant 0 : i32
      %dma_wait3A_148 = tpu.memref_slice %arg7[%add3A_97, %dma_wait3A_147] : memref<42x128xi32, #tpu.memory_space<vmem>> -> memref<1x128xi32, #tpu.memory_space<vmem>>
      %dma_wait3A_149 = tpu.memref_squeeze %dma_wait3A_148 : memref<1x128xi32, #tpu.memory_space<vmem>> -> memref<128xi32, #tpu.memory_space<vmem>>
      %dma_wait3A_150 = arith.constant 0 : i32
      %dma_wait3A_151 = arith.constant 0 : i32
      %dma_wait3A_152 = tpu.memref_slice %arg18[%dma_wait3A_150, %dma_wait3A_151] : memref<10240x16xf32, #tpu.memory_space<vmem_shared>> -> memref<10240x16xf32, #tpu.memory_space<vmem_shared>>
      tpu.wait_indirect_dma semaphore(%arg20 : memref<!tpu.dma_semaphore, #tpu.memory_space<semaphore_mem>>) src(%dma_wait3A_152 : memref<10240x16xf32, #tpu.memory_space<vmem_shared>>) dst(%arg10 : memref<128x16xf32, #tpu.memory_space<vmem>>)
      %dma_wait3A_153 = arith.constant 0 : i32
      %dma_wait3A_154 = tpu.memref_slice %arg8[%add3A_97, %dma_wait3A_153] : memref<42x128xi32, #tpu.memory_space<vmem>> -> memref<1x128xi32, #tpu.memory_space<vmem>>
      %dma_wait3A_155 = tpu.memref_squeeze %dma_wait3A_154 : memref<1x128xi32, #tpu.memory_space<vmem>> -> memref<128xi32, #tpu.memory_space<vmem>>
      %dma_wait3A_156 = arith.constant 0 : i32
      %dma_wait3A_157 = arith.constant 0 : i32
      %dma_wait3A_158 = tpu.memref_slice %arg5[%dma_wait3A_156, %dma_wait3A_157] : memref<10240x80xf32, #tpu.memory_space<hbm>> -> memref<10240x80xf32, #tpu.memory_space<hbm>>
      tpu.wait_indirect_dma semaphore(%arg22 : memref<!tpu.dma_semaphore, #tpu.memory_space<semaphore_mem>>) src(%dma_wait3A_158 : memref<10240x80xf32, #tpu.memory_space<hbm>>) dst(%arg12 : memref<128x80xf32, #tpu.memory_space<vmem>>)
      %dma_start3A_159 = arith.constant 0 : i32
      %dma_start3A_160 = tpu.memref_slice %arg7[%min3A_100, %dma_start3A_159] : memref<42x128xi32, #tpu.memory_space<vmem>> -> memref<1x128xi32, #tpu.memory_space<vmem>>
      %dma_start3A_161 = tpu.memref_squeeze %dma_start3A_160 : memref<1x128xi32, #tpu.memory_space<vmem>> -> memref<128xi32, #tpu.memory_space<vmem>>
      %dma_start3A_162 = arith.constant 0 : i32
      %dma_start3A_163 = arith.constant 0 : i32
      %dma_start3A_164 = tpu.memref_slice %arg18[%dma_start3A_162, %dma_start3A_163] : memref<10240x16xf32, #tpu.memory_space<vmem_shared>> -> memref<10240x16xf32, #tpu.memory_space<vmem_shared>>
      tpu.enqueue_indirect_dma source(%dma_start3A_164 : memref<10240x16xf32, #tpu.memory_space<vmem_shared>>) target(%arg9 : memref<128x16xf32, #tpu.memory_space<vmem>>) offsets(%dma_start3A_161 : memref<128xi32, #tpu.memory_space<vmem>>) semaphore(%arg19 : memref<!tpu.dma_semaphore, #tpu.memory_space<semaphore_mem>>)
      %dma_start3A_165 = arith.constant 0 : i32
      %dma_start3A_166 = tpu.memref_slice %arg8[%min3A_100, %dma_start3A_165] : memref<42x128xi32, #tpu.memory_space<vmem>> -> memref<1x128xi32, #tpu.memory_space<vmem>>
      %dma_start3A_167 = tpu.memref_squeeze %dma_start3A_166 : memref<1x128xi32, #tpu.memory_space<vmem>> -> memref<128xi32, #tpu.memory_space<vmem>>
      %dma_start3A_168 = arith.constant 0 : i32
      %dma_start3A_169 = arith.constant 0 : i32
      %dma_start3A_170 = tpu.memref_slice %arg5[%dma_start3A_168, %dma_start3A_169] : memref<10240x80xf32, #tpu.memory_space<hbm>> -> memref<10240x80xf32, #tpu.memory_space<hbm>>
      tpu.enqueue_indirect_dma source(%dma_start3A_170 : memref<10240x80xf32, #tpu.memory_space<hbm>>) target(%arg11 : memref<128x80xf32, #tpu.memory_space<vmem>>) offsets(%dma_start3A_167 : memref<128xi32, #tpu.memory_space<vmem>>) semaphore(%arg21 : memref<!tpu.dma_semaphore, #tpu.memory_space<semaphore_mem>>)
      %gt3A_171 = arith.constant 0 : i32
      %gt3A_172 = arith.cmpi sgt, %scan3A_92, %gt3A_171 : i32
      %convert_element_type3A_173 = arith.extui %gt3A_172 : i1 to i32
      %cond3A_174 = arith.constant 0 : i32
      %cond3A_175 = arith.cmpi ne, %convert_element_type3A_173, %cond3A_174 : i32
      scf.if %cond3A_175 {
        %dma_wait3A_197 = arith.constant 0 : i32
        %dma_wait3A_198 = tpu.memref_slice %arg7[%add3A_97, %dma_wait3A_197] : memref<42x128xi32, #tpu.memory_space<vmem>> -> memref<1x128xi32, #tpu.memory_space<vmem>>
        %dma_wait3A_199 = tpu.memref_squeeze %dma_wait3A_198 : memref<1x128xi32, #tpu.memory_space<vmem>> -> memref<128xi32, #tpu.memory_space<vmem>>
        %dma_wait3A_200 = arith.constant 0 : i32
        %dma_wait3A_201 = arith.constant 0 : i32
        %dma_wait3A_202 = tpu.memref_slice %arg17[%dma_wait3A_200, %dma_wait3A_201] : memref<10240x80xf32, #tpu.memory_space<vmem_shared>> -> memref<10240x80xf32, #tpu.memory_space<vmem_shared>>
        tpu.wait_indirect_dma semaphore(%arg24 : memref<!tpu.dma_semaphore, #tpu.memory_space<semaphore_mem>>) src(%arg14 : memref<128x80xf32, #tpu.memory_space<vmem>>) dst(%dma_wait3A_202 : memref<10240x80xf32, #tpu.memory_space<vmem_shared>>)
      } else {
      }
      %scan3A_176 = arith.constant 0 : i32
      %scan3A_177 = arith.constant 0 : i32
      %scan3A_178 = arith.constant 32 : i32
      %scan3A_179 = arith.addi %scan3A_177, %scan3A_178 : i32
      %scan3A_180 = arith.constant 1 : i32
      %scan3A_181 = scf.for %scan3A_197 = %scan3A_177 to %scan3A_179 step %scan3A_180 iter_args(%scan3A_198 = %scan3A_176) -> (i32)  : i32 {
        %mul3A_199 = arith.constant 2 : i32
        %mul3A_200 = arith.muli %scan3A_197, %mul3A_199 : i32
        %add3A_201 = arith.constant 0 : i32
        %add3A_202 = arith.addi %mul3A_200, %add3A_201 : i32
        %mul3A_203 = arith.constant 2 : i32
        %mul3A_204 = arith.muli %add3A_202, %mul3A_203 : i32
        %get3A = arith.index_cast %mul3A_204 : i32 to index
        %get3A_205 = arith.constant 0 : index
        %get3A_206 = tpu.vector_load %arg10[%get3A, %get3A_205] {strides = array<i32>} : memref<128x16xf32, #tpu.memory_space<vmem>>, vector<1x16xf32>,
        %get3A_207 = vector.shape_cast %get3A_206 : vector<1x16xf32> to vector<16xf32>
        %add3A_208 = arith.constant 1 : i32
        %add3A_209 = arith.addi %mul3A_204, %add3A_208 : i32
        %get3A_210 = arith.index_cast %add3A_209 : i32 to index
        %get3A_211 = arith.constant 0 : index
        %get3A_212 = tpu.vector_load %arg10[%get3A_210, %get3A_211] {strides = array<i32>} : memref<128x16xf32, #tpu.memory_space<vmem>>, vector<1x16xf32>,
        %get3A_213 = vector.shape_cast %get3A_212 : vector<1x16xf32> to vector<16xf32>
        %reshape3A = vector.shape_cast %and3A_36 : vector<16xi32> to vector<16x1xi32>
        %gather3A = vector.shape_cast %reshape3A : vector<16x1xi32> to vector<16xi32>
        %gather3A_214 = tpu.dynamic_gather %get3A_213[%gather3A] in [0] : vector<16xf32>, vector<16xi32> -> vector<16xf32>
        %select_n3A = arith.select %lt3A_31, %get3A_207, %gather3A_214 : vector<16xi1>, vector<16xf32>
        %get3A_215 = arith.index_cast %mul3A_204 : i32 to index
        %get3A_216 = arith.constant 64 : index
        %get3A_217 = tpu.vector_load %arg12[%get3A_215, %get3A_216] {strides = array<i32>} : memref<128x80xf32, #tpu.memory_space<vmem>>, vector<1x16xf32>,
        %get3A_218 = vector.shape_cast %get3A_217 : vector<1x16xf32> to vector<16xf32>
        %add3A_219 = arith.constant 1 : i32
        %add3A_220 = arith.addi %mul3A_204, %add3A_219 : i32
        %get3A_221 = arith.index_cast %add3A_220 : i32 to index
        %get3A_222 = arith.constant 56 : index
        %get3A_223 = tpu.vector_load %arg12[%get3A_221, %get3A_222] {strides = array<i32>} : memref<128x80xf32, #tpu.memory_space<vmem>>, vector<1x16xf32>,
        %get3A_224 = vector.shape_cast %get3A_223 : vector<1x16xf32> to vector<16xf32>
        %select_n3A_225 = arith.select %lt3A_31, %get3A_218, %get3A_224 : vector<16xi1>, vector<16xf32>
        %add3A_226 = arith.addf %select_n3A, %select_n3A_225 : vector<16xf32>
        %ge3A = arith.constant 0.000000e+00 : f32
        %ge3A_227 = vector.broadcast %ge3A : f32 to vector<16xf32>
        %ge3A_228 = arith.cmpf oge, %add3A_226, %ge3A_227 : vector<16xf32>
        %mul3A_229 = arith.constant 2.000000e-01 : f32
        %mul3A_230 = vector.broadcast %mul3A_229 : f32 to vector<16xf32>
        %mul3A_231 = arith.mulf %mul3A_230, %add3A_226 : vector<16xf32>
        %select_n3A_232 = arith.select %ge3A_228, %add3A_226, %mul3A_231 : vector<16xi1>, vector<16xf32>
        %neg3A = arith.constant 0.000000e+00 : f32
        %neg3A_233 = vector.broadcast %neg3A : f32 to vector<16xf32>
        %neg3A_234 = arith.subf %neg3A_233, %select_n3A_232 : vector<16xf32>
        %exp3A = math.exp %neg3A_234 : vector<16xf32>
        %mul3A_235 = arith.constant 16 : i32
        %mul3A_236 = arith.muli %mul3A_235, %add3A_202 : i32
        %swap3A = arith.index_cast %mul3A_236 : i32 to index
        %swap3A_237 = tpu.vector_load %arg16[%swap3A] {strides = array<i32>} : memref<1040xf32, #tpu.memory_space<vmem>>, vector<16xf32>,
        %swap3A_238 = vector.shape_cast %swap3A_237 : vector<16xf32> to vector<16xf32>
        %swap3A_239 = vector.shape_cast %exp3A : vector<16xf32> to vector<16xf32>
        tpu.vector_store %arg16[%swap3A], %swap3A_239 {strides = array<i32>} : memref<1040xf32, #tpu.memory_space<vmem>>, vector<16xf32>,
        %mul3A_240 = arith.constant 2 : i32
        %mul3A_241 = arith.muli %scan3A_197, %mul3A_240 : i32
        %add3A_242 = arith.constant 1 : i32
        %add3A_243 = arith.addi %mul3A_241, %add3A_242 : i32
        %mul3A_244 = arith.constant 2 : i32
        %mul3A_245 = arith.muli %add3A_243, %mul3A_244 : i32
        %get3A_246 = arith.index_cast %mul3A_245 : i32 to index
        %get3A_247 = arith.constant 0 : index
        %get3A_248 = tpu.vector_load %arg10[%get3A_246, %get3A_247] {strides = array<i32>} : memref<128x16xf32, #tpu.memory_space<vmem>>, vector<1x16xf32>,
        %get3A_249 = vector.shape_cast %get3A_248 : vector<1x16xf32> to vector<16xf32>
        %add3A_250 = arith.constant 1 : i32
        %add3A_251 = arith.addi %mul3A_245, %add3A_250 : i32
        %get3A_252 = arith.index_cast %add3A_251 : i32 to index
        %get3A_253 = arith.constant 0 : index
        %get3A_254 = tpu.vector_load %arg10[%get3A_252, %get3A_253] {strides = array<i32>} : memref<128x16xf32, #tpu.memory_space<vmem>>, vector<1x16xf32>,
        %get3A_255 = vector.shape_cast %get3A_254 : vector<1x16xf32> to vector<16xf32>
        %reshape3A_256 = vector.shape_cast %and3A_36 : vector<16xi32> to vector<16x1xi32>
        %gather3A_257 = vector.shape_cast %reshape3A_256 : vector<16x1xi32> to vector<16xi32>
        %gather3A_258 = tpu.dynamic_gather %get3A_255[%gather3A_257] in [0] : vector<16xf32>, vector<16xi32> -> vector<16xf32>
        %select_n3A_259 = arith.select %lt3A_31, %get3A_249, %gather3A_258 : vector<16xi1>, vector<16xf32>
        %get3A_260 = arith.index_cast %mul3A_245 : i32 to index
        %get3A_261 = arith.constant 64 : index
        %get3A_262 = tpu.vector_load %arg12[%get3A_260, %get3A_261] {strides = array<i32>} : memref<128x80xf32, #tpu.memory_space<vmem>>, vector<1x16xf32>,
        %get3A_263 = vector.shape_cast %get3A_262 : vector<1x16xf32> to vector<16xf32>
        %add3A_264 = arith.constant 1 : i32
        %add3A_265 = arith.addi %mul3A_245, %add3A_264 : i32
        %get3A_266 = arith.index_cast %add3A_265 : i32 to index
        %get3A_267 = arith.constant 56 : index
        %get3A_268 = tpu.vector_load %arg12[%get3A_266, %get3A_267] {strides = array<i32>} : memref<128x80xf32, #tpu.memory_space<vmem>>, vector<1x16xf32>,
        %get3A_269 = vector.shape_cast %get3A_268 : vector<1x16xf32> to vector<16xf32>
        %select_n3A_270 = arith.select %lt3A_31, %get3A_263, %get3A_269 : vector<16xi1>, vector<16xf32>
        %add3A_271 = arith.addf %select_n3A_259, %select_n3A_270 : vector<16xf32>
        %ge3A_272 = arith.constant 0.000000e+00 : f32
        %ge3A_273 = vector.broadcast %ge3A_272 : f32 to vector<16xf32>
        %ge3A_274 = arith.cmpf oge, %add3A_271, %ge3A_273 : vector<16xf32>
        %mul3A_275 = arith.constant 2.000000e-01 : f32
        %mul3A_276 = vector.broadcast %mul3A_275 : f32 to vector<16xf32>
        %mul3A_277 = arith.mulf %mul3A_276, %add3A_271 : vector<16xf32>
        %select_n3A_278 = arith.select %ge3A_274, %add3A_271, %mul3A_277 : vector<16xi1>, vector<16xf32>
        %neg3A_279 = arith.constant 0.000000e+00 : f32
        %neg3A_280 = vector.broadcast %neg3A_279 : f32 to vector<16xf32>
        %neg3A_281 = arith.subf %neg3A_280, %select_n3A_278 : vector<16xf32>
        %exp3A_282 = math.exp %neg3A_281 : vector<16xf32>
        %mul3A_283 = arith.constant 16 : i32
        %mul3A_284 = arith.muli %mul3A_283, %add3A_243 : i32
        %swap3A_285 = arith.index_cast %mul3A_284 : i32 to index
        %swap3A_286 = tpu.vector_load %arg16[%swap3A_285] {strides = array<i32>} : memref<1040xf32, #tpu.memory_space<vmem>>, vector<16xf32>,
        %swap3A_287 = vector.shape_cast %swap3A_286 : vector<16xf32> to vector<16xf32>
        %swap3A_288 = vector.shape_cast %exp3A_282 : vector<16xf32> to vector<16xf32>
        tpu.vector_store %arg16[%swap3A_285], %swap3A_288 {strides = array<i32>} : memref<1040xf32, #tpu.memory_space<vmem>>, vector<16xf32>,
        %scan3A_289 = arith.constant 0 : i32
        scf.yield %scan3A_289 : i32
      }
      %scan3A_182 = arith.constant 32 : i32
      %scan3A_183 = arith.constant 0 : i32
      %scan3A_184 = arith.constant 0 : i32
      %scan3A_185 = arith.constant 32 : i32
      %scan3A_186 = arith.addi %scan3A_184, %scan3A_185 : i32
      %scan3A_187 = arith.constant 1 : i32
      %scan3A_188 = scf.for %scan3A_197 = %scan3A_184 to %scan3A_186 step %scan3A_187 iter_args(%scan3A_198 = %scan3A_183) -> (i32)  : i32 {
        %mul3A_199 = arith.constant 4 : i32
        %mul3A_200 = arith.muli %scan3A_197, %mul3A_199 : i32
        %add3A_201 = arith.constant 0 : i32
        %add3A_202 = arith.addi %mul3A_200, %add3A_201 : i32
        %mul3A_203 = arith.constant 8 : i32
        %mul3A_204 = arith.muli %mul3A_203, %add3A_202 : i32
        %get3A = arith.index_cast %mul3A_204 : i32 to index
        %get3A_205 = tpu.vector_load %arg16[%get3A] {strides = array<i32>} : memref<1040xf32, #tpu.memory_space<vmem>>, vector<16xf32>,
        %get3A_206 = vector.shape_cast %get3A_205 : vector<16xf32> to vector<16xf32>
        %reshape3A = vector.shape_cast %shift_right_arithmetic3A_20 : vector<16xi32> to vector<16x1xi32>
        %gather3A = vector.shape_cast %reshape3A : vector<16x1xi32> to vector<16xi32>
        %gather3A_207 = tpu.dynamic_gather %get3A_206[%gather3A] in [0] : vector<16xf32>, vector<16xi32> -> vector<16xf32>
        %reshape3A_208 = vector.shape_cast %add3A_23 : vector<16xi32> to vector<16x1xi32>
        %gather3A_209 = vector.shape_cast %reshape3A_208 : vector<16x1xi32> to vector<16xi32>
        %gather3A_210 = tpu.dynamic_gather %get3A_206[%gather3A_209] in [0] : vector<16xf32>, vector<16xi32> -> vector<16xf32>
        %reshape3A_211 = vector.shape_cast %add3A_26 : vector<16xi32> to vector<16x1xi32>
        %gather3A_212 = vector.shape_cast %reshape3A_211 : vector<16x1xi32> to vector<16xi32>
        %gather3A_213 = tpu.dynamic_gather %get3A_206[%gather3A_212] in [0] : vector<16xf32>, vector<16xi32> -> vector<16xf32>
        %reshape3A_214 = vector.shape_cast %add3A_29 : vector<16xi32> to vector<16x1xi32>
        %gather3A_215 = vector.shape_cast %reshape3A_214 : vector<16x1xi32> to vector<16xi32>
        %gather3A_216 = tpu.dynamic_gather %get3A_206[%gather3A_215] in [0] : vector<16xf32>, vector<16xi32> -> vector<16xf32>
        %get3A_217 = arith.index_cast %add3A_202 : i32 to index
        %get3A_218 = arith.constant 0 : index
        %get3A_219 = tpu.vector_load %arg12[%get3A_217, %get3A_218] {strides = array<i32>} : memref<128x80xf32, #tpu.memory_space<vmem>>, vector<1x16xf32>,
        %get3A_220 = vector.shape_cast %get3A_219 : vector<1x16xf32> to vector<16xf32>
        %mul3A_221 = arith.mulf %get3A_220, %gather3A_207 : vector<16xf32>
        %swap3A = arith.index_cast %add3A_202 : i32 to index
        %swap3A_222 = arith.constant 0 : index
        %swap3A_223 = tpu.vector_load %arg14[%swap3A, %swap3A_222] {strides = array<i32>} : memref<128x80xf32, #tpu.memory_space<vmem>>, vector<1x16xf32>,
        %swap3A_224 = vector.shape_cast %swap3A_223 : vector<1x16xf32> to vector<16xf32>
        %swap3A_225 = vector.shape_cast %mul3A_221 : vector<16xf32> to vector<1x16xf32>
        tpu.vector_store %arg14[%swap3A, %swap3A_222], %swap3A_225 {strides = array<i32>} : memref<128x80xf32, #tpu.memory_space<vmem>>, vector<1x16xf32>,
        %get3A_226 = arith.index_cast %add3A_202 : i32 to index
        %get3A_227 = arith.constant 16 : index
        %get3A_228 = tpu.vector_load %arg12[%get3A_226, %get3A_227] {strides = array<i32>} : memref<128x80xf32, #tpu.memory_space<vmem>>, vector<1x16xf32>,
        %get3A_229 = vector.shape_cast %get3A_228 : vector<1x16xf32> to vector<16xf32>
        %mul3A_230 = arith.mulf %get3A_229, %gather3A_210 : vector<16xf32>
        %swap3A_231 = arith.index_cast %add3A_202 : i32 to index
        %swap3A_232 = arith.constant 16 : index
        %swap3A_233 = tpu.vector_load %arg14[%swap3A_231, %swap3A_232] {strides = array<i32>} : memref<128x80xf32, #tpu.memory_space<vmem>>, vector<1x16xf32>,
        %swap3A_234 = vector.shape_cast %swap3A_233 : vector<1x16xf32> to vector<16xf32>
        %swap3A_235 = vector.shape_cast %mul3A_230 : vector<16xf32> to vector<1x16xf32>
        tpu.vector_store %arg14[%swap3A_231, %swap3A_232], %swap3A_235 {strides = array<i32>} : memref<128x80xf32, #tpu.memory_space<vmem>>, vector<1x16xf32>,
        %get3A_236 = arith.index_cast %add3A_202 : i32 to index
        %get3A_237 = arith.constant 32 : index
        %get3A_238 = tpu.vector_load %arg12[%get3A_236, %get3A_237] {strides = array<i32>} : memref<128x80xf32, #tpu.memory_space<vmem>>, vector<1x16xf32>,
        %get3A_239 = vector.shape_cast %get3A_238 : vector<1x16xf32> to vector<16xf32>
        %mul3A_240 = arith.mulf %get3A_239, %gather3A_213 : vector<16xf32>
        %swap3A_241 = arith.index_cast %add3A_202 : i32 to index
        %swap3A_242 = arith.constant 32 : index
        %swap3A_243 = tpu.vector_load %arg14[%swap3A_241, %swap3A_242] {strides = array<i32>} : memref<128x80xf32, #tpu.memory_space<vmem>>, vector<1x16xf32>,
        %swap3A_244 = vector.shape_cast %swap3A_243 : vector<1x16xf32> to vector<16xf32>
        %swap3A_245 = vector.shape_cast %mul3A_240 : vector<16xf32> to vector<1x16xf32>
        tpu.vector_store %arg14[%swap3A_241, %swap3A_242], %swap3A_245 {strides = array<i32>} : memref<128x80xf32, #tpu.memory_space<vmem>>, vector<1x16xf32>,
        %get3A_246 = arith.index_cast %add3A_202 : i32 to index
        %get3A_247 = arith.constant 48 : index
        %get3A_248 = tpu.vector_load %arg12[%get3A_246, %get3A_247] {strides = array<i32>} : memref<128x80xf32, #tpu.memory_space<vmem>>, vector<1x16xf32>,
        %get3A_249 = vector.shape_cast %get3A_248 : vector<1x16xf32> to vector<16xf32>
        %mul3A_250 = arith.mulf %get3A_249, %gather3A_216 : vector<16xf32>
        %swap3A_251 = arith.index_cast %add3A_202 : i32 to index
        %swap3A_252 = arith.constant 48 : index
        %swap3A_253 = tpu.vector_load %arg14[%swap3A_251, %swap3A_252] {strides = array<i32>} : memref<128x80xf32, #tpu.memory_space<vmem>>, vector<1x16xf32>,
        %swap3A_254 = vector.shape_cast %swap3A_253 : vector<1x16xf32> to vector<16xf32>
        %swap3A_255 = vector.shape_cast %mul3A_250 : vector<16xf32> to vector<1x16xf32>
        tpu.vector_store %arg14[%swap3A_251, %swap3A_252], %swap3A_255 {strides = array<i32>} : memref<128x80xf32, #tpu.memory_space<vmem>>, vector<1x16xf32>,
        %swap3A_256 = arith.index_cast %add3A_202 : i32 to index
        %swap3A_257 = arith.constant 64 : index
        %swap3A_258 = tpu.vector_load %arg14[%swap3A_256, %swap3A_257] {strides = array<i32>} : memref<128x80xf32, #tpu.memory_space<vmem>>, vector<1x16xf32>,
        %swap3A_259 = vector.shape_cast %swap3A_258 : vector<1x16xf32> to vector<16xf32>
        %swap3A_260 = vector.shape_cast %get3A_206 : vector<16xf32> to vector<1x16xf32>
        tpu.vector_store %arg14[%swap3A_256, %swap3A_257], %swap3A_260 {strides = array<i32>} : memref<128x80xf32, #tpu.memory_space<vmem>>, vector<1x16xf32>,
        %mul3A_261 = arith.constant 4 : i32
        %mul3A_262 = arith.muli %scan3A_197, %mul3A_261 : i32
        %add3A_263 = arith.constant 1 : i32
        %add3A_264 = arith.addi %mul3A_262, %add3A_263 : i32
        %mul3A_265 = arith.constant 8 : i32
        %mul3A_266 = arith.muli %mul3A_265, %add3A_264 : i32
        %get3A_267 = arith.index_cast %mul3A_266 : i32 to index
        %get3A_268 = tpu.vector_load %arg16[%get3A_267] {strides = array<i32>} : memref<1040xf32, #tpu.memory_space<vmem>>, vector<16xf32>,
        %get3A_269 = vector.shape_cast %get3A_268 : vector<16xf32> to vector<16xf32>
        %reshape3A_270 = vector.shape_cast %shift_right_arithmetic3A_20 : vector<16xi32> to vector<16x1xi32>
        %gather3A_271 = vector.shape_cast %reshape3A_270 : vector<16x1xi32> to vector<16xi32>
        %gather3A_272 = tpu.dynamic_gather %get3A_269[%gather3A_271] in [0] : vector<16xf32>, vector<16xi32> -> vector<16xf32>
        %reshape3A_273 = vector.shape_cast %add3A_23 : vector<16xi32> to vector<16x1xi32>
        %gather3A_274 = vector.shape_cast %reshape3A_273 : vector<16x1xi32> to vector<16xi32>
        %gather3A_275 = tpu.dynamic_gather %get3A_269[%gather3A_274] in [0] : vector<16xf32>, vector<16xi32> -> vector<16xf32>
        %reshape3A_276 = vector.shape_cast %add3A_26 : vector<16xi32> to vector<16x1xi32>
        %gather3A_277 = vector.shape_cast %reshape3A_276 : vector<16x1xi32> to vector<16xi32>
        %gather3A_278 = tpu.dynamic_gather %get3A_269[%gather3A_277] in [0] : vector<16xf32>, vector<16xi32> -> vector<16xf32>
        %reshape3A_279 = vector.shape_cast %add3A_29 : vector<16xi32> to vector<16x1xi32>
        %gather3A_280 = vector.shape_cast %reshape3A_279 : vector<16x1xi32> to vector<16xi32>
        %gather3A_281 = tpu.dynamic_gather %get3A_269[%gather3A_280] in [0] : vector<16xf32>, vector<16xi32> -> vector<16xf32>
        %get3A_282 = arith.index_cast %add3A_264 : i32 to index
        %get3A_283 = arith.constant 0 : index
        %get3A_284 = tpu.vector_load %arg12[%get3A_282, %get3A_283] {strides = array<i32>} : memref<128x80xf32, #tpu.memory_space<vmem>>, vector<1x16xf32>,
        %get3A_285 = vector.shape_cast %get3A_284 : vector<1x16xf32> to vector<16xf32>
        %mul3A_286 = arith.mulf %get3A_285, %gather3A_272 : vector<16xf32>
        %swap3A_287 = arith.index_cast %add3A_264 : i32 to index
        %swap3A_288 = arith.constant 0 : index
        %swap3A_289 = tpu.vector_load %arg14[%swap3A_287, %swap3A_288] {strides = array<i32>} : memref<128x80xf32, #tpu.memory_space<vmem>>, vector<1x16xf32>,
        %swap3A_290 = vector.shape_cast %swap3A_289 : vector<1x16xf32> to vector<16xf32>
        %swap3A_291 = vector.shape_cast %mul3A_286 : vector<16xf32> to vector<1x16xf32>
        tpu.vector_store %arg14[%swap3A_287, %swap3A_288], %swap3A_291 {strides = array<i32>} : memref<128x80xf32, #tpu.memory_space<vmem>>, vector<1x16xf32>,
        %get3A_292 = arith.index_cast %add3A_264 : i32 to index
        %get3A_293 = arith.constant 16 : index
        %get3A_294 = tpu.vector_load %arg12[%get3A_292, %get3A_293] {strides = array<i32>} : memref<128x80xf32, #tpu.memory_space<vmem>>, vector<1x16xf32>,
        %get3A_295 = vector.shape_cast %get3A_294 : vector<1x16xf32> to vector<16xf32>
        %mul3A_296 = arith.mulf %get3A_295, %gather3A_275 : vector<16xf32>
        %swap3A_297 = arith.index_cast %add3A_264 : i32 to index
        %swap3A_298 = arith.constant 16 : index
        %swap3A_299 = tpu.vector_load %arg14[%swap3A_297, %swap3A_298] {strides = array<i32>} : memref<128x80xf32, #tpu.memory_space<vmem>>, vector<1x16xf32>,
        %swap3A_300 = vector.shape_cast %swap3A_299 : vector<1x16xf32> to vector<16xf32>
        %swap3A_301 = vector.shape_cast %mul3A_296 : vector<16xf32> to vector<1x16xf32>
        tpu.vector_store %arg14[%swap3A_297, %swap3A_298], %swap3A_301 {strides = array<i32>} : memref<128x80xf32, #tpu.memory_space<vmem>>, vector<1x16xf32>,
        %get3A_302 = arith.index_cast %add3A_264 : i32 to index
        %get3A_303 = arith.constant 32 : index
        %get3A_304 = tpu.vector_load %arg12[%get3A_302, %get3A_303] {strides = array<i32>} : memref<128x80xf32, #tpu.memory_space<vmem>>, vector<1x16xf32>,
        %get3A_305 = vector.shape_cast %get3A_304 : vector<1x16xf32> to vector<16xf32>
        %mul3A_306 = arith.mulf %get3A_305, %gather3A_278 : vector<16xf32>
        %swap3A_307 = arith.index_cast %add3A_264 : i32 to index
        %swap3A_308 = arith.constant 32 : index
        %swap3A_309 = tpu.vector_load %arg14[%swap3A_307, %swap3A_308] {strides = array<i32>} : memref<128x80xf32, #tpu.memory_space<vmem>>, vector<1x16xf32>,
        %swap3A_310 = vector.shape_cast %swap3A_309 : vector<1x16xf32> to vector<16xf32>
        %swap3A_311 = vector.shape_cast %mul3A_306 : vector<16xf32> to vector<1x16xf32>
        tpu.vector_store %arg14[%swap3A_307, %swap3A_308], %swap3A_311 {strides = array<i32>} : memref<128x80xf32, #tpu.memory_space<vmem>>, vector<1x16xf32>,
        %get3A_312 = arith.index_cast %add3A_264 : i32 to index
        %get3A_313 = arith.constant 48 : index
        %get3A_314 = tpu.vector_load %arg12[%get3A_312, %get3A_313] {strides = array<i32>} : memref<128x80xf32, #tpu.memory_space<vmem>>, vector<1x16xf32>,
        %get3A_315 = vector.shape_cast %get3A_314 : vector<1x16xf32> to vector<16xf32>
        %mul3A_316 = arith.mulf %get3A_315, %gather3A_281 : vector<16xf32>
        %swap3A_317 = arith.index_cast %add3A_264 : i32 to index
        %swap3A_318 = arith.constant 48 : index
        %swap3A_319 = tpu.vector_load %arg14[%swap3A_317, %swap3A_318] {strides = array<i32>} : memref<128x80xf32, #tpu.memory_space<vmem>>, vector<1x16xf32>,
        %swap3A_320 = vector.shape_cast %swap3A_319 : vector<1x16xf32> to vector<16xf32>
        %swap3A_321 = vector.shape_cast %mul3A_316 : vector<16xf32> to vector<1x16xf32>
        tpu.vector_store %arg14[%swap3A_317, %swap3A_318], %swap3A_321 {strides = array<i32>} : memref<128x80xf32, #tpu.memory_space<vmem>>, vector<1x16xf32>,
        %swap3A_322 = arith.index_cast %add3A_264 : i32 to index
        %swap3A_323 = arith.constant 64 : index
        %swap3A_324 = tpu.vector_load %arg14[%swap3A_322, %swap3A_323] {strides = array<i32>} : memref<128x80xf32, #tpu.memory_space<vmem>>, vector<1x16xf32>,
        %swap3A_325 = vector.shape_cast %swap3A_324 : vector<1x16xf32> to vector<16xf32>
        %swap3A_326 = vector.shape_cast %get3A_269 : vector<16xf32> to vector<1x16xf32>
        tpu.vector_store %arg14[%swap3A_322, %swap3A_323], %swap3A_326 {strides = array<i32>} : memref<128x80xf32, #tpu.memory_space<vmem>>, vector<1x16xf32>,
        %mul3A_327 = arith.constant 4 : i32
        %mul3A_328 = arith.muli %scan3A_197, %mul3A_327 : i32
        %add3A_329 = arith.constant 2 : i32
        %add3A_330 = arith.addi %mul3A_328, %add3A_329 : i32
        %mul3A_331 = arith.constant 8 : i32
        %mul3A_332 = arith.muli %mul3A_331, %add3A_330 : i32
        %get3A_333 = arith.index_cast %mul3A_332 : i32 to index
        %get3A_334 = tpu.vector_load %arg16[%get3A_333] {strides = array<i32>} : memref<1040xf32, #tpu.memory_space<vmem>>, vector<16xf32>,
        %get3A_335 = vector.shape_cast %get3A_334 : vector<16xf32> to vector<16xf32>
        %reshape3A_336 = vector.shape_cast %shift_right_arithmetic3A_20 : vector<16xi32> to vector<16x1xi32>
        %gather3A_337 = vector.shape_cast %reshape3A_336 : vector<16x1xi32> to vector<16xi32>
        %gather3A_338 = tpu.dynamic_gather %get3A_335[%gather3A_337] in [0] : vector<16xf32>, vector<16xi32> -> vector<16xf32>
        %reshape3A_339 = vector.shape_cast %add3A_23 : vector<16xi32> to vector<16x1xi32>
        %gather3A_340 = vector.shape_cast %reshape3A_339 : vector<16x1xi32> to vector<16xi32>
        %gather3A_341 = tpu.dynamic_gather %get3A_335[%gather3A_340] in [0] : vector<16xf32>, vector<16xi32> -> vector<16xf32>
        %reshape3A_342 = vector.shape_cast %add3A_26 : vector<16xi32> to vector<16x1xi32>
        %gather3A_343 = vector.shape_cast %reshape3A_342 : vector<16x1xi32> to vector<16xi32>
        %gather3A_344 = tpu.dynamic_gather %get3A_335[%gather3A_343] in [0] : vector<16xf32>, vector<16xi32> -> vector<16xf32>
        %reshape3A_345 = vector.shape_cast %add3A_29 : vector<16xi32> to vector<16x1xi32>
        %gather3A_346 = vector.shape_cast %reshape3A_345 : vector<16x1xi32> to vector<16xi32>
        %gather3A_347 = tpu.dynamic_gather %get3A_335[%gather3A_346] in [0] : vector<16xf32>, vector<16xi32> -> vector<16xf32>
        %get3A_348 = arith.index_cast %add3A_330 : i32 to index
        %get3A_349 = arith.constant 0 : index
        %get3A_350 = tpu.vector_load %arg12[%get3A_348, %get3A_349] {strides = array<i32>} : memref<128x80xf32, #tpu.memory_space<vmem>>, vector<1x16xf32>,
        %get3A_351 = vector.shape_cast %get3A_350 : vector<1x16xf32> to vector<16xf32>
        %mul3A_352 = arith.mulf %get3A_351, %gather3A_338 : vector<16xf32>
        %swap3A_353 = arith.index_cast %add3A_330 : i32 to index
        %swap3A_354 = arith.constant 0 : index
        %swap3A_355 = tpu.vector_load %arg14[%swap3A_353, %swap3A_354] {strides = array<i32>} : memref<128x80xf32, #tpu.memory_space<vmem>>, vector<1x16xf32>,
        %swap3A_356 = vector.shape_cast %swap3A_355 : vector<1x16xf32> to vector<16xf32>
        %swap3A_357 = vector.shape_cast %mul3A_352 : vector<16xf32> to vector<1x16xf32>
        tpu.vector_store %arg14[%swap3A_353, %swap3A_354], %swap3A_357 {strides = array<i32>} : memref<128x80xf32, #tpu.memory_space<vmem>>, vector<1x16xf32>,
        %get3A_358 = arith.index_cast %add3A_330 : i32 to index
        %get3A_359 = arith.constant 16 : index
        %get3A_360 = tpu.vector_load %arg12[%get3A_358, %get3A_359] {strides = array<i32>} : memref<128x80xf32, #tpu.memory_space<vmem>>, vector<1x16xf32>,
        %get3A_361 = vector.shape_cast %get3A_360 : vector<1x16xf32> to vector<16xf32>
        %mul3A_362 = arith.mulf %get3A_361, %gather3A_341 : vector<16xf32>
        %swap3A_363 = arith.index_cast %add3A_330 : i32 to index
        %swap3A_364 = arith.constant 16 : index
        %swap3A_365 = tpu.vector_load %arg14[%swap3A_363, %swap3A_364] {strides = array<i32>} : memref<128x80xf32, #tpu.memory_space<vmem>>, vector<1x16xf32>,
        %swap3A_366 = vector.shape_cast %swap3A_365 : vector<1x16xf32> to vector<16xf32>
        %swap3A_367 = vector.shape_cast %mul3A_362 : vector<16xf32> to vector<1x16xf32>
        tpu.vector_store %arg14[%swap3A_363, %swap3A_364], %swap3A_367 {strides = array<i32>} : memref<128x80xf32, #tpu.memory_space<vmem>>, vector<1x16xf32>,
        %get3A_368 = arith.index_cast %add3A_330 : i32 to index
        %get3A_369 = arith.constant 32 : index
        %get3A_370 = tpu.vector_load %arg12[%get3A_368, %get3A_369] {strides = array<i32>} : memref<128x80xf32, #tpu.memory_space<vmem>>, vector<1x16xf32>,
        %get3A_371 = vector.shape_cast %get3A_370 : vector<1x16xf32> to vector<16xf32>
        %mul3A_372 = arith.mulf %get3A_371, %gather3A_344 : vector<16xf32>
        %swap3A_373 = arith.index_cast %add3A_330 : i32 to index
        %swap3A_374 = arith.constant 32 : index
        %swap3A_375 = tpu.vector_load %arg14[%swap3A_373, %swap3A_374] {strides = array<i32>} : memref<128x80xf32, #tpu.memory_space<vmem>>, vector<1x16xf32>,
        %swap3A_376 = vector.shape_cast %swap3A_375 : vector<1x16xf32> to vector<16xf32>
        %swap3A_377 = vector.shape_cast %mul3A_372 : vector<16xf32> to vector<1x16xf32>
        tpu.vector_store %arg14[%swap3A_373, %swap3A_374], %swap3A_377 {strides = array<i32>} : memref<128x80xf32, #tpu.memory_space<vmem>>, vector<1x16xf32>,
        %get3A_378 = arith.index_cast %add3A_330 : i32 to index
        %get3A_379 = arith.constant 48 : index
        %get3A_380 = tpu.vector_load %arg12[%get3A_378, %get3A_379] {strides = array<i32>} : memref<128x80xf32, #tpu.memory_space<vmem>>, vector<1x16xf32>,
        %get3A_381 = vector.shape_cast %get3A_380 : vector<1x16xf32> to vector<16xf32>
        %mul3A_382 = arith.mulf %get3A_381, %gather3A_347 : vector<16xf32>
        %swap3A_383 = arith.index_cast %add3A_330 : i32 to index
        %swap3A_384 = arith.constant 48 : index
        %swap3A_385 = tpu.vector_load %arg14[%swap3A_383, %swap3A_384] {strides = array<i32>} : memref<128x80xf32, #tpu.memory_space<vmem>>, vector<1x16xf32>,
        %swap3A_386 = vector.shape_cast %swap3A_385 : vector<1x16xf32> to vector<16xf32>
        %swap3A_387 = vector.shape_cast %mul3A_382 : vector<16xf32> to vector<1x16xf32>
        tpu.vector_store %arg14[%swap3A_383, %swap3A_384], %swap3A_387 {strides = array<i32>} : memref<128x80xf32, #tpu.memory_space<vmem>>, vector<1x16xf32>,
        %swap3A_388 = arith.index_cast %add3A_330 : i32 to index
        %swap3A_389 = arith.constant 64 : index
        %swap3A_390 = tpu.vector_load %arg14[%swap3A_388, %swap3A_389] {strides = array<i32>} : memref<128x80xf32, #tpu.memory_space<vmem>>, vector<1x16xf32>,
        %swap3A_391 = vector.shape_cast %swap3A_390 : vector<1x16xf32> to vector<16xf32>
        %swap3A_392 = vector.shape_cast %get3A_335 : vector<16xf32> to vector<1x16xf32>
        tpu.vector_store %arg14[%swap3A_388, %swap3A_389], %swap3A_392 {strides = array<i32>} : memref<128x80xf32, #tpu.memory_space<vmem>>, vector<1x16xf32>,
        %mul3A_393 = arith.constant 4 : i32
        %mul3A_394 = arith.muli %scan3A_197, %mul3A_393 : i32
        %add3A_395 = arith.constant 3 : i32
        %add3A_396 = arith.addi %mul3A_394, %add3A_395 : i32
        %mul3A_397 = arith.constant 8 : i32
        %mul3A_398 = arith.muli %mul3A_397, %add3A_396 : i32
        %get3A_399 = arith.index_cast %mul3A_398 : i32 to index
        %get3A_400 = tpu.vector_load %arg16[%get3A_399] {strides = array<i32>} : memref<1040xf32, #tpu.memory_space<vmem>>, vector<16xf32>,
        %get3A_401 = vector.shape_cast %get3A_400 : vector<16xf32> to vector<16xf32>
        %reshape3A_402 = vector.shape_cast %shift_right_arithmetic3A_20 : vector<16xi32> to vector<16x1xi32>
        %gather3A_403 = vector.shape_cast %reshape3A_402 : vector<16x1xi32> to vector<16xi32>
        %gather3A_404 = tpu.dynamic_gather %get3A_401[%gather3A_403] in [0] : vector<16xf32>, vector<16xi32> -> vector<16xf32>
        %reshape3A_405 = vector.shape_cast %add3A_23 : vector<16xi32> to vector<16x1xi32>
        %gather3A_406 = vector.shape_cast %reshape3A_405 : vector<16x1xi32> to vector<16xi32>
        %gather3A_407 = tpu.dynamic_gather %get3A_401[%gather3A_406] in [0] : vector<16xf32>, vector<16xi32> -> vector<16xf32>
        %reshape3A_408 = vector.shape_cast %add3A_26 : vector<16xi32> to vector<16x1xi32>
        %gather3A_409 = vector.shape_cast %reshape3A_408 : vector<16x1xi32> to vector<16xi32>
        %gather3A_410 = tpu.dynamic_gather %get3A_401[%gather3A_409] in [0] : vector<16xf32>, vector<16xi32> -> vector<16xf32>
        %reshape3A_411 = vector.shape_cast %add3A_29 : vector<16xi32> to vector<16x1xi32>
        %gather3A_412 = vector.shape_cast %reshape3A_411 : vector<16x1xi32> to vector<16xi32>
        %gather3A_413 = tpu.dynamic_gather %get3A_401[%gather3A_412] in [0] : vector<16xf32>, vector<16xi32> -> vector<16xf32>
        %get3A_414 = arith.index_cast %add3A_396 : i32 to index
        %get3A_415 = arith.constant 0 : index
        %get3A_416 = tpu.vector_load %arg12[%get3A_414, %get3A_415] {strides = array<i32>} : memref<128x80xf32, #tpu.memory_space<vmem>>, vector<1x16xf32>,
        %get3A_417 = vector.shape_cast %get3A_416 : vector<1x16xf32> to vector<16xf32>
        %mul3A_418 = arith.mulf %get3A_417, %gather3A_404 : vector<16xf32>
        %swap3A_419 = arith.index_cast %add3A_396 : i32 to index
        %swap3A_420 = arith.constant 0 : index
        %swap3A_421 = tpu.vector_load %arg14[%swap3A_419, %swap3A_420] {strides = array<i32>} : memref<128x80xf32, #tpu.memory_space<vmem>>, vector<1x16xf32>,
        %swap3A_422 = vector.shape_cast %swap3A_421 : vector<1x16xf32> to vector<16xf32>
        %swap3A_423 = vector.shape_cast %mul3A_418 : vector<16xf32> to vector<1x16xf32>
        tpu.vector_store %arg14[%swap3A_419, %swap3A_420], %swap3A_423 {strides = array<i32>} : memref<128x80xf32, #tpu.memory_space<vmem>>, vector<1x16xf32>,
        %get3A_424 = arith.index_cast %add3A_396 : i32 to index
        %get3A_425 = arith.constant 16 : index
        %get3A_426 = tpu.vector_load %arg12[%get3A_424, %get3A_425] {strides = array<i32>} : memref<128x80xf32, #tpu.memory_space<vmem>>, vector<1x16xf32>,
        %get3A_427 = vector.shape_cast %get3A_426 : vector<1x16xf32> to vector<16xf32>
        %mul3A_428 = arith.mulf %get3A_427, %gather3A_407 : vector<16xf32>
        %swap3A_429 = arith.index_cast %add3A_396 : i32 to index
        %swap3A_430 = arith.constant 16 : index
        %swap3A_431 = tpu.vector_load %arg14[%swap3A_429, %swap3A_430] {strides = array<i32>} : memref<128x80xf32, #tpu.memory_space<vmem>>, vector<1x16xf32>,
        %swap3A_432 = vector.shape_cast %swap3A_431 : vector<1x16xf32> to vector<16xf32>
        %swap3A_433 = vector.shape_cast %mul3A_428 : vector<16xf32> to vector<1x16xf32>
        tpu.vector_store %arg14[%swap3A_429, %swap3A_430], %swap3A_433 {strides = array<i32>} : memref<128x80xf32, #tpu.memory_space<vmem>>, vector<1x16xf32>,
        %get3A_434 = arith.index_cast %add3A_396 : i32 to index
        %get3A_435 = arith.constant 32 : index
        %get3A_436 = tpu.vector_load %arg12[%get3A_434, %get3A_435] {strides = array<i32>} : memref<128x80xf32, #tpu.memory_space<vmem>>, vector<1x16xf32>,
        %get3A_437 = vector.shape_cast %get3A_436 : vector<1x16xf32> to vector<16xf32>
        %mul3A_438 = arith.mulf %get3A_437, %gather3A_410 : vector<16xf32>
        %swap3A_439 = arith.index_cast %add3A_396 : i32 to index
        %swap3A_440 = arith.constant 32 : index
        %swap3A_441 = tpu.vector_load %arg14[%swap3A_439, %swap3A_440] {strides = array<i32>} : memref<128x80xf32, #tpu.memory_space<vmem>>, vector<1x16xf32>,
        %swap3A_442 = vector.shape_cast %swap3A_441 : vector<1x16xf32> to vector<16xf32>
        %swap3A_443 = vector.shape_cast %mul3A_438 : vector<16xf32> to vector<1x16xf32>
        tpu.vector_store %arg14[%swap3A_439, %swap3A_440], %swap3A_443 {strides = array<i32>} : memref<128x80xf32, #tpu.memory_space<vmem>>, vector<1x16xf32>,
        %get3A_444 = arith.index_cast %add3A_396 : i32 to index
        %get3A_445 = arith.constant 48 : index
        %get3A_446 = tpu.vector_load %arg12[%get3A_444, %get3A_445] {strides = array<i32>} : memref<128x80xf32, #tpu.memory_space<vmem>>, vector<1x16xf32>,
        %get3A_447 = vector.shape_cast %get3A_446 : vector<1x16xf32> to vector<16xf32>
        %mul3A_448 = arith.mulf %get3A_447, %gather3A_413 : vector<16xf32>
        %swap3A_449 = arith.index_cast %add3A_396 : i32 to index
        %swap3A_450 = arith.constant 48 : index
        %swap3A_451 = tpu.vector_load %arg14[%swap3A_449, %swap3A_450] {strides = array<i32>} : memref<128x80xf32, #tpu.memory_space<vmem>>, vector<1x16xf32>,
        %swap3A_452 = vector.shape_cast %swap3A_451 : vector<1x16xf32> to vector<16xf32>
        %swap3A_453 = vector.shape_cast %mul3A_448 : vector<16xf32> to vector<1x16xf32>
        tpu.vector_store %arg14[%swap3A_449, %swap3A_450], %swap3A_453 {strides = array<i32>} : memref<128x80xf32, #tpu.memory_space<vmem>>, vector<1x16xf32>,
        %swap3A_454 = arith.index_cast %add3A_396 : i32 to index
        %swap3A_455 = arith.constant 64 : index
        %swap3A_456 = tpu.vector_load %arg14[%swap3A_454, %swap3A_455] {strides = array<i32>} : memref<128x80xf32, #tpu.memory_space<vmem>>, vector<1x16xf32>,
        %swap3A_457 = vector.shape_cast %swap3A_456 : vector<1x16xf32> to vector<16xf32>
        %swap3A_458 = vector.shape_cast %get3A_401 : vector<16xf32> to vector<1x16xf32>
        tpu.vector_store %arg14[%swap3A_454, %swap3A_455], %swap3A_458 {strides = array<i32>} : memref<128x80xf32, #tpu.memory_space<vmem>>, vector<1x16xf32>,
        %scan3A_459 = arith.constant 0 : i32
        scf.yield %scan3A_459 : i32
      }
      %scan3A_189 = arith.constant 32 : i32
      %dma_start3A_190 = arith.constant 0 : i32
      %dma_start3A_191 = tpu.memref_slice %arg7[%add3A_97, %dma_start3A_190] : memref<42x128xi32, #tpu.memory_space<vmem>> -> memref<1x128xi32, #tpu.memory_space<vmem>>
      %dma_start3A_192 = tpu.memref_squeeze %dma_start3A_191 : memref<1x128xi32, #tpu.memory_space<vmem>> -> memref<128xi32, #tpu.memory_space<vmem>>
      %dma_start3A_193 = arith.constant 0 : i32
      %dma_start3A_194 = arith.constant 0 : i32
      %dma_start3A_195 = tpu.memref_slice %arg17[%dma_start3A_193, %dma_start3A_194] : memref<10240x80xf32, #tpu.memory_space<vmem_shared>> -> memref<10240x80xf32, #tpu.memory_space<vmem_shared>>
      tpu.enqueue_indirect_dma source(%arg14 : memref<128x80xf32, #tpu.memory_space<vmem>>) target(%dma_start3A_195 : memref<10240x80xf32, #tpu.memory_space<vmem_shared>>) offsets(%dma_start3A_192 : memref<128xi32, #tpu.memory_space<vmem>>) semaphore(%arg24 : memref<!tpu.dma_semaphore, #tpu.memory_space<semaphore_mem>>) {add = true}
      %scan3A_196 = arith.constant 0 : i32
      scf.yield %scan3A_196 : i32
    }
    %scan3A_56 = arith.constant 21 : i32
    %dma_wait3A = arith.constant 41 : i32
    %dma_wait3A_57 = arith.constant 0 : i32
    %dma_wait3A_58 = tpu.memref_slice %arg7[%dma_wait3A, %dma_wait3A_57] : memref<42x128xi32, #tpu.memory_space<vmem>> -> memref<1x128xi32, #tpu.memory_space<vmem>>
    %dma_wait3A_59 = tpu.memref_squeeze %dma_wait3A_58 : memref<1x128xi32, #tpu.memory_space<vmem>> -> memref<128xi32, #tpu.memory_space<vmem>>
    %dma_wait3A_60 = arith.constant 0 : i32
    %dma_wait3A_61 = arith.constant 0 : i32
    %dma_wait3A_62 = tpu.memref_slice %arg18[%dma_wait3A_60, %dma_wait3A_61] : memref<10240x16xf32, #tpu.memory_space<vmem_shared>> -> memref<10240x16xf32, #tpu.memory_space<vmem_shared>>
    tpu.wait_indirect_dma semaphore(%arg19 : memref<!tpu.dma_semaphore, #tpu.memory_space<semaphore_mem>>) src(%dma_wait3A_62 : memref<10240x16xf32, #tpu.memory_space<vmem_shared>>) dst(%arg9 : memref<128x16xf32, #tpu.memory_space<vmem>>)
    %dma_wait3A_63 = arith.constant 41 : i32
    %dma_wait3A_64 = arith.constant 0 : i32
    %dma_wait3A_65 = tpu.memref_slice %arg8[%dma_wait3A_63, %dma_wait3A_64] : memref<42x128xi32, #tpu.memory_space<vmem>> -> memref<1x128xi32, #tpu.memory_space<vmem>>
    %dma_wait3A_66 = tpu.memref_squeeze %dma_wait3A_65 : memref<1x128xi32, #tpu.memory_space<vmem>> -> memref<128xi32, #tpu.memory_space<vmem>>
    %dma_wait3A_67 = arith.constant 0 : i32
    %dma_wait3A_68 = arith.constant 0 : i32
    %dma_wait3A_69 = tpu.memref_slice %arg5[%dma_wait3A_67, %dma_wait3A_68] : memref<10240x80xf32, #tpu.memory_space<hbm>> -> memref<10240x80xf32, #tpu.memory_space<hbm>>
    tpu.wait_indirect_dma semaphore(%arg21 : memref<!tpu.dma_semaphore, #tpu.memory_space<semaphore_mem>>) src(%dma_wait3A_69 : memref<10240x80xf32, #tpu.memory_space<hbm>>) dst(%arg11 : memref<128x80xf32, #tpu.memory_space<vmem>>)
    %dma_wait3A_70 = arith.constant 0 : i32
    %dma_wait3A_71 = arith.constant 0 : i32
    %dma_wait3A_72 = tpu.memref_slice %arg7[%dma_wait3A_70, %dma_wait3A_71] : memref<42x128xi32, #tpu.memory_space<vmem>> -> memref<1x128xi32, #tpu.memory_space<vmem>>
    %dma_wait3A_73 = tpu.memref_squeeze %dma_wait3A_72 : memref<1x128xi32, #tpu.memory_space<vmem>> -> memref<128xi32, #tpu.memory_space<vmem>>
    %dma_wait3A_74 = arith.constant 0 : i32
    %dma_wait3A_75 = arith.constant 0 : i32
    %dma_wait3A_76 = tpu.memref_slice %arg17[%dma_wait3A_74, %dma_wait3A_75] : memref<10240x80xf32, #tpu.memory_space<vmem_shared>> -> memref<10240x80xf32, #tpu.memory_space<vmem_shared>>
    tpu.wait_indirect_dma semaphore(%arg23 : memref<!tpu.dma_semaphore, #tpu.memory_space<semaphore_mem>>) src(%arg13 : memref<128x80xf32, #tpu.memory_space<vmem>>) dst(%dma_wait3A_76 : memref<10240x80xf32, #tpu.memory_space<vmem_shared>>)
    %dma_wait3A_77 = arith.constant 0 : i32
    %dma_wait3A_78 = arith.constant 0 : i32
    %dma_wait3A_79 = tpu.memref_slice %arg7[%dma_wait3A_77, %dma_wait3A_78] : memref<42x128xi32, #tpu.memory_space<vmem>> -> memref<1x128xi32, #tpu.memory_space<vmem>>
    %dma_wait3A_80 = tpu.memref_squeeze %dma_wait3A_79 : memref<1x128xi32, #tpu.memory_space<vmem>> -> memref<128xi32, #tpu.memory_space<vmem>>
    %dma_wait3A_81 = arith.constant 0 : i32
    %dma_wait3A_82 = arith.constant 0 : i32
    %dma_wait3A_83 = tpu.memref_slice %arg17[%dma_wait3A_81, %dma_wait3A_82] : memref<10240x80xf32, #tpu.memory_space<vmem_shared>> -> memref<10240x80xf32, #tpu.memory_space<vmem_shared>>
    tpu.wait_indirect_dma semaphore(%arg24 : memref<!tpu.dma_semaphore, #tpu.memory_space<semaphore_mem>>) src(%arg14 : memref<128x80xf32, #tpu.memory_space<vmem>>) dst(%dma_wait3A_83 : memref<10240x80xf32, #tpu.memory_space<vmem_shared>>)
    %barrier3A_84 = arith.constant 0 : index
    tpu.barrier barrier_id(%barrier3A_84)
    %scan3A_85 = arith.constant 0 : i32
    %scan3A_86 = arith.constant 0 : i32
    %scan3A_87 = arith.constant 10 : i32
    %scan3A_88 = arith.addi %scan3A_86, %scan3A_87 : i32
    %scan3A_89 = arith.constant 1 : i32
    %scan3A_90 = scf.for %scan3A_92 = %scan3A_86 to %scan3A_88 step %scan3A_89 iter_args(%scan3A_93 = %scan3A_85) -> (i32)  : i32 {
      %mul3A_94 = arith.constant 640 : i32
      %mul3A_95 = arith.muli %arg1, %mul3A_94 : i32
      %mul3A_96 = arith.constant 64 : i32
      %mul3A_97 = arith.muli %scan3A_92, %mul3A_96 : i32
      %add3A_98 = arith.addi %mul3A_95, %mul3A_97 : i32
      "tpu.region"() ({
        %run_scoped3A = tpu.sem_alloc : memref<!tpu.dma_semaphore, #tpu.memory_space<semaphore_mem>>
        %dma_start3A_100 = arith.constant 0 : i32
        %dma_start3A_101 = tpu.memref_slice %arg6[%arg0, %add3A_98, %dma_start3A_100] : memref<2x10240x80xf32, #tpu.memory_space<hbm>> -> memref<1x64x80xf32, #tpu.memory_space<hbm>>
        %dma_start3A_102 = tpu.memref_squeeze %dma_start3A_101 : memref<1x64x80xf32, #tpu.memory_space<hbm>> -> memref<64x80xf32, #tpu.memory_space<hbm>>
        %dma_start3A_103 = arith.constant 0 : i32
        %dma_start3A_104 = tpu.memref_slice %arg17[%add3A_98, %dma_start3A_103] : memref<10240x80xf32, #tpu.memory_space<vmem_shared>> -> memref<64x80xf32, #tpu.memory_space<vmem_shared>>
        tpu.enqueue_dma source(%dma_start3A_104 : memref<64x80xf32, #tpu.memory_space<vmem_shared>>) target(%dma_start3A_102 : memref<64x80xf32, #tpu.memory_space<hbm>>) target_semaphore(%run_scoped3A : memref<!tpu.dma_semaphore, #tpu.memory_space<semaphore_mem>>)
        %dma_wait3A_105 = arith.constant 0 : i32
        %dma_wait3A_106 = tpu.memref_slice %arg6[%arg0, %add3A_98, %dma_wait3A_105] : memref<2x10240x80xf32, #tpu.memory_space<hbm>> -> memref<1x64x80xf32, #tpu.memory_space<hbm>>
        %dma_wait3A_107 = tpu.memref_squeeze %dma_wait3A_106 : memref<1x64x80xf32, #tpu.memory_space<hbm>> -> memref<64x80xf32, #tpu.memory_space<hbm>>
        %dma_wait3A_108 = arith.constant 0 : i32
        %dma_wait3A_109 = tpu.memref_slice %arg17[%add3A_98, %dma_wait3A_108] : memref<10240x80xf32, #tpu.memory_space<vmem_shared>> -> memref<64x80xf32, #tpu.memory_space<vmem_shared>>
        tpu.wait_dma2 semaphore(%run_scoped3A : memref<!tpu.dma_semaphore, #tpu.memory_space<semaphore_mem>>) src(%dma_wait3A_109 : memref<64x80xf32, #tpu.memory_space<vmem_shared>>) dst(%dma_wait3A_107 : memref<64x80xf32, #tpu.memory_space<hbm>>)
        tpu.yield
      }) : () -> ()
      %scan3A_99 = arith.constant 0 : i32
      scf.yield %scan3A_99 : i32
    }
    %scan3A_91 = arith.constant 10 : i32
    return
  }
}

#map = affine_map<(d0, d1) -> (0, 0, 0)>
#map1 = affine_map<(d0, d1) -> (0, 0)>
module attributes {stable_mosaic.version = 14 : i64} {
  func.func @_densify_body(%arg0: i32, %arg1: i32, %arg2: memref<32x25x128xi32, #tpu.memory_space<hbm>>, %arg3: memref<32x25x128xi32, #tpu.memory_space<hbm>>, %arg4: memref<32x25x128xf32, #tpu.memory_space<hbm>>, %arg5: memref<2x1310720xf32, #tpu.memory_space<hbm>>, %arg6: memref<25x128xi32, #tpu.memory_space<vmem>>, %arg7: memref<25x128xi32, #tpu.memory_space<vmem>>, %arg8: memref<25x128xf32, #tpu.memory_space<vmem>>, %arg9: memref<25x128xi32, #tpu.memory_space<vmem>>, %arg10: memref<1024xf32, #tpu.memory_space<vmem>>, %arg11: memref<1310720xf32, #tpu.memory_space<vmem_shared>>) attributes {dimension_semantics = [#tpu.dimension_semantics<core_parallel>, #tpu.dimension_semantics<subcore_parallel>], iteration_bounds = array<i64: 2, 16>, scalar_prefetch = 0 : i64, scratch_operands = 6 : i64, tpu.core_type = #tpu.core_type<sc_vector_subcore>, window_params = [{transform_indices = #map}, {transform_indices = #map}, {transform_indices = #map}, {transform_indices = #map1}]} {
    %mul3A = arith.constant 16 : i32
    %mul3A_0 = arith.muli %arg0, %mul3A : i32
    %add3A = arith.addi %mul3A_0, %arg1 : i32
    "tpu.region"() ({
      %run_scoped3A = tpu.sem_alloc : memref<!tpu.dma_semaphore, #tpu.memory_space<semaphore_mem>>
      %dma_start3A = arith.constant 0 : i32
      %dma_start3A_37 = arith.constant 0 : i32
      %dma_start3A_38 = tpu.memref_slice %arg2[%add3A, %dma_start3A, %dma_start3A_37] : memref<32x25x128xi32, #tpu.memory_space<hbm>> -> memref<1x25x128xi32, #tpu.memory_space<hbm>>
      %dma_start3A_39 = tpu.memref_squeeze %dma_start3A_38 : memref<1x25x128xi32, #tpu.memory_space<hbm>> -> memref<25x128xi32, #tpu.memory_space<hbm>>
      %dma_start3A_40 = arith.constant 0 : i32
      %dma_start3A_41 = arith.constant 0 : i32
      %dma_start3A_42 = tpu.memref_slice %arg2[%add3A, %dma_start3A_40, %dma_start3A_41] : memref<32x25x128xi32, #tpu.memory_space<hbm>> -> memref<1x25x128xi32, #tpu.memory_space<hbm>>
      %dma_start3A_43 = tpu.memref_squeeze %dma_start3A_42 : memref<1x25x128xi32, #tpu.memory_space<hbm>> -> memref<25x128xi32, #tpu.memory_space<hbm>>
      tpu.enqueue_dma source(%dma_start3A_43 : memref<25x128xi32, #tpu.memory_space<hbm>>) target(%arg6 : memref<25x128xi32, #tpu.memory_space<vmem>>) target_semaphore(%run_scoped3A : memref<!tpu.dma_semaphore, #tpu.memory_space<semaphore_mem>>)
      %dma_wait3A = arith.constant 0 : i32
      %dma_wait3A_44 = arith.constant 0 : i32
      %dma_wait3A_45 = tpu.memref_slice %arg2[%add3A, %dma_wait3A, %dma_wait3A_44] : memref<32x25x128xi32, #tpu.memory_space<hbm>> -> memref<1x25x128xi32, #tpu.memory_space<hbm>>
      %dma_wait3A_46 = tpu.memref_squeeze %dma_wait3A_45 : memref<1x25x128xi32, #tpu.memory_space<hbm>> -> memref<25x128xi32, #tpu.memory_space<hbm>>
      %dma_wait3A_47 = arith.constant 0 : i32
      %dma_wait3A_48 = arith.constant 0 : i32
      %dma_wait3A_49 = tpu.memref_slice %arg2[%add3A, %dma_wait3A_47, %dma_wait3A_48] : memref<32x25x128xi32, #tpu.memory_space<hbm>> -> memref<1x25x128xi32, #tpu.memory_space<hbm>>
      %dma_wait3A_50 = tpu.memref_squeeze %dma_wait3A_49 : memref<1x25x128xi32, #tpu.memory_space<hbm>> -> memref<25x128xi32, #tpu.memory_space<hbm>>
      tpu.wait_dma2 semaphore(%run_scoped3A : memref<!tpu.dma_semaphore, #tpu.memory_space<semaphore_mem>>) src(%dma_wait3A_50 : memref<25x128xi32, #tpu.memory_space<hbm>>) dst(%arg6 : memref<25x128xi32, #tpu.memory_space<vmem>>)
      tpu.yield
    }) : () -> ()
    "tpu.region"() ({
      %run_scoped3A = tpu.sem_alloc : memref<!tpu.dma_semaphore, #tpu.memory_space<semaphore_mem>>
      %dma_start3A = arith.constant 0 : i32
      %dma_start3A_37 = arith.constant 0 : i32
      %dma_start3A_38 = tpu.memref_slice %arg3[%add3A, %dma_start3A, %dma_start3A_37] : memref<32x25x128xi32, #tpu.memory_space<hbm>> -> memref<1x25x128xi32, #tpu.memory_space<hbm>>
      %dma_start3A_39 = tpu.memref_squeeze %dma_start3A_38 : memref<1x25x128xi32, #tpu.memory_space<hbm>> -> memref<25x128xi32, #tpu.memory_space<hbm>>
      %dma_start3A_40 = arith.constant 0 : i32
      %dma_start3A_41 = arith.constant 0 : i32
      %dma_start3A_42 = tpu.memref_slice %arg3[%add3A, %dma_start3A_40, %dma_start3A_41] : memref<32x25x128xi32, #tpu.memory_space<hbm>> -> memref<1x25x128xi32, #tpu.memory_space<hbm>>
      %dma_start3A_43 = tpu.memref_squeeze %dma_start3A_42 : memref<1x25x128xi32, #tpu.memory_space<hbm>> -> memref<25x128xi32, #tpu.memory_space<hbm>>
      tpu.enqueue_dma source(%dma_start3A_43 : memref<25x128xi32, #tpu.memory_space<hbm>>) target(%arg7 : memref<25x128xi32, #tpu.memory_space<vmem>>) target_semaphore(%run_scoped3A : memref<!tpu.dma_semaphore, #tpu.memory_space<semaphore_mem>>)
      %dma_wait3A = arith.constant 0 : i32
      %dma_wait3A_44 = arith.constant 0 : i32
      %dma_wait3A_45 = tpu.memref_slice %arg3[%add3A, %dma_wait3A, %dma_wait3A_44] : memref<32x25x128xi32, #tpu.memory_space<hbm>> -> memref<1x25x128xi32, #tpu.memory_space<hbm>>
      %dma_wait3A_46 = tpu.memref_squeeze %dma_wait3A_45 : memref<1x25x128xi32, #tpu.memory_space<hbm>> -> memref<25x128xi32, #tpu.memory_space<hbm>>
      %dma_wait3A_47 = arith.constant 0 : i32
      %dma_wait3A_48 = arith.constant 0 : i32
      %dma_wait3A_49 = tpu.memref_slice %arg3[%add3A, %dma_wait3A_47, %dma_wait3A_48] : memref<32x25x128xi32, #tpu.memory_space<hbm>> -> memref<1x25x128xi32, #tpu.memory_space<hbm>>
      %dma_wait3A_50 = tpu.memref_squeeze %dma_wait3A_49 : memref<1x25x128xi32, #tpu.memory_space<hbm>> -> memref<25x128xi32, #tpu.memory_space<hbm>>
      tpu.wait_dma2 semaphore(%run_scoped3A : memref<!tpu.dma_semaphore, #tpu.memory_space<semaphore_mem>>) src(%dma_wait3A_50 : memref<25x128xi32, #tpu.memory_space<hbm>>) dst(%arg7 : memref<25x128xi32, #tpu.memory_space<vmem>>)
      tpu.yield
    }) : () -> ()
    "tpu.region"() ({
      %run_scoped3A = tpu.sem_alloc : memref<!tpu.dma_semaphore, #tpu.memory_space<semaphore_mem>>
      %dma_start3A = arith.constant 0 : i32
      %dma_start3A_37 = arith.constant 0 : i32
      %dma_start3A_38 = tpu.memref_slice %arg4[%add3A, %dma_start3A, %dma_start3A_37] : memref<32x25x128xf32, #tpu.memory_space<hbm>> -> memref<1x25x128xf32, #tpu.memory_space<hbm>>
      %dma_start3A_39 = tpu.memref_squeeze %dma_start3A_38 : memref<1x25x128xf32, #tpu.memory_space<hbm>> -> memref<25x128xf32, #tpu.memory_space<hbm>>
      %dma_start3A_40 = arith.constant 0 : i32
      %dma_start3A_41 = arith.constant 0 : i32
      %dma_start3A_42 = tpu.memref_slice %arg4[%add3A, %dma_start3A_40, %dma_start3A_41] : memref<32x25x128xf32, #tpu.memory_space<hbm>> -> memref<1x25x128xf32, #tpu.memory_space<hbm>>
      %dma_start3A_43 = tpu.memref_squeeze %dma_start3A_42 : memref<1x25x128xf32, #tpu.memory_space<hbm>> -> memref<25x128xf32, #tpu.memory_space<hbm>>
      tpu.enqueue_dma source(%dma_start3A_43 : memref<25x128xf32, #tpu.memory_space<hbm>>) target(%arg8 : memref<25x128xf32, #tpu.memory_space<vmem>>) target_semaphore(%run_scoped3A : memref<!tpu.dma_semaphore, #tpu.memory_space<semaphore_mem>>)
      %dma_wait3A = arith.constant 0 : i32
      %dma_wait3A_44 = arith.constant 0 : i32
      %dma_wait3A_45 = tpu.memref_slice %arg4[%add3A, %dma_wait3A, %dma_wait3A_44] : memref<32x25x128xf32, #tpu.memory_space<hbm>> -> memref<1x25x128xf32, #tpu.memory_space<hbm>>
      %dma_wait3A_46 = tpu.memref_squeeze %dma_wait3A_45 : memref<1x25x128xf32, #tpu.memory_space<hbm>> -> memref<25x128xf32, #tpu.memory_space<hbm>>
      %dma_wait3A_47 = arith.constant 0 : i32
      %dma_wait3A_48 = arith.constant 0 : i32
      %dma_wait3A_49 = tpu.memref_slice %arg4[%add3A, %dma_wait3A_47, %dma_wait3A_48] : memref<32x25x128xf32, #tpu.memory_space<hbm>> -> memref<1x25x128xf32, #tpu.memory_space<hbm>>
      %dma_wait3A_50 = tpu.memref_squeeze %dma_wait3A_49 : memref<1x25x128xf32, #tpu.memory_space<hbm>> -> memref<25x128xf32, #tpu.memory_space<hbm>>
      tpu.wait_dma2 semaphore(%run_scoped3A : memref<!tpu.dma_semaphore, #tpu.memory_space<semaphore_mem>>) src(%dma_wait3A_50 : memref<25x128xf32, #tpu.memory_space<hbm>>) dst(%arg8 : memref<25x128xf32, #tpu.memory_space<vmem>>)
      tpu.yield
    }) : () -> ()
    %broadcast_in_dim3A = arith.constant 0.000000e+00 : f32
    %broadcast_in_dim3A_1 = vector.broadcast %broadcast_in_dim3A : f32 to vector<16xf32>
    %scan3A = arith.constant 0 : i32
    %scan3A_2 = arith.constant 0 : i32
    %scan3A_3 = arith.constant 64 : i32
    %scan3A_4 = arith.addi %scan3A_2, %scan3A_3 : i32
    %scan3A_5 = arith.constant 1 : i32
    %scan3A_6 = scf.for %scan3A_37 = %scan3A_2 to %scan3A_4 step %scan3A_5 iter_args(%scan3A_38 = %scan3A) -> (i32)  : i32 {
      %mul3A_39 = arith.constant 16 : i32
      %mul3A_40 = arith.muli %scan3A_37, %mul3A_39 : i32
      %swap3A = arith.index_cast %mul3A_40 : i32 to index
      %swap3A_41 = tpu.vector_load %arg10[%swap3A] {strides = array<i32>} : memref<1024xf32, #tpu.memory_space<vmem>>, vector<16xf32>,
      %swap3A_42 = vector.shape_cast %swap3A_41 : vector<16xf32> to vector<16xf32>
      %swap3A_43 = vector.shape_cast %broadcast_in_dim3A_1 : vector<16xf32> to vector<16xf32>
      tpu.vector_store %arg10[%swap3A], %swap3A_43 {strides = array<i32>} : memref<1024xf32, #tpu.memory_space<vmem>>, vector<16xf32>,
      %scan3A_44 = arith.constant 0 : i32
      scf.yield %scan3A_44 : i32
    }
    %scan3A_7 = arith.constant 64 : i32
    %scan3A_8 = arith.constant 0 : i32
    %scan3A_9 = arith.constant 0 : i32
    %scan3A_10 = arith.constant 80 : i32
    %scan3A_11 = arith.addi %scan3A_9, %scan3A_10 : i32
    %scan3A_12 = arith.constant 1 : i32
    %scan3A_13 = scf.for %scan3A_37 = %scan3A_9 to %scan3A_11 step %scan3A_12 iter_args(%scan3A_38 = %scan3A_8) -> (i32)  : i32 {
      %mul3A_39 = arith.constant 81920 : i32
      %mul3A_40 = arith.muli %arg1, %mul3A_39 : i32
      %mul3A_41 = arith.constant 1024 : i32
      %mul3A_42 = arith.muli %scan3A_37, %mul3A_41 : i32
      %add3A_43 = arith.addi %mul3A_40, %mul3A_42 : i32
      "tpu.region"() ({
        %run_scoped3A = tpu.sem_alloc : memref<!tpu.dma_semaphore, #tpu.memory_space<semaphore_mem>>
        %dma_start3A = tpu.memref_slice %arg11[%add3A_43] : memref<1310720xf32, #tpu.memory_space<vmem_shared>> -> memref<1024xf32, #tpu.memory_space<vmem_shared>>
        %dma_start3A_45 = tpu.memref_slice %arg11[%add3A_43] : memref<1310720xf32, #tpu.memory_space<vmem_shared>> -> memref<1024xf32, #tpu.memory_space<vmem_shared>>
        tpu.enqueue_dma source(%arg10 : memref<1024xf32, #tpu.memory_space<vmem>>) target(%dma_start3A_45 : memref<1024xf32, #tpu.memory_space<vmem_shared>>) target_semaphore(%run_scoped3A : memref<!tpu.dma_semaphore, #tpu.memory_space<semaphore_mem>>)
        %dma_wait3A = tpu.memref_slice %arg11[%add3A_43] : memref<1310720xf32, #tpu.memory_space<vmem_shared>> -> memref<1024xf32, #tpu.memory_space<vmem_shared>>
        %dma_wait3A_46 = tpu.memref_slice %arg11[%add3A_43] : memref<1310720xf32, #tpu.memory_space<vmem_shared>> -> memref<1024xf32, #tpu.memory_space<vmem_shared>>
        tpu.wait_dma2 semaphore(%run_scoped3A : memref<!tpu.dma_semaphore, #tpu.memory_space<semaphore_mem>>) src(%arg10 : memref<1024xf32, #tpu.memory_space<vmem>>) dst(%dma_wait3A_46 : memref<1024xf32, #tpu.memory_space<vmem_shared>>)
        tpu.yield
      }) : () -> ()
      %scan3A_44 = arith.constant 0 : i32
      scf.yield %scan3A_44 : i32
    }
    %scan3A_14 = arith.constant 80 : i32
    %scan3A_15 = arith.constant 0 : i32
    %scan3A_16 = arith.constant 0 : i32
    %scan3A_17 = arith.constant 200 : i32
    %scan3A_18 = arith.addi %scan3A_16, %scan3A_17 : i32
    %scan3A_19 = arith.constant 1 : i32
    %scan3A_20 = scf.for %scan3A_37 = %scan3A_16 to %scan3A_18 step %scan3A_19 iter_args(%scan3A_38 = %scan3A_15) -> (i32)  : i32 {
      %shift_right_arithmetic3A = arith.constant 3 : i32
      %shift_right_arithmetic3A_39 = arith.shrsi %scan3A_37, %shift_right_arithmetic3A : i32
      %and3A = arith.constant 7 : i32
      %and3A_40 = arith.andi %scan3A_37, %and3A : i32
      %mul3A_41 = arith.constant 16 : i32
      %mul3A_42 = arith.muli %and3A_40, %mul3A_41 : i32
      %get3A = arith.index_cast %shift_right_arithmetic3A_39 : i32 to index
      %get3A_43 = arith.index_cast %mul3A_42 : i32 to index
      %get3A_44 = tpu.vector_load %arg6[%get3A, %get3A_43] {strides = array<i32>} : memref<25x128xi32, #tpu.memory_space<vmem>>, vector<1x16xi32>,
      %get3A_45 = vector.shape_cast %get3A_44 : vector<1x16xi32> to vector<16xi32>
      %mul3A_46 = arith.constant 16 : i32
      %mul3A_47 = arith.muli %and3A_40, %mul3A_46 : i32
      %get3A_48 = arith.index_cast %shift_right_arithmetic3A_39 : i32 to index
      %get3A_49 = arith.index_cast %mul3A_47 : i32 to index
      %get3A_50 = tpu.vector_load %arg7[%get3A_48, %get3A_49] {strides = array<i32>} : memref<25x128xi32, #tpu.memory_space<vmem>>, vector<1x16xi32>,
      %get3A_51 = vector.shape_cast %get3A_50 : vector<1x16xi32> to vector<16xi32>
      %mul3A_52 = arith.constant 128 : i32
      %mul3A_53 = vector.broadcast %mul3A_52 : i32 to vector<16xi32>
      %mul3A_54 = arith.muli %get3A_45, %mul3A_53 : vector<16xi32>
      %add3A_55 = arith.addi %mul3A_54, %get3A_51 : vector<16xi32>
      %mul3A_56 = arith.constant 16 : i32
      %mul3A_57 = arith.muli %and3A_40, %mul3A_56 : i32
      %swap3A = arith.index_cast %shift_right_arithmetic3A_39 : i32 to index
      %swap3A_58 = arith.index_cast %mul3A_57 : i32 to index
      %swap3A_59 = tpu.vector_load %arg9[%swap3A, %swap3A_58] {strides = array<i32>} : memref<25x128xi32, #tpu.memory_space<vmem>>, vector<1x16xi32>,
      %swap3A_60 = vector.shape_cast %swap3A_59 : vector<1x16xi32> to vector<16xi32>
      %swap3A_61 = vector.shape_cast %add3A_55 : vector<16xi32> to vector<1x16xi32>
      tpu.vector_store %arg9[%swap3A, %swap3A_58], %swap3A_61 {strides = array<i32>} : memref<25x128xi32, #tpu.memory_space<vmem>>, vector<1x16xi32>,
      %scan3A_62 = arith.constant 0 : i32
      scf.yield %scan3A_62 : i32
    }
    %scan3A_21 = arith.constant 200 : i32
    %barrier3A = arith.constant 0 : index
    tpu.barrier barrier_id(%barrier3A)
    %scan3A_22 = arith.constant 0 : i32
    %scan3A_23 = arith.constant 0 : i32
    %scan3A_24 = arith.constant 25 : i32
    %scan3A_25 = arith.addi %scan3A_23, %scan3A_24 : i32
    %scan3A_26 = arith.constant 1 : i32
    %scan3A_27 = scf.for %scan3A_37 = %scan3A_23 to %scan3A_25 step %scan3A_26 iter_args(%scan3A_38 = %scan3A_22) -> (i32)  : i32 {
      "tpu.region"() ({
        %run_scoped3A = tpu.sem_alloc : memref<!tpu.dma_semaphore, #tpu.memory_space<semaphore_mem>>
        %dma_start3A = arith.constant 0 : i32
        %dma_start3A_40 = tpu.memref_slice %arg8[%scan3A_37, %dma_start3A] : memref<25x128xf32, #tpu.memory_space<vmem>> -> memref<1x128xf32, #tpu.memory_space<vmem>>
        %dma_start3A_41 = tpu.memref_squeeze %dma_start3A_40 : memref<1x128xf32, #tpu.memory_space<vmem>> -> memref<128xf32, #tpu.memory_space<vmem>>
        %dma_start3A_42 = arith.constant 0 : i32
        %dma_start3A_43 = tpu.memref_slice %arg9[%scan3A_37, %dma_start3A_42] : memref<25x128xi32, #tpu.memory_space<vmem>> -> memref<1x128xi32, #tpu.memory_space<vmem>>
        %dma_start3A_44 = tpu.memref_squeeze %dma_start3A_43 : memref<1x128xi32, #tpu.memory_space<vmem>> -> memref<128xi32, #tpu.memory_space<vmem>>
        %dma_start3A_45 = arith.constant 0 : i32
        %dma_start3A_46 = tpu.memref_slice %arg11[%dma_start3A_45] : memref<1310720xf32, #tpu.memory_space<vmem_shared>> -> memref<1310720xf32, #tpu.memory_space<vmem_shared>>
        tpu.enqueue_indirect_dma source(%dma_start3A_41 : memref<128xf32, #tpu.memory_space<vmem>>) target(%dma_start3A_46 : memref<1310720xf32, #tpu.memory_space<vmem_shared>>) offsets(%dma_start3A_44 : memref<128xi32, #tpu.memory_space<vmem>>) semaphore(%run_scoped3A : memref<!tpu.dma_semaphore, #tpu.memory_space<semaphore_mem>>) {add = true}
        %dma_wait3A = arith.constant 0 : i32
        %dma_wait3A_47 = tpu.memref_slice %arg8[%scan3A_37, %dma_wait3A] : memref<25x128xf32, #tpu.memory_space<vmem>> -> memref<1x128xf32, #tpu.memory_space<vmem>>
        %dma_wait3A_48 = tpu.memref_squeeze %dma_wait3A_47 : memref<1x128xf32, #tpu.memory_space<vmem>> -> memref<128xf32, #tpu.memory_space<vmem>>
        %dma_wait3A_49 = arith.constant 0 : i32
        %dma_wait3A_50 = tpu.memref_slice %arg9[%scan3A_37, %dma_wait3A_49] : memref<25x128xi32, #tpu.memory_space<vmem>> -> memref<1x128xi32, #tpu.memory_space<vmem>>
        %dma_wait3A_51 = tpu.memref_squeeze %dma_wait3A_50 : memref<1x128xi32, #tpu.memory_space<vmem>> -> memref<128xi32, #tpu.memory_space<vmem>>
        %dma_wait3A_52 = arith.constant 0 : i32
        %dma_wait3A_53 = tpu.memref_slice %arg11[%dma_wait3A_52] : memref<1310720xf32, #tpu.memory_space<vmem_shared>> -> memref<1310720xf32, #tpu.memory_space<vmem_shared>>
        tpu.wait_indirect_dma semaphore(%run_scoped3A : memref<!tpu.dma_semaphore, #tpu.memory_space<semaphore_mem>>) src(%dma_wait3A_48 : memref<128xf32, #tpu.memory_space<vmem>>) dst(%dma_wait3A_53 : memref<1310720xf32, #tpu.memory_space<vmem_shared>>)
        tpu.yield
      }) : () -> ()
      %scan3A_39 = arith.constant 0 : i32
      scf.yield %scan3A_39 : i32
    }
    %scan3A_28 = arith.constant 25 : i32
    %barrier3A_29 = arith.constant 0 : index
    tpu.barrier barrier_id(%barrier3A_29)
    %scan3A_30 = arith.constant 0 : i32
    %scan3A_31 = arith.constant 0 : i32
    %scan3A_32 = arith.constant 10 : i32
    %scan3A_33 = arith.addi %scan3A_31, %scan3A_32 : i32
    %scan3A_34 = arith.constant 1 : i32
    %scan3A_35 = scf.for %scan3A_37 = %scan3A_31 to %scan3A_33 step %scan3A_34 iter_args(%scan3A_38 = %scan3A_30) -> (i32)  : i32 {
      %mul3A_39 = arith.constant 81920 : i32
      %mul3A_40 = arith.muli %arg1, %mul3A_39 : i32
      %mul3A_41 = arith.constant 8192 : i32
      %mul3A_42 = arith.muli %scan3A_37, %mul3A_41 : i32
      %add3A_43 = arith.addi %mul3A_40, %mul3A_42 : i32
      "tpu.region"() ({
        %run_scoped3A = tpu.sem_alloc : memref<!tpu.dma_semaphore, #tpu.memory_space<semaphore_mem>>
        %dma_start3A = tpu.memref_slice %arg5[%arg0, %add3A_43] : memref<2x1310720xf32, #tpu.memory_space<hbm>> -> memref<1x8192xf32, #tpu.memory_space<hbm>>
        %dma_start3A_45 = tpu.memref_squeeze %dma_start3A : memref<1x8192xf32, #tpu.memory_space<hbm>> -> memref<8192xf32, #tpu.memory_space<hbm>>
        %dma_start3A_46 = tpu.memref_slice %arg11[%add3A_43] : memref<1310720xf32, #tpu.memory_space<vmem_shared>> -> memref<8192xf32, #tpu.memory_space<vmem_shared>>
        tpu.enqueue_dma source(%dma_start3A_46 : memref<8192xf32, #tpu.memory_space<vmem_shared>>) target(%dma_start3A_45 : memref<8192xf32, #tpu.memory_space<hbm>>) target_semaphore(%run_scoped3A : memref<!tpu.dma_semaphore, #tpu.memory_space<semaphore_mem>>)
        %dma_wait3A = tpu.memref_slice %arg5[%arg0, %add3A_43] : memref<2x1310720xf32, #tpu.memory_space<hbm>> -> memref<1x8192xf32, #tpu.memory_space<hbm>>
        %dma_wait3A_47 = tpu.memref_squeeze %dma_wait3A : memref<1x8192xf32, #tpu.memory_space<hbm>> -> memref<8192xf32, #tpu.memory_space<hbm>>
        %dma_wait3A_48 = tpu.memref_slice %arg11[%add3A_43] : memref<1310720xf32, #tpu.memory_space<vmem_shared>> -> memref<8192xf32, #tpu.memory_space<vmem_shared>>
        tpu.wait_dma2 semaphore(%run_scoped3A : memref<!tpu.dma_semaphore, #tpu.memory_space<semaphore_mem>>) src(%dma_wait3A_48 : memref<8192xf32, #tpu.memory_space<vmem_shared>>) dst(%dma_wait3A_47 : memref<8192xf32, #tpu.memory_space<hbm>>)
        tpu.yield
      }) : () -> ()
      %scan3A_44 = arith.constant 0 : i32
      scf.yield %scan3A_44 : i32
    }
    %scan3A_36 = arith.constant 10 : i32
    return
  }
}

module attributes {stable_mosaic.version = 14 : i64} {
  func.func @_mm_body(%arg0: i32, %arg1: memref<2x262144xf32, #tpu.memory_space<vmem>>, %arg2: memref<128x80xf32, #tpu.memory_space<vmem>>, %arg3: memref<128x16xf32, #tpu.memory_space<vmem>>, %arg4: memref<2048x80xf32, #tpu.memory_space<vmem>>, %arg5: memref<2048x16xf32, #tpu.memory_space<vmem>>) attributes {dimension_semantics = [#tpu.dimension_semantics<arbitrary>], iteration_bounds = array<i64: 5>, scalar_prefetch = 0 : i64, scratch_operands = 0 : i64, tpu.core_type = #tpu.core_type<tc>, window_params = [{transform_indices = @transform_0, window_bounds = array<i64: 2, 262144>}, {pipeline_mode = #tpu.pipeline_mode<synchronous>, transform_indices = @transform_1, window_bounds = array<i64: 128, 80>}, {pipeline_mode = #tpu.pipeline_mode<synchronous>, transform_indices = @transform_2, window_bounds = array<i64: 128, 16>}, {transform_indices = @transform_3, window_bounds = array<i64: 2048, 80>}, {transform_indices = @transform_4, window_bounds = array<i64: 2048, 16>}]} {
    %get3A = arith.constant 0 : index
    %get3A_0 = arith.constant 0 : index
    %get3A_1 = vector.load %arg1[%get3A, %get3A_0] : memref<2x262144xf32, #tpu.memory_space<vmem>>, vector<1x262144xf32>
    %get3A_2 = vector.shape_cast %get3A_1 : vector<1x262144xf32> to vector<262144xf32>
    %reshape3A = vector.shape_cast %get3A_2 : vector<262144xf32> to vector<2048x128xf32>
    %get3A_3 = arith.constant 1 : index
    %get3A_4 = arith.constant 0 : index
    %get3A_5 = vector.load %arg1[%get3A_3, %get3A_4] : memref<2x262144xf32, #tpu.memory_space<vmem>>, vector<1x262144xf32>
    %get3A_6 = vector.shape_cast %get3A_5 : vector<1x262144xf32> to vector<262144xf32>
    %reshape3A_7 = vector.shape_cast %get3A_6 : vector<262144xf32> to vector<2048x128xf32>
    %add3A = arith.addf %reshape3A, %reshape3A_7 : vector<2048x128xf32>
    %get3A_8 = arith.constant 0 : index
    %get3A_9 = arith.constant 0 : index
    %get3A_10 = vector.load %arg2[%get3A_8, %get3A_9] : memref<128x80xf32, #tpu.memory_space<vmem>>, vector<128x80xf32>
    %dot_general3A = arith.constant dense<0.000000e+00> : vector<2048x80xf32>
    %dot_general3A_11 = tpu.matmul %add3A, %get3A_10, %dot_general3A {dimension_numbers = #tpu.dot_dimension_numbers<[1], [0], [0], [1], [0, 0, 1, 1], [], []>, transpose_lhs_hint = false} : vector<2048x128xf32>, vector<128x80xf32>, vector<2048x80xf32> -> vector<2048x80xf32>
    %swap3A = arith.constant 0 : index
    %swap3A_12 = arith.constant 0 : index
    %swap3A_13 = vector.load %arg4[%swap3A, %swap3A_12] : memref<2048x80xf32, #tpu.memory_space<vmem>>, vector<2048x80xf32>
    tpu.vector_store %arg4[%swap3A, %swap3A_12], %dot_general3A_11 {strides = array<i32>} : memref<2048x80xf32, #tpu.memory_space<vmem>>, vector<2048x80xf32>,
    %get3A_14 = arith.constant 0 : index
    %get3A_15 = arith.constant 0 : index
    %get3A_16 = vector.load %arg3[%get3A_14, %get3A_15] : memref<128x16xf32, #tpu.memory_space<vmem>>, vector<128x16xf32>
    %dot_general3A_17 = arith.constant dense<0.000000e+00> : vector<2048x16xf32>
    %dot_general3A_18 = tpu.matmul %add3A, %get3A_16, %dot_general3A_17 {dimension_numbers = #tpu.dot_dimension_numbers<[1], [0], [0], [1], [0, 0, 1, 1], [], []>, transpose_lhs_hint = false} : vector<2048x128xf32>, vector<128x16xf32>, vector<2048x16xf32> -> vector<2048x16xf32>
    %swap3A_19 = arith.constant 0 : index
    %swap3A_20 = arith.constant 0 : index
    %swap3A_21 = vector.load %arg5[%swap3A_19, %swap3A_20] : memref<2048x16xf32, #tpu.memory_space<vmem>>, vector<2048x16xf32>
    tpu.vector_store %arg5[%swap3A_19, %swap3A_20], %dot_general3A_18 {strides = array<i32>} : memref<2048x16xf32, #tpu.memory_space<vmem>>, vector<2048x16xf32>,
    return
  }
  func.func @transform_0(%arg0: i32) -> (i32, i32) {
    %c0_i32 = arith.constant 0 : i32
    %c0_i32_0 = arith.constant 0 : i32
    return %c0_i32, %arg0 : i32, i32
  }
  func.func @transform_1(%arg0: i32) -> (i32, i32) {
    %c0_i32 = arith.constant 0 : i32
    %c0_i32_0 = arith.constant 0 : i32
    %c0_i32_1 = arith.constant 0 : i32
    return %c0_i32, %c0_i32_0 : i32, i32
  }
  func.func @transform_2(%arg0: i32) -> (i32, i32) {
    %c0_i32 = arith.constant 0 : i32
    %c0_i32_0 = arith.constant 0 : i32
    %c0_i32_1 = arith.constant 0 : i32
    return %c0_i32, %c0_i32_0 : i32, i32
  }
  func.func @transform_3(%arg0: i32) -> (i32, i32) {
    %c0_i32 = arith.constant 0 : i32
    %c0_i32_0 = arith.constant 0 : i32
    return %arg0, %c0_i32 : i32, i32
  }
  func.func @transform_4(%arg0: i32) -> (i32, i32) {
    %c0_i32 = arith.constant 0 : i32
    %c0_i32_0 = arith.constant 0 : i32
    return %arg0, %c0_i32 : i32, i32
  }
}

module attributes {stable_mosaic.version = 14 : i64} {
  func.func @_mid_body(%arg0: i32, %arg1: memref<1x2048x80xf32, #tpu.memory_space<vmem>>, %arg2: memref<1x2048x80xf32, #tpu.memory_space<vmem>>, %arg3: memref<8x64xf32, #tpu.memory_space<vmem>>, %arg4: memref<64x16xf32, #tpu.memory_space<vmem>>, %arg5: memref<2048x16xf32, #tpu.memory_space<vmem>>) attributes {dimension_semantics = [#tpu.dimension_semantics<arbitrary>], iteration_bounds = array<i64: 5>, scalar_prefetch = 0 : i64, scratch_operands = 0 : i64, tpu.core_type = #tpu.core_type<tc>, window_params = [{transform_indices = @transform_0, window_bounds = array<i64: 1, 2048, 80>}, {transform_indices = @transform_1, window_bounds = array<i64: 1, 2048, 80>}, {pipeline_mode = #tpu.pipeline_mode<synchronous>, transform_indices = @transform_2, window_bounds = array<i64: 8, 64>}, {pipeline_mode = #tpu.pipeline_mode<synchronous>, transform_indices = @transform_3, window_bounds = array<i64: 64, 16>}, {transform_indices = @transform_4, window_bounds = array<i64: 2048, 16>}]} {
    %get3A = arith.constant 0 : index
    %get3A_0 = arith.constant 0 : index
    %get3A_1 = arith.constant 0 : index
    %get3A_2 = vector.load %arg1[%get3A, %get3A_0, %get3A_1] : memref<1x2048x80xf32, #tpu.memory_space<vmem>>, vector<1x2048x80xf32>
    %get3A_3 = vector.shape_cast %get3A_2 : vector<1x2048x80xf32> to vector<2048x80xf32>
    %get3A_4 = arith.constant 0 : index
    %get3A_5 = arith.constant 0 : index
    %get3A_6 = arith.constant 0 : index
    %get3A_7 = vector.load %arg2[%get3A_4, %get3A_5, %get3A_6] : memref<1x2048x80xf32, #tpu.memory_space<vmem>>, vector<1x2048x80xf32>
    %get3A_8 = vector.shape_cast %get3A_7 : vector<1x2048x80xf32> to vector<2048x80xf32>
    %add3A = arith.addf %get3A_3, %get3A_8 : vector<2048x80xf32>
    %slice3A = vector.extract_strided_slice %add3A {offsets = [0, 0], sizes = [2048, 64], strides = [1, 1]} : vector<2048x80xf32> to vector<2048x64xf32>
    %slice3A_9 = vector.extract_strided_slice %add3A {offsets = [0, 64], sizes = [2048, 8], strides = [1, 1]} : vector<2048x80xf32> to vector<2048x8xf32>
    %get3A_10 = arith.constant 0 : index
    %get3A_11 = arith.constant 0 : index
    %get3A_12 = vector.load %arg3[%get3A_10, %get3A_11] : memref<8x64xf32, #tpu.memory_space<vmem>>, vector<8x64xf32>
    %dot_general3A = arith.constant dense<0.000000e+00> : vector<2048x64xf32>
    %dot_general3A_13 = tpu.matmul %slice3A_9, %get3A_12, %dot_general3A {dimension_numbers = #tpu.dot_dimension_numbers<[1], [0], [0], [1], [0, 0, 1, 1], [], []>, transpose_lhs_hint = false} : vector<2048x8xf32>, vector<8x64xf32>, vector<2048x64xf32> -> vector<2048x64xf32>
    %div3A = arith.divf %slice3A, %dot_general3A_13 : vector<2048x64xf32>
    %ge3A = arith.constant 0.000000e+00 : f32
    %ge3A_14 = vector.broadcast %ge3A : f32 to vector<2048x64xf32>
    %ge3A_15 = arith.cmpf oge, %div3A, %ge3A_14 : vector<2048x64xf32>
    %exp3A = math.exp %div3A : vector<2048x64xf32>
    %sub3A = arith.constant 1.000000e+00 : f32
    %sub3A_16 = vector.broadcast %sub3A : f32 to vector<2048x64xf32>
    %sub3A_17 = arith.subf %exp3A, %sub3A_16 : vector<2048x64xf32>
    %select_n3A = arith.select %ge3A_15, %div3A, %sub3A_17 : vector<2048x64xi1>, vector<2048x64xf32>
    %get3A_18 = arith.constant 0 : index
    %get3A_19 = arith.constant 0 : index
    %get3A_20 = vector.load %arg4[%get3A_18, %get3A_19] : memref<64x16xf32, #tpu.memory_space<vmem>>, vector<64x16xf32>
    %dot_general3A_21 = arith.constant dense<0.000000e+00> : vector<2048x16xf32>
    %dot_general3A_22 = tpu.matmul %select_n3A, %get3A_20, %dot_general3A_21 {dimension_numbers = #tpu.dot_dimension_numbers<[1], [0], [0], [1], [0, 0, 1, 1], [], []>, transpose_lhs_hint = false} : vector<2048x64xf32>, vector<64x16xf32>, vector<2048x16xf32> -> vector<2048x16xf32>
    %swap3A = arith.constant 0 : index
    %swap3A_23 = arith.constant 0 : index
    %swap3A_24 = vector.load %arg5[%swap3A, %swap3A_23] : memref<2048x16xf32, #tpu.memory_space<vmem>>, vector<2048x16xf32>
    tpu.vector_store %arg5[%swap3A, %swap3A_23], %dot_general3A_22 {strides = array<i32>} : memref<2048x16xf32, #tpu.memory_space<vmem>>, vector<2048x16xf32>,
    return
  }
  func.func @transform_0(%arg0: i32) -> (i32, i32, i32) {
    %c0_i32 = arith.constant 0 : i32
    %c0_i32_0 = arith.constant 0 : i32
    %c0_i32_1 = arith.constant 0 : i32
    return %c0_i32, %arg0, %c0_i32_0 : i32, i32, i32
  }
  func.func @transform_1(%arg0: i32) -> (i32, i32, i32) {
    %c1_i32 = arith.constant 1 : i32
    %c0_i32 = arith.constant 0 : i32
    %c0_i32_0 = arith.constant 0 : i32
    return %c1_i32, %arg0, %c0_i32 : i32, i32, i32
  }
  func.func @transform_2(%arg0: i32) -> (i32, i32) {
    %c0_i32 = arith.constant 0 : i32
    %c0_i32_0 = arith.constant 0 : i32
    %c0_i32_1 = arith.constant 0 : i32
    return %c0_i32, %c0_i32_0 : i32, i32
  }
  func.func @transform_3(%arg0: i32) -> (i32, i32) {
    %c0_i32 = arith.constant 0 : i32
    %c0_i32_0 = arith.constant 0 : i32
    %c0_i32_1 = arith.constant 0 : i32
    return %c0_i32, %c0_i32_0 : i32, i32
  }
  func.func @transform_4(%arg0: i32) -> (i32, i32) {
    %c0_i32 = arith.constant 0 : i32
    %c0_i32_0 = arith.constant 0 : i32
    return %arg0, %c0_i32 : i32, i32
  }
}

module attributes {stable_mosaic.version = 14 : i64} {
  func.func @_fin_body(%arg0: i32, %arg1: memref<1x2048x16xf32, #tpu.memory_space<vmem>>, %arg2: memref<1x2048x16xf32, #tpu.memory_space<vmem>>, %arg3: memref<16x8xf32, #tpu.memory_space<vmem>>, %arg4: memref<2048x7xf32, #tpu.memory_space<vmem>>) attributes {dimension_semantics = [#tpu.dimension_semantics<arbitrary>], iteration_bounds = array<i64: 5>, scalar_prefetch = 0 : i64, scratch_operands = 0 : i64, tpu.core_type = #tpu.core_type<tc>, window_params = [{transform_indices = @transform_0, window_bounds = array<i64: 1, 2048, 16>}, {transform_indices = @transform_1, window_bounds = array<i64: 1, 2048, 16>}, {pipeline_mode = #tpu.pipeline_mode<synchronous>, transform_indices = @transform_2, window_bounds = array<i64: 16, 8>}, {transform_indices = @transform_3, window_bounds = array<i64: 2048, 7>}]} {
    %get3A = arith.constant 0 : index
    %get3A_0 = arith.constant 0 : index
    %get3A_1 = arith.constant 0 : index
    %get3A_2 = vector.load %arg1[%get3A, %get3A_0, %get3A_1] : memref<1x2048x16xf32, #tpu.memory_space<vmem>>, vector<1x2048x16xf32>
    %get3A_3 = vector.shape_cast %get3A_2 : vector<1x2048x16xf32> to vector<2048x16xf32>
    %get3A_4 = arith.constant 0 : index
    %get3A_5 = arith.constant 0 : index
    %get3A_6 = arith.constant 0 : index
    %get3A_7 = vector.load %arg2[%get3A_4, %get3A_5, %get3A_6] : memref<1x2048x16xf32, #tpu.memory_space<vmem>>, vector<1x2048x16xf32>
    %get3A_8 = vector.shape_cast %get3A_7 : vector<1x2048x16xf32> to vector<2048x16xf32>
    %add3A = arith.addf %get3A_3, %get3A_8 : vector<2048x16xf32>
    %slice3A = vector.extract_strided_slice %add3A {offsets = [0, 0], sizes = [2048, 8], strides = [1, 1]} : vector<2048x16xf32> to vector<2048x8xf32>
    %get3A_9 = arith.constant 0 : index
    %get3A_10 = arith.constant 0 : index
    %get3A_11 = vector.load %arg3[%get3A_9, %get3A_10] : memref<16x8xf32, #tpu.memory_space<vmem>>, vector<16x8xf32>
    %dot_general3A = arith.constant dense<0.000000e+00> : vector<2048x8xf32>
    %dot_general3A_12 = tpu.matmul %add3A, %get3A_11, %dot_general3A {dimension_numbers = #tpu.dot_dimension_numbers<[1], [0], [0], [1], [0, 0, 1, 1], [], []>, transpose_lhs_hint = false} : vector<2048x16xf32>, vector<16x8xf32>, vector<2048x8xf32> -> vector<2048x8xf32>
    %div3A = arith.divf %slice3A, %dot_general3A_12 : vector<2048x8xf32>
    %ge3A = arith.constant 0.000000e+00 : f32
    %ge3A_13 = vector.broadcast %ge3A : f32 to vector<2048x8xf32>
    %ge3A_14 = arith.cmpf oge, %div3A, %ge3A_13 : vector<2048x8xf32>
    %exp3A = math.exp %div3A : vector<2048x8xf32>
    %sub3A = arith.constant 1.000000e+00 : f32
    %sub3A_15 = vector.broadcast %sub3A : f32 to vector<2048x8xf32>
    %sub3A_16 = arith.subf %exp3A, %sub3A_15 : vector<2048x8xf32>
    %select_n3A = arith.select %ge3A_14, %div3A, %sub3A_16 : vector<2048x8xi1>, vector<2048x8xf32>
    %iota3A = tpu.iota {dimensions = array<i32: 1>} : vector<2048x8xi32>
    %lt3A = arith.constant 7 : i32
    %lt3A_17 = vector.broadcast %lt3A : i32 to vector<2048x8xi32>
    %lt3A_18 = arith.cmpi slt, %iota3A, %lt3A_17 : vector<2048x8xi32>
    %jit3A = arith.constant -1.000000e+30 : f32
    %broadcast_in_dim3A = vector.broadcast %jit3A : f32 to vector<2048x8xf32>
    %select_n3A_19 = arith.select %lt3A_18, %select_n3A, %broadcast_in_dim3A : vector<2048x8xi1>, vector<2048x8xf32>
    %reduce_max3A = arith.constant dense<0xFF800000> : vector<2048xf32>
    %reduce_max3A_20 = vector.multi_reduction <maximumf>, %select_n3A_19, %reduce_max3A [1] : vector<2048x8xf32> to vector<2048xf32>
    %broadcast_in_dim3A_21 = vector.shape_cast %reduce_max3A_20 : vector<2048xf32> to vector<2048x1xf32>
    %sub3A_22 = vector.broadcast %broadcast_in_dim3A_21 : vector<2048x1xf32> to vector<2048x8xf32>
    %sub3A_23 = arith.subf %select_n3A_19, %sub3A_22 : vector<2048x8xf32>
    %exp3A_24 = math.exp %sub3A_23 : vector<2048x8xf32>
    %reduce_sum3A = arith.constant dense<0.000000e+00> : vector<2048xf32>
    %reduce_sum3A_25 = vector.multi_reduction <add>, %exp3A_24, %reduce_sum3A [1] : vector<2048x8xf32> to vector<2048xf32>
    %broadcast_in_dim3A_26 = vector.shape_cast %reduce_sum3A_25 : vector<2048xf32> to vector<2048x1xf32>
    %log3A = math.log %broadcast_in_dim3A_26 : vector<2048x1xf32>
    %add3A_27 = arith.addf %log3A, %broadcast_in_dim3A_21 : vector<2048x1xf32>
    %sub3A_28 = vector.broadcast %add3A_27 : vector<2048x1xf32> to vector<2048x8xf32>
    %sub3A_29 = arith.subf %select_n3A_19, %sub3A_28 : vector<2048x8xf32>
    %slice3A_30 = vector.extract_strided_slice %sub3A_29 {offsets = [0, 0], sizes = [2048, 7], strides = [1, 1]} : vector<2048x8xf32> to vector<2048x7xf32>
    %swap3A = arith.constant 0 : index
    %swap3A_31 = arith.constant 0 : index
    %swap3A_32 = vector.load %arg4[%swap3A, %swap3A_31] : memref<2048x7xf32, #tpu.memory_space<vmem>>, vector<2048x7xf32>
    tpu.vector_store %arg4[%swap3A, %swap3A_31], %slice3A_30 {strides = array<i32>} : memref<2048x7xf32, #tpu.memory_space<vmem>>, vector<2048x7xf32>,
    return
  }
  func.func @transform_0(%arg0: i32) -> (i32, i32, i32) {
    %c0_i32 = arith.constant 0 : i32
    %c0_i32_0 = arith.constant 0 : i32
    %c0_i32_1 = arith.constant 0 : i32
    return %c0_i32, %arg0, %c0_i32_0 : i32, i32, i32
  }
  func.func @transform_1(%arg0: i32) -> (i32, i32, i32) {
    %c1_i32 = arith.constant 1 : i32
    %c0_i32 = arith.constant 0 : i32
    %c0_i32_0 = arith.constant 0 : i32
    return %c1_i32, %arg0, %c0_i32 : i32, i32, i32
  }
  func.func @transform_2(%arg0: i32) -> (i32, i32) {
    %c0_i32 = arith.constant 0 : i32
    %c0_i32_0 = arith.constant 0 : i32
    %c0_i32_1 = arith.constant 0 : i32
    return %c0_i32, %c0_i32_0 : i32, i32
  }
  func.func @transform_3(%arg0: i32) -> (i32, i32) {
    %c0_i32 = arith.constant 0 : i32
    %c0_i32_0 = arith.constant 0 : i32
    return %arg0, %c0_i32 : i32, i32
  }
}

</mosaic_0001>

<sc_bundles>
// kernel: kernel.11.cloned.1.call-start
scs
__scs_entry_jumppad:
0x0: {  	(pc) =	sbr.rel $0x88, $3  }
0x1: {  	(tag) =	ssettag $0x0;
	lr =	simm.s32 $0x1  }
0x2: {  	[smem:$0x3F99] =	sst lr;
	_ =	strace $0xD0000000  }
0x3: {  	_ = 	snop  }
0x4: {  	_ = 	snop  }
0x5: {  	_ = 	snop  }
0x6: {  	_ = 	snop  }
0x7: {  	_ = 	snop  }
__scs_overlays_trampoline_lowered:
0x8: {  	[smem:$0x3FA8] =	sst s0  }
0x9: {  	[smem:$0x3FA9] =	sst s1  }
0xa: {  	[smem:$0x3FAA] =	sst s2  }
0xb: {  	[smem:$0x3FAB] =	sst s3  }
0xc: {  	[smem:$0x3FAC] =	sst s4  }
0xd: {  	[smem:$0x3FAD] =	sst s5  }
0xe: {  	[smem:$0x3FAE] =	sst s6  }
0xf: {  	[smem:$0x3FAF] =	sst s7  }
0x10: {  	[smem:$0x3FB0] =	sst s8  }
0x11: {  	[smem:$0x3FB1] =	sst s9;
	s0 =	simm.s32 @!p0 $0x0  }
0x12: {  	s1 =	sld [smem:$0x3F97];
	s0 =	simm.s32 @p0 $0x1  }
0x13: {  	[smem:$0x3FB2] =	sst s0;
	s0 =	simm.s32 @!p1 $0x0  }
0x14: {  	s2 =	sld [smem:$0x3F96];
	s0 =	simm.s32 @p1 $0x1  }
0x15: {  	[smem:$0x3FB3] =	sst s0;
	s0 =	simm.s32 @!p2 $0x0  }
0x16: {  	s3 =	sld [smem:$0x3FDB];
	s0 =	simm.s32 @p2 $0x1  }
0x17: {  	s4 =	simm.s32 $0x1BF5;
	[smem:$0x3FB5] =	sst s0  }
0x18: {  	s0 =	sld [smem:$0x3F98];
	_ =	swait.ge [sflag:s4], $0x0  }
0x19: {  	s7 =	sld [smem:$0x3F99]  }
0x1a: {  	s8 =	sadd.s32 $0xFFFFE003, lr  }
0x1b: {  	s9 =	sadd.s32 $0xFFFFFEF7, lr;
	s5 =	simm.s32 $0xFFFFFFFF;
	p2 =	slt.u32 s8, $0xFFFFF086  }
0x1c: {  	p1 =	slt.u32 s9, $0xF7A;
	s5 =	simm.s32 @!p2 $0x0  }
0x1d: {  	s5 =	simm.s32 @p1 $0x1;
	p0 =	seq.s32 s7, s2  }
0x1e: {  	s7 =	smul.u32 @!p0 $0xF7A, s2;
	p2 =	seq.s32 @!p0 s5, $0x0  }
0x1f: {  	s9 =	smul.u32 $0xF7A, s1;
	s8 =	simm.s32 @!p0 $0x1BF5;
	p2 =	por !p2, p0  }
0x20: {  	[sflag:s8] =	ssyncset.s32 @!p0 $0xFFFFF086;
	s6 =	sadd.s32 @!p0 s3, s7;
	s7 =	simm.s32 @!p0 $0x108  }
0x21: {  	s3 =	sadd.s32 s3, s9;
	s6 =	sadd.s32 @!p0 $0x88, s6;
	s7 =	simm.s32 @p2 $0x1082  }
0x22: {  	[simem:s7], [sflag:s8] =	dma.local @!p0 [hbm:s6], $0xF7A  }
0x23: {  	s9 =	sor.u32 $0xD0000000, s2;
	s6 =	simm.s32 $0x108;
	_ =	swait.ge @!p0 [sflag:s8], $0x0  }
0x24: {  	s3 =	sadd.s32 $0x88, s3;
	s6 =	simm.s32 @!p1 $0x1082;
	[sflag:s4] =	ssyncset.s32 $0xFFFFF086  }
0x25: {  	[simem:s6], [sflag:s4] =	dma.local [hbm:s3], $0xF7A  }
0x26: {  	[smem:$0x3F99] =	sst s1;
	(tag) =	ssettag s2;
	_ =	strace s9  }
0x27: {  	s1 =	sld [smem:$0x3FA9]  }
0x28: {  	s2 =	sld [smem:$0x3FAA]  }
0x29: {  	s4 =	sld [smem:$0x3FAC]  }
0x2a: {  	p0 =	seq.s32 s5, $0x0;
	s5 =	sld [smem:$0x3FAD]  }
0x2b: {  	s6 =	sld [smem:$0x3FAE]  }
0x2c: {  	s7 =	sld [smem:$0x3FAF]  }
0x2d: {  	s3 =	simm.s32 $0x108;
	s8 =	sld [smem:$0x3FB0]  }
0x2e: {  	s3 =	simm.s32 @!p0 $0x1082;
	s9 =	sld [smem:$0x3FB1]  }
0x2f: {  	lr =	sadd.s32 s0, s3;
	s0 =	sld [smem:$0x3FA8]  }
0x30: {  	s3 =	sld [smem:$0x3FAB]  }
0x31: {  	[smem:$0x3FB4] =	sst s10  }
0x32: {  	s10 =	sld [smem:$0x3FB2];
	_ =	sdelay $0x3  }
0x33: {  	p0 =	seq.s32 s10, $0x1;
	s10 =	sld [smem:$0x3FB4];
	_ =	sdelay $0x3  }
0x34: {  	[smem:$0x3FB4] =	sst s10  }
0x35: {  	s10 =	sld [smem:$0x3FB3];
	_ =	sdelay $0x3  }
0x36: {  	p1 =	seq.s32 s10, $0x1;
	s10 =	sld [smem:$0x3FB4];
	_ =	sdelay $0x3  }
0x37: {  	[smem:$0x3FB4] =	sst s10  }
0x38: {  	s10 =	sld [smem:$0x3FB5]  }
0x39: {  	_ = 	snop;
	(pc) =	sbr.ind lr, $3  }
0x3a: {  	_ = 	snop  }
0x3b: {  	_ = 	snop  }
0x3c: {  	p2 =	seq.s32 s10, $0x1;
	s10 =	sld [smem:$0x3FB4]  }
0x3d: {  	_ =	shalt  }
0x3e: {  	_ =	shalt  }
0x3f: {  	_ =	shalt  }
0x40: {  	_ =	shalt  }
0x41: {  	_ =	shalt  }
0x42: {  	_ =	shalt  }
0x43: {  	_ =	shalt  }
0x44: {  	_ =	shalt  }
0x45: {  	_ =	shalt  }
0x46: {  	_ =	shalt  }
0x47: {  	_ =	shalt  }
0x48: {  	_ =	shalt  }
0x49: {  	_ =	shalt  }
0x4a: {  	_ =	shalt  }
0x4b: {  	_ =	shalt  }
0x4c: {  	_ =	shalt  }
0x4d: {  	_ =	shalt  }
0x4e: {  	_ =	shalt  }
0x4f: {  	_ =	shalt  }
0x50: {  	_ =	shalt  }
0x51: {  	_ =	shalt  }
0x52: {  	_ =	shalt  }
0x53: {  	_ =	shalt  }
0x54: {  	_ =	shalt  }
0x55: {  	_ =	shalt  }
0x56: {  	_ =	shalt  }
0x57: {  	_ =	shalt  }
0x58: {  	_ =	shalt  }
0x59: {  	_ =	shalt  }
0x5a: {  	_ =	shalt  }
0x5b: {  	_ =	shalt  }
0x5c: {  	_ =	shalt  }
0x5d: {  	_ =	shalt  }
0x5e: {  	_ =	shalt  }
0x5f: {  	_ =	shalt  }
0x60: {  	_ =	shalt  }
0x61: {  	_ =	shalt  }
0x62: {  	_ =	shalt  }
0x63: {  	_ =	shalt  }
0x64: {  	_ =	shalt  }
0x65: {  	_ =	shalt  }
0x66: {  	_ =	shalt  }
0x67: {  	_ =	shalt  }
0x68: {  	_ =	shalt  }
0x69: {  	_ =	shalt  }
0x6a: {  	_ =	shalt  }
0x6b: {  	_ =	shalt  }
0x6c: {  	_ =	shalt  }
0x6d: {  	_ =	shalt  }
0x6e: {  	_ =	shalt  }
0x6f: {  	_ =	shalt  }
0x70: {  	_ =	shalt  }
0x71: {  	_ =	shalt  }
0x72: {  	_ =	shalt  }
0x73: {  	_ =	shalt  }
0x74: {  	_ =	shalt  }
0x75: {  	_ =	shalt  }
0x76: {  	_ =	shalt  }
0x77: {  	_ =	shalt  }
0x78: {  	_ =	shalt  }
0x79: {  	_ =	shalt  }
0x7a: {  	_ =	shalt  }
0x7b: {  	_ =	shalt  }
0x7c: {  	_ =	shalt  }
0x7d: {  	_ =	shalt  }
0x7e: {  	_ =	shalt  }
0x7f: {  	_ =	shalt  }
0x80: {  	_ =	shalt  }
0x81: {  	_ =	shalt  }
0x82: {  	_ =	shalt  }
0x83: {  	_ =	shalt  }
0x84: {  	_ =	shalt  }
0x85: {  	_ =	shalt  }
0x86: {  	_ =	shalt  }
0x87: {  	_ =	shalt  }
.Lfunc_end0:
.L_simem_size_0:
called_computation.1_lowered:
.L_overlay_start_0:
0x88: {  	s2 =	sld [smem:$0x3FD9]  }
0x89: {  	s3 =	sld [smem:$0x3FFE];
	_ =	sdelay $0x1  }
0x8a: {  	s1 =	srdreg.scid  }
0x8b: {  	s0 =	sand.u32 $0x1, s1  }
0x8c: {  	s16 =	sshll.u32 s0, $0xA;
	s2 =	sadd.s32 s3, s2  }
0x8d: {  	s2 =	sadd.s32 s2, s16  }
0x8e: {  	[smem:$0x3FC0] =	sst s2  }
0x8f: {  	_ = 	snop  }
0x90: {  	(tm) =	ssettm $0x1  }
0x91: {  	s17 =	sld [smem:$0x3FFB];
	_ =	sdelay $0x3  }
0x92: {  	_ =	strace s17  }
0x93: {  	s2 =	sld [smem:$0x3FFC];
	_ =	sdelay $0x3  }
0x94: {  	_ =	strace s2  }
0x95: {  	s2 =	sld [smem:$0x3FFD];
	_ =	sdelay $0x3  }
0x96: {  	_ =	strace s2  }
0x97: {  	_ =	strace $0x8FFFFFFF  }
0x98: {  	s18 =	sld [smem:$0x3FDB];
	_ =	sdelay $0x1  }
0x99: {  	s19 =	simm.s32 $_scs_section_size  }
0x9a: {  	s4 =	simm.s32 $_size__tile_overlayer_lowered;
	s5 =	simm.s32 $_tile_overlayer_lowered  }
0x9b: {  	s22 =	simm.s32 $0x1BFF;
	s21 =	sshll.u32 s5, $0x1;
	s2 =	sadd.s32 s19, s18  }
0x9c: {  	s6 =	simm.s32 $0x0;
	s20 =	sshll.u32 s4, $0x1;
	s4 =	sadd.s32 s21, s2  }
0x9d: {  	[timem:s6], [sflag:s22] =	dma.local [hbm:s4], s20  }
0x9e: {  	_ =	swait.ge [sflag:s22], s20  }
0x9f: {  	s3 =	ssub.s32 $0x0, s20;
	[sflag:s22] =	ssyncset.done $0x0  }
0xa0: {  	[sflag:s22] =	ssyncadd.s32 s3;
	_ =	sdelay $0x1  }
0xa1: {  	s23 =	simm.s32 $0x1B8B  }
0xa2: {  	_ =	swait.ge [sflag:s23], $0x1  }
0xa3: {  	[sflag:s23] =	ssyncset.done $0x0  }
0xa4: {  	s25 =	simm.s32 $0x1B8E;
	s24 =	sld [smem:$0x3FFE];
	[sflag:s23] =	ssyncadd.s32 $0xFFFFFFFF  }
0xa5: {  	s26 =	simm.s32 $execute0_lowered;
	[smem:$0x3FD2] =	sst s25  }
0xa6: {  	s4 =	sshll.u32 s26, $0x1;
	_ =	strace $0x80000049;
	[dreg:$0x1] =	wrdreg $0xFFFFFFFF  }
0xa7: {  	s28 =	simm.s32 $_size_execute0_lowered;
	s2 =	sadd.s32 s2, s4;
	[dreg:$0x0] =	wrdreg $0x0  }
0xa8: {  	s4 =	sshll.u32 s28, $0x1;
	[dreg:$0x2] =	wrdreg s2  }
0xa9: {  	[dreg:$0x3] =	wrdreg s4  }
0xaa: {  	[dreg:$0x4] =	wrdreg $0xC0  }
0xab: {  	_ =	task [dreg:s6], $0x5FFFF  }
0xac: {  	[dreg:$0x1] =	wrdreg $0xFFFFFFFF  }
0xad: {  	[dreg:$0x0] =	wrdreg $0x60  }
0xae: {  	[dreg:$0x2] =	wrdreg s24  }
0xaf: {  	[dreg:$0x3] =	wrdreg $0xF2100  }
0xb0: {  	[dreg:$0x4] =	wrdreg $0x1BA100  }
0xb1: {  	[dreg:$0x5] =	wrdreg $0x9  }
0xb2: {  	_ =	task.clear_ibuf [dreg:s6], $0x6FFFF;
	_ =	strace $0x90000049  }
0xb3: {  	s29 =	simm.s32 $0x9;
	_ =	strace $0x8000004B  }
0xb4: {  	_ =	swait.ge [sflag:s29], $0x1  }
0xb5: {  	[sflag:s29] =	ssyncadd.s32 $0xFFFFFFFF  }
0xb6: {  	_ =	strace $0x9000004B  }
0xb7: {  	_ =	sfence  }
0xb8: {  	s30 =	sld [smem:$0x0];
	_ =	sdelay $0x2  }
0xb9: {  	s31 =	sshll.u32 s1, $0xD;
	s1 =	sshrl.u32 s1, $0x2  }
0xba: {  	s3 =	sand.u32 $0x4000, s31;
	s1 =	sadd.s32 s1, s30  }
0xbb: {  	s0 =	sor.u32 s3, s0;
	s1 =	sshll.u32 s1, $0x11  }
0xbc: {  	s0 =	sor.u32 s1, s0  }
0xbd: {  	s0 =	sadd.s32 $0x8F2B, s0  }
0xbe: {  	[sflag:s0] =	ssyncadd.remote.s32 $0x1  }
0xbf: {  	_ =	sfence.sel $0xFFFF  }
0xc0: {  	[dreg:$0x0] =	wrdreg $0xFFFFFFFF;
	(pc) =	sbr.abs _section_cstart, $3  }
0xc1: {  	[dreg:$0x1] =	wrdreg $0xFFFFFFFF  }
0xc2: {  	_ =	task.clear_ibuf [dreg:s6], $0x2FFFF;
	_ =	strace $0x9FFFFFFF  }
0xc3: {  	(tm) =	ssettm $0x7FFFFFFF  }
tec
execute0_lowered:
.L_overlay_start_1:
0x0: {  	(tag) =	ssettag $0x1  }
0x1: {  	s0 =	srdreg.scid  }
0x2: {  	s22 =	stileid.u32;
	s10 =	rddreg [dreg:$0x0]  }
0x3: {  	s1 =	simm.s32 $0x0;
	s28 =	simm.s32 $0xB200;
	s2 =	sand.u32 $0x1, s0  }
0x4: {  	s29 =	simm.s32 $0x5;
	s3 =	smul.u32 $0x280, s22;
	s0 =	sshll.u32 s2, $0x4  }
0x5: {  	s30 =	simm.s32 $0x6;
	s11 =	smul.u32 $0xC8000, s2;
	s0 =	sor.u32 s22, s0  }
0x6: {  	s31 =	simm.s32 $0x0;
	[smem:$0x7FF] =	sst s1;
	s9 =	smul.u32 $0x2A0, s0  }
0x7: {  	s4 =	ssub.s32 $0x2, s2;
	s13 =	sor.u32 $0x40, s3;
	s0 =	smul.u32 $0xC800, s22  }
0x8: {  	s5 =	sshrl.u32 s4, $0x1;
	s16 =	sadd.s32 $0x80, s3;
	s2 =	smul.u32 $0x50, s13  }
0x9: {  	s14 =	sadd.s32 $0x1FC00, s10;
	s3 =	smul.u32 $0x50, s16;
	s17 =	ssub.s32 s4, s5  }
0xa: {  	s16 =	smul.u32 $0x140, s16;
	s6 =	sadd.s32 s11, s0;
	s7 =	sadd.s32 s11, s2  }
0xb: {  	s12 =	sadd.s32 s11, s3;
	s5 =	sadd.s32 $0x5000, s0;
	s6 =	sshrl.u32 s6, $0x3  }
0xc: {  	s9 =	sadd.s32 s9, s10;
	s8 =	sshrl.u32 s7, $0x3;
	s6 =	sadd.s32 s14, s6  }
0xd: {  	s20 =	sadd.s32 s11, s5;
	s4 =	sadd.s32 s14, s8;
	[dreg:$0x4] =	wrdreg s6  }
0xe: {  	s15 =	sshrl.u32 s12, $0x3;
	s7 =	sshrl.u32 s20, $0x3;
	[dreg:$0x5] =	wrdreg s4  }
0xf: {  	s4 =	sadd.s32 $0x3C00, s0;
	s6 =	sadd.s32 s14, s15;
	s7 =	sadd.s32 s14, s7  }
0x10: {  	s18 =	sadd.s32 s11, s4;
	[dreg:$0x8] =	wrdreg s7;
	s7 =	sadd.s32 $0x7800, s0  }
0x11: {  	[dreg:$0x6] =	wrdreg s6;
	s19 =	sshrl.u32 s18, $0x3;
	s15 =	sadd.s32 s11, s7  }
0x12: {  	s18 =	sadd.s32 $0xA000, s0;
	s6 =	sadd.s32 s14, s19;
	s21 =	sshrl.u32 s15, $0x3  }
0x13: {  	s25 =	sadd.s32 s11, s18;
	s19 =	sadd.s32 $0xB400, s0;
	[dreg:$0x7] =	wrdreg s6  }
0x14: {  	s6 =	sadd.s32 $0x6400, s0;
	s26 =	sshrl.u32 s25, $0x3;
	s25 =	sadd.s32 $0x60600, s9  }
0x15: {  	s9 =	sadd.s32 $0x5B200, s9;
	s8 =	sadd.s32 s11, s6;
	s15 =	sadd.s32 s14, s26  }
0x16: {  	s26 =	smul.u32 $0x140, s13;
	s12 =	sshrl.u32 s8, $0x3;
	s8 =	sadd.s32 $0x8C00, s0  }
0x17: {  	[dreg:$0xc] =	wrdreg s15;
	s15 =	sadd.s32 $0x1C00, s10;
	s12 =	sadd.s32 s14, s12  }
0x18: {  	s23 =	sadd.s32 s11, s8;
	[dreg:$0x9] =	wrdreg s12;
	s12 =	sadd.s32 s14, s21  }
0x19: {  	s24 =	sshrl.u32 s23, $0x3;
	s23 =	sadd.s32 s11, s19;
	s11 =	rddreg [dreg:$0x1]  }
0x1a: {  	s21 =	smul.u32 $0x2800, s22;
	[dreg:$0xa] =	wrdreg s12;
	s12 =	sadd.s32 s14, s24  }
0x1b: {  	s20 =	sshrl.u32 s23, $0x3;
	s23 =	smax.u32 s17, $0x1;
	s0 =	sadd.s32 s0, s11  }
0x1c: {  	s2 =	sadd.s32 s2, s11;
	s3 =	sadd.s32 s3, s11;
	s4 =	sadd.s32 s4, s11  }
0x1d: {  	s5 =	sadd.s32 s5, s11;
	s6 =	sadd.s32 s6, s11;
	[dreg:$0xb] =	wrdreg s12  }
0x1e: {  	s7 =	sadd.s32 s7, s11;
	s12 =	rddreg [dreg:$0x2];
	s14 =	sadd.s32 s14, s20  }
0x1f: {  	s8 =	sadd.s32 s8, s11;
	s24 =	sshrl.u32 s21, $0x3;
	[dreg:$0xd] =	wrdreg s14  }
0x20: {  	s0 =	sshrl.u32 s0, $0x3;
	_ =	strace $0x8000004A;
	[dreg:$0xe] =	wrdreg s25  }
0x21: {  	s14 =	sadd.s32 s24, s10;
	s10 =	smul.u32 $0x32000, s22;
	[dreg:$0xf] =	wrdreg s9  }
0x22: {  	s13 =	sadd.s32 s21, s12;
	s14 =	sadd.s32 $0x1AC00, s14;
	[dreg:$0x11] =	wrdreg s23  }
0x23: {  	s9 =	sshrl.u32 s26, $0x2;
	s25 =	sshrl.u32 s16, $0x2;
	[dreg:$0x1d] =	wrdreg s0  }
0x24: {  	s13 =	sshrl.u32 s13, $0x3;
	s22 =	sshrl.u32 s10, $0x2;
	[dreg:$0x10] =	wrdreg s14  }
0x25: {  	s26 =	sadd.s32 $0xF000, s10;
	s9 =	sadd.s32 s9, s11;
	s14 =	sadd.s32 s25, s11  }
0x26: {  	s20 =	sadd.s32 $0x14000, s10;
	s21 =	sadd.s32 $0x19000, s10;
	[dreg:$0x1c] =	wrdreg s13  }
0x27: {  	s25 =	sadd.s32 $0x23000, s10;
	s13 =	simm.s32 $0x7;
	[dreg:$0x13] =	wrdreg s9  }
0x28: {  	s24 =	sadd.s32 s22, s11;
	[dreg:$0x14] =	wrdreg s14;
	s17 =	sshrl.u32 s26, $0x2  }
0x29: {  	s14 =	sshrl.u32 s21, $0x2;
	s22 =	sadd.s32 $0x1E000, s10;
	s26 =	sadd.s32 $0x28000, s10  }
0x2a: {  	s10 =	sadd.s32 $0x2D000, s10;
	s21 =	sshrl.u32 s4, $0x3;
	[dreg:$0x12] =	wrdreg s24  }
0x2b: {  	s9 =	sadd.s32 s17, s11;
	s23 =	sadd.s32 s14, s11;
	s24 =	sshrl.u32 s22, $0x2  }
0x2c: {  	s14 =	sshrl.u32 s26, $0x2;
	s16 =	sshrl.u32 s10, $0x2;
	[smem:$0x7F8] =	sst s21  }
0x2d: {  	s17 =	sadd.s32 s18, s11;
	s18 =	sadd.s32 s19, s11;
	[dreg:$0x15] =	wrdreg s9  }
0x2e: {  	s19 =	sshrl.u32 s2, $0x3;
	s22 =	sshrl.u32 s5, $0x3;
	[dreg:$0x17] =	wrdreg s23  }
0x2f: {  	s21 =	simm.s32 $0x3;
	s9 =	sshrl.u32 s20, $0x2;
	[dreg:$0x1e] =	wrdreg s19  }
0x30: {  	s14 =	sadd.s32 s14, s11;
	s20 =	sshrl.u32 s3, $0x3;
	[smem:$0x7F9] =	sst s22  }
0x31: {  	s23 =	sshrl.u32 s6, $0x3;
	s26 =	sshrl.u32 s17, $0x3;
	[dreg:$0x1a] =	wrdreg s14  }
0x32: {  	s17 =	simm.s32 $0x80;
	s19 =	simm.s32 $0x3A00;
	[dreg:$0x1f] =	wrdreg s20  }
0x33: {  	v0 =	vimm.s32 $0xFEDCBA98;
	s22 =	simm.s32 $0x3200;
	s9 =	sadd.s32 s9, s11;
	[smem:$0x7FA] =	sst s23  }
0x34: {  	v1 =	vimm.s32 $0x76543210;
	v0 =	vunpack.c.l.s4.s8 v0;
	[smem:$0x7FD] =	sst s26;
	s20 =	simm.s32 $0x1;
	s23 =	simm.s32 $0x6200  }
0x35: {  	v1 =	vunpack.c.l.s4.s8 v1;
	s26 =	simm.s32 $0x4;
	[dreg:$0x16] =	wrdreg s9;
	s9 =	sadd.s32 s24, s11  }
0x36: {  	v2 =	vunpack.c.0.s8.s32 v0;
	s24 =	sshrl.u32 s7, $0x3;
	[dreg:$0x18] =	wrdreg s9;
	s9 =	sshrl.u32 s25, $0x2  }
0x37: {  	v1 =	vunpack.c.0.s8.s32 v1;
	[smem:$0x7FB] =	sst s24;
	s25 =	sshrl.u32 s8, $0x3;
	s24 =	simm.s32 $0x8A00  }
0x38: {  	v3 =	vlaneseq.u32;
	vm0 =	vmmov $0xff;
	v2 =	vand.u32 $0xF, v2;
	s9 =	sadd.s32 s9, s11;
	[smem:$0x7FC] =	sst s25;
	s25 =	simm.s32 $0x2  }
0x39: {  	v0 =	vimm.f32 $0.0e+00;
	v1 =	vcombine.low v2, v1;
	v2 =	vshrl.u32 v3, $0x3;
	[dreg:$0x19] =	wrdreg s9;
	s9 =	sadd.s32 s16, s11;
	s16 =	simm.s32 $0xDA00  }
0x3a: {  	v3 =	vor.u32 $0x2, v2;
	v4 =	vor.u32 $0x4, v2;
	v5 =	vor.u32 $0x6, v2;
	[dreg:$0x1b] =	wrdreg s9;
	s9 =	sshrl.u32 s18, $0x3;
	s18 =	simm.s32 $0x2A00  }
.LBB2_1:
0x3b: {  	s0 =	rddreg [dreg:$0xe]  }
0x3c: {  	[tilespmem:s1], [sflag:$0x7] =	stream.linear.gather [hbm4b:s0+s1], $0x1500, $0x38;
	[tilespmem:$0x1E210] =	vst v63  }
0x3d: {  	_ =	swait.ge [sflag:s13], $0x1500  }
0x3e: {  	s2 =	simm.s32 $0x1500;
	[sflag:s13] =	ssyncset.done $0x0  }
0x3f: {  	s14 =	smul.u32 $0xCCCD, s1;
	s10 =	rddreg [dreg:$0xf];
	[sflag:s13] =	ssyncadd.s32 $0xFFFFEB00  }
0x40: {  	[tilespmem:s2], [sflag:$0x7] =	stream.linear.gather [hbm4b:s10+s1], $0x1500, $0x38;
	[tilespmem:$0x1E210] =	vst v63  }
0x41: {  	_ =	swait.ge [sflag:s13], $0x1500  }
0x42: {  	s3 =	simm.s32 $0x0;
	s2 =	sshrl.u32 s14, $0x12;
	[sflag:s13] =	ssyncset.done $0x0  }
0x43: {  	s0 =	simm.s32 $0x1;
	s4 =	smul.u32 $0x5, s2;
	[sflag:s13] =	ssyncadd.s32 $0xFFFFEB00  }
.LBB2_2:
0x44: {  	s5 =	smul.u32 $0xCCCD, s0  }
0x45: {  	s6 =	smov.u32 s0;
	s2 =	smul.u32 $0x140, s2;
	p0 =	sne.s32 s0, $0x13F  }
.Ltmp0:
0x46: {  	s3 =	ssub.s32 s3, s4;
	(pc) =	sbr.rel @p0 .LBB2_2-.Ltmp0, $4  }
0x47: {  	s0 =	sadd.s32 $0x1, s0;
	s3 =	sand.u32 $0xFFFF, s3  }
0x48: {  	s4 =	sshrl.u32 s2, $0x2;
	s7 =	sshll.u32 s3, $0x4;
	s3 =	smov.u32 s6  }
0x49: {  	s2 =	sshrl.u32 s5, $0x12;
	s5 =	sadd.s32 s7, s4  }
0x4a: {  	s4 =	smul.u32 $0x5, s2;
	[tilespmem:s5+$0xDA00] =	vst v0  }
0x4b: {  	_ = 	snop  }
0x4c: {  	s2 =	smul.u32 $0x140, s2;
	s0 =	ssub.s32 s3, s4  }
0x4d: {  	s0 =	sand.u32 $0xFFFF, s0  }
0x4e: {  	s2 =	sshrl.u32 s2, $0x2;
	s0 =	sshll.u32 s0, $0x4  }
0x4f: {  	s0 =	sadd.s32 s0, s2  }
0x50: {  	s4 =	rddreg [dreg:$0x12];
	[tilespmem:s0+$0xDA00] =	vst v0  }
0x51: {  	[spmem:s4] =	stream.linear.scatter [tilespmem:s16], [sflag:$0x7], $0x1400, $0x38;
	[tilespmem:$0x1E210] =	vst v63  }
0x52: {  	_ =	swait.ge [sflag:s13], $0x1400  }
0x53: {  	[sflag:s13] =	ssyncset.done $0x0  }
0x54: {  	s5 =	rddreg [dreg:$0x13];
	[sflag:s13] =	ssyncadd.s32 $0xFFFFEC00  }
0x55: {  	[spmem:s5] =	stream.linear.scatter [tilespmem:s16], [sflag:$0x7], $0x1400, $0x38;
	[tilespmem:$0x1E210] =	vst v63  }
0x56: {  	_ =	swait.ge [sflag:s13], $0x1400  }
0x57: {  	[sflag:s13] =	ssyncset.done $0x0  }
0x58: {  	s6 =	rddreg [dreg:$0x14];
	[sflag:s13] =	ssyncadd.s32 $0xFFFFEC00  }
0x59: {  	[spmem:s6] =	stream.linear.scatter [tilespmem:s16], [sflag:$0x7], $0x1400, $0x38;
	[tilespmem:$0x1E210] =	vst v63  }
0x5a: {  	_ =	swait.ge [sflag:s13], $0x1400  }
0x5b: {  	[sflag:s13] =	ssyncset.done $0x0  }
0x5c: {  	s7 =	rddreg [dreg:$0x15];
	[sflag:s13] =	ssyncadd.s32 $0xFFFFEC00  }
0x5d: {  	[spmem:s7] =	stream.linear.scatter [tilespmem:s16], [sflag:$0x7], $0x1400, $0x38;
	[tilespmem:$0x1E210] =	vst v63  }
0x5e: {  	_ =	swait.ge [sflag:s13], $0x1400  }
0x5f: {  	[sflag:s13] =	ssyncset.done $0x0  }
0x60: {  	s8 =	rddreg [dreg:$0x16];
	[sflag:s13] =	ssyncadd.s32 $0xFFFFEC00  }
0x61: {  	[spmem:s8] =	stream.linear.scatter [tilespmem:s16], [sflag:$0x7], $0x1400, $0x38;
	[tilespmem:$0x1E210] =	vst v63  }
0x62: {  	_ =	swait.ge [sflag:s13], $0x1400  }
0x63: {  	[sflag:s13] =	ssyncset.done $0x0  }
0x64: {  	s10 =	rddreg [dreg:$0x17];
	[sflag:s13] =	ssyncadd.s32 $0xFFFFEC00  }
0x65: {  	[spmem:s10] =	stream.linear.scatter [tilespmem:s16], [sflag:$0x7], $0x1400, $0x38;
	[tilespmem:$0x1E210] =	vst v63  }
0x66: {  	_ =	swait.ge [sflag:s13], $0x1400  }
0x67: {  	[sflag:s13] =	ssyncset.done $0x0  }
0x68: {  	s14 =	rddreg [dreg:$0x18];
	[sflag:s13] =	ssyncadd.s32 $0xFFFFEC00  }
0x69: {  	[spmem:s14] =	stream.linear.scatter [tilespmem:s16], [sflag:$0x7], $0x1400, $0x38;
	[tilespmem:$0x1E210] =	vst v63  }
0x6a: {  	_ =	swait.ge [sflag:s13], $0x1400  }
0x6b: {  	[sflag:s13] =	ssyncset.done $0x0  }
0x6c: {  	s2 =	rddreg [dreg:$0x19];
	[sflag:s13] =	ssyncadd.s32 $0xFFFFEC00  }
0x6d: {  	[spmem:s2] =	stream.linear.scatter [tilespmem:s16], [sflag:$0x7], $0x1400, $0x38;
	[tilespmem:$0x1E210] =	vst v63  }
0x6e: {  	_ =	swait.ge [sflag:s13], $0x1400  }
0x6f: {  	[sflag:s13] =	ssyncset.done $0x0  }
0x70: {  	s3 =	rddreg [dreg:$0x1a];
	[sflag:s13] =	ssyncadd.s32 $0xFFFFEC00  }
0x71: {  	[spmem:s3] =	stream.linear.scatter [tilespmem:s16], [sflag:$0x7], $0x1400, $0x38;
	[tilespmem:$0x1E210] =	vst v63  }
0x72: {  	_ =	swait.ge [sflag:s13], $0x1400  }
0x73: {  	[sflag:s13] =	ssyncset.done $0x0  }
0x74: {  	s4 =	rddreg [dreg:$0x1b];
	[sflag:s13] =	ssyncadd.s32 $0xFFFFEC00  }
0x75: {  	[spmem:s4] =	stream.linear.scatter [tilespmem:s16], [sflag:$0x7], $0x1400, $0x38;
	[tilespmem:$0x1E210] =	vst v63  }
0x76: {  	s5 =	stileid.u32;
	_ =	swait.ge [sflag:s13], $0x1400  }
0x77: {  	s0 =	sshll.u32 s5, $0x6;
	[sflag:s13] =	ssyncset.done $0x0;
	s6 =	rddreg [dreg:$0x10]  }
0x78: {  	s10 =	sor.u32 $0x1C07, s0;
	s7 =	rddreg [dreg:$0x1c];
	[sflag:s13] =	ssyncadd.s32 $0xFFFFEC00  }
0x79: {  	[spmem:s7], [sflag:s10] =	dma.local [hbm:s6], $0x500  }
0x7a: {  	_ =	swait.ge [sflag:s13], $0x500  }
0x7b: {  	[sflag:s13] =	ssyncset.done $0x0  }
0x7c: {  	[sflag:s13] =	ssyncadd.s32 $0xFFFFFB00  }
0x7d: {  	s14 =	simm.s32 $0x0;
	[bflag:$0x0] =	sbarrier.arrive $0xFFFF  }
0x7e: {  	[tilespmem:s18], [sflag:$0x1] =	stream.indirect.gather [spmem:s12], $0x10, s14, s17, $0xb8;
	[tilespmem:$0x1E210] =	vst v63  }
0x7f: {  	s8 =	simm.s32 $0x1500  }
0x80: {  	[tilespmem:s19], [sflag:$0x3] =	stream.indirect.gather [hbm4b:s15+s17], $0x50, s8, s17, $0xb8;
	[tilespmem:$0x1E210] =	vst v63  }
.LBB2_4:
0x81: {  	_ =	swait.ge [sflag:s20], $0x800  }
0x82: {  	[sflag:s20] =	ssyncset.done $0x0  }
0x83: {  	[sflag:s20] =	ssyncadd.s32 $0xFFFFF800  }
0x84: {  	_ =	swait.ge [sflag:s21], $0x2800  }
0x85: {  	s2 =	sshll.u32 s14, $0x8;
	[sflag:s21] =	ssyncset.done $0x0  }
0x86: {  	s0 =	sor.u32 $0x80, s2;
	[sflag:s21] =	ssyncadd.s32 $0xFFFFD800  }
0x87: {  	[tilespmem:s22], [sflag:$0x2] =	stream.indirect.gather [spmem:s12], $0x10, s0, s17, $0xb8;
	[tilespmem:$0x1E210] =	vst v63  }
0x88: {  	p0 =	seq.s32 s14, $0x0;
	s3 =	sadd.s32 $0x1580, s2  }
0x89: {  	[tilespmem:s23], [sflag:$0x4] =	stream.indirect.gather [hbm4b:s15+s17], $0x50, s3, s17, $0xb8;
	[tilespmem:$0x1E210] =	vst v63  }
0x8a: {  	s3 =	simm.s32 @!p0 $0x5  }
0x8b: {  	_ =	swait.ge @!p0 [sflag:s3], $0x2800  }
0x8c: {  	[sflag:s3] =	ssyncset.done @!p0 $0x0  }
0x8d: {  	s4 =	simm.s32 $0x2A20;
	[sflag:s3] =	ssyncadd.s32 @!p0 $0xFFFFD800  }
0x8e: {  	v6 =	vld [tilespmem:s4+$0xFFFFFFE0]  }
0x8f: {  	s5 =	simm.s32 $0x3AE0;
	v7 =	vld [tilespmem:s4+$0xFFFFFFF0]  }
0x90: {  	v8 =	vld [tilespmem:s5+$0xFFFFFFA8]  }
0x91: {  	v9 =	vld [tilespmem:s5+$0xFFFFFF60];
	_ =	sdelay $0x2  }
0x92: {  	v7 =	vperm.xlane v7, v1;
	_ =	sdelay $0x1  }
0x93: {  	v6 =	vsel vm0, v6, v7;
	v7 =	vsel vm0, v9, v8  }
0x94: {  	v6 =	vadd.f32 v7, v6;
	_ =	sdelay $0x1  }
0x95: {  	v7 =	vmul.f32 $2.000000030e-01, v6  }
0x96: {  	vm1 =	vge.f32 v6, $0.0e+00  }
0x97: {  	v6 =	vsel vm1, v6, v7  }
0x98: {  	v6 =	vsub.f32 $0.0e+00, v6;
	_ =	sdelay $0x1  }
0x99: {  	v6 =	vmul.f32 $1.442695020e+00, v6;
	_ =	sdelay $0x1  }
0x9a: {  	(erf) = vpow2.f32 v6;
	_ =	sdelay $0x8  }
0x9b: {  	s7 =	simm.s32 $0x0;
	v6 =	vpop (erf)  }
0x9c: {  	[tilespmem:s7+$0xEE00] =	vst v6  }
0x9d: {  	v6 =	vld [tilespmem:s5+$0x0]  }
0x9e: {  	v7 =	vld [tilespmem:s4+$0x10]  }
0x9f: {  	v62 =	vld [tilespmem:s5+$0x48]  }
0xa0: {  	v63 =	vld [tilespmem:s4+$0x0];
	_ =	sdelay $0x2  }
0xa1: {  	v7 =	vperm.xlane v7, v1;
	_ =	sdelay $0x1  }
0xa2: {  	v6 =	vsel vm0, v6, v62;
	v7 =	vsel vm0, v63, v7  }
0xa3: {  	v6 =	vadd.f32 v6, v7;
	_ =	sdelay $0x1  }
0xa4: {  	v7 =	vmul.f32 $2.000000030e-01, v6  }
0xa5: {  	vm1 =	vge.f32 v6, $0.0e+00  }
0xa6: {  	v6 =	vsel vm1, v6, v7  }
0xa7: {  	v6 =	vsub.f32 $0.0e+00, v6;
	_ =	sdelay $0x1  }
0xa8: {  	v6 =	vmul.f32 $1.442695020e+00, v6  }
0xa9: {  	s8 =	sshll.u32 s14, $0x1  }
0xaa: {  	s6 =	simm.s32 $0x80;
	s3 =	smin.u32 s8, $0x27;
	(erf) = vpow2.f32 v6  }
.LBB2_5:
0xab: {  	_ =	sdelay $0x7  }
0xac: {  	p1 =	sne.s32 s6, $0xF80;
	s5 =	sadd.s32 $0x140, s5;
	s4 =	sadd.s32 $0x40, s4;
	v6 =	vpop (erf)  }
0xad: {  	[tilespmem:s7+$0xEE10] =	vst v6;
	s7 =	smov.u32 s6;
	s6 =	sadd.s32 $0x80, s6  }
0xae: {  	v6 =	vld [tilespmem:s4+$0xFFFFFFE0]  }
0xaf: {  	v7 =	vld [tilespmem:s4+$0xFFFFFFF0]  }
0xb0: {  	v8 =	vld [tilespmem:s5+$0xFFFFFFA8]  }
0xb1: {  	v9 =	vld [tilespmem:s5+$0xFFFFFF60];
	_ =	sdelay $0x2  }
0xb2: {  	v7 =	vperm.xlane v7, v1;
	_ =	sdelay $0x1  }
0xb3: {  	v6 =	vsel vm0, v6, v7;
	v7 =	vsel vm0, v9, v8  }
0xb4: {  	v6 =	vadd.f32 v7, v6;
	_ =	sdelay $0x1  }
0xb5: {  	v7 =	vmul.f32 $2.000000030e-01, v6  }
0xb6: {  	vm1 =	vge.f32 v6, $0.0e+00  }
0xb7: {  	v6 =	vsel vm1, v6, v7  }
0xb8: {  	v6 =	vsub.f32 $0.0e+00, v6;
	_ =	sdelay $0x1  }
0xb9: {  	v6 =	vmul.f32 $1.442695020e+00, v6;
	_ =	sdelay $0x1  }
0xba: {  	(erf) = vpow2.f32 v6;
	_ =	sdelay $0x8  }
0xbb: {  	s7 =	sshra.s32 s7, $0x2;
	v6 =	vpop (erf)  }
0xbc: {  	[tilespmem:s7+$0xEE00] =	vst v6  }
0xbd: {  	v6 =	vld [tilespmem:s5+$0x0]  }
0xbe: {  	v7 =	vld [tilespmem:s4+$0x10]  }
0xbf: {  	v8 =	vld [tilespmem:s5+$0x48]  }
0xc0: {  	v9 =	vld [tilespmem:s4+$0x0];
	_ =	sdelay $0x2  }
0xc1: {  	v7 =	vperm.xlane v7, v1  }
0xc2: {  	v6 =	vsel vm0, v6, v8  }
0xc3: {  	v7 =	vsel vm0, v9, v7  }
0xc4: {  	v6 =	vadd.f32 v6, v7;
	_ =	sdelay $0x1  }
0xc5: {  	vm1 =	vge.f32 v6, $0.0e+00;
	v7 =	vmul.f32 $2.000000030e-01, v6;
	_ =	sdelay $0x1  }
0xc6: {  	v6 =	vsel vm1, v6, v7  }
.Ltmp1:
0xc7: {  	v6 =	vsub.f32 $0.0e+00, v6;
	(pc) =	sbr.rel @p1 .LBB2_5-.Ltmp1, $3  }
0xc8: {  	_ = 	snop  }
0xc9: {  	v6 =	vmul.f32 $1.442695020e+00, v6;
	_ =	sdelay $0x1  }
0xca: {  	(erf) = vpow2.f32 v6  }
0xcb: {  	_ =	sdelay $0x7  }
0xcc: {  	v6 =	vpop (erf)  }
0xcd: {  	s5 =	simm.s32 $0xEE10;
	[tilespmem:s7+$0xEE10] =	vst v6  }
0xce: {  	v6 =	vld [tilespmem:s5+$0xFFFFFFF0]  }
0xcf: {  	s4 =	simm.s32 $0x0  }
0xd0: {  	v7 =	vld [tilespmem:s4+$0x3A20]  }
0xd1: {  	v8 =	vld [tilespmem:s4+$0x3A00]  }
0xd2: {  	v9 =	vld [tilespmem:s4+$0x3A30]  }
0xd3: {  	v10 =	vld [tilespmem:s4+$0x3A10];
	v11 =	vperm.xlane v6, v4  }
0xd4: {  	v12 =	vperm.xlane v6, v2  }
0xd5: {  	v13 =	vperm.xlane v6, v5;
	v7 =	vmul.f32 v7, v11  }
0xd6: {  	[tilespmem:s4+$0x8A40] =	vst v6;
	v11 =	vperm.xlane v6, v3;
	v8 =	vmul.f32 v8, v12  }
0xd7: {  	v6 =	vmul.f32 v9, v13;
	[tilespmem:s4+$0x8A20] =	vst v7  }
0xd8: {  	v7 =	vmul.f32 v10, v11;
	[tilespmem:s4+$0x8A00] =	vst v8  }
0xd9: {  	[tilespmem:s4+$0x8A30] =	vst v6  }
0xda: {  	[tilespmem:s4+$0x8A10] =	vst v7  }
0xdb: {  	v6 =	vld [tilespmem:s5+$0xFFFFFFF8];
	_ =	sdelay $0x1  }
0xdc: {  	v7 =	vld [tilespmem:s4+$0x3A50]  }
0xdd: {  	v8 =	vld [tilespmem:s4+$0x3A60]  }
0xde: {  	v10 =	vld [tilespmem:s4+$0x3A80]  }
0xdf: {  	v9 =	vld [tilespmem:s4+$0x3A70];
	v11 =	vperm.xlane v6, v2  }
0xe0: {  	v12 =	vperm.xlane v6, v3;
	v13 =	vperm.xlane v6, v4  }
0xe1: {  	[tilespmem:s4+$0x8A90] =	vst v6;
	v6 =	vperm.xlane v6, v5;
	v7 =	vmul.f32 v7, v11  }
0xe2: {  	v8 =	vmul.f32 v8, v12  }
0xe3: {  	v6 =	vmul.f32 v10, v6;
	[tilespmem:s4+$0x8A50] =	vst v7  }
0xe4: {  	v7 =	vmul.f32 v9, v13;
	[tilespmem:s4+$0x8A60] =	vst v8  }
0xe5: {  	[tilespmem:s4+$0x8A80] =	vst v6  }
0xe6: {  	[tilespmem:s4+$0x8A70] =	vst v7  }
0xe7: {  	v12 =	vld [tilespmem:s5+$0x0];
	_ =	sdelay $0x1  }
0xe8: {  	v10 =	vld [tilespmem:s4+$0x3AA0]  }
0xe9: {  	v6 =	vld [tilespmem:s4+$0x3AD0]  }
0xea: {  	v8 =	vld [tilespmem:s4+$0x3AC0]  }
0xeb: {  	v7 =	vld [tilespmem:s4+$0x3AB0];
	v11 =	vperm.xlane v12, v2;
	v9 =	vperm.xlane v12, v3  }
0xec: {  	s6 =	simm.s32 $0xEE10;
	s7 =	simm.s32 $0x500;
	[tilespmem:s4+$0x8AE0] =	vst v12;
	v13 =	vperm.xlane v12, v4;
	v12 =	vperm.xlane v12, v5  }
.LBB2_7:
0xed: {  	p1 =	sne.s32 s7, $0x9B00  }
0xee: {  	v10 =	vmul.f32 v10, v11;
	s5 =	sadd.s32 $0x20, s5;
	s8 =	smov.u32 s7;
	s7 =	sadd.s32 $0x500, s7  }
0xef: {  	v8 =	vmul.f32 v8, v13;
	v6 =	vmul.f32 v6, v12  }
0xf0: {  	[tilespmem:s4+$0x8AA0] =	vst v10;
	v7 =	vmul.f32 v7, v9  }
0xf1: {  	[tilespmem:s4+$0x8AC0] =	vst v8  }
0xf2: {  	[tilespmem:s4+$0x8AB0] =	vst v7  }
0xf3: {  	[tilespmem:s4+$0x8AD0] =	vst v6;
	v6 =	vld [tilespmem:s4+$0x3B20]  }
0xf4: {  	v7 =	vld [tilespmem:s6+$0x8];
	s6 =	smov.u32 s5  }
0xf5: {  	v8 =	vld [tilespmem:s4+$0x3B00]  }
0xf6: {  	v9 =	vld [tilespmem:s4+$0x3AF0]  }
0xf7: {  	v10 =	vld [tilespmem:s4+$0x3B10];
	_ =	sdelay $0x1  }
0xf8: {  	v11 =	vperm.xlane v7, v2;
	v12 =	vperm.xlane v7, v3;
	[tilespmem:s4+$0x8B30] =	vst v7  }
0xf9: {  	v13 =	vperm.xlane v7, v4;
	v7 =	vperm.xlane v7, v5  }
0xfa: {  	v9 =	vmul.f32 v9, v11;
	v8 =	vmul.f32 v8, v12  }
0xfb: {  	s8 =	sshra.s32 s8, $0x2;
	v6 =	vmul.f32 v6, v7;
	v10 =	vmul.f32 v10, v13  }
0xfc: {  	[tilespmem:s4+$0x8AF0] =	vst v9  }
0xfd: {  	[tilespmem:s4+$0x8B10] =	vst v10  }
0xfe: {  	v7 =	vld [tilespmem:s8+$0x3A00];
	[tilespmem:s4+$0x8B20] =	vst v6  }
0xff: {  	v6 =	vld [tilespmem:s8+$0x3A30];
	[tilespmem:s4+$0x8B00] =	vst v8;
	s4 =	smov.u32 s8  }
0x100: {  	v8 =	vld [tilespmem:s5+$0xFFFFFFF0]  }
0x101: {  	v9 =	vld [tilespmem:s4+$0x3A10]  }
0x102: {  	v10 =	vld [tilespmem:s4+$0x3A20];
	_ =	sdelay $0x2  }
0x103: {  	v11 =	vperm.xlane v8, v4;
	v12 =	vperm.xlane v8, v5  }
0x104: {  	v13 =	vperm.xlane v8, v2;
	v14 =	vperm.xlane v8, v3  }
0x105: {  	v10 =	vmul.f32 v10, v11;
	v6 =	vmul.f32 v6, v12  }
0x106: {  	v7 =	vmul.f32 v7, v13;
	v9 =	vmul.f32 v9, v14;
	[tilespmem:s4+$0x8A40] =	vst v8  }
0x107: {  	[tilespmem:s4+$0x8A20] =	vst v10  }
0x108: {  	[tilespmem:s4+$0x8A00] =	vst v7  }
0x109: {  	[tilespmem:s4+$0x8A30] =	vst v6  }
0x10a: {  	[tilespmem:s4+$0x8A10] =	vst v9  }
0x10b: {  	v6 =	vld [tilespmem:s5+$0xFFFFFFF8]  }
0x10c: {  	v7 =	vld [tilespmem:s4+$0x3A80]  }
0x10d: {  	v8 =	vld [tilespmem:s4+$0x3A50]  }
0x10e: {  	v9 =	vld [tilespmem:s4+$0x3A60]  }
0x10f: {  	v10 =	vld [tilespmem:s4+$0x3A70]  }
0x110: {  	v11 =	vperm.xlane v6, v2;
	v12 =	vperm.xlane v6, v3;
	[tilespmem:s4+$0x8A90] =	vst v6  }
0x111: {  	v13 =	vperm.xlane v6, v5  }
0x112: {  	v6 =	vperm.xlane v6, v4;
	v8 =	vmul.f32 v8, v11  }
0x113: {  	v7 =	vmul.f32 v7, v13;
	v9 =	vmul.f32 v9, v12  }
0x114: {  	[tilespmem:s4+$0x8A50] =	vst v8;
	v6 =	vmul.f32 v10, v6  }
0x115: {  	[tilespmem:s4+$0x8A60] =	vst v9  }
0x116: {  	[tilespmem:s4+$0x8A70] =	vst v6  }
0x117: {  	[tilespmem:s4+$0x8A80] =	vst v7  }
0x118: {  	v12 =	vld [tilespmem:s5+$0x0]  }
0x119: {  	v6 =	vld [tilespmem:s4+$0x3AD0]  }
.Ltmp2:
0x11a: {  	v10 =	vld [tilespmem:s4+$0x3AA0];
	(pc) =	sbr.rel @p1 .LBB2_7-.Ltmp2, $4  }
0x11b: {  	v8 =	vld [tilespmem:s4+$0x3AC0]  }
0x11c: {  	v7 =	vld [tilespmem:s4+$0x3AB0]  }
0x11d: {  	v11 =	vperm.xlane v12, v2;
	v9 =	vperm.xlane v12, v3;
	[tilespmem:s4+$0x8AE0] =	vst v12  }
0x11e: {  	v13 =	vperm.xlane v12, v4;
	v12 =	vperm.xlane v12, v5  }
0x11f: {  	v10 =	vmul.f32 v10, v11  }
0x120: {  	v8 =	vmul.f32 v8, v13  }
0x121: {  	v6 =	vmul.f32 v6, v12;
	[tilespmem:s4+$0x8AA0] =	vst v10  }
0x122: {  	v7 =	vmul.f32 v7, v9;
	[tilespmem:s4+$0x8AC0] =	vst v8  }
0x123: {  	[tilespmem:s4+$0x8AD0] =	vst v6  }
0x124: {  	[tilespmem:s4+$0x8AB0] =	vst v7  }
0x125: {  	v6 =	vld [tilespmem:s6+$0x8];
	_ =	sdelay $0x1  }
0x126: {  	v7 =	vld [tilespmem:s4+$0x3AF0]  }
0x127: {  	v52 =	vld [tilespmem:s4+$0x3B10]  }
0x128: {  	v53 =	vld [tilespmem:s4+$0x3B20]  }
0x129: {  	v54 =	vld [tilespmem:s4+$0x3B00];
	v55 =	vperm.xlane v6, v2  }
0x12a: {  	v56 =	vperm.xlane v6, v4  }
0x12b: {  	v57 =	vperm.xlane v6, v5;
	v7 =	vmul.f32 v7, v55  }
0x12c: {  	v58 =	vperm.xlane v6, v3;
	[tilespmem:s4+$0x8B30] =	vst v6;
	v6 =	vmul.f32 v52, v56  }
0x12d: {  	v59 =	vmul.f32 v53, v57;
	[tilespmem:s4+$0x8AF0] =	vst v7  }
0x12e: {  	v7 =	vmul.f32 v54, v58;
	[tilespmem:s4+$0x8B10] =	vst v6  }
0x12f: {  	[tilespmem:s4+$0x8B20] =	vst v59  }
0x130: {  	s2 =	sand.u32 $0x3FFFFF00, s2;
	[tilespmem:s4+$0x8B00] =	vst v7  }
0x131: {  	[spmem:s11] =	stream.indirect.scatter.add.f32 [tilespmem:s24], [sflag:$0x5], $0x50, s2, s17, $0xb8;
	[tilespmem:$0x1E210] =	vst v63  }
0x132: {  	_ =	swait.ge [sflag:s25], $0x800  }
0x133: {  	[sflag:s25] =	ssyncset.done $0x0  }
0x134: {  	[sflag:s25] =	ssyncadd.s32 $0xFFFFF800  }
0x135: {  	_ =	swait.ge [sflag:s26], $0x2800  }
0x136: {  	s8 =	sshll.u32 s3, $0x7;
	[sflag:s26] =	ssyncset.done $0x0  }
0x137: {  	s3 =	sadd.s32 $0x100, s8;
	[sflag:s26] =	ssyncadd.s32 $0xFFFFD800  }
0x138: {  	[tilespmem:s18], [sflag:$0x1] =	stream.indirect.gather [spmem:s12], $0x10, s3, s17, $0xb8;
	[tilespmem:$0x1E210] =	vst v63  }
0x139: {  	s2 =	sadd.s32 $0x1600, s8  }
0x13a: {  	[tilespmem:s19], [sflag:$0x3] =	stream.indirect.gather [hbm4b:s15+s17], $0x50, s2, s17, $0xb8;
	[tilespmem:$0x1E210] =	vst v63  }
0x13b: {  	s2 =	simm.s32 @!p0 $0x6  }
0x13c: {  	_ =	swait.ge @!p0 [sflag:s2], $0x2800  }
0x13d: {  	[sflag:s2] =	ssyncset.done @!p0 $0x0  }
0x13e: {  	[sflag:s2] =	ssyncadd.s32 @!p0 $0xFFFFD800;
	s2 =	simm.s32 $0x3220  }
0x13f: {  	v6 =	vld [tilespmem:s2+$0xFFFFFFE0]  }
0x140: {  	s3 =	simm.s32 $0x62E0;
	v7 =	vld [tilespmem:s2+$0xFFFFFFF0]  }
0x141: {  	v60 =	vld [tilespmem:s3+$0xFFFFFFA8]  }
0x142: {  	v61 =	vld [tilespmem:s3+$0xFFFFFF60];
	_ =	sdelay $0x2  }
0x143: {  	v7 =	vperm.xlane v7, v1;
	_ =	sdelay $0x1  }
0x144: {  	v6 =	vsel vm0, v6, v7;
	v7 =	vsel vm0, v61, v60  }
0x145: {  	v6 =	vadd.f32 v7, v6;
	_ =	sdelay $0x1  }
0x146: {  	v7 =	vmul.f32 $2.000000030e-01, v6  }
0x147: {  	vm1 =	vge.f32 v6, $0.0e+00  }
0x148: {  	v6 =	vsel vm1, v6, v7  }
0x149: {  	v6 =	vsub.f32 $0.0e+00, v6;
	_ =	sdelay $0x1  }
0x14a: {  	v6 =	vmul.f32 $1.442695020e+00, v6;
	_ =	sdelay $0x1  }
0x14b: {  	(erf) = vpow2.f32 v6;
	_ =	sdelay $0x8  }
0x14c: {  	s5 =	simm.s32 $0x0;
	v6 =	vpop (erf)  }
0x14d: {  	[tilespmem:s5+$0xEE00] =	vst v6  }
0x14e: {  	v6 =	vld [tilespmem:s3+$0x0]  }
0x14f: {  	v7 =	vld [tilespmem:s2+$0x10]  }
0x150: {  	v62 =	vld [tilespmem:s3+$0x48]  }
0x151: {  	v63 =	vld [tilespmem:s2+$0x0];
	_ =	sdelay $0x2  }
0x152: {  	v7 =	vperm.xlane v7, v1;
	_ =	sdelay $0x1  }
0x153: {  	v6 =	vsel vm0, v6, v62;
	v7 =	vsel vm0, v63, v7  }
0x154: {  	v6 =	vadd.f32 v6, v7;
	_ =	sdelay $0x1  }
0x155: {  	v7 =	vmul.f32 $2.000000030e-01, v6  }
0x156: {  	vm1 =	vge.f32 v6, $0.0e+00  }
0x157: {  	v6 =	vsel vm1, v6, v7  }
0x158: {  	v6 =	vsub.f32 $0.0e+00, v6;
	_ =	sdelay $0x1  }
0x159: {  	v6 =	vmul.f32 $1.442695020e+00, v6;
	_ =	sdelay $0x1  }
0x15a: {  	s4 =	simm.s32 $0x80;
	(erf) = vpow2.f32 v6  }
.LBB2_9:
0x15b: {  	_ =	sdelay $0x7  }
0x15c: {  	p0 =	sne.s32 s4, $0xF80;
	s3 =	sadd.s32 $0x140, s3;
	s2 =	sadd.s32 $0x40, s2;
	v6 =	vpop (erf)  }
0x15d: {  	[tilespmem:s5+$0xEE10] =	vst v6;
	s5 =	smov.u32 s4;
	s4 =	sadd.s32 $0x80, s4  }
0x15e: {  	v6 =	vld [tilespmem:s2+$0xFFFFFFE0]  }
0x15f: {  	v7 =	vld [tilespmem:s2+$0xFFFFFFF0]  }
0x160: {  	v8 =	vld [tilespmem:s3+$0xFFFFFFA8]  }
0x161: {  	v9 =	vld [tilespmem:s3+$0xFFFFFF60];
	_ =	sdelay $0x2  }
0x162: {  	v7 =	vperm.xlane v7, v1;
	_ =	sdelay $0x1  }
0x163: {  	v6 =	vsel vm0, v6, v7;
	v7 =	vsel vm0, v9, v8  }
0x164: {  	v6 =	vadd.f32 v7, v6;
	_ =	sdelay $0x1  }
0x165: {  	v7 =	vmul.f32 $2.000000030e-01, v6  }
0x166: {  	vm1 =	vge.f32 v6, $0.0e+00  }
0x167: {  	v6 =	vsel vm1, v6, v7  }
0x168: {  	v6 =	vsub.f32 $0.0e+00, v6;
	_ =	sdelay $0x1  }
0x169: {  	v6 =	vmul.f32 $1.442695020e+00, v6;
	_ =	sdelay $0x1  }
0x16a: {  	(erf) = vpow2.f32 v6;
	_ =	sdelay $0x8  }
0x16b: {  	s5 =	sshra.s32 s5, $0x2;
	v6 =	vpop (erf)  }
0x16c: {  	[tilespmem:s5+$0xEE00] =	vst v6  }
0x16d: {  	v6 =	vld [tilespmem:s3+$0x0]  }
0x16e: {  	v7 =	vld [tilespmem:s2+$0x10]  }
0x16f: {  	v8 =	vld [tilespmem:s3+$0x48]  }
0x170: {  	v9 =	vld [tilespmem:s2+$0x0];
	_ =	sdelay $0x2  }
0x171: {  	v7 =	vperm.xlane v7, v1  }
0x172: {  	v6 =	vsel vm0, v6, v8  }
0x173: {  	v7 =	vsel vm0, v9, v7  }
0x174: {  	v6 =	vadd.f32 v6, v7;
	_ =	sdelay $0x1  }
0x175: {  	vm1 =	vge.f32 v6, $0.0e+00;
	v7 =	vmul.f32 $2.000000030e-01, v6;
	_ =	sdelay $0x1  }
0x176: {  	v6 =	vsel vm1, v6, v7  }
.Ltmp3:
0x177: {  	v6 =	vsub.f32 $0.0e+00, v6;
	(pc) =	sbr.rel @p0 .LBB2_9-.Ltmp3, $3  }
0x178: {  	_ = 	snop  }
0x179: {  	v6 =	vmul.f32 $1.442695020e+00, v6;
	_ =	sdelay $0x1  }
0x17a: {  	(erf) = vpow2.f32 v6  }
0x17b: {  	_ =	sdelay $0x7  }
0x17c: {  	v6 =	vpop (erf)  }
0x17d: {  	s3 =	simm.s32 $0xEE10;
	[tilespmem:s5+$0xEE10] =	vst v6  }
0x17e: {  	v6 =	vld [tilespmem:s3+$0xFFFFFFF0]  }
0x17f: {  	s2 =	simm.s32 $0x0  }
0x180: {  	v7 =	vld [tilespmem:s2+$0x6220]  }
0x181: {  	v8 =	vld [tilespmem:s2+$0x6200]  }
0x182: {  	v9 =	vld [tilespmem:s2+$0x6230]  }
0x183: {  	v10 =	vld [tilespmem:s2+$0x6210];
	v11 =	vperm.xlane v6, v4  }
0x184: {  	v12 =	vperm.xlane v6, v2  }
0x185: {  	v13 =	vperm.xlane v6, v5;
	v7 =	vmul.f32 v7, v11  }
0x186: {  	[tilespmem:s2+$0xB240] =	vst v6;
	v11 =	vperm.xlane v6, v3;
	v8 =	vmul.f32 v8, v12  }
0x187: {  	v6 =	vmul.f32 v9, v13;
	[tilespmem:s2+$0xB220] =	vst v7  }
0x188: {  	v7 =	vmul.f32 v10, v11;
	[tilespmem:s2+$0xB200] =	vst v8  }
0x189: {  	[tilespmem:s2+$0xB230] =	vst v6  }
0x18a: {  	[tilespmem:s2+$0xB210] =	vst v7  }
0x18b: {  	v6 =	vld [tilespmem:s3+$0xFFFFFFF8];
	_ =	sdelay $0x1  }
0x18c: {  	v7 =	vld [tilespmem:s2+$0x6250]  }
0x18d: {  	v8 =	vld [tilespmem:s2+$0x6260]  }
0x18e: {  	v10 =	vld [tilespmem:s2+$0x6280]  }
0x18f: {  	v9 =	vld [tilespmem:s2+$0x6270];
	v11 =	vperm.xlane v6, v2  }
0x190: {  	v12 =	vperm.xlane v6, v3;
	v13 =	vperm.xlane v6, v4  }
0x191: {  	[tilespmem:s2+$0xB290] =	vst v6;
	v6 =	vperm.xlane v6, v5;
	v7 =	vmul.f32 v7, v11  }
0x192: {  	v8 =	vmul.f32 v8, v12  }
0x193: {  	v6 =	vmul.f32 v10, v6;
	[tilespmem:s2+$0xB250] =	vst v7  }
0x194: {  	v7 =	vmul.f32 v9, v13;
	[tilespmem:s2+$0xB260] =	vst v8  }
0x195: {  	[tilespmem:s2+$0xB280] =	vst v6  }
0x196: {  	[tilespmem:s2+$0xB270] =	vst v7  }
0x197: {  	v12 =	vld [tilespmem:s3+$0x0];
	_ =	sdelay $0x1  }
0x198: {  	v10 =	vld [tilespmem:s2+$0x62A0]  }
0x199: {  	v6 =	vld [tilespmem:s2+$0x62D0]  }
0x19a: {  	v8 =	vld [tilespmem:s2+$0x62C0]  }
0x19b: {  	v7 =	vld [tilespmem:s2+$0x62B0];
	v11 =	vperm.xlane v12, v2;
	v9 =	vperm.xlane v12, v3  }
0x19c: {  	s4 =	simm.s32 $0xEE10;
	s5 =	simm.s32 $0x500;
	[tilespmem:s2+$0xB2E0] =	vst v12;
	v13 =	vperm.xlane v12, v4;
	v12 =	vperm.xlane v12, v5  }
.LBB2_11:
0x19d: {  	p0 =	sne.s32 s5, $0x9B00  }
0x19e: {  	v10 =	vmul.f32 v10, v11;
	s3 =	sadd.s32 $0x20, s3;
	s6 =	smov.u32 s5;
	s5 =	sadd.s32 $0x500, s5  }
0x19f: {  	v8 =	vmul.f32 v8, v13;
	v6 =	vmul.f32 v6, v12  }
0x1a0: {  	[tilespmem:s2+$0xB2A0] =	vst v10;
	v7 =	vmul.f32 v7, v9  }
0x1a1: {  	[tilespmem:s2+$0xB2C0] =	vst v8  }
0x1a2: {  	[tilespmem:s2+$0xB2B0] =	vst v7  }
0x1a3: {  	[tilespmem:s2+$0xB2D0] =	vst v6;
	v6 =	vld [tilespmem:s2+$0x6320]  }
0x1a4: {  	v7 =	vld [tilespmem:s4+$0x8];
	s4 =	smov.u32 s3  }
0x1a5: {  	v8 =	vld [tilespmem:s2+$0x6300]  }
0x1a6: {  	v9 =	vld [tilespmem:s2+$0x62F0]  }
0x1a7: {  	v10 =	vld [tilespmem:s2+$0x6310];
	_ =	sdelay $0x1  }
0x1a8: {  	v11 =	vperm.xlane v7, v2;
	v12 =	vperm.xlane v7, v3;
	[tilespmem:s2+$0xB330] =	vst v7  }
0x1a9: {  	v13 =	vperm.xlane v7, v4;
	v7 =	vperm.xlane v7, v5  }
0x1aa: {  	v9 =	vmul.f32 v9, v11;
	v8 =	vmul.f32 v8, v12  }
0x1ab: {  	s6 =	sshra.s32 s6, $0x2;
	v6 =	vmul.f32 v6, v7;
	v10 =	vmul.f32 v10, v13  }
0x1ac: {  	[tilespmem:s2+$0xB2F0] =	vst v9  }
0x1ad: {  	[tilespmem:s2+$0xB310] =	vst v10  }
0x1ae: {  	v7 =	vld [tilespmem:s6+$0x6200];
	[tilespmem:s2+$0xB320] =	vst v6  }
0x1af: {  	v6 =	vld [tilespmem:s6+$0x6230];
	[tilespmem:s2+$0xB300] =	vst v8;
	s2 =	smov.u32 s6  }
0x1b0: {  	v8 =	vld [tilespmem:s3+$0xFFFFFFF0]  }
0x1b1: {  	v9 =	vld [tilespmem:s2+$0x6210]  }
0x1b2: {  	v10 =	vld [tilespmem:s2+$0x6220];
	_ =	sdelay $0x2  }
0x1b3: {  	v11 =	vperm.xlane v8, v4;
	v12 =	vperm.xlane v8, v5  }
0x1b4: {  	v13 =	vperm.xlane v8, v2;
	v14 =	vperm.xlane v8, v3  }
0x1b5: {  	v10 =	vmul.f32 v10, v11;
	v6 =	vmul.f32 v6, v12  }
0x1b6: {  	v7 =	vmul.f32 v7, v13;
	v9 =	vmul.f32 v9, v14;
	[tilespmem:s2+$0xB240] =	vst v8  }
0x1b7: {  	[tilespmem:s2+$0xB220] =	vst v10  }
0x1b8: {  	[tilespmem:s2+$0xB200] =	vst v7  }
0x1b9: {  	[tilespmem:s2+$0xB230] =	vst v6  }
0x1ba: {  	[tilespmem:s2+$0xB210] =	vst v9  }
0x1bb: {  	v6 =	vld [tilespmem:s3+$0xFFFFFFF8]  }
0x1bc: {  	v7 =	vld [tilespmem:s2+$0x6280]  }
0x1bd: {  	v8 =	vld [tilespmem:s2+$0x6250]  }
0x1be: {  	v9 =	vld [tilespmem:s2+$0x6260]  }
0x1bf: {  	v10 =	vld [tilespmem:s2+$0x6270]  }
0x1c0: {  	v11 =	vperm.xlane v6, v2;
	v12 =	vperm.xlane v6, v3;
	[tilespmem:s2+$0xB290] =	vst v6  }
0x1c1: {  	v13 =	vperm.xlane v6, v5  }
0x1c2: {  	v6 =	vperm.xlane v6, v4;
	v8 =	vmul.f32 v8, v11  }
0x1c3: {  	v7 =	vmul.f32 v7, v13;
	v9 =	vmul.f32 v9, v12  }
0x1c4: {  	[tilespmem:s2+$0xB250] =	vst v8;
	v6 =	vmul.f32 v10, v6  }
0x1c5: {  	[tilespmem:s2+$0xB260] =	vst v9  }
0x1c6: {  	[tilespmem:s2+$0xB270] =	vst v6  }
0x1c7: {  	[tilespmem:s2+$0xB280] =	vst v7  }
0x1c8: {  	v12 =	vld [tilespmem:s3+$0x0]  }
0x1c9: {  	v6 =	vld [tilespmem:s2+$0x62D0]  }
.Ltmp4:
0x1ca: {  	v10 =	vld [tilespmem:s2+$0x62A0];
	(pc) =	sbr.rel @p0 .LBB2_11-.Ltmp4, $4  }
0x1cb: {  	v8 =	vld [tilespmem:s2+$0x62C0]  }
0x1cc: {  	v7 =	vld [tilespmem:s2+$0x62B0]  }
0x1cd: {  	v11 =	vperm.xlane v12, v2;
	v9 =	vperm.xlane v12, v3;
	[tilespmem:s2+$0xB2E0] =	vst v12  }
0x1ce: {  	v13 =	vperm.xlane v12, v4;
	v12 =	vperm.xlane v12, v5  }
0x1cf: {  	v10 =	vmul.f32 v10, v11  }
0x1d0: {  	v8 =	vmul.f32 v8, v13  }
0x1d1: {  	v6 =	vmul.f32 v6, v12;
	[tilespmem:s2+$0xB2A0] =	vst v10  }
0x1d2: {  	v7 =	vmul.f32 v7, v9;
	[tilespmem:s2+$0xB2C0] =	vst v8  }
0x1d3: {  	[tilespmem:s2+$0xB2D0] =	vst v6  }
0x1d4: {  	[tilespmem:s2+$0xB2B0] =	vst v7  }
0x1d5: {  	v6 =	vld [tilespmem:s4+$0x8];
	_ =	sdelay $0x1  }
0x1d6: {  	v7 =	vld [tilespmem:s2+$0x62F0]  }
0x1d7: {  	v56 =	vld [tilespmem:s2+$0x6310]  }
0x1d8: {  	v57 =	vld [tilespmem:s2+$0x6320]  }
0x1d9: {  	v58 =	vld [tilespmem:s2+$0x6300];
	v59 =	vperm.xlane v6, v2  }
0x1da: {  	v60 =	vperm.xlane v6, v4  }
0x1db: {  	s14 =	sadd.s32 $0x1, s14;
	v61 =	vperm.xlane v6, v5;
	v7 =	vmul.f32 v7, v59  }
0x1dc: {  	p0 =	sne.s32 s14, $0x15;
	v62 =	vperm.xlane v6, v3;
	[tilespmem:s2+$0xB330] =	vst v6;
	v6 =	vmul.f32 v56, v60  }
.Ltmp5:
0x1dd: {  	v63 =	vmul.f32 v57, v61;
	[tilespmem:s2+$0xB2F0] =	vst v7;
	(pc) =	sbr.rel @p0 .LBB2_4-.Ltmp5, $4  }
0x1de: {  	v7 =	vmul.f32 v58, v62;
	[tilespmem:s2+$0xB310] =	vst v6  }
0x1df: {  	[tilespmem:s2+$0xB320] =	vst v63  }
0x1e0: {  	[tilespmem:s2+$0xB300] =	vst v7  }
0x1e1: {  	[spmem:s11] =	stream.indirect.scatter.add.f32 [tilespmem:s28], [sflag:$0x6], $0x50, s0, s17, $0xb8;
	[tilespmem:$0x1E210] =	vst v63  }
0x1e2: {  	_ =	swait.ge [sflag:s20], $0x800  }
0x1e3: {  	[sflag:s20] =	ssyncset.done $0x0  }
0x1e4: {  	[sflag:s20] =	ssyncadd.s32 $0xFFFFF800  }
0x1e5: {  	_ =	swait.ge [sflag:s21], $0x2800  }
0x1e6: {  	[sflag:s21] =	ssyncset.done $0x0  }
0x1e7: {  	[sflag:s21] =	ssyncadd.s32 $0xFFFFD800  }
0x1e8: {  	_ =	swait.ge [sflag:s29], $0x2800  }
0x1e9: {  	[sflag:s29] =	ssyncset.done $0x0  }
0x1ea: {  	[sflag:s29] =	ssyncadd.s32 $0xFFFFD800  }
0x1eb: {  	_ =	swait.ge [sflag:s30], $0x2800  }
0x1ec: {  	[sflag:s30] =	ssyncset.done $0x0  }
0x1ed: {  	[sflag:s30] =	ssyncadd.s32 $0xFFFFD800  }
0x1ee: {  	[bflag:$0x0] =	sbarrier.arrive $0xFFFF  }
0x1ef: {  	s0 =	rddreg [dreg:$0x4]  }
0x1f0: {  	s2 =	rddreg [dreg:$0x1d]  }
0x1f1: {  	[hbm:s0], [sflag:s10] =	dma.local [spmem:s2], $0x280  }
0x1f2: {  	_ =	swait.ge [sflag:s13], $0x280  }
0x1f3: {  	[sflag:s13] =	ssyncset.done $0x0;
	s8 =	rddreg [dreg:$0x5]  }
0x1f4: {  	s14 =	rddreg [dreg:$0x1e];
	[sflag:s13] =	ssyncadd.s32 $0xFFFFFD80  }
0x1f5: {  	[hbm:s8], [sflag:s10] =	dma.local [spmem:s14], $0x280  }
0x1f6: {  	_ =	swait.ge [sflag:s13], $0x280  }
0x1f7: {  	[sflag:s13] =	ssyncset.done $0x0;
	s2 =	rddreg [dreg:$0x6]  }
0x1f8: {  	s3 =	rddreg [dreg:$0x1f];
	[sflag:s13] =	ssyncadd.s32 $0xFFFFFD80  }
0x1f9: {  	[hbm:s2], [sflag:s10] =	dma.local [spmem:s3], $0x280  }
0x1fa: {  	_ =	swait.ge [sflag:s13], $0x280  }
0x1fb: {  	s5 =	sld [smem:$0x7F8]  }
0x1fc: {  	[sflag:s13] =	ssyncset.done $0x0  }
0x1fd: {  	s4 =	rddreg [dreg:$0x7];
	[sflag:s13] =	ssyncadd.s32 $0xFFFFFD80  }
0x1fe: {  	[hbm:s4], [sflag:s10] =	dma.local [spmem:s5], $0x280  }
0x1ff: {  	_ =	swait.ge [sflag:s13], $0x280  }
0x200: {  	s7 =	sld [smem:$0x7F9]  }
0x201: {  	[sflag:s13] =	ssyncset.done $0x0  }
0x202: {  	s6 =	rddreg [dreg:$0x8];
	[sflag:s13] =	ssyncadd.s32 $0xFFFFFD80  }
0x203: {  	[hbm:s6], [sflag:s10] =	dma.local [spmem:s7], $0x280  }
0x204: {  	_ =	swait.ge [sflag:s13], $0x280  }
0x205: {  	s14 =	sld [smem:$0x7FA]  }
0x206: {  	[sflag:s13] =	ssyncset.done $0x0  }
0x207: {  	s8 =	rddreg [dreg:$0x9];
	[sflag:s13] =	ssyncadd.s32 $0xFFFFFD80  }
0x208: {  	[hbm:s8], [sflag:s10] =	dma.local [spmem:s14], $0x280  }
0x209: {  	_ =	swait.ge [sflag:s13], $0x280  }
0x20a: {  	s3 =	sld [smem:$0x7FB]  }
0x20b: {  	[sflag:s13] =	ssyncset.done $0x0  }
0x20c: {  	s2 =	rddreg [dreg:$0xa];
	[sflag:s13] =	ssyncadd.s32 $0xFFFFFD80  }
0x20d: {  	[hbm:s2], [sflag:s10] =	dma.local [spmem:s3], $0x280  }
0x20e: {  	_ =	swait.ge [sflag:s13], $0x280  }
0x20f: {  	s5 =	sld [smem:$0x7FC]  }
0x210: {  	[sflag:s13] =	ssyncset.done $0x0  }
0x211: {  	s4 =	rddreg [dreg:$0xb];
	[sflag:s13] =	ssyncadd.s32 $0xFFFFFD80  }
0x212: {  	[hbm:s4], [sflag:s10] =	dma.local [spmem:s5], $0x280  }
0x213: {  	_ =	swait.ge [sflag:s13], $0x280  }
0x214: {  	s7 =	sld [smem:$0x7FD]  }
0x215: {  	[sflag:s13] =	ssyncset.done $0x0  }
0x216: {  	s6 =	rddreg [dreg:$0xc];
	[sflag:s13] =	ssyncadd.s32 $0xFFFFFD80  }
0x217: {  	[hbm:s6], [sflag:s10] =	dma.local [spmem:s7], $0x280  }
0x218: {  	_ =	swait.ge [sflag:s13], $0x280  }
0x219: {  	[sflag:s13] =	ssyncset.done $0x0  }
0x21a: {  	s8 =	rddreg [dreg:$0xd];
	[sflag:s13] =	ssyncadd.s32 $0xFFFFFD80  }
0x21b: {  	[hbm:s8], [sflag:s10] =	dma.local [spmem:s9], $0x280  }
0x21c: {  	_ =	swait.ge [sflag:s13], $0x280  }
0x21d: {  	s31 =	sadd.s32 $0x1, s31;
	s14 =	rddreg [dreg:$0x11]  }
0x21e: {  	p0 =	sne.s32 s31, s14  }
.Ltmp6:
0x21f: {  	_ = 	snop;
	(pc) =	sbr.rel @p0 .LBB2_1-.Ltmp6, $3  }
0x220: {  	_ =	sdelay $0x1  }
0x221: {  	[sflag:s13] =	ssyncset.done $0x0  }
0x222: {  	[sflag:s13] =	ssyncadd.s32 $0xFFFFFD80  }
0x223: {  	_ =	sfence.sel $0x180000  }
0x224: {  	[bflag:$0x0] =	sbarrier.arrive $0xFFFF  }
0x225: {  	_ =	strace $0x9000004A  }
0x226: {  	s0 =	stileid.u32;
	[bflag:$0x2] =	sbarrier.arrive $0xFFFF  }
0x227: {  	p0 =	sne.s32 s0, $0x0;
	s0 =	rddreg [dreg:$0x3]  }
0x228: {  	s0 =	sadd.s32 @!p0 $0x100000, s0  }
0x229: {  	[sflag:s0] =	ssyncadd.tile.s32 @!p0 $0x1;
	_ =	shalt  }
.Lfunc_end2:
_tile_overlayer_lowered:
.L_overlay_start_2:
0x22a: {  	(tag) =	ssettag $0x2  }
0x22b: {  	s0 =	rddreg [dreg:$0x0];
	s2 =	stileid.u32  }
0x22c: {  	s1 =	rddreg [dreg:$0x1];
	p0 =	sne.s32 s2, $0x0  }
0x22d: {  	s3 =	rddreg [dreg:$0x2];
	[bflag:$0x3] =	sbarrier.arrive $0xFFFF;
	s2 =	simm.s32 @!p0 $0x1C07  }
0x22e: {  	[timem:s3], [sflag:s2] =	dma.local @!p0 [hbm:s0], s1  }
0x22f: {  	s0 =	simm.s32 @!p0 $0x7  }
0x230: {  	_ =	swait.ge @!p0 [sflag:s0], s1  }
0x231: {  	s1 =	ssub.s32 @!p0 $0x0, s1;
	[sflag:s0] =	ssyncset.done @!p0 $0x0  }
0x232: {  	[sflag:s0] =	ssyncadd.s32 @!p0 s1  }
0x233: {  	[bflag:$0x3] =	sbarrier.arrive $0xFFFF  }
0x234: {  	_ =	shalt  }

// kernel: kernel.14.cloned.1.call-start
scs
__scs_entry_jumppad:
0x0: {  	(pc) =	sbr.rel $0x88, $3  }
0x1: {  	(tag) =	ssettag $0x0;
	lr =	simm.s32 $0x1  }
0x2: {  	[smem:$0x3F99] =	sst lr;
	_ =	strace $0xD0000000  }
0x3: {  	_ = 	snop  }
0x4: {  	_ = 	snop  }
0x5: {  	_ = 	snop  }
0x6: {  	_ = 	snop  }
0x7: {  	_ = 	snop  }
__scs_overlays_trampoline_lowered:
0x8: {  	[smem:$0x3FA8] =	sst s0  }
0x9: {  	[smem:$0x3FA9] =	sst s1  }
0xa: {  	[smem:$0x3FAA] =	sst s2  }
0xb: {  	[smem:$0x3FAB] =	sst s3  }
0xc: {  	[smem:$0x3FAC] =	sst s4  }
0xd: {  	[smem:$0x3FAD] =	sst s5  }
0xe: {  	[smem:$0x3FAE] =	sst s6  }
0xf: {  	[smem:$0x3FAF] =	sst s7  }
0x10: {  	[smem:$0x3FB0] =	sst s8  }
0x11: {  	[smem:$0x3FB1] =	sst s9;
	s0 =	simm.s32 @!p0 $0x0  }
0x12: {  	s1 =	sld [smem:$0x3F97];
	s0 =	simm.s32 @p0 $0x1  }
0x13: {  	[smem:$0x3FB2] =	sst s0;
	s0 =	simm.s32 @!p1 $0x0  }
0x14: {  	s2 =	sld [smem:$0x3F96];
	s0 =	simm.s32 @p1 $0x1  }
0x15: {  	[smem:$0x3FB3] =	sst s0;
	s0 =	simm.s32 @!p2 $0x0  }
0x16: {  	s3 =	sld [smem:$0x3FDB];
	s0 =	simm.s32 @p2 $0x1  }
0x17: {  	s4 =	simm.s32 $0x1BF5;
	[smem:$0x3FB5] =	sst s0  }
0x18: {  	s0 =	sld [smem:$0x3F98];
	_ =	swait.ge [sflag:s4], $0x0  }
0x19: {  	s7 =	sld [smem:$0x3F99]  }
0x1a: {  	s8 =	sadd.s32 $0xFFFFE003, lr  }
0x1b: {  	s9 =	sadd.s32 $0xFFFFFEF7, lr;
	s5 =	simm.s32 $0xFFFFFFFF;
	p2 =	slt.u32 s8, $0xFFFFF086  }
0x1c: {  	p1 =	slt.u32 s9, $0xF7A;
	s5 =	simm.s32 @!p2 $0x0  }
0x1d: {  	s5 =	simm.s32 @p1 $0x1;
	p0 =	seq.s32 s7, s2  }
0x1e: {  	s7 =	smul.u32 @!p0 $0xF7A, s2;
	p2 =	seq.s32 @!p0 s5, $0x0  }
0x1f: {  	s9 =	smul.u32 $0xF7A, s1;
	s8 =	simm.s32 @!p0 $0x1BF5;
	p2 =	por !p2, p0  }
0x20: {  	[sflag:s8] =	ssyncset.s32 @!p0 $0xFFFFF086;
	s6 =	sadd.s32 @!p0 s3, s7;
	s7 =	simm.s32 @!p0 $0x108  }
0x21: {  	s3 =	sadd.s32 s3, s9;
	s6 =	sadd.s32 @!p0 $0x88, s6;
	s7 =	simm.s32 @p2 $0x1082  }
0x22: {  	[simem:s7], [sflag:s8] =	dma.local @!p0 [hbm:s6], $0xF7A  }
0x23: {  	s9 =	sor.u32 $0xD0000000, s2;
	s6 =	simm.s32 $0x108;
	_ =	swait.ge @!p0 [sflag:s8], $0x0  }
0x24: {  	s3 =	sadd.s32 $0x88, s3;
	s6 =	simm.s32 @!p1 $0x1082;
	[sflag:s4] =	ssyncset.s32 $0xFFFFF086  }
0x25: {  	[simem:s6], [sflag:s4] =	dma.local [hbm:s3], $0xF7A  }
0x26: {  	[smem:$0x3F99] =	sst s1;
	(tag) =	ssettag s2;
	_ =	strace s9  }
0x27: {  	s1 =	sld [smem:$0x3FA9]  }
0x28: {  	s2 =	sld [smem:$0x3FAA]  }
0x29: {  	s4 =	sld [smem:$0x3FAC]  }
0x2a: {  	p0 =	seq.s32 s5, $0x0;
	s5 =	sld [smem:$0x3FAD]  }
0x2b: {  	s6 =	sld [smem:$0x3FAE]  }
0x2c: {  	s7 =	sld [smem:$0x3FAF]  }
0x2d: {  	s3 =	simm.s32 $0x108;
	s8 =	sld [smem:$0x3FB0]  }
0x2e: {  	s3 =	simm.s32 @!p0 $0x1082;
	s9 =	sld [smem:$0x3FB1]  }
0x2f: {  	lr =	sadd.s32 s0, s3;
	s0 =	sld [smem:$0x3FA8]  }
0x30: {  	s3 =	sld [smem:$0x3FAB]  }
0x31: {  	[smem:$0x3FB4] =	sst s10  }
0x32: {  	s10 =	sld [smem:$0x3FB2];
	_ =	sdelay $0x3  }
0x33: {  	p0 =	seq.s32 s10, $0x1;
	s10 =	sld [smem:$0x3FB4];
	_ =	sdelay $0x3  }
0x34: {  	[smem:$0x3FB4] =	sst s10  }
0x35: {  	s10 =	sld [smem:$0x3FB3];
	_ =	sdelay $0x3  }
0x36: {  	p1 =	seq.s32 s10, $0x1;
	s10 =	sld [smem:$0x3FB4];
	_ =	sdelay $0x3  }
0x37: {  	[smem:$0x3FB4] =	sst s10  }
0x38: {  	s10 =	sld [smem:$0x3FB5]  }
0x39: {  	_ = 	snop;
	(pc) =	sbr.ind lr, $3  }
0x3a: {  	_ = 	snop  }
0x3b: {  	_ = 	snop  }
0x3c: {  	p2 =	seq.s32 s10, $0x1;
	s10 =	sld [smem:$0x3FB4]  }
0x3d: {  	_ =	shalt  }
0x3e: {  	_ =	shalt  }
0x3f: {  	_ =	shalt  }
0x40: {  	_ =	shalt  }
0x41: {  	_ =	shalt  }
0x42: {  	_ =	shalt  }
0x43: {  	_ =	shalt  }
0x44: {  	_ =	shalt  }
0x45: {  	_ =	shalt  }
0x46: {  	_ =	shalt  }
0x47: {  	_ =	shalt  }
0x48: {  	_ =	shalt  }
0x49: {  	_ =	shalt  }
0x4a: {  	_ =	shalt  }
0x4b: {  	_ =	shalt  }
0x4c: {  	_ =	shalt  }
0x4d: {  	_ =	shalt  }
0x4e: {  	_ =	shalt  }
0x4f: {  	_ =	shalt  }
0x50: {  	_ =	shalt  }
0x51: {  	_ =	shalt  }
0x52: {  	_ =	shalt  }
0x53: {  	_ =	shalt  }
0x54: {  	_ =	shalt  }
0x55: {  	_ =	shalt  }
0x56: {  	_ =	shalt  }
0x57: {  	_ =	shalt  }
0x58: {  	_ =	shalt  }
0x59: {  	_ =	shalt  }
0x5a: {  	_ =	shalt  }
0x5b: {  	_ =	shalt  }
0x5c: {  	_ =	shalt  }
0x5d: {  	_ =	shalt  }
0x5e: {  	_ =	shalt  }
0x5f: {  	_ =	shalt  }
0x60: {  	_ =	shalt  }
0x61: {  	_ =	shalt  }
0x62: {  	_ =	shalt  }
0x63: {  	_ =	shalt  }
0x64: {  	_ =	shalt  }
0x65: {  	_ =	shalt  }
0x66: {  	_ =	shalt  }
0x67: {  	_ =	shalt  }
0x68: {  	_ =	shalt  }
0x69: {  	_ =	shalt  }
0x6a: {  	_ =	shalt  }
0x6b: {  	_ =	shalt  }
0x6c: {  	_ =	shalt  }
0x6d: {  	_ =	shalt  }
0x6e: {  	_ =	shalt  }
0x6f: {  	_ =	shalt  }
0x70: {  	_ =	shalt  }
0x71: {  	_ =	shalt  }
0x72: {  	_ =	shalt  }
0x73: {  	_ =	shalt  }
0x74: {  	_ =	shalt  }
0x75: {  	_ =	shalt  }
0x76: {  	_ =	shalt  }
0x77: {  	_ =	shalt  }
0x78: {  	_ =	shalt  }
0x79: {  	_ =	shalt  }
0x7a: {  	_ =	shalt  }
0x7b: {  	_ =	shalt  }
0x7c: {  	_ =	shalt  }
0x7d: {  	_ =	shalt  }
0x7e: {  	_ =	shalt  }
0x7f: {  	_ =	shalt  }
0x80: {  	_ =	shalt  }
0x81: {  	_ =	shalt  }
0x82: {  	_ =	shalt  }
0x83: {  	_ =	shalt  }
0x84: {  	_ =	shalt  }
0x85: {  	_ =	shalt  }
0x86: {  	_ =	shalt  }
0x87: {  	_ =	shalt  }
.Lfunc_end0:
.L_simem_size_0:
called_computation.2_lowered:
.L_overlay_start_0:
0x88: {  	s2 =	sld [smem:$0x3FD9]  }
0x89: {  	s3 =	sld [smem:$0x3FFE];
	_ =	sdelay $0x1  }
0x8a: {  	s1 =	srdreg.scid  }
0x8b: {  	s0 =	sand.u32 $0x1, s1  }
0x8c: {  	s16 =	sshll.u32 s0, $0xA;
	s2 =	sadd.s32 s3, s2  }
0x8d: {  	s2 =	sadd.s32 s2, s16  }
0x8e: {  	[smem:$0x3FC0] =	sst s2  }
0x8f: {  	_ = 	snop  }
0x90: {  	(tm) =	ssettm $0x1  }
0x91: {  	s17 =	sld [smem:$0x3FFB];
	_ =	sdelay $0x3  }
0x92: {  	_ =	strace s17  }
0x93: {  	s2 =	sld [smem:$0x3FFC];
	_ =	sdelay $0x3  }
0x94: {  	_ =	strace s2  }
0x95: {  	s2 =	sld [smem:$0x3FFD];
	_ =	sdelay $0x3  }
0x96: {  	_ =	strace s2  }
0x97: {  	_ =	strace $0x8FFFFFFF  }
0x98: {  	s18 =	sld [smem:$0x3FDB];
	_ =	sdelay $0x1  }
0x99: {  	s19 =	simm.s32 $_scs_section_size  }
0x9a: {  	s4 =	simm.s32 $_size__tile_overlayer_lowered;
	s5 =	simm.s32 $_tile_overlayer_lowered  }
0x9b: {  	s22 =	simm.s32 $0x1BFF;
	s21 =	sshll.u32 s5, $0x1;
	s2 =	sadd.s32 s19, s18  }
0x9c: {  	s6 =	simm.s32 $0x0;
	s20 =	sshll.u32 s4, $0x1;
	s4 =	sadd.s32 s21, s2  }
0x9d: {  	[timem:s6], [sflag:s22] =	dma.local [hbm:s4], s20  }
0x9e: {  	_ =	swait.ge [sflag:s22], s20  }
0x9f: {  	s3 =	ssub.s32 $0x0, s20;
	[sflag:s22] =	ssyncset.done $0x0  }
0xa0: {  	[sflag:s22] =	ssyncadd.s32 s3;
	_ =	sdelay $0x1  }
0xa1: {  	s23 =	simm.s32 $0x1B8B  }
0xa2: {  	_ =	swait.ge [sflag:s23], $0x1  }
0xa3: {  	[sflag:s23] =	ssyncset.done $0x0  }
0xa4: {  	s25 =	simm.s32 $0x1B8E;
	s24 =	sld [smem:$0x3FFE];
	[sflag:s23] =	ssyncadd.s32 $0xFFFFFFFF  }
0xa5: {  	s26 =	simm.s32 $execute0_lowered;
	[smem:$0x3FD2] =	sst s25  }
0xa6: {  	s4 =	sshll.u32 s26, $0x1;
	_ =	strace $0x8000004C;
	[dreg:$0x1] =	wrdreg $0xFFFFFFFF  }
0xa7: {  	s28 =	simm.s32 $_size_execute0_lowered;
	s2 =	sadd.s32 s2, s4;
	[dreg:$0x0] =	wrdreg $0x0  }
0xa8: {  	s4 =	sshll.u32 s28, $0x1;
	[dreg:$0x2] =	wrdreg s2  }
0xa9: {  	[dreg:$0x3] =	wrdreg s4  }
0xaa: {  	[dreg:$0x4] =	wrdreg $0xC0  }
0xab: {  	_ =	task [dreg:s6], $0x5FFFF  }
0xac: {  	[dreg:$0x1] =	wrdreg $0xFFFFFFFF  }
0xad: {  	[dreg:$0x0] =	wrdreg $0x60  }
0xae: {  	[dreg:$0x2] =	wrdreg s24  }
0xaf: {  	[dreg:$0x3] =	wrdreg $0x5E000  }
0xb0: {  	[dreg:$0x4] =	wrdreg $0x86000  }
0xb1: {  	[dreg:$0x5] =	wrdreg $0x9  }
0xb2: {  	_ =	task.clear_ibuf [dreg:s6], $0x6FFFF;
	_ =	strace $0x9000004C  }
0xb3: {  	s29 =	simm.s32 $0x9;
	_ =	strace $0x8000004E  }
0xb4: {  	_ =	swait.ge [sflag:s29], $0x1  }
0xb5: {  	[sflag:s29] =	ssyncadd.s32 $0xFFFFFFFF  }
0xb6: {  	_ =	strace $0x9000004E  }
0xb7: {  	_ =	sfence  }
0xb8: {  	s30 =	sld [smem:$0x0];
	_ =	sdelay $0x2  }
0xb9: {  	s31 =	sshll.u32 s1, $0xD;
	s1 =	sshrl.u32 s1, $0x2  }
0xba: {  	s3 =	sand.u32 $0x4000, s31;
	s1 =	sadd.s32 s1, s30  }
0xbb: {  	s0 =	sor.u32 s3, s0;
	s1 =	sshll.u32 s1, $0x11  }
0xbc: {  	s0 =	sor.u32 s1, s0  }
0xbd: {  	s0 =	sadd.s32 $0x8F2B, s0  }
0xbe: {  	[sflag:s0] =	ssyncadd.remote.s32 $0x1  }
0xbf: {  	_ =	sfence.sel $0xFFFF  }
0xc0: {  	[dreg:$0x0] =	wrdreg $0xFFFFFFFF;
	(pc) =	sbr.abs _section_cstart, $3  }
0xc1: {  	[dreg:$0x1] =	wrdreg $0xFFFFFFFF  }
0xc2: {  	_ =	task.clear_ibuf [dreg:s6], $0x2FFFF;
	_ =	strace $0x9FFFFFFF  }
0xc3: {  	(tm) =	ssettm $0x7FFFFFFF  }
tec
execute0_lowered:
.L_overlay_start_1:
0x0: {  	(tag) =	ssettag $0x1  }
0x1: {  	s0 =	srdreg.scid  }
0x2: {  	s17 =	stileid.u32;
	s2 =	rddreg [dreg:$0x0]  }
0x3: {  	s5 =	simm.s32 $0x0;
	s28 =	simm.s32 $0x6;
	s29 =	simm.s32 $0x0  }
0x4: {  	s0 =	sand.u32 $0x1, s0;
	s4 =	smul.u32 $0x2800, s17;
	[smem:$0x7FF] =	sst s5  }
0x5: {  	s1 =	sshll.u32 s0, $0x4;
	s6 =	smul.u32 $0x28000, s0;
	s0 =	ssub.s32 $0x2, s0  }
0x6: {  	s1 =	sor.u32 s17, s1;
	s13 =	sshrl.u32 s4, $0x3;
	s7 =	sshrl.u32 s0, $0x1  }
0x7: {  	s9 =	sor.u32 $0x400, s4;
	s10 =	sadd.s32 $0xC00, s4;
	s17 =	smul.u32 $0xA000, s17  }
0x8: {  	s3 =	smul.u32 $0x2A0, s1;
	s1 =	rddreg [dreg:$0x1];
	s5 =	sadd.s32 s13, s2  }
0x9: {  	s8 =	sadd.s32 s6, s4;
	s0 =	ssub.s32 s0, s7;
	s15 =	sadd.s32 s6, s9  }
0xa: {  	s11 =	sadd.s32 s6, s10;
	s13 =	sadd.s32 $0x1000, s4;
	s14 =	sshrl.u32 s8, $0x3  }
0xb: {  	s16 =	sshrl.u32 s15, $0x3;
	s8 =	sadd.s32 $0x800, s4;
	s19 =	sshrl.u32 s11, $0x3  }
0xc: {  	s20 =	sadd.s32 s6, s13;
	s11 =	sadd.s32 $0x1400, s4;
	s15 =	sadd.s32 $0x1C00, s4  }
0xd: {  	s0 =	smax.u32 s0, $0x1;
	s3 =	sadd.s32 s3, s2;
	s2 =	sadd.s32 $0x6C00, s2  }
0xe: {  	s18 =	sadd.s32 s6, s8;
	s21 =	sshrl.u32 s20, $0x3;
	s22 =	sadd.s32 s6, s11  }
0xf: {  	s24 =	sadd.s32 s6, s15;
	s20 =	sadd.s32 s9, s1;
	s7 =	sadd.s32 s2, s14  }
0x10: {  	s9 =	simm.s32 $0x7;
	[dreg:$0x4] =	wrdreg s7;
	s7 =	sadd.s32 s2, s16  }
0x11: {  	s14 =	sadd.s32 $0x1800, s4;
	[dreg:$0x5] =	wrdreg s7;
	s7 =	sshrl.u32 s18, $0x3  }
0x12: {  	s25 =	sshrl.u32 s24, $0x3;
	s30 =	sadd.s32 $0x60600, s3;
	s7 =	sadd.s32 s2, s7  }
0x13: {  	s31 =	sadd.s32 $0x5B200, s3;
	[dreg:$0x6] =	wrdreg s7;
	s7 =	sadd.s32 s2, s19  }
0x14: {  	s3 =	sshrl.u32 s17, $0x2;
	[dreg:$0x7] =	wrdreg s7;
	s7 =	sadd.s32 s2, s21  }
0x15: {  	s12 =	sadd.s32 s6, s14;
	[dreg:$0x8] =	wrdreg s7;
	s7 =	sshrl.u32 s22, $0x3  }
0x16: {  	s16 =	sadd.s32 $0x2000, s4;
	s23 =	sshrl.u32 s12, $0x3;
	s7 =	sadd.s32 s2, s7  }
0x17: {  	s26 =	sadd.s32 s6, s16;
	[dreg:$0x9] =	wrdreg s7;
	s7 =	sadd.s32 s2, s23  }
0x18: {  	s18 =	sadd.s32 $0x2400, s4;
	[dreg:$0xa] =	wrdreg s7;
	s7 =	sadd.s32 s2, s25  }
0x19: {  	s6 =	sadd.s32 s6, s18;
	[dreg:$0xb] =	wrdreg s7;
	s7 =	sshrl.u32 s26, $0x3  }
0x1a: {  	s12 =	rddreg [dreg:$0x2];
	s6 =	sshrl.u32 s6, $0x3;
	s7 =	sadd.s32 s2, s7  }
0x1b: {  	s24 =	sadd.s32 s11, s1;
	s2 =	sadd.s32 s2, s6;
	[dreg:$0xc] =	wrdreg s7  }
0x1c: {  	s17 =	sadd.s32 s3, s1;
	s3 =	sshrl.u32 s20, $0x3;
	[dreg:$0xd] =	wrdreg s2  }
0x1d: {  	s19 =	sadd.s32 s4, s1;
	_ =	strace $0x8000004D;
	[dreg:$0xe] =	wrdreg s30  }
0x1e: {  	s21 =	sadd.s32 s8, s1;
	s6 =	sadd.s32 $0x1C00, s5;
	[dreg:$0xf] =	wrdreg s31  }
0x1f: {  	s8 =	sadd.s32 $0x2400, s17;
	s22 =	sadd.s32 s10, s1;
	[dreg:$0x10] =	wrdreg s6  }
0x20: {  	s23 =	sadd.s32 s13, s1;
	s2 =	sshrl.u32 s19, $0x3;
	[dreg:$0x11] =	wrdreg s0  }
0x21: {  	s13 =	sshrl.u32 s21, $0x3;
	s25 =	sadd.s32 s14, s1;
	[dreg:$0x13] =	wrdreg s2  }
0x22: {  	s14 =	sshrl.u32 s22, $0x3;
	s22 =	sadd.s32 $0x400, s17;
	[dreg:$0x14] =	wrdreg s3  }
0x23: {  	s26 =	sadd.s32 s15, s1;
	s15 =	sshrl.u32 s23, $0x3;
	[dreg:$0x15] =	wrdreg s13  }
0x24: {  	s23 =	sadd.s32 $0x800, s17;
	s7 =	sadd.s32 s4, s12;
	[dreg:$0x16] =	wrdreg s14  }
0x25: {  	s19 =	sshrl.u32 s26, $0x3;
	s26 =	sadd.s32 $0x1400, s17;
	[dreg:$0x17] =	wrdreg s15  }
0x26: {  	s30 =	sadd.s32 s16, s1;
	s31 =	sadd.s32 s18, s1;
	[dreg:$0x1a] =	wrdreg s19  }
0x27: {  	s0 =	sshrl.u32 s7, $0x3;
	s16 =	sshrl.u32 s24, $0x3;
	[dreg:$0x1d] =	wrdreg s22  }
0x28: {  	s18 =	sshrl.u32 s25, $0x3;
	[dreg:$0x1e] =	wrdreg s23;
	s24 =	sadd.s32 $0xC00, s17  }
0x29: {  	s25 =	sadd.s32 $0x1000, s17;
	[smem:$0x7FB] =	sst s26;
	s7 =	sadd.s32 $0x2000, s17  }
0x2a: {  	s3 =	simm.s32 $0x1500;
	s13 =	simm.s32 $0x5A00;
	[dreg:$0x12] =	wrdreg s0  }
0x2b: {  	s14 =	simm.s32 $0x80;
	s15 =	simm.s32 $0x2A00;
	[dreg:$0x18] =	wrdreg s16  }
0x2c: {  	s19 =	simm.s32 $0x3;
	s22 =	simm.s32 $0x4A00;
	[dreg:$0x19] =	wrdreg s18  }
0x2d: {  	s23 =	simm.s32 $0x2;
	s26 =	simm.s32 $0x5;
	[dreg:$0x1f] =	wrdreg s24  }
0x2e: {  	s20 =	sshrl.u32 s30, $0x3;
	s21 =	sshrl.u32 s31, $0x3;
	[smem:$0x7FA] =	sst s25  }
0x2f: {  	s30 =	sadd.s32 $0x1800, s17;
	s31 =	sadd.s32 $0x1C00, s17;
	[dreg:$0x1b] =	wrdreg s20  }
0x30: {  	v0 =	vimm.f32 $0.0e+00;
	s16 =	simm.s32 $0x3A00;
	s18 =	simm.s32 $0x1;
	[dreg:$0x1c] =	wrdreg s21  }
0x31: {  	vm0 =	vcmask $0x1F00;
	vm15 =	vcmask $0x2320;
	v2 =	vimm.s32 $0x8;
	s24 =	simm.s32 $0x4;
	s25 =	simm.s32 $0x5200;
	[smem:$0x7FC] =	sst s30  }
0x32: {  	v3 =	vimm.s32 $0x9;
	v1 =	vsel vm0, $0x3F800000, v0;
	v4 =	vsel vm15, $0x3F800000, v0;
	[smem:$0x7FD] =	sst s31;
	s20 =	simm.s32 $0x3200;
	s21 =	simm.s32 $0x4200  }
.LBB2_1:
0x33: {  	s0 =	simm.s32 $0x0;
	s2 =	rddreg [dreg:$0xe]  }
0x34: {  	[tilespmem:s0], [sflag:$0x7] =	stream.linear.gather [hbm4b:s2+s0], $0x1500, $0x38;
	[tilespmem:$0xAE00] =	vst v63  }
0x35: {  	_ =	swait.ge [sflag:s9], $0x1500  }
0x36: {  	[sflag:s9] =	ssyncset.done $0x0  }
0x37: {  	s31 =	rddreg [dreg:$0xf];
	[sflag:s9] =	ssyncadd.s32 $0xFFFFEB00  }
0x38: {  	[tilespmem:s3], [sflag:$0x7] =	stream.linear.gather [hbm4b:s31+s0], $0x1500, $0x38;
	[tilespmem:$0xAE00] =	vst v63  }
0x39: {  	_ =	swait.ge [sflag:s9], $0x1500  }
0x3a: {  	[sflag:s9] =	ssyncset.done $0x0  }
0x3b: {  	s2 =	simm.s32 $0x0;
	s0 =	simm.s32 $0x40;
	[sflag:s9] =	ssyncadd.s32 $0xFFFFEB00  }
.LBB2_2:
0x3c: {  	p0 =	sne.s32 s0, $0xFC0;
	[tilespmem:s2+$0x5A00] =	vst v0;
	s2 =	smov.u32 s0;
	s0 =	sadd.s32 $0x40, s0  }
.Ltmp0:
0x3d: {  	(pc) =	sbr.rel @p0 .LBB2_2-.Ltmp0, $2  }
0x3e: {  	_ =	sdelay $0x2  }
0x3f: {  	s2 =	sshra.s32 s2, $0x2  }
0x40: {  	[tilespmem:s2+$0x5A00] =	vst v0  }
0x41: {  	[spmem:s17] =	stream.linear.scatter [tilespmem:s13], [sflag:$0x7], $0x400, $0x38;
	[tilespmem:$0xAE00] =	vst v63  }
0x42: {  	_ =	swait.ge [sflag:s9], $0x400  }
0x43: {  	[sflag:s9] =	ssyncset.done $0x0  }
0x44: {  	s0 =	rddreg [dreg:$0x1d];
	[sflag:s9] =	ssyncadd.s32 $0xFFFFFC00  }
0x45: {  	[spmem:s0] =	stream.linear.scatter [tilespmem:s13], [sflag:$0x7], $0x400, $0x38;
	[tilespmem:$0xAE00] =	vst v63  }
0x46: {  	_ =	swait.ge [sflag:s9], $0x400  }
0x47: {  	[sflag:s9] =	ssyncset.done $0x0  }
0x48: {  	s11 =	rddreg [dreg:$0x1e];
	[sflag:s9] =	ssyncadd.s32 $0xFFFFFC00  }
0x49: {  	[spmem:s11] =	stream.linear.scatter [tilespmem:s13], [sflag:$0x7], $0x400, $0x38;
	[tilespmem:$0xAE00] =	vst v63  }
0x4a: {  	_ =	swait.ge [sflag:s9], $0x400  }
0x4b: {  	[sflag:s9] =	ssyncset.done $0x0  }
0x4c: {  	s31 =	rddreg [dreg:$0x1f];
	[sflag:s9] =	ssyncadd.s32 $0xFFFFFC00  }
0x4d: {  	[spmem:s31] =	stream.linear.scatter [tilespmem:s13], [sflag:$0x7], $0x400, $0x38;
	[tilespmem:$0xAE00] =	vst v63  }
0x4e: {  	_ =	swait.ge [sflag:s9], $0x400  }
0x4f: {  	s2 =	sld [smem:$0x7FA]  }
0x50: {  	[sflag:s9] =	ssyncset.done $0x0  }
0x51: {  	[sflag:s9] =	ssyncadd.s32 $0xFFFFFC00  }
0x52: {  	[spmem:s2] =	stream.linear.scatter [tilespmem:s13], [sflag:$0x7], $0x400, $0x38;
	[tilespmem:$0xAE00] =	vst v63  }
0x53: {  	_ =	swait.ge [sflag:s9], $0x400  }
0x54: {  	s4 =	sld [smem:$0x7FB]  }
0x55: {  	[sflag:s9] =	ssyncset.done $0x0  }
0x56: {  	[sflag:s9] =	ssyncadd.s32 $0xFFFFFC00  }
0x57: {  	[spmem:s4] =	stream.linear.scatter [tilespmem:s13], [sflag:$0x7], $0x400, $0x38;
	[tilespmem:$0xAE00] =	vst v63  }
0x58: {  	_ =	swait.ge [sflag:s9], $0x400  }
0x59: {  	s5 =	sld [smem:$0x7FC]  }
0x5a: {  	[sflag:s9] =	ssyncset.done $0x0  }
0x5b: {  	[sflag:s9] =	ssyncadd.s32 $0xFFFFFC00  }
0x5c: {  	[spmem:s5] =	stream.linear.scatter [tilespmem:s13], [sflag:$0x7], $0x400, $0x38;
	[tilespmem:$0xAE00] =	vst v63  }
0x5d: {  	_ =	swait.ge [sflag:s9], $0x400  }
0x5e: {  	s6 =	sld [smem:$0x7FD]  }
0x5f: {  	[sflag:s9] =	ssyncset.done $0x0  }
0x60: {  	[sflag:s9] =	ssyncadd.s32 $0xFFFFFC00  }
0x61: {  	[spmem:s6] =	stream.linear.scatter [tilespmem:s13], [sflag:$0x7], $0x400, $0x38;
	[tilespmem:$0xAE00] =	vst v63  }
0x62: {  	_ =	swait.ge [sflag:s9], $0x400  }
0x63: {  	[sflag:s9] =	ssyncset.done $0x0  }
0x64: {  	[sflag:s9] =	ssyncadd.s32 $0xFFFFFC00  }
0x65: {  	[spmem:s7] =	stream.linear.scatter [tilespmem:s13], [sflag:$0x7], $0x400, $0x38;
	[tilespmem:$0xAE00] =	vst v63  }
0x66: {  	_ =	swait.ge [sflag:s9], $0x400  }
0x67: {  	[sflag:s9] =	ssyncset.done $0x0  }
0x68: {  	[sflag:s9] =	ssyncadd.s32 $0xFFFFFC00  }
0x69: {  	[spmem:s8] =	stream.linear.scatter [tilespmem:s13], [sflag:$0x7], $0x400, $0x38;
	[tilespmem:$0xAE00] =	vst v63  }
0x6a: {  	s10 =	stileid.u32;
	_ =	swait.ge [sflag:s9], $0x400  }
0x6b: {  	s0 =	sshll.u32 s10, $0x6;
	[sflag:s9] =	ssyncset.done $0x0;
	s11 =	rddreg [dreg:$0x10]  }
0x6c: {  	s10 =	sor.u32 $0x1C07, s0;
	s31 =	rddreg [dreg:$0x12];
	[sflag:s9] =	ssyncadd.s32 $0xFFFFFC00  }
0x6d: {  	[spmem:s31], [sflag:s10] =	dma.local [hbm:s11], $0x500  }
0x6e: {  	_ =	swait.ge [sflag:s9], $0x500  }
0x6f: {  	[sflag:s9] =	ssyncset.done $0x0  }
0x70: {  	[sflag:s9] =	ssyncadd.s32 $0xFFFFFB00  }
0x71: {  	s30 =	simm.s32 $0x0;
	[bflag:$0x0] =	sbarrier.arrive $0xFFFF  }
0x72: {  	[tilespmem:s15], [sflag:$0x1] =	stream.indirect.gather [spmem:s12], $0x10, s30, s14, $0xb8;
	[tilespmem:$0xAE00] =	vst v63  }
0x73: {  	_ = 	snop  }
0x74: {  	[tilespmem:s16], [sflag:$0x3] =	stream.indirect.gather [spmem:s12], $0x10, s3, s14, $0xb8;
	[tilespmem:$0xAE00] =	vst v63  }
.LBB2_4:
0x75: {  	_ =	swait.ge [sflag:s18], $0x800  }
0x76: {  	[sflag:s18] =	ssyncset.done $0x0  }
0x77: {  	[sflag:s18] =	ssyncadd.s32 $0xFFFFF800  }
0x78: {  	_ =	swait.ge [sflag:s19], $0x800  }
0x79: {  	s11 =	sshll.u32 s30, $0x8;
	[sflag:s19] =	ssyncset.done $0x0  }
0x7a: {  	s31 =	sor.u32 $0x80, s11;
	[sflag:s19] =	ssyncadd.s32 $0xFFFFF800  }
0x7b: {  	[tilespmem:s20], [sflag:$0x2] =	stream.indirect.gather [spmem:s12], $0x10, s31, s14, $0xb8;
	[tilespmem:$0xAE00] =	vst v63  }
0x7c: {  	p0 =	seq.s32 s30, $0x0;
	s0 =	sadd.s32 $0x1580, s11  }
0x7d: {  	[tilespmem:s21], [sflag:$0x4] =	stream.indirect.gather [spmem:s12], $0x10, s0, s14, $0xb8;
	[tilespmem:$0xAE00] =	vst v63  }
0x7e: {  	s0 =	simm.s32 @!p0 $0x5  }
0x7f: {  	_ =	swait.ge @!p0 [sflag:s0], $0x800  }
0x80: {  	[sflag:s0] =	ssyncset.done @!p0 $0x0  }
0x81: {  	[sflag:s0] =	ssyncadd.s32 @!p0 $0xFFFFF800;
	s0 =	simm.s32 $0x0  }
0x82: {  	v5 =	vld [tilespmem:s0+$0x2A30]  }
0x83: {  	v6 =	vld [tilespmem:s0+$0x2A20]  }
0x84: {  	v7 =	vld [tilespmem:s0+$0x3A30]  }
0x85: {  	v8 =	vld [tilespmem:s0+$0x3A00]  }
0x86: {  	v9 =	vld [tilespmem:s0+$0x2A10]  }
0x87: {  	v10 =	vld [tilespmem:s0+$0x3A10]  }
0x88: {  	v11 =	vld [tilespmem:s0+$0x2A00];
	_ =	sdelay $0x1  }
0x89: {  	v12 =	vld [tilespmem:s0+$0x3A20];
	v6 =	vperm.xlane v6, v2  }
0x8a: {  	s2 =	simm.s32 $0x40;
	v5 =	vperm.xlane v5, v2;
	v13 =	vperm.xlane v7, v3  }
0x8b: {  	v19 =	vld [tilespmem:s2+$0x3A30];
	v9 =	vperm.xlane v9, v2;
	v14 =	vperm.xlane v10, v3  }
0x8c: {  	v20 =	vld [tilespmem:s2+$0x3A10];
	v15 =	vperm.xlane v8, v3;
	v11 =	vperm.xlane v11, v2  }
0x8d: {  	v7 =	vmul.f32 v1, v7;
	v8 =	vmul.f32 v1, v8  }
0x8e: {  	v16 =	vmul.f32 v1, v12;
	v12 =	vperm.xlane v12, v3  }
0x8f: {  	v10 =	vmul.f32 v1, v10;
	v5 =	vadd.f32 v13, v5;
	v9 =	vadd.f32 v14, v9;
	v14 =	vld [tilespmem:s2+$0x2A30]  }
0x90: {  	v22 =	vmul.f32 v1, v19;
	v19 =	vperm.xlane v19, v3;
	v11 =	vadd.f32 v15, v11;
	v15 =	vld [tilespmem:s2+$0x2A20]  }
0x91: {  	v24 =	vperm.xlane v20, v3;
	v6 =	vadd.f32 v12, v6;
	v12 =	vld [tilespmem:s2+$0x3A00];
	v13 =	vmul.f32 $2.000000030e-01, v5  }
0x92: {  	vm0 =	vge.f32 v5, $0.0e+00;
	v17 =	vmul.f32 $2.000000030e-01, v9;
	v18 =	vmul.f32 $2.000000030e-01, v11  }
0x93: {  	v21 =	vld [tilespmem:s2+$0x2A00];
	vm10 =	vge.f32 v9, $0.0e+00;
	vm1 =	vge.f32 v11, $0.0e+00;
	v5 =	vsel vm0, v5, v13  }
0x94: {  	v13 =	vld [tilespmem:s2+$0x3A20];
	v9 =	vsel vm10, v9, v17;
	v11 =	vsel vm1, v11, v18;
	v5 =	vsub.f32 $0.0e+00, v5  }
0x95: {  	v18 =	vld [tilespmem:s2+$0x2A10];
	v9 =	vsub.f32 $0.0e+00, v9;
	v15 =	vperm.xlane v15, v2;
	v14 =	vperm.xlane v14, v2  }
0x96: {  	v11 =	vsub.f32 $0.0e+00, v11;
	v23 =	vmul.f32 v1, v12;
	v12 =	vperm.xlane v12, v3  }
0x97: {  	v25 =	vadd.f32 v4, v7;
	v17 =	vmul.f32 $1.442695020e+00, v5;
	v9 =	vmul.f32 $1.442695020e+00, v9  }
0x98: {  	vm11 =	vge.f32 v6, $0.0e+00;
	v5 =	vmul.f32 $2.000000030e-01, v6;
	v11 =	vmul.f32 $1.442695020e+00, v11  }
0x99: {  	v7 =	vadd.f32 v19, v14;
	v19 =	vadd.f32 v4, v8;
	v8 =	vperm.xlane v21, v2  }
0x9a: {  	s3 =	simm.s32 $0x80;
	v6 =	vsel vm11, v6, v5;
	v5 =	vmul.f32 v1, v13;
	v18 =	vperm.xlane v18, v2  }
0x9b: {  	v27 =	vadd.f32 v4, v10;
	v21 =	vld [tilespmem:s3+$0x2A10];
	v13 =	vperm.xlane v13, v3;
	(erf) = vpow2.f32 v9  }
0x9c: {  	v9 =	vmul.f32 $2.000000030e-01, v7;
	v8 =	vadd.f32 v12, v8;
	vm12 =	vge.f32 v7, $0.0e+00  }
0x9d: {  	v6 =	vsub.f32 $0.0e+00, v6;
	(erf) = vpow2.f32 v17;
	v14 =	vadd.f32 v24, v18  }
0x9e: {  	v12 =	vld [tilespmem:s3+$0x2A30];
	v15 =	vadd.f32 v13, v15;
	v7 =	vsel vm12, v7, v9;
	v17 =	vmul.f32 $2.000000030e-01, v8  }
0x9f: {  	v9 =	vld [tilespmem:s3+$0x2A20];
	vm14 =	vge.f32 v8, $0.0e+00;
	(erf) = vpow2.f32 v11;
	v6 =	vmul.f32 $1.442695020e+00, v6  }
0xa0: {  	v18 =	vld [tilespmem:s3+$0x3A30];
	v7 =	vsub.f32 $0.0e+00, v7;
	v31 =	vperm.xlane v21, v2;
	v13 =	vmul.f32 $2.000000030e-01, v14  }
0xa1: {  	v11 =	vld [tilespmem:s3+$0x3A00];
	vm13 =	vge.f32 v14, $0.0e+00;
	v8 =	vsel vm14, v8, v17;
	(erf) = vpow2.f32 v6  }
0xa2: {  	v8 =	vsub.f32 $0.0e+00, v8;
	v6 =	vmul.f32 v1, v20;
	v13 =	vsel vm13, v14, v13  }
0xa3: {  	v24 =	vld [tilespmem:s3+$0x3A20];
	v20 =	vmul.f32 $2.000000030e-01, v15;
	v12 =	vperm.xlane v12, v2;
	v13 =	vsub.f32 $0.0e+00, v13  }
0xa4: {  	vm15 =	vge.f32 v15, $0.0e+00;
	v14 =	vmul.f32 $1.442695020e+00, v7;
	v7 =	vld [tilespmem:s3+$0x3A10];
	v17 =	vperm.xlane v9, v2  }
0xa5: {  	v26 =	vmul.f32 $1.442695020e+00, v13;
	v13 =	vmul.f32 $1.442695020e+00, v8;
	v8 =	vsel vm15, v15, v20;
	v15 =	vpop (erf)  }
0xa6: {  	v28 =	vld [tilespmem:s3+$0x2A00];
	v16 =	vadd.f32 v4, v16;
	v10 =	vmul.f32 v1, v11;
	v29 =	vperm.xlane v18, v3;
	v30 =	vpop (erf)  }
0xa7: {  	v20 =	vperm.xlane v11, v3;
	v11 =	vadd.f32 v4, v22;
	v22 =	vmul.f32 v30, v25  }
0xa8: {  	v9 =	vmul.f32 v1, v18;
	v18 =	vsub.f32 $0.0e+00, v8;
	v8 =	vmul.f32 v1, v24  }
0xa9: {  	v21 =	vadd.f32 v29, v12;
	v15 =	vmul.f32 v15, v27;
	v63 =	vperm.xlane v7, v3  }
0xaa: {  	s4 =	sshll.u32 s30, $0x1;
	v12 =	vadd.f32 v4, v23;
	v24 =	vperm.xlane v24, v3;
	v25 =	vpop (erf);
	(erf) = vpow2.f32 v26  }
0xab: {  	s5 =	simm.s32 $0x300;
	s4 =	smin.u32 s4, $0x27;
	v19 =	vmul.f32 v25, v19;
	v25 =	vperm.xlane v28, v2;
	[tilespmem:s0+$0x4A30] =	vst v22;
	v23 =	vadd.f32 v63, v31;
	v22 =	vpop (erf)  }
.LBB2_5:
0xac: {  	s6 =	sshra.s32 s5, $0x2;
	p1 =	sne.s32 s5, $0x1F00;
	s5 =	sadd.s32 $0x100, s5;
	v24 =	vadd.f32 v24, v17;
	v17 =	vmul.f32 $2.000000030e-01, v21;
	v16 =	vmul.f32 v22, v16  }
0xad: {  	vm0 =	vge.f32 v21, $0.0e+00;
	v22 =	vld [tilespmem:s6+$0x2A30];
	v20 =	vadd.f32 v20, v25;
	(erf) = vpow2.f32 v14;
	[tilespmem:s0+$0x4A00] =	vst v19  }
0xae: {  	v18 =	vmul.f32 $1.442695020e+00, v18;
	v14 =	vmul.f32 $2.000000030e-01, v23;
	v19 =	vld [tilespmem:s6+$0x2A20];
	v17 =	vsel vm0, v21, v17;
	[tilespmem:s0+$0x4A20] =	vst v16  }
0xaf: {  	vm0 =	vge.f32 v23, $0.0e+00;
	v25 =	vld [tilespmem:s6+$0x3A20];
	v16 =	vmul.f32 $2.000000030e-01, v20;
	v17 =	vsub.f32 $0.0e+00, v17;
	[tilespmem:s0+$0x4A10] =	vst v15;
	s0 =	smov.u32 s2;
	s2 =	smov.u32 s3;
	s3 =	smov.u32 s6  }
0xb0: {  	vm1 =	vge.f32 v20, $0.0e+00;
	v14 =	vsel vm0, v23, v14;
	v15 =	vld [tilespmem:s3+$0x3A30];
	(erf) = vpow2.f32 v13  }
0xb1: {  	v21 =	vld [tilespmem:s3+$0x3A00];
	v13 =	vsel vm1, v20, v16;
	v16 =	vsub.f32 $0.0e+00, v14;
	(erf) = vpow2.f32 v18  }
0xb2: {  	v18 =	vmul.f32 v1, v7;
	v14 =	vmul.f32 $1.442695020e+00, v17;
	v23 =	vld [tilespmem:s3+$0x2A00];
	v13 =	vsub.f32 $0.0e+00, v13  }
0xb3: {  	vm0 =	vge.f32 v24, $0.0e+00;
	v26 =	vld [tilespmem:s3+$0x2A10];
	v27 =	vmul.f32 $1.442695020e+00, v16;
	v16 =	vmul.f32 $2.000000030e-01, v24  }
0xb4: {  	v17 =	vperm.xlane v19, v2;
	v19 =	vadd.f32 v4, v6;
	v7 =	vld [tilespmem:s3+$0x3A10];
	v13 =	vmul.f32 $1.442695020e+00, v13;
	v28 =	vpop (erf)  }
0xb5: {  	v22 =	vperm.xlane v22, v2;
	v6 =	vmovc v18;
	v29 =	vmul.f32 v1, v15;
	v16 =	vsel vm0, v24, v16  }
0xb6: {  	v15 =	vperm.xlane v15, v3;
	v30 =	vmul.f32 v1, v21;
	v18 =	vsub.f32 $0.0e+00, v16;
	v24 =	vpop (erf)  }
.Ltmp1:
0xb7: {  	v20 =	vperm.xlane v21, v3;
	v16 =	vadd.f32 v4, v5;
	v5 =	vmovc v8;
	v8 =	vmul.f32 v1, v25;
	(pc) =	sbr.rel @p1 .LBB2_5-.Ltmp1, $4  }
0xb8: {  	v31 =	vmul.f32 v24, v11;
	v11 =	vadd.f32 v4, v9;
	v9 =	vmovc v29;
	v26 =	vperm.xlane v26, v2  }
0xb9: {  	v21 =	vadd.f32 v15, v22;
	v15 =	vmul.f32 v28, v19;
	v29 =	vperm.xlane v7, v3;
	v19 =	vpop (erf)  }
0xba: {  	v24 =	vperm.xlane v25, v3;
	v19 =	vmul.f32 v19, v12;
	v12 =	vadd.f32 v4, v10;
	[tilespmem:s0+$0x4A30] =	vst v31;
	v22 =	vpop (erf)  }
0xbb: {  	v25 =	vperm.xlane v23, v2;
	v10 =	vmovc v30;
	v23 =	vadd.f32 v29, v26;
	(erf) = vpow2.f32 v27  }
0xbc: {  	v17 =	vadd.f32 v24, v17  }
0xbd: {  	v24 =	vmul.f32 $2.000000030e-01, v21;
	(erf) = vpow2.f32 v14;
	v20 =	vadd.f32 v20, v25  }
0xbe: {  	vm0 =	vge.f32 v21, $0.0e+00;
	v18 =	vmul.f32 $1.442695020e+00, v18;
	v14 =	vmul.f32 $2.000000030e-01, v23  }
0xbf: {  	vm6 =	vge.f32 v23, $0.0e+00;
	v21 =	vsel vm0, v21, v24;
	v24 =	vmul.f32 $2.000000030e-01, v20  }
0xc0: {  	(erf) = vpow2.f32 v13;
	v14 =	vsel vm6, v23, v14;
	vm7 =	vge.f32 v20, $0.0e+00  }
0xc1: {  	v23 =	vmul.f32 $2.000000030e-01, v17;
	v14 =	vsub.f32 $0.0e+00, v14;
	v13 =	vsel vm7, v20, v24  }
0xc2: {  	vm8 =	vge.f32 v17, $0.0e+00;
	v21 =	vsub.f32 $0.0e+00, v21;
	v13 =	vsub.f32 $0.0e+00, v13  }
0xc3: {  	(erf) = vpow2.f32 v18;
	v17 =	vsel vm8, v17, v23;
	v14 =	vmul.f32 $1.442695020e+00, v14  }
0xc4: {  	v18 =	vmul.f32 $1.442695020e+00, v21;
	v17 =	vsub.f32 $0.0e+00, v17;
	v13 =	vmul.f32 $1.442695020e+00, v13  }
0xc5: {  	(erf) = vpow2.f32 v14  }
0xc6: {  	v14 =	vmul.f32 $1.442695020e+00, v17;
	(erf) = vpow2.f32 v18  }
0xc7: {  	(erf) = vpow2.f32 v13  }
0xc8: {  	(erf) = vpow2.f32 v14;
	v13 =	vpop (erf)  }
0xc9: {  	v6 =	vadd.f32 v4, v6;
	v14 =	vmul.f32 v22, v16;
	v16 =	vpop (erf)  }
0xca: {  	[tilespmem:s0+$0x4A00] =	vst v19;
	v7 =	vmul.f32 v1, v7;
	v17 =	vpop (erf);
	v11 =	vmul.f32 v16, v11  }
0xcb: {  	[tilespmem:s0+$0x4A10] =	vst v15;
	v6 =	vmul.f32 v13, v6;
	v12 =	vmul.f32 v17, v12  }
0xcc: {  	v5 =	vadd.f32 v4, v5;
	v9 =	vadd.f32 v4, v9;
	[tilespmem:s0+$0x4A20] =	vst v14  }
0xcd: {  	v14 =	vpop (erf);
	[tilespmem:s2+$0x4A10] =	vst v6;
	v6 =	vadd.f32 v4, v7  }
0xce: {  	[tilespmem:s2+$0x4A30] =	vst v11;
	v5 =	vmul.f32 v14, v5;
	v11 =	vpop (erf)  }
0xcf: {  	v10 =	vadd.f32 v4, v10;
	[tilespmem:s2+$0x4A00] =	vst v12;
	v12 =	vpop (erf);
	v6 =	vmul.f32 v11, v6  }
0xd0: {  	[tilespmem:s2+$0x4A20] =	vst v5;
	v5 =	vadd.f32 v4, v8;
	v8 =	vmul.f32 v12, v9;
	v9 =	vpop (erf)  }
0xd1: {  	v7 =	vmul.f32 v9, v10;
	v9 =	vpop (erf);
	[tilespmem:s3+$0x4A10] =	vst v6  }
0xd2: {  	[tilespmem:s3+$0x4A30] =	vst v8;
	v5 =	vmul.f32 v9, v5  }
0xd3: {  	[tilespmem:s3+$0x4A00] =	vst v7  }
0xd4: {  	s5 =	sand.u32 $0x3FFFFF00, s11;
	[tilespmem:s3+$0x4A20] =	vst v5  }
0xd5: {  	[spmem:s1] =	stream.indirect.scatter.add.f32 [tilespmem:s22], [sflag:$0x5], $0x10, s5, s14, $0xb8;
	[tilespmem:$0xAE00] =	vst v63  }
0xd6: {  	_ =	swait.ge [sflag:s23], $0x800  }
0xd7: {  	[sflag:s23] =	ssyncset.done $0x0  }
0xd8: {  	[sflag:s23] =	ssyncadd.s32 $0xFFFFF800  }
0xd9: {  	_ =	swait.ge [sflag:s24], $0x800  }
0xda: {  	s6 =	sshll.u32 s4, $0x7;
	[sflag:s24] =	ssyncset.done $0x0  }
0xdb: {  	s11 =	sadd.s32 $0x100, s6;
	[sflag:s24] =	ssyncadd.s32 $0xFFFFF800  }
0xdc: {  	[tilespmem:s15], [sflag:$0x1] =	stream.indirect.gather [spmem:s12], $0x10, s11, s14, $0xb8;
	[tilespmem:$0xAE00] =	vst v63  }
0xdd: {  	s0 =	sadd.s32 $0x1600, s6  }
0xde: {  	[tilespmem:s16], [sflag:$0x3] =	stream.indirect.gather [spmem:s12], $0x10, s0, s14, $0xb8;
	[tilespmem:$0xAE00] =	vst v63  }
0xdf: {  	s0 =	simm.s32 @!p0 $0x6  }
0xe0: {  	_ =	swait.ge @!p0 [sflag:s0], $0x800  }
0xe1: {  	[sflag:s0] =	ssyncset.done @!p0 $0x0  }
0xe2: {  	[sflag:s0] =	ssyncadd.s32 @!p0 $0xFFFFF800;
	s0 =	simm.s32 $0x0  }
0xe3: {  	v5 =	vld [tilespmem:s0+$0x3230]  }
0xe4: {  	v6 =	vld [tilespmem:s0+$0x3220]  }
0xe5: {  	v7 =	vld [tilespmem:s0+$0x4230]  }
0xe6: {  	v8 =	vld [tilespmem:s0+$0x4200]  }
0xe7: {  	v9 =	vld [tilespmem:s0+$0x3210]  }
0xe8: {  	v10 =	vld [tilespmem:s0+$0x4210]  }
0xe9: {  	v11 =	vld [tilespmem:s0+$0x3200];
	_ =	sdelay $0x1  }
0xea: {  	v12 =	vld [tilespmem:s0+$0x4220];
	v6 =	vperm.xlane v6, v2  }
0xeb: {  	s2 =	simm.s32 $0x40;
	v5 =	vperm.xlane v5, v2;
	v13 =	vperm.xlane v7, v3  }
0xec: {  	v19 =	vld [tilespmem:s2+$0x4230];
	v9 =	vperm.xlane v9, v2;
	v14 =	vperm.xlane v10, v3  }
0xed: {  	v20 =	vld [tilespmem:s2+$0x4210];
	v15 =	vperm.xlane v8, v3;
	v11 =	vperm.xlane v11, v2  }
0xee: {  	v7 =	vmul.f32 v1, v7;
	v8 =	vmul.f32 v1, v8  }
0xef: {  	v16 =	vmul.f32 v1, v12;
	v12 =	vperm.xlane v12, v3  }
0xf0: {  	v10 =	vmul.f32 v1, v10;
	v5 =	vadd.f32 v13, v5;
	v9 =	vadd.f32 v14, v9;
	v14 =	vld [tilespmem:s2+$0x3230]  }
0xf1: {  	v22 =	vmul.f32 v1, v19;
	v19 =	vperm.xlane v19, v3;
	v11 =	vadd.f32 v15, v11;
	v15 =	vld [tilespmem:s2+$0x3220]  }
0xf2: {  	v24 =	vperm.xlane v20, v3;
	v6 =	vadd.f32 v12, v6;
	v12 =	vld [tilespmem:s2+$0x4200];
	v13 =	vmul.f32 $2.000000030e-01, v5  }
0xf3: {  	vm9 =	vge.f32 v5, $0.0e+00;
	v17 =	vmul.f32 $2.000000030e-01, v9;
	v18 =	vmul.f32 $2.000000030e-01, v11  }
0xf4: {  	v21 =	vld [tilespmem:s2+$0x3200];
	vm10 =	vge.f32 v9, $0.0e+00;
	vm1 =	vge.f32 v11, $0.0e+00;
	v5 =	vsel vm9, v5, v13  }
0xf5: {  	v13 =	vld [tilespmem:s2+$0x4220];
	v9 =	vsel vm10, v9, v17;
	v11 =	vsel vm1, v11, v18;
	v5 =	vsub.f32 $0.0e+00, v5  }
0xf6: {  	v18 =	vld [tilespmem:s2+$0x3210];
	v9 =	vsub.f32 $0.0e+00, v9;
	v15 =	vperm.xlane v15, v2;
	v14 =	vperm.xlane v14, v2  }
0xf7: {  	v11 =	vsub.f32 $0.0e+00, v11;
	v23 =	vmul.f32 v1, v12;
	v12 =	vperm.xlane v12, v3  }
0xf8: {  	v25 =	vadd.f32 v4, v7;
	v17 =	vmul.f32 $1.442695020e+00, v5;
	v9 =	vmul.f32 $1.442695020e+00, v9  }
0xf9: {  	vm11 =	vge.f32 v6, $0.0e+00;
	v5 =	vmul.f32 $2.000000030e-01, v6;
	v11 =	vmul.f32 $1.442695020e+00, v11  }
0xfa: {  	v7 =	vadd.f32 v19, v14;
	v19 =	vadd.f32 v4, v8;
	v8 =	vperm.xlane v21, v2  }
0xfb: {  	s3 =	simm.s32 $0x80;
	v6 =	vsel vm11, v6, v5;
	v5 =	vmul.f32 v1, v13;
	v18 =	vperm.xlane v18, v2  }
0xfc: {  	v27 =	vadd.f32 v4, v10;
	v21 =	vld [tilespmem:s3+$0x3210];
	v13 =	vperm.xlane v13, v3;
	(erf) = vpow2.f32 v9  }
0xfd: {  	v9 =	vmul.f32 $2.000000030e-01, v7;
	v8 =	vadd.f32 v12, v8;
	vm12 =	vge.f32 v7, $0.0e+00  }
0xfe: {  	v6 =	vsub.f32 $0.0e+00, v6;
	(erf) = vpow2.f32 v17;
	v14 =	vadd.f32 v24, v18  }
0xff: {  	v12 =	vld [tilespmem:s3+$0x3230];
	v15 =	vadd.f32 v13, v15;
	v7 =	vsel vm12, v7, v9;
	v17 =	vmul.f32 $2.000000030e-01, v8  }
0x100: {  	v9 =	vld [tilespmem:s3+$0x3220];
	vm14 =	vge.f32 v8, $0.0e+00;
	(erf) = vpow2.f32 v11;
	v6 =	vmul.f32 $1.442695020e+00, v6  }
0x101: {  	v18 =	vld [tilespmem:s3+$0x4230];
	v7 =	vsub.f32 $0.0e+00, v7;
	v31 =	vperm.xlane v21, v2;
	v13 =	vmul.f32 $2.000000030e-01, v14  }
0x102: {  	v11 =	vld [tilespmem:s3+$0x4200];
	vm13 =	vge.f32 v14, $0.0e+00;
	v8 =	vsel vm14, v8, v17;
	(erf) = vpow2.f32 v6  }
0x103: {  	v8 =	vsub.f32 $0.0e+00, v8;
	v6 =	vmul.f32 v1, v20;
	v13 =	vsel vm13, v14, v13  }
0x104: {  	v24 =	vld [tilespmem:s3+$0x4220];
	v20 =	vmul.f32 $2.000000030e-01, v15;
	v12 =	vperm.xlane v12, v2;
	v13 =	vsub.f32 $0.0e+00, v13  }
0x105: {  	vm15 =	vge.f32 v15, $0.0e+00;
	v14 =	vmul.f32 $1.442695020e+00, v7;
	v7 =	vld [tilespmem:s3+$0x4210];
	v17 =	vperm.xlane v9, v2  }
0x106: {  	v26 =	vmul.f32 $1.442695020e+00, v13;
	v13 =	vmul.f32 $1.442695020e+00, v8;
	v8 =	vsel vm15, v15, v20;
	v15 =	vpop (erf)  }
0x107: {  	v28 =	vld [tilespmem:s3+$0x3200];
	v16 =	vadd.f32 v4, v16;
	v10 =	vmul.f32 v1, v11;
	v29 =	vperm.xlane v18, v3;
	v30 =	vpop (erf)  }
0x108: {  	v20 =	vperm.xlane v11, v3;
	v11 =	vadd.f32 v4, v22;
	v22 =	vmul.f32 v30, v25  }
0x109: {  	v9 =	vmul.f32 v1, v18;
	v18 =	vsub.f32 $0.0e+00, v8;
	v8 =	vmul.f32 v1, v24  }
0x10a: {  	v21 =	vadd.f32 v29, v12;
	v15 =	vmul.f32 v15, v27;
	v63 =	vperm.xlane v7, v3  }
0x10b: {  	v12 =	vadd.f32 v4, v23;
	v24 =	vperm.xlane v24, v3;
	v25 =	vpop (erf);
	(erf) = vpow2.f32 v26  }
0x10c: {  	s4 =	simm.s32 $0x300;
	v19 =	vmul.f32 v25, v19;
	v25 =	vperm.xlane v28, v2;
	[tilespmem:s0+$0x5230] =	vst v22;
	v23 =	vadd.f32 v63, v31;
	v22 =	vpop (erf)  }
.LBB2_7:
0x10d: {  	s5 =	sshra.s32 s4, $0x2;
	p0 =	sne.s32 s4, $0x1F00;
	s4 =	sadd.s32 $0x100, s4;
	v24 =	vadd.f32 v24, v17;
	v17 =	vmul.f32 $2.000000030e-01, v21;
	v16 =	vmul.f32 v22, v16  }
0x10e: {  	vm0 =	vge.f32 v21, $0.0e+00;
	v22 =	vld [tilespmem:s5+$0x3230];
	v20 =	vadd.f32 v20, v25;
	(erf) = vpow2.f32 v14;
	[tilespmem:s0+$0x5200] =	vst v19  }
0x10f: {  	v18 =	vmul.f32 $1.442695020e+00, v18;
	v14 =	vmul.f32 $2.000000030e-01, v23;
	v19 =	vld [tilespmem:s5+$0x3220];
	v17 =	vsel vm0, v21, v17;
	[tilespmem:s0+$0x5220] =	vst v16  }
0x110: {  	vm0 =	vge.f32 v23, $0.0e+00;
	v25 =	vld [tilespmem:s5+$0x4220];
	v16 =	vmul.f32 $2.000000030e-01, v20;
	v17 =	vsub.f32 $0.0e+00, v17;
	[tilespmem:s0+$0x5210] =	vst v15;
	s0 =	smov.u32 s2;
	s2 =	smov.u32 s3;
	s3 =	smov.u32 s5  }
0x111: {  	vm1 =	vge.f32 v20, $0.0e+00;
	v14 =	vsel vm0, v23, v14;
	v15 =	vld [tilespmem:s3+$0x4230];
	(erf) = vpow2.f32 v13  }
0x112: {  	v21 =	vld [tilespmem:s3+$0x4200];
	v13 =	vsel vm1, v20, v16;
	v16 =	vsub.f32 $0.0e+00, v14;
	(erf) = vpow2.f32 v18  }
0x113: {  	v18 =	vmul.f32 v1, v7;
	v14 =	vmul.f32 $1.442695020e+00, v17;
	v23 =	vld [tilespmem:s3+$0x3200];
	v13 =	vsub.f32 $0.0e+00, v13  }
0x114: {  	vm0 =	vge.f32 v24, $0.0e+00;
	v26 =	vld [tilespmem:s3+$0x3210];
	v27 =	vmul.f32 $1.442695020e+00, v16;
	v16 =	vmul.f32 $2.000000030e-01, v24  }
0x115: {  	v17 =	vperm.xlane v19, v2;
	v19 =	vadd.f32 v4, v6;
	v7 =	vld [tilespmem:s3+$0x4210];
	v13 =	vmul.f32 $1.442695020e+00, v13;
	v28 =	vpop (erf)  }
0x116: {  	v22 =	vperm.xlane v22, v2;
	v6 =	vmovc v18;
	v29 =	vmul.f32 v1, v15;
	v16 =	vsel vm0, v24, v16  }
0x117: {  	v15 =	vperm.xlane v15, v3;
	v30 =	vmul.f32 v1, v21;
	v18 =	vsub.f32 $0.0e+00, v16;
	v24 =	vpop (erf)  }
.Ltmp2:
0x118: {  	v20 =	vperm.xlane v21, v3;
	v16 =	vadd.f32 v4, v5;
	v5 =	vmovc v8;
	v8 =	vmul.f32 v1, v25;
	(pc) =	sbr.rel @p0 .LBB2_7-.Ltmp2, $4  }
0x119: {  	v31 =	vmul.f32 v24, v11;
	v11 =	vadd.f32 v4, v9;
	v9 =	vmovc v29;
	v26 =	vperm.xlane v26, v2  }
0x11a: {  	v21 =	vadd.f32 v15, v22;
	v15 =	vmul.f32 v28, v19;
	v29 =	vperm.xlane v7, v3;
	v19 =	vpop (erf)  }
0x11b: {  	v24 =	vperm.xlane v25, v3;
	v19 =	vmul.f32 v19, v12;
	v12 =	vadd.f32 v4, v10;
	[tilespmem:s0+$0x5230] =	vst v31;
	v22 =	vpop (erf)  }
0x11c: {  	v25 =	vperm.xlane v23, v2;
	v10 =	vmovc v30;
	v23 =	vadd.f32 v29, v26;
	(erf) = vpow2.f32 v27  }
0x11d: {  	v17 =	vadd.f32 v24, v17;
	v47 =	vmul.f32 $2.000000030e-01, v21;
	vm0 =	vge.f32 v21, $0.0e+00  }
0x11e: {  	(erf) = vpow2.f32 v14;
	v20 =	vadd.f32 v20, v25;
	v48 =	vmul.f32 $2.000000030e-01, v23  }
0x11f: {  	v18 =	vmul.f32 $1.442695020e+00, v18;
	vm13 =	vge.f32 v23, $0.0e+00;
	(erf) = vpow2.f32 v13  }
0x120: {  	v21 =	vsel vm0, v21, v47;
	v49 =	vmul.f32 $2.000000030e-01, v20;
	v14 =	vsel vm13, v23, v48  }
0x121: {  	v50 =	vmul.f32 $2.000000030e-01, v17;
	vm14 =	vge.f32 v20, $0.0e+00;
	v14 =	vsub.f32 $0.0e+00, v14  }
0x122: {  	vm15 =	vge.f32 v17, $0.0e+00;
	v21 =	vsub.f32 $0.0e+00, v21;
	v51 =	vsel vm14, v20, v49  }
0x123: {  	v17 =	vsel vm15, v17, v50;
	v13 =	vsub.f32 $0.0e+00, v51;
	v14 =	vmul.f32 $1.442695020e+00, v14  }
0x124: {  	(erf) = vpow2.f32 v18;
	v52 =	vmul.f32 $1.442695020e+00, v21;
	v17 =	vsub.f32 $0.0e+00, v17  }
0x125: {  	v13 =	vmul.f32 $1.442695020e+00, v13;
	(erf) = vpow2.f32 v14  }
0x126: {  	v53 =	vmul.f32 $1.442695020e+00, v17;
	(erf) = vpow2.f32 v52  }
0x127: {  	(erf) = vpow2.f32 v13  }
0x128: {  	(erf) = vpow2.f32 v53  }
0x129: {  	v6 =	vadd.f32 v4, v6  }
0x12a: {  	v55 =	vmul.f32 v22, v16;
	[tilespmem:s0+$0x5200] =	vst v19;
	v54 =	vpop (erf)  }
0x12b: {  	[tilespmem:s0+$0x5210] =	vst v15;
	v7 =	vmul.f32 v1, v7;
	v56 =	vpop (erf);
	v6 =	vmul.f32 v54, v6  }
0x12c: {  	v5 =	vadd.f32 v4, v5;
	[tilespmem:s0+$0x5220] =	vst v55;
	v57 =	vpop (erf);
	v11 =	vmul.f32 v56, v11  }
0x12d: {  	v58 =	vpop (erf);
	v12 =	vmul.f32 v57, v12;
	[tilespmem:s2+$0x5210] =	vst v6;
	v6 =	vadd.f32 v4, v7  }
0x12e: {  	v9 =	vadd.f32 v4, v9;
	[tilespmem:s2+$0x5230] =	vst v11;
	v5 =	vmul.f32 v58, v5;
	v59 =	vpop (erf)  }
0x12f: {  	v10 =	vadd.f32 v4, v10;
	s30 =	sadd.s32 $0x1, s30;
	[tilespmem:s2+$0x5200] =	vst v12;
	v60 =	vpop (erf);
	v6 =	vmul.f32 v59, v6  }
0x130: {  	p0 =	sne.s32 s30, $0x15;
	[tilespmem:s2+$0x5220] =	vst v5;
	v5 =	vadd.f32 v4, v8;
	v61 =	vmul.f32 v60, v9;
	v62 =	vpop (erf)  }
.Ltmp3:
0x131: {  	v7 =	vmul.f32 v62, v10;
	v63 =	vpop (erf);
	[tilespmem:s3+$0x5210] =	vst v6;
	(pc) =	sbr.rel @p0 .LBB2_4-.Ltmp3, $4  }
0x132: {  	[tilespmem:s3+$0x5230] =	vst v61;
	v5 =	vmul.f32 v63, v5  }
0x133: {  	[tilespmem:s3+$0x5200] =	vst v7  }
0x134: {  	[tilespmem:s3+$0x5220] =	vst v5  }
0x135: {  	[spmem:s1] =	stream.indirect.scatter.add.f32 [tilespmem:s25], [sflag:$0x6], $0x10, s31, s14, $0xb8;
	[tilespmem:$0xAE00] =	vst v63  }
0x136: {  	_ =	swait.ge [sflag:s18], $0x800  }
0x137: {  	[sflag:s18] =	ssyncset.done $0x0  }
0x138: {  	[sflag:s18] =	ssyncadd.s32 $0xFFFFF800  }
0x139: {  	_ =	swait.ge [sflag:s19], $0x800  }
0x13a: {  	[sflag:s19] =	ssyncset.done $0x0  }
0x13b: {  	[sflag:s19] =	ssyncadd.s32 $0xFFFFF800  }
0x13c: {  	_ =	swait.ge [sflag:s26], $0x800  }
0x13d: {  	[sflag:s26] =	ssyncset.done $0x0  }
0x13e: {  	[sflag:s26] =	ssyncadd.s32 $0xFFFFF800  }
0x13f: {  	_ =	swait.ge [sflag:s28], $0x800  }
0x140: {  	[sflag:s28] =	ssyncset.done $0x0  }
0x141: {  	[sflag:s28] =	ssyncadd.s32 $0xFFFFF800  }
0x142: {  	[bflag:$0x0] =	sbarrier.arrive $0xFFFF  }
0x143: {  	s0 =	rddreg [dreg:$0x4]  }
0x144: {  	s2 =	rddreg [dreg:$0x13]  }
0x145: {  	[hbm:s0], [sflag:s10] =	dma.local [spmem:s2], $0x80  }
0x146: {  	_ =	swait.ge [sflag:s9], $0x80  }
0x147: {  	[sflag:s9] =	ssyncset.done $0x0;
	s6 =	rddreg [dreg:$0x5]  }
0x148: {  	s11 =	rddreg [dreg:$0x14];
	[sflag:s9] =	ssyncadd.s32 $0xFFFFFF80  }
0x149: {  	[hbm:s6], [sflag:s10] =	dma.local [spmem:s11], $0x80  }
0x14a: {  	_ =	swait.ge [sflag:s9], $0x80  }
0x14b: {  	[sflag:s9] =	ssyncset.done $0x0;
	s30 =	rddreg [dreg:$0x6]  }
0x14c: {  	s31 =	rddreg [dreg:$0x15];
	[sflag:s9] =	ssyncadd.s32 $0xFFFFFF80  }
0x14d: {  	[hbm:s30], [sflag:s10] =	dma.local [spmem:s31], $0x80  }
0x14e: {  	_ =	swait.ge [sflag:s9], $0x80  }
0x14f: {  	[sflag:s9] =	ssyncset.done $0x0;
	s2 =	rddreg [dreg:$0x7]  }
0x150: {  	s3 =	rddreg [dreg:$0x16];
	[sflag:s9] =	ssyncadd.s32 $0xFFFFFF80  }
0x151: {  	[hbm:s2], [sflag:s10] =	dma.local [spmem:s3], $0x80  }
0x152: {  	_ =	swait.ge [sflag:s9], $0x80  }
0x153: {  	[sflag:s9] =	ssyncset.done $0x0;
	s4 =	rddreg [dreg:$0x8]  }
0x154: {  	s5 =	rddreg [dreg:$0x17];
	[sflag:s9] =	ssyncadd.s32 $0xFFFFFF80  }
0x155: {  	[hbm:s4], [sflag:s10] =	dma.local [spmem:s5], $0x80  }
0x156: {  	_ =	swait.ge [sflag:s9], $0x80  }
0x157: {  	[sflag:s9] =	ssyncset.done $0x0;
	s6 =	rddreg [dreg:$0x9]  }
0x158: {  	s11 =	rddreg [dreg:$0x18];
	[sflag:s9] =	ssyncadd.s32 $0xFFFFFF80  }
0x159: {  	[hbm:s6], [sflag:s10] =	dma.local [spmem:s11], $0x80  }
0x15a: {  	_ =	swait.ge [sflag:s9], $0x80  }
0x15b: {  	[sflag:s9] =	ssyncset.done $0x0;
	s30 =	rddreg [dreg:$0xa]  }
0x15c: {  	s31 =	rddreg [dreg:$0x19];
	[sflag:s9] =	ssyncadd.s32 $0xFFFFFF80  }
0x15d: {  	[hbm:s30], [sflag:s10] =	dma.local [spmem:s31], $0x80  }
0x15e: {  	_ =	swait.ge [sflag:s9], $0x80  }
0x15f: {  	[sflag:s9] =	ssyncset.done $0x0;
	s3 =	rddreg [dreg:$0xb]  }
0x160: {  	s4 =	rddreg [dreg:$0x1a];
	[sflag:s9] =	ssyncadd.s32 $0xFFFFFF80  }
0x161: {  	[hbm:s3], [sflag:s10] =	dma.local [spmem:s4], $0x80  }
0x162: {  	_ =	swait.ge [sflag:s9], $0x80  }
0x163: {  	[sflag:s9] =	ssyncset.done $0x0;
	s5 =	rddreg [dreg:$0xc]  }
0x164: {  	s6 =	rddreg [dreg:$0x1b];
	[sflag:s9] =	ssyncadd.s32 $0xFFFFFF80  }
0x165: {  	[hbm:s5], [sflag:s10] =	dma.local [spmem:s6], $0x80  }
0x166: {  	_ =	swait.ge [sflag:s9], $0x80  }
0x167: {  	[sflag:s9] =	ssyncset.done $0x0;
	s11 =	rddreg [dreg:$0xd]  }
0x168: {  	s30 =	rddreg [dreg:$0x1c];
	[sflag:s9] =	ssyncadd.s32 $0xFFFFFF80  }
0x169: {  	[hbm:s11], [sflag:s10] =	dma.local [spmem:s30], $0x80  }
0x16a: {  	_ =	swait.ge [sflag:s9], $0x80  }
0x16b: {  	s29 =	sadd.s32 $0x1, s29;
	s31 =	rddreg [dreg:$0x11]  }
0x16c: {  	p0 =	sne.s32 s29, s31  }
.Ltmp4:
0x16d: {  	_ = 	snop;
	(pc) =	sbr.rel @p0 .LBB2_1-.Ltmp4, $3  }
0x16e: {  	_ =	sdelay $0x1  }
0x16f: {  	[sflag:s9] =	ssyncset.done $0x0  }
0x170: {  	s3 =	simm.s32 $0x1500;
	[sflag:s9] =	ssyncadd.s32 $0xFFFFFF80  }
0x171: {  	_ =	sfence.sel $0x180000  }
0x172: {  	[bflag:$0x0] =	sbarrier.arrive $0xFFFF  }
0x173: {  	_ =	strace $0x9000004D  }
0x174: {  	s0 =	stileid.u32;
	[bflag:$0x2] =	sbarrier.arrive $0xFFFF  }
0x175: {  	p0 =	sne.s32 s0, $0x0;
	s0 =	rddreg [dreg:$0x3]  }
0x176: {  	s0 =	sadd.s32 @!p0 $0x100000, s0  }
0x177: {  	[sflag:s0] =	ssyncadd.tile.s32 @!p0 $0x1;
	_ =	shalt  }
.Lfunc_end2:
_tile_overlayer_lowered:
.L_overlay_start_2:
0x178: {  	(tag) =	ssettag $0x2  }
0x179: {  	s0 =	rddreg [dreg:$0x0];
	s2 =	stileid.u32  }
0x17a: {  	s1 =	rddreg [dreg:$0x1];
	p0 =	sne.s32 s2, $0x0  }
0x17b: {  	s3 =	rddreg [dreg:$0x2];
	[bflag:$0x3] =	sbarrier.arrive $0xFFFF;
	s2 =	simm.s32 @!p0 $0x1C07  }
0x17c: {  	[timem:s3], [sflag:s2] =	dma.local @!p0 [hbm:s0], s1  }
0x17d: {  	s0 =	simm.s32 @!p0 $0x7  }
0x17e: {  	_ =	swait.ge @!p0 [sflag:s0], s1  }
0x17f: {  	s1 =	ssub.s32 @!p0 $0x0, s1;
	[sflag:s0] =	ssyncset.done @!p0 $0x0  }
0x180: {  	[sflag:s0] =	ssyncadd.s32 @!p0 s1  }
0x181: {  	[bflag:$0x3] =	sbarrier.arrive $0xFFFF  }
0x182: {  	_ =	shalt  }

// kernel: kernel.8.cloned.1.call-start
scs
__scs_entry_jumppad:
0x0: {  	(pc) =	sbr.rel $0x88, $3  }
0x1: {  	(tag) =	ssettag $0x0;
	lr =	simm.s32 $0x1  }
0x2: {  	[smem:$0x3F99] =	sst lr;
	_ =	strace $0xD0000000  }
0x3: {  	_ = 	snop  }
0x4: {  	_ = 	snop  }
0x5: {  	_ = 	snop  }
0x6: {  	_ = 	snop  }
0x7: {  	_ = 	snop  }
__scs_overlays_trampoline_lowered:
0x8: {  	[smem:$0x3FA8] =	sst s0  }
0x9: {  	[smem:$0x3FA9] =	sst s1  }
0xa: {  	[smem:$0x3FAA] =	sst s2  }
0xb: {  	[smem:$0x3FAB] =	sst s3  }
0xc: {  	[smem:$0x3FAC] =	sst s4  }
0xd: {  	[smem:$0x3FAD] =	sst s5  }
0xe: {  	[smem:$0x3FAE] =	sst s6  }
0xf: {  	[smem:$0x3FAF] =	sst s7  }
0x10: {  	[smem:$0x3FB0] =	sst s8  }
0x11: {  	[smem:$0x3FB1] =	sst s9;
	s0 =	simm.s32 @!p0 $0x0  }
0x12: {  	s1 =	sld [smem:$0x3F97];
	s0 =	simm.s32 @p0 $0x1  }
0x13: {  	[smem:$0x3FB2] =	sst s0;
	s0 =	simm.s32 @!p1 $0x0  }
0x14: {  	s2 =	sld [smem:$0x3F96];
	s0 =	simm.s32 @p1 $0x1  }
0x15: {  	[smem:$0x3FB3] =	sst s0;
	s0 =	simm.s32 @!p2 $0x0  }
0x16: {  	s3 =	sld [smem:$0x3FDB];
	s0 =	simm.s32 @p2 $0x1  }
0x17: {  	s4 =	simm.s32 $0x1BF5;
	[smem:$0x3FB5] =	sst s0  }
0x18: {  	s0 =	sld [smem:$0x3F98];
	_ =	swait.ge [sflag:s4], $0x0  }
0x19: {  	s7 =	sld [smem:$0x3F99]  }
0x1a: {  	s8 =	sadd.s32 $0xFFFFE003, lr  }
0x1b: {  	s9 =	sadd.s32 $0xFFFFFEF7, lr;
	s5 =	simm.s32 $0xFFFFFFFF;
	p2 =	slt.u32 s8, $0xFFFFF086  }
0x1c: {  	p1 =	slt.u32 s9, $0xF7A;
	s5 =	simm.s32 @!p2 $0x0  }
0x1d: {  	s5 =	simm.s32 @p1 $0x1;
	p0 =	seq.s32 s7, s2  }
0x1e: {  	s7 =	smul.u32 @!p0 $0xF7A, s2;
	p2 =	seq.s32 @!p0 s5, $0x0  }
0x1f: {  	s9 =	smul.u32 $0xF7A, s1;
	s8 =	simm.s32 @!p0 $0x1BF5;
	p2 =	por !p2, p0  }
0x20: {  	[sflag:s8] =	ssyncset.s32 @!p0 $0xFFFFF086;
	s6 =	sadd.s32 @!p0 s3, s7;
	s7 =	simm.s32 @!p0 $0x108  }
0x21: {  	s3 =	sadd.s32 s3, s9;
	s6 =	sadd.s32 @!p0 $0x88, s6;
	s7 =	simm.s32 @p2 $0x1082  }
0x22: {  	[simem:s7], [sflag:s8] =	dma.local @!p0 [hbm:s6], $0xF7A  }
0x23: {  	s9 =	sor.u32 $0xD0000000, s2;
	s6 =	simm.s32 $0x108;
	_ =	swait.ge @!p0 [sflag:s8], $0x0  }
0x24: {  	s3 =	sadd.s32 $0x88, s3;
	s6 =	simm.s32 @!p1 $0x1082;
	[sflag:s4] =	ssyncset.s32 $0xFFFFF086  }
0x25: {  	[simem:s6], [sflag:s4] =	dma.local [hbm:s3], $0xF7A  }
0x26: {  	[smem:$0x3F99] =	sst s1;
	(tag) =	ssettag s2;
	_ =	strace s9  }
0x27: {  	s1 =	sld [smem:$0x3FA9]  }
0x28: {  	s2 =	sld [smem:$0x3FAA]  }
0x29: {  	s4 =	sld [smem:$0x3FAC]  }
0x2a: {  	p0 =	seq.s32 s5, $0x0;
	s5 =	sld [smem:$0x3FAD]  }
0x2b: {  	s6 =	sld [smem:$0x3FAE]  }
0x2c: {  	s7 =	sld [smem:$0x3FAF]  }
0x2d: {  	s3 =	simm.s32 $0x108;
	s8 =	sld [smem:$0x3FB0]  }
0x2e: {  	s3 =	simm.s32 @!p0 $0x1082;
	s9 =	sld [smem:$0x3FB1]  }
0x2f: {  	lr =	sadd.s32 s0, s3;
	s0 =	sld [smem:$0x3FA8]  }
0x30: {  	s3 =	sld [smem:$0x3FAB]  }
0x31: {  	[smem:$0x3FB4] =	sst s10  }
0x32: {  	s10 =	sld [smem:$0x3FB2];
	_ =	sdelay $0x3  }
0x33: {  	p0 =	seq.s32 s10, $0x1;
	s10 =	sld [smem:$0x3FB4];
	_ =	sdelay $0x3  }
0x34: {  	[smem:$0x3FB4] =	sst s10  }
0x35: {  	s10 =	sld [smem:$0x3FB3];
	_ =	sdelay $0x3  }
0x36: {  	p1 =	seq.s32 s10, $0x1;
	s10 =	sld [smem:$0x3FB4];
	_ =	sdelay $0x3  }
0x37: {  	[smem:$0x3FB4] =	sst s10  }
0x38: {  	s10 =	sld [smem:$0x3FB5]  }
0x39: {  	_ = 	snop;
	(pc) =	sbr.ind lr, $3  }
0x3a: {  	_ = 	snop  }
0x3b: {  	_ = 	snop  }
0x3c: {  	p2 =	seq.s32 s10, $0x1;
	s10 =	sld [smem:$0x3FB4]  }
0x3d: {  	_ =	shalt  }
0x3e: {  	_ =	shalt  }
0x3f: {  	_ =	shalt  }
0x40: {  	_ =	shalt  }
0x41: {  	_ =	shalt  }
0x42: {  	_ =	shalt  }
0x43: {  	_ =	shalt  }
0x44: {  	_ =	shalt  }
0x45: {  	_ =	shalt  }
0x46: {  	_ =	shalt  }
0x47: {  	_ =	shalt  }
0x48: {  	_ =	shalt  }
0x49: {  	_ =	shalt  }
0x4a: {  	_ =	shalt  }
0x4b: {  	_ =	shalt  }
0x4c: {  	_ =	shalt  }
0x4d: {  	_ =	shalt  }
0x4e: {  	_ =	shalt  }
0x4f: {  	_ =	shalt  }
0x50: {  	_ =	shalt  }
0x51: {  	_ =	shalt  }
0x52: {  	_ =	shalt  }
0x53: {  	_ =	shalt  }
0x54: {  	_ =	shalt  }
0x55: {  	_ =	shalt  }
0x56: {  	_ =	shalt  }
0x57: {  	_ =	shalt  }
0x58: {  	_ =	shalt  }
0x59: {  	_ =	shalt  }
0x5a: {  	_ =	shalt  }
0x5b: {  	_ =	shalt  }
0x5c: {  	_ =	shalt  }
0x5d: {  	_ =	shalt  }
0x5e: {  	_ =	shalt  }
0x5f: {  	_ =	shalt  }
0x60: {  	_ =	shalt  }
0x61: {  	_ =	shalt  }
0x62: {  	_ =	shalt  }
0x63: {  	_ =	shalt  }
0x64: {  	_ =	shalt  }
0x65: {  	_ =	shalt  }
0x66: {  	_ =	shalt  }
0x67: {  	_ =	shalt  }
0x68: {  	_ =	shalt  }
0x69: {  	_ =	shalt  }
0x6a: {  	_ =	shalt  }
0x6b: {  	_ =	shalt  }
0x6c: {  	_ =	shalt  }
0x6d: {  	_ =	shalt  }
0x6e: {  	_ =	shalt  }
0x6f: {  	_ =	shalt  }
0x70: {  	_ =	shalt  }
0x71: {  	_ =	shalt  }
0x72: {  	_ =	shalt  }
0x73: {  	_ =	shalt  }
0x74: {  	_ =	shalt  }
0x75: {  	_ =	shalt  }
0x76: {  	_ =	shalt  }
0x77: {  	_ =	shalt  }
0x78: {  	_ =	shalt  }
0x79: {  	_ =	shalt  }
0x7a: {  	_ =	shalt  }
0x7b: {  	_ =	shalt  }
0x7c: {  	_ =	shalt  }
0x7d: {  	_ =	shalt  }
0x7e: {  	_ =	shalt  }
0x7f: {  	_ =	shalt  }
0x80: {  	_ =	shalt  }
0x81: {  	_ =	shalt  }
0x82: {  	_ =	shalt  }
0x83: {  	_ =	shalt  }
0x84: {  	_ =	shalt  }
0x85: {  	_ =	shalt  }
0x86: {  	_ =	shalt  }
0x87: {  	_ =	shalt  }
.Lfunc_end0:
.L_simem_size_0:
called_computation_lowered:
.L_overlay_start_0:
0x88: {  	s2 =	sld [smem:$0x3FD9]  }
0x89: {  	s3 =	sld [smem:$0x3FFE];
	_ =	sdelay $0x1  }
0x8a: {  	s1 =	srdreg.scid  }
0x8b: {  	s0 =	sand.u32 $0x1, s1  }
0x8c: {  	s16 =	sshll.u32 s0, $0xA;
	s2 =	sadd.s32 s3, s2  }
0x8d: {  	s2 =	sadd.s32 s2, s16  }
0x8e: {  	[smem:$0x3FC0] =	sst s2  }
0x8f: {  	_ = 	snop  }
0x90: {  	(tm) =	ssettm $0x1  }
0x91: {  	s17 =	sld [smem:$0x3FFB];
	_ =	sdelay $0x3  }
0x92: {  	_ =	strace s17  }
0x93: {  	s2 =	sld [smem:$0x3FFC];
	_ =	sdelay $0x3  }
0x94: {  	_ =	strace s2  }
0x95: {  	s2 =	sld [smem:$0x3FFD];
	_ =	sdelay $0x3  }
0x96: {  	_ =	strace s2  }
0x97: {  	_ =	strace $0x8FFFFFFF  }
0x98: {  	s18 =	sld [smem:$0x3FDB];
	_ =	sdelay $0x1  }
0x99: {  	s19 =	simm.s32 $_scs_section_size  }
0x9a: {  	s4 =	simm.s32 $_size__tile_overlayer_lowered;
	s5 =	simm.s32 $_tile_overlayer_lowered  }
0x9b: {  	s22 =	simm.s32 $0x1BFF;
	s21 =	sshll.u32 s5, $0x1;
	s2 =	sadd.s32 s19, s18  }
0x9c: {  	s6 =	simm.s32 $0x0;
	s20 =	sshll.u32 s4, $0x1;
	s4 =	sadd.s32 s21, s2  }
0x9d: {  	[timem:s6], [sflag:s22] =	dma.local [hbm:s4], s20  }
0x9e: {  	_ =	swait.ge [sflag:s22], s20  }
0x9f: {  	s3 =	ssub.s32 $0x0, s20;
	[sflag:s22] =	ssyncset.done $0x0  }
0xa0: {  	[sflag:s22] =	ssyncadd.s32 s3;
	_ =	sdelay $0x1  }
0xa1: {  	s23 =	simm.s32 $0x1B8B  }
0xa2: {  	_ =	swait.ge [sflag:s23], $0x1  }
0xa3: {  	[sflag:s23] =	ssyncset.done $0x0  }
0xa4: {  	s25 =	simm.s32 $0x1B8E;
	s24 =	sld [smem:$0x3FFE];
	[sflag:s23] =	ssyncadd.s32 $0xFFFFFFFF  }
0xa5: {  	s26 =	simm.s32 $execute0_lowered;
	[smem:$0x3FD2] =	sst s25  }
0xa6: {  	s4 =	sshll.u32 s26, $0x1;
	_ =	strace $0x80000046;
	[dreg:$0x1] =	wrdreg $0xFFFFFFFF  }
0xa7: {  	s28 =	simm.s32 $_size_execute0_lowered;
	s2 =	sadd.s32 s2, s4;
	[dreg:$0x0] =	wrdreg $0x0  }
0xa8: {  	s4 =	sshll.u32 s28, $0x1;
	[dreg:$0x2] =	wrdreg s2  }
0xa9: {  	[dreg:$0x3] =	wrdreg s4  }
0xaa: {  	[dreg:$0x4] =	wrdreg $0xC0  }
0xab: {  	_ =	task [dreg:s6], $0x5FFFF  }
0xac: {  	[dreg:$0x1] =	wrdreg $0xFFFFFFFF  }
0xad: {  	[dreg:$0x0] =	wrdreg $0x60  }
0xae: {  	[dreg:$0x2] =	wrdreg s24  }
0xaf: {  	[dreg:$0x3] =	wrdreg $0x36000  }
0xb0: {  	[dreg:$0x4] =	wrdreg $0x9  }
0xb1: {  	_ =	task.clear_ibuf [dreg:s6], $0x5FFFF;
	_ =	strace $0x90000046  }
0xb2: {  	s29 =	simm.s32 $0x9;
	_ =	strace $0x80000048  }
0xb3: {  	_ =	swait.ge [sflag:s29], $0x1  }
0xb4: {  	[sflag:s29] =	ssyncadd.s32 $0xFFFFFFFF  }
0xb5: {  	_ =	strace $0x90000048  }
0xb6: {  	_ =	sfence  }
0xb7: {  	s30 =	sld [smem:$0x0];
	_ =	sdelay $0x2  }
0xb8: {  	s31 =	sshll.u32 s1, $0xD;
	s1 =	sshrl.u32 s1, $0x2  }
0xb9: {  	s3 =	sand.u32 $0x4000, s31;
	s1 =	sadd.s32 s1, s30  }
0xba: {  	s0 =	sor.u32 s3, s0;
	s1 =	sshll.u32 s1, $0x11  }
0xbb: {  	s0 =	sor.u32 s1, s0  }
0xbc: {  	s0 =	sadd.s32 $0x8F2B, s0  }
0xbd: {  	[sflag:s0] =	ssyncadd.remote.s32 $0x1  }
0xbe: {  	_ =	sfence.sel $0xFFFF  }
0xbf: {  	[dreg:$0x0] =	wrdreg $0xFFFFFFFF;
	(pc) =	sbr.abs _section_cstart, $3  }
0xc0: {  	[dreg:$0x1] =	wrdreg $0xFFFFFFFF  }
0xc1: {  	_ =	task.clear_ibuf [dreg:s6], $0x2FFFF;
	_ =	strace $0x9FFFFFFF  }
0xc2: {  	(tm) =	ssettm $0x7FFFFFFF  }
0xc3: {  	_ =	shalt  }
tec
execute0_lowered:
.L_overlay_start_1:
0x0: {  	(tag) =	ssettag $0x1  }
0x1: {  	s0 =	srdreg.scid  }
0x2: {  	s13 =	stileid.u32;
	s4 =	rddreg [dreg:$0x0];
	s2 =	simm.s32 $0x0  }
0x3: {  	s30 =	simm.s32 $0x1;
	s31 =	simm.s32 $0x80;
	s19 =	smul.u32 $0x14000, s13  }
0x4: {  	s0 =	sand.u32 $0x1, s0;
	[smem:$0x7FF] =	sst s2;
	s14 =	smul.u32 $0x50000, s13  }
0x5: {  	s1 =	sshll.u32 s0, $0x4;
	s11 =	smul.u32 $0x140000, s0;
	s0 =	ssub.s32 $0x2, s0  }
0x6: {  	s1 =	sor.u32 s13, s1;
	s6 =	sshrl.u32 s0, $0x1;
	s20 =	sor.u32 $0x2000, s19  }
0x7: {  	s21 =	sadd.s32 $0x4000, s19;
	s22 =	sadd.s32 $0x6000, s19;
	s23 =	sadd.s32 $0x8000, s19  }
0x8: {  	s24 =	sadd.s32 $0xA000, s19;
	s25 =	sadd.s32 $0xC000, s19;
	s26 =	sadd.s32 $0xE000, s19  }
0x9: {  	s28 =	sadd.s32 $0x10000, s19;
	s29 =	sadd.s32 $0x12000, s19;
	s18 =	sshrl.u32 s14, $0x2  }
0xa: {  	s3 =	smul.u32 $0x190, s1;
	s1 =	rddreg [dreg:$0x1];
	s5 =	sadd.s32 s11, s19  }
0xb: {  	s0 =	ssub.s32 s0, s6;
	s15 =	sadd.s32 s11, s20;
	s16 =	sadd.s32 s11, s21  }
0xc: {  	s17 =	sadd.s32 s11, s22;
	s7 =	sadd.s32 s11, s23;
	s8 =	sadd.s32 s11, s24  }
0xd: {  	s9 =	sadd.s32 s11, s25;
	s10 =	sadd.s32 s11, s26;
	s12 =	sadd.s32 s11, s28  }
0xe: {  	s11 =	sadd.s32 s11, s29;
	s5 =	sshrl.u32 s5, $0x3;
	s6 =	sshrl.u32 s17, $0x3  }
0xf: {  	s7 =	sshrl.u32 s7, $0x3;
	s8 =	sshrl.u32 s8, $0x3;
	s9 =	sshrl.u32 s9, $0x3  }
0x10: {  	s10 =	sshrl.u32 s10, $0x3;
	s12 =	sshrl.u32 s12, $0x3;
	s11 =	sshrl.u32 s11, $0x3  }
0x11: {  	s17 =	sadd.s32 s18, s1;
	s18 =	smax.u32 s0, $0x1;
	s19 =	sadd.s32 s19, s1  }
0x12: {  	s20 =	sadd.s32 s20, s1;
	s21 =	sadd.s32 s21, s1;
	s22 =	sadd.s32 s22, s1  }
0x13: {  	s23 =	sadd.s32 s23, s1;
	s24 =	sadd.s32 s24, s1;
	s25 =	sadd.s32 s25, s1  }
0x14: {  	s26 =	sadd.s32 s26, s1;
	s28 =	sadd.s32 s28, s1;
	s29 =	sadd.s32 s29, s1  }
0x15: {  	s0 =	simm.s32 $0x3200;
	s3 =	sadd.s32 s3, s4;
	s4 =	sadd.s32 $0xB200, s4  }
0x16: {  	s19 =	sshrl.u32 s19, $0x3;
	s20 =	sshrl.u32 s20, $0x3;
	s21 =	sshrl.u32 s21, $0x3  }
0x17: {  	s22 =	sshrl.u32 s22, $0x3;
	s23 =	sshrl.u32 s23, $0x3;
	s24 =	sshrl.u32 s24, $0x3  }
0x18: {  	s25 =	sshrl.u32 s25, $0x3;
	s26 =	sshrl.u32 s26, $0x3;
	s28 =	sshrl.u32 s28, $0x3  }
0x19: {  	s29 =	sshrl.u32 s29, $0x3;
	s5 =	sadd.s32 s4, s5;
	s6 =	sadd.s32 s4, s6  }
0x1a: {  	s7 =	sadd.s32 s4, s7;
	[dreg:$0x3] =	wrdreg s5;
	s5 =	sshrl.u32 s15, $0x3  }
0x1b: {  	s8 =	sadd.s32 s4, s8;
	s9 =	sadd.s32 s4, s9;
	s5 =	sadd.s32 s4, s5  }
0x1c: {  	s10 =	sadd.s32 s4, s10;
	[dreg:$0x4] =	wrdreg s5;
	s5 =	sshrl.u32 s16, $0x3  }
0x1d: {  	s12 =	sadd.s32 s4, s12;
	s13 =	sadd.s32 s4, s11;
	s5 =	sadd.s32 s4, s5  }
0x1e: {  	s14 =	sadd.s32 $0x4E00, s3;
	s11 =	simm.s32 $0x0;
	[dreg:$0x5] =	wrdreg s5  }
0x1f: {  	v0 =	vimm.f32 $0.0e+00;
	s15 =	sadd.s32 $0x8000, s3;
	s16 =	sadd.s32 $0x1C00, s3;
	_ =	strace $0x80000047  }
.LBB2_1:
0x20: {  	[tilespmem:s2], [sflag:$0x1] =	stream.linear.gather [hbm4b:s14+s2], $0xC80, $0x38;
	[tilespmem:$0x17600] =	vst v63  }
0x21: {  	_ =	swait.ge [sflag:s30], $0xC80  }
0x22: {  	[sflag:s30] =	ssyncset.done $0x0  }
0x23: {  	s3 =	simm.s32 $0xC80;
	[sflag:s30] =	ssyncadd.s32 $0xFFFFF380  }
0x24: {  	[tilespmem:s3], [sflag:$0x1] =	stream.linear.gather [hbm4b:s15+s2], $0xC80, $0x38;
	[tilespmem:$0x17600] =	vst v63  }
0x25: {  	_ =	swait.ge [sflag:s30], $0xC80  }
0x26: {  	[sflag:s30] =	ssyncset.done $0x0  }
0x27: {  	s5 =	simm.s32 $0x1900;
	[sflag:s30] =	ssyncadd.s32 $0xFFFFF380  }
0x28: {  	[tilespmem:s5], [sflag:$0x1] =	stream.linear.gather [hbm4b:s16+s2], $0xC80, $0x38;
	[tilespmem:$0x17600] =	vst v63  }
0x29: {  	_ =	swait.ge [sflag:s30], $0xC80  }
0x2a: {  	[sflag:s30] =	ssyncset.done $0x0  }
0x2b: {  	s4 =	simm.s32 $0x0;
	s3 =	simm.s32 $0x40;
	[sflag:s30] =	ssyncadd.s32 $0xFFFFF380  }
.LBB2_2:
0x2c: {  	p0 =	sne.s32 s3, $0xFC0;
	[tilespmem:s4+$0x3200] =	vst v0;
	s4 =	smov.u32 s3;
	s3 =	sadd.s32 $0x40, s3  }
.Ltmp0:
0x2d: {  	(pc) =	sbr.rel @p0 .LBB2_2-.Ltmp0, $2  }
0x2e: {  	_ =	sdelay $0x2  }
0x2f: {  	s4 =	sshra.s32 s4, $0x2  }
0x30: {  	[tilespmem:s4+$0x3200] =	vst v0;
	s3 =	sadd.s32 $0x0, s17  }
0x31: {  	[spmem:s3] =	stream.linear.scatter [tilespmem:s0], [sflag:$0x1], $0x400, $0x38;
	[tilespmem:$0x17600] =	vst v63  }
0x32: {  	s4 =	simm.s32 $0x1000;
	s3 =	simm.s32 $0x0;
	_ =	swait.ge [sflag:s30], $0x400  }
.LBB2_4:
0x33: {  	s5 =	sshra.s32 s4, $0x2;
	[sflag:s30] =	ssyncset.done $0x0;
	p0 =	sne.s32 s4, $0x4F000  }
.Ltmp1:
0x34: {  	s5 =	sadd.s32 s5, s17;
	[sflag:s30] =	ssyncadd.s32 $0xFFFFFC00;
	(pc) =	sbr.rel @p0 .LBB2_4-.Ltmp1, $3  }
0x35: {  	[spmem:s5] =	stream.linear.scatter [tilespmem:s0], [sflag:$0x1], $0x400, $0x38;
	[tilespmem:$0x17600] =	vst v63  }
0x36: {  	s4 =	sadd.s32 $0x1000, s4;
	_ =	sdelay $0x1  }
0x37: {  	_ =	swait.ge [sflag:s30], $0x400  }
0x38: {  	[sflag:s30] =	ssyncset.done $0x0  }
0x39: {  	[sflag:s30] =	ssyncadd.s32 $0xFFFFFC00  }
0x3a: {  	v1 =	vld [tilespmem:s3+$0x0]  }
0x3b: {  	s4 =	simm.s32 $0x40;
	v2 =	vld [tilespmem:s3+$0xC80]  }
.LBB2_6:
0x3c: {  	p0 =	sne.s32 s4, $0x31C0  }
.Ltmp2:
0x3d: {  	_ = 	snop;
	(pc) =	sbr.rel @p0 .LBB2_6-.Ltmp2, $4  }
0x3e: {  	_ = 	snop  }
0x3f: {  	s5 =	sshra.s32 s4, $0x2;
	s4 =	sadd.s32 $0x40, s4;
	v3 =	vshll.u32 v1, $0x7  }
0x40: {  	v1 =	vld [tilespmem:s5+$0x0];
	v3 =	vadd.s32 v2, v3  }
0x41: {  	v2 =	vld [tilespmem:s5+$0xC80];
	[tilespmem:s3+$0x2580] =	vst v3;
	s3 =	smov.u32 s5  }
0x42: {  	_ =	sdelay $0x2  }
0x43: {  	v1 =	vshll.u32 v1, $0x7  }
0x44: {  	v1 =	vadd.s32 v2, v1  }
0x45: {  	[tilespmem:s3+$0x2580] =	vst v1  }
0x46: {  	s5 =	simm.s32 $0x1900;
	s4 =	simm.s32 $0x2580;
	[bflag:$0x0] =	sbarrier.arrive $0xFFFF  }
0x47: {  	[spmem:s1] =	stream.indirect.scatter.add.f32 [tilespmem:s5], [sflag:$0x1], $0x1, s4, s31, $0xb8;
	[tilespmem:$0x17600] =	vst v63  }
0x48: {  	s3 =	simm.s32 $0x200;
	_ =	swait.ge [sflag:s30], $0x80  }
.LBB2_8:
0x49: {  	s4 =	sshra.s32 s3, $0x2  }
0x4a: {  	[sflag:s30] =	ssyncset.done $0x0;
	p0 =	sne.s32 s3, $0x3000;
	s5 =	sadd.s32 $0x1900, s4  }
.Ltmp3:
0x4b: {  	s4 =	sadd.s32 $0x2580, s4;
	[sflag:s30] =	ssyncadd.s32 $0xFFFFFF80;
	(pc) =	sbr.rel @p0 .LBB2_8-.Ltmp3, $3  }
0x4c: {  	[spmem:s1] =	stream.indirect.scatter.add.f32 [tilespmem:s5], [sflag:$0x1], $0x1, s4, s31, $0xb8;
	[tilespmem:$0x17600] =	vst v63  }
0x4d: {  	s3 =	sadd.s32 $0x200, s3;
	_ =	sdelay $0x1  }
0x4e: {  	_ =	swait.ge [sflag:s30], $0x80  }
0x4f: {  	[sflag:s30] =	ssyncset.done $0x0  }
0x50: {  	s3 =	stileid.u32;
	[sflag:s30] =	ssyncadd.s32 $0xFFFFFF80  }
0x51: {  	s3 =	sshll.u32 s3, $0x6;
	[bflag:$0x0] =	sbarrier.arrive $0xFFFF  }
0x52: {  	s3 =	sor.u32 $0x1C01, s3;
	s4 =	rddreg [dreg:$0x3]  }
0x53: {  	[hbm:s4], [sflag:s3] =	dma.local [spmem:s19], $0x400  }
0x54: {  	_ =	swait.ge [sflag:s30], $0x400  }
0x55: {  	[sflag:s30] =	ssyncset.done $0x0  }
0x56: {  	s5 =	rddreg [dreg:$0x4];
	[sflag:s30] =	ssyncadd.s32 $0xFFFFFC00  }
0x57: {  	[hbm:s5], [sflag:s3] =	dma.local [spmem:s20], $0x400  }
0x58: {  	_ =	swait.ge [sflag:s30], $0x400  }
0x59: {  	[sflag:s30] =	ssyncset.done $0x0  }
0x5a: {  	s5 =	rddreg [dreg:$0x5];
	[sflag:s30] =	ssyncadd.s32 $0xFFFFFC00  }
0x5b: {  	[hbm:s5], [sflag:s3] =	dma.local [spmem:s21], $0x400  }
0x5c: {  	_ =	swait.ge [sflag:s30], $0x400  }
0x5d: {  	[sflag:s30] =	ssyncset.done $0x0  }
0x5e: {  	[sflag:s30] =	ssyncadd.s32 $0xFFFFFC00  }
0x5f: {  	[hbm:s6], [sflag:s3] =	dma.local [spmem:s22], $0x400  }
0x60: {  	_ =	swait.ge [sflag:s30], $0x400  }
0x61: {  	[sflag:s30] =	ssyncset.done $0x0  }
0x62: {  	[sflag:s30] =	ssyncadd.s32 $0xFFFFFC00  }
0x63: {  	[hbm:s7], [sflag:s3] =	dma.local [spmem:s23], $0x400  }
0x64: {  	_ =	swait.ge [sflag:s30], $0x400  }
0x65: {  	[sflag:s30] =	ssyncset.done $0x0  }
0x66: {  	[sflag:s30] =	ssyncadd.s32 $0xFFFFFC00  }
0x67: {  	[hbm:s8], [sflag:s3] =	dma.local [spmem:s24], $0x400  }
0x68: {  	_ =	swait.ge [sflag:s30], $0x400  }
0x69: {  	[sflag:s30] =	ssyncset.done $0x0  }
0x6a: {  	[sflag:s30] =	ssyncadd.s32 $0xFFFFFC00  }
0x6b: {  	[hbm:s9], [sflag:s3] =	dma.local [spmem:s25], $0x400  }
0x6c: {  	_ =	swait.ge [sflag:s30], $0x400  }
0x6d: {  	[sflag:s30] =	ssyncset.done $0x0  }
0x6e: {  	[sflag:s30] =	ssyncadd.s32 $0xFFFFFC00  }
0x6f: {  	[hbm:s10], [sflag:s3] =	dma.local [spmem:s26], $0x400  }
0x70: {  	_ =	swait.ge [sflag:s30], $0x400  }
0x71: {  	[sflag:s30] =	ssyncset.done $0x0  }
0x72: {  	[sflag:s30] =	ssyncadd.s32 $0xFFFFFC00  }
0x73: {  	[hbm:s12], [sflag:s3] =	dma.local [spmem:s28], $0x400  }
0x74: {  	s11 =	sadd.s32 $0x1, s11;
	_ =	swait.ge [sflag:s30], $0x400  }
0x75: {  	p0 =	sne.s32 s11, s18;
	[sflag:s30] =	ssyncset.done $0x0  }
.Ltmp4:
0x76: {  	[sflag:s30] =	ssyncadd.s32 $0xFFFFFC00;
	(pc) =	sbr.rel @p0 .LBB2_1-.Ltmp4, $4  }
0x77: {  	[hbm:s13], [sflag:s3] =	dma.local [spmem:s29], $0x400  }
0x78: {  	_ =	swait.ge [sflag:s30], $0x400  }
0x79: {  	[sflag:s30] =	ssyncset.done $0x0  }
0x7a: {  	[sflag:s30] =	ssyncadd.s32 $0xFFFFFC00  }
0x7b: {  	_ =	sfence.sel $0x180000  }
0x7c: {  	[bflag:$0x0] =	sbarrier.arrive $0xFFFF  }
0x7d: {  	_ =	strace $0x90000047  }
0x7e: {  	s0 =	stileid.u32;
	[bflag:$0x2] =	sbarrier.arrive $0xFFFF  }
0x7f: {  	p0 =	sne.s32 s0, $0x0;
	s0 =	rddreg [dreg:$0x2]  }
0x80: {  	s0 =	sadd.s32 @!p0 $0x100000, s0  }
0x81: {  	[sflag:s0] =	ssyncadd.tile.s32 @!p0 $0x1;
	_ =	shalt  }
.Lfunc_end2:
_tile_overlayer_lowered:
.L_overlay_start_2:
0x82: {  	(tag) =	ssettag $0x2  }
0x83: {  	s0 =	rddreg [dreg:$0x0];
	s2 =	stileid.u32  }
0x84: {  	s1 =	rddreg [dreg:$0x1];
	p0 =	sne.s32 s2, $0x0  }
0x85: {  	s3 =	rddreg [dreg:$0x2];
	[bflag:$0x3] =	sbarrier.arrive $0xFFFF;
	s2 =	simm.s32 @!p0 $0x1C01  }
0x86: {  	[timem:s3], [sflag:s2] =	dma.local @!p0 [hbm:s0], s1  }
0x87: {  	s0 =	simm.s32 @!p0 $0x1  }
0x88: {  	_ =	swait.ge @!p0 [sflag:s0], s1  }
0x89: {  	s1 =	ssub.s32 @!p0 $0x0, s1;
	[sflag:s0] =	ssyncset.done @!p0 $0x0  }
0x8a: {  	[sflag:s0] =	ssyncadd.s32 @!p0 s1  }
0x8b: {  	[bflag:$0x3] =	sbarrier.arrive $0xFFFF  }
0x8c: {  	_ =	shalt  }

</sc_bundles>
